<compile_context>
chip_gen: v7x
topology: tpu7x:2x2x1
jax: 0.10.2.dev20260603
libtpu: 0.0.44.dev20260713+nightly
codegen_flags: <defaults>
</compile_context>

<pallas_src>
import functools

import jax
import jax.numpy as jnp
from jax import lax
from jax.experimental import pallas as pl
from jax.experimental.pallas import tpu as pltpu
from jax.experimental.pallas import tpu_sc as plsc

EPS = 1e-08
N = 100000
C = 128
G_MAX = 64
NC = 2
NS = 16
NW = NC * NS
RPW = N // NW
RPW_PAD = 3144
CHUNK = 125
CHW = CHUNK * C
NCHUNK = RPW // CHUNK
ENT = G_MAX * C
EPW = ENT // NS
EPH = EPW // NC
CG = C // 16
LANES = 16
NBUF = 4

_mesh = plsc.VectorSubcoreMesh(core_axis_name="c", subcore_axis_name="s")


def _phase1_body(tflat_hbm, batch_hbm, pmax_hbm, pidx_hbm,
                 batch_v, buf, accmax, accidx, regm, regi, segs, sem):
    cid = lax.axis_index("c")
    sid = lax.axis_index("s")
    w = cid * NS + sid
    row0 = w * RPW

    pltpu.sync_copy(batch_hbm.at[pl.ds(w * RPW_PAD, RPW_PAD)], batch_v)

    def init_body(k, _):
        accmax[pl.ds(k * LANES, LANES)] = jnp.full((LANES,), -1.0, jnp.float32)
        accidx[pl.ds(k * LANES, LANES)] = jnp.full((LANES,), N - 1, jnp.int32)
        return 0

    lax.fori_loop(0, ENT // LANES, init_body, 0)
    for cg in range(CG):
        regm[pl.ds(cg * LANES, LANES)] = jnp.full((LANES,), -1.0, jnp.float32)
        regi[pl.ds(cg * LANES, LANES)] = jnp.full((LANES,), N - 1, jnp.int32)
    segs[0] = batch_v[pl.ds(0, LANES)][0]

    def chunk_dma(ch):
        return pltpu.make_async_copy(
            tflat_hbm.at[pl.ds((row0 + ch * CHUNK) * C, CHW)],
            buf.at[pl.ds(lax.rem(ch, NBUF) * CHW, CHW)],
            sem)

    for pre in range(NBUF - 1):
        chunk_dma(pre).start()

    def flush(seg, vm, vi):
        base = seg * C
        for cg in range(CG):
            cur = accmax[pl.ds(base + cg * LANES, LANES)]
            curi = accidx[pl.ds(base + cg * LANES, LANES)]
            m = vm[cg] > cur
            accmax[pl.ds(base + cg * LANES, LANES)] = jnp.where(m, vm[cg], cur)
            accidx[pl.ds(base + cg * LANES, LANES)] = jnp.where(m, vi[cg], curi)

    def chunk_body(ch, _):
        chunk_dma(ch).wait()

        @pl.when(ch + NBUF - 1 < NCHUNK)
        def _():
            chunk_dma(ch + NBUF - 1).start()

        boff = lax.rem(ch, NBUF) * CHW
        cur_seg = segs[0]
        first = batch_v[pl.ds(ch * CHUNK, LANES)][0]
        last = batch_v[pl.ds(ch * CHUNK + CHUNK - LANES, LANES)][LANES - 1]
        uniform = jnp.logical_and(first == last, first == cur_seg)

        @pl.when(uniform)
        def _():
            vm = [regm[pl.ds(cg * LANES, LANES)] for cg in range(CG)]
            vi = [regi[pl.ds(cg * LANES, LANES)] for cg in range(CG)]

            def row_body(r, rc):
                rvm = list(rc[:CG])
                rvi = list(rc[CG:])
                i0 = r * 2
                i1 = r * 2 + 1
                ridx0 = jnp.full((LANES,), row0 + ch * CHUNK + i0, jnp.int32)
                ridx1 = jnp.full((LANES,), row0 + ch * CHUNK + i1, jnp.int32)
                for cg in range(CG):
                    v0 = jnp.abs(buf[pl.ds(boff + i0 * C + cg * LANES, LANES)])
                    v1 = jnp.abs(buf[pl.ds(boff + i1 * C + cg * LANES, LANES)])
                    m01 = v1 > v0
                    vp = jnp.maximum(v0, v1)
                    ip = jnp.where(m01, ridx1, ridx0)
                    m = vp > rvm[cg]
                    rvm[cg] = jnp.maximum(rvm[cg], vp)
                    rvi[cg] = jnp.where(m, ip, rvi[cg])
                return tuple(rvm + rvi)

            res = lax.fori_loop(0, CHUNK // 2, row_body, tuple(vm + vi))

            ilast = CHUNK - 1
            rvm = list(res[:CG])
            rvi = list(res[CG:])
            ridx = jnp.full((LANES,), row0 + ch * CHUNK + ilast, jnp.int32)
            for cg in range(CG):
                v = jnp.abs(buf[pl.ds(boff + ilast * C + cg * LANES, LANES)])
                m = v > rvm[cg]
                rvm[cg] = jnp.maximum(rvm[cg], v)
                rvi[cg] = jnp.where(m, ridx, rvi[cg])
            res = tuple(rvm + rvi)
            for cg in range(CG):
                regm[pl.ds(cg * LANES, LANES)] = res[cg]
                regi[pl.ds(cg * LANES, LANES)] = res[CG + cg]

        @pl.when(jnp.logical_not(uniform))
        def _():
            vm = [regm[pl.ds(cg * LANES, LANES)] for cg in range(CG)]
            vi = [regi[pl.ds(cg * LANES, LANES)] for cg in range(CG)]
            flush(cur_seg, vm, vi)

            def row_body(i, _):
                seg = batch_v[pl.ds(ch * CHUNK + i, LANES)][0]
                base = seg * C
                ridx = jnp.full((LANES,), row0 + ch * CHUNK + i, jnp.int32)
                for cg in range(CG):
                    v = jnp.abs(buf[pl.ds(boff + i * C + cg * LANES, LANES)])
                    cur = accmax[pl.ds(base + cg * LANES, LANES)]
                    curi = accidx[pl.ds(base + cg * LANES, LANES)]
                    m = v > cur
                    accmax[pl.ds(base + cg * LANES, LANES)] = jnp.where(m, v, cur)
                    accidx[pl.ds(base + cg * LANES, LANES)] = jnp.where(
                        m, ridx, curi)
                return 0

            lax.fori_loop(0, CHUNK, row_body, 0)
            nbase = last * C
            for cg in range(CG):
                regm[pl.ds(cg * LANES, LANES)] = accmax[
                    pl.ds(nbase + cg * LANES, LANES)]
                regi[pl.ds(cg * LANES, LANES)] = accidx[
                    pl.ds(nbase + cg * LANES, LANES)]
            segs[0] = last

        return 0

    lax.fori_loop(0, NCHUNK, chunk_body, 0)
    flush(segs[0],
          [regm[pl.ds(cg * LANES, LANES)] for cg in range(CG)],
          [regi[pl.ds(cg * LANES, LANES)] for cg in range(CG)])

    for s in range(NS):
        pltpu.async_copy(
            accmax.at[pl.ds(s * EPW, EPW)],
            pmax_hbm.at[pl.ds(s * NW * EPW + w * EPW, EPW)], sem)
        pltpu.async_copy(
            accidx.at[pl.ds(s * EPW, EPW)],
            pidx_hbm.at[pl.ds(s * NW * EPW + w * EPW, EPW)], sem)
    for s in range(NS):
        pltpu.make_async_copy(
            accmax.at[pl.ds(s * EPW, EPW)],
            pmax_hbm.at[pl.ds(s * NW * EPW + w * EPW, EPW)], sem).wait()
        pltpu.make_async_copy(
            accidx.at[pl.ds(s * EPW, EPW)],
            pidx_hbm.at[pl.ds(s * NW * EPW + w * EPW, EPW)], sem).wait()


_phase1 = functools.partial(
    pl.kernel,
    out_type=(
        jax.ShapeDtypeStruct((NW * ENT,), jnp.float32),
        jax.ShapeDtypeStruct((NW * ENT,), jnp.int32),
    ),
    mesh=_mesh,
    scratch_types=[
        pltpu.VMEM((RPW_PAD,), jnp.int32),
        pltpu.VMEM((NBUF * CHW,), jnp.float32),
        pltpu.VMEM((ENT,), jnp.float32),
        pltpu.VMEM((ENT,), jnp.int32),
        pltpu.VMEM((C,), jnp.float32),
        pltpu.VMEM((C,), jnp.int32),
        pltpu.SMEM((1,), jnp.int32),
        pltpu.SemaphoreType.DMA,
    ],
)(_phase1_body)


def _phase2_body(pmax_hbm, pidx_hbm, tflat_hbm, pflat_hbm, batch_hbm, out_hbm,
                 bufm, bufi, gidx, tvals, pvals, btail,
                 psum_v, outv, shared, sem, semg):
    cid = lax.axis_index("c")
    sid = lax.axis_index("s")
    half = cid * EPH
    base_e = sid * EPW + half

    pltpu.async_copy(pmax_hbm.at[pl.ds(sid * NW * EPW, NW * EPW)], bufm, sem)
    pltpu.async_copy(pidx_hbm.at[pl.ds(sid * NW * EPW, NW * EPW)], bufi, sem)
    pltpu.async_copy(batch_hbm.at[pl.ds(N - LANES, LANES)], btail, sem)
    pltpu.make_async_copy(pmax_hbm.at[pl.ds(sid * NW * EPW, NW * EPW)],
                          bufm, sem).wait()
    pltpu.make_async_copy(pidx_hbm.at[pl.ds(sid * NW * EPW, NW * EPW)],
                          bufi, sem).wait()
    pltpu.make_async_copy(batch_hbm.at[pl.ds(N - LANES, LANES)],
                          btail, sem).wait()

    iota = lax.iota(jnp.int32, LANES)

    def merge_entry(k, _):
        off = half + k * LANES

        def merge_p(p, c):
            a, ai = c
            b = bufm[pl.ds(p * EPW + off, LANES)]
            bi = bufi[pl.ds(p * EPW + off, LANES)]
            m = b > a
            return (jnp.where(m, b, a), jnp.where(m, bi, ai))

        a, ai = lax.fori_loop(
            1, NW, merge_p,
            (bufm[pl.ds(off, LANES)], bufi[pl.ds(off, LANES)]))
        col = jnp.full(
            (LANES,), lax.rem(lax.rem(base_e, C) + k * LANES, C),
            jnp.int32) + iota
        gidx[pl.ds(k * LANES, LANES)] = ai * C + col
        return 0

    lax.fori_loop(0, EPH // LANES, merge_entry, 0)

    pltpu.async_copy(tflat_hbm.at[gidx], tvals, semg)
    pltpu.async_copy(pflat_hbm.at[gidx], pvals, semg)
    pltpu.make_async_copy(tflat_hbm.at[gidx], tvals, semg).wait()
    pltpu.make_async_copy(pflat_hbm.at[gidx], pvals, semg).wait()

    g_count = btail[...][LANES - 1] + 1

    def sum_body(k, acc):
        t = tvals[pl.ds(k * LANES, LANES)]
        p = pvals[pl.ds(k * LANES, LANES)]
        rel = jnp.abs(p - t) / (jnp.abs(t) + jnp.float32(EPS))
        evec = jnp.full((LANES,), base_e + k * LANES, jnp.int32) + iota
        gvec = lax.shift_right_logical(evec, jnp.full((LANES,), 7, jnp.int32))
        return acc + jnp.where(gvec < g_count, rel, jnp.float32(0.0))

    acc = lax.fori_loop(0, EPH // LANES, sum_body,
                        jnp.zeros((LANES,), jnp.float32))
    psum_v[...] = acc
    pltpu.sync_copy(psum_v, shared.at[pl.ds(sid * LANES, LANES)])
    plsc.subcore_barrier()

    @pl.when(sid == 0)
    def _():
        def tot_body(p, a):
            pltpu.sync_copy(shared.at[pl.ds(p * LANES, LANES)], psum_v)
            return a + psum_v[...]

        accv = lax.fori_loop(0, NS, tot_body, jnp.zeros((LANES,), jnp.float32))
        total = accv[0]
        for lane in range(1, LANES):
            total = total + accv[lane]
        denom = jnp.full((LANES,), g_count, jnp.int32).astype(jnp.float32)
        denom = denom * jnp.float32(C)
        tot_v = jnp.full((LANES,), total, jnp.float32)
        outv[...] = tot_v / denom * jnp.float32(10000.0)
        pltpu.sync_copy(outv, out_hbm.at[pl.ds(cid * LANES, LANES)])


_phase2 = functools.partial(
    pl.kernel,
    out_type=jax.ShapeDtypeStruct((NC * LANES,), jnp.float32),
    mesh=_mesh,
    scratch_types=[
        pltpu.VMEM((NW * EPW,), jnp.float32),
        pltpu.VMEM((NW * EPW,), jnp.int32),
        pltpu.VMEM((EPH,), jnp.int32),
        pltpu.VMEM((EPH,), jnp.float32),
        pltpu.VMEM((EPH,), jnp.float32),
        pltpu.VMEM((LANES,), jnp.int32),
        pltpu.VMEM((LANES,), jnp.float32),
        pltpu.VMEM((LANES,), jnp.float32),
        pltpu.VMEM_SHARED((NS * LANES,), jnp.float32),
        pltpu.SemaphoreType.DMA,
        pltpu.SemaphoreType.DMA,
    ],
)(_phase2_body)


def kernel(pred, target, batch, x):
    del x
    batch_i32 = batch.astype(jnp.int32)
    batch_pad = jnp.pad(
        batch_i32.reshape(NW, RPW), ((0, 0), (0, RPW_PAD - RPW))).reshape(-1)
    tflat = target.reshape(-1)
    pflat = pred.reshape(-1)
    pmax, pidx = _phase1(tflat, batch_pad)
    out = _phase2(pmax, pidx, tflat, pflat, batch_i32)
    return out[0] + out[LANES]

# --- scband reference (transcript-rebuilt; emitter-appended) ---
"""Pipeline reference for scband-graph-max-component-relative-error-40346922778982 (READ-ONLY COPY).

The authoritative reference and input builder live on the scoring server;
editing this copy changes nothing except your own understanding.
"""

import jax, jax.numpy as jnp
import numpy as np

EPS = 1e-08

def setup_inputs(seed: int = 0) -> dict:
    key = jax.random.key(seed)
    k1, k2, k3, k4 = jax.random.split(key, 4)
    N, C, G = 100000, 128, 64
    pred = jax.random.normal(k1, (N, C), dtype=jnp.float32)
    target = jax.random.normal(k2, (N, C), dtype=jnp.float32)
    batch = jnp.sort(jax.random.randint(k3, (N,), 0, G)).astype(jnp.int64)
    x = jax.random.normal(k4, (N, C), dtype=jnp.float32)
    return {"pred": pred, "target": target, "batch": batch, "x": x}

def reference(pred, target, batch, x):
    # per-graph, per-component argmax of |target|, then relative error at that location
    G_MAX = 64  # static upper bound: setup_inputs draws batch from randint(0, 64)
    G = jnp.max(batch) + 1  # traced actual number of segments
    N = pred.shape[0]
    C = pred.shape[1]
    tabs = jnp.abs(target)  # [N, C]
    seg_max = jax.ops.segment_max(tabs, batch, num_segments=G_MAX)  # [G_MAX, C]
    # first index attaining the per-segment max (matches torch.argmax first-occurrence)
    is_max = tabs == seg_max[batch]  # [N, C]
    node_idx = jnp.broadcast_to(jnp.arange(N)[:, None], tabs.shape)
    masked = jnp.where(is_max, node_idx, N)
    argmax_idx = jax.ops.segment_min(masked, batch, num_segments=G_MAX)  # [G_MAX, C]
    max_target = jnp.take_along_axis(target, argmax_idx, axis=0)  # [G_MAX, C]
    max_pred = jnp.take_along_axis(pred, argmax_idx, axis=0)  # [G_MAX, C]
    rel_errors = jnp.abs(max_pred - max_target) / (jnp.abs(max_target) + EPS)
    valid = jnp.arange(G_MAX)[:, None] < G  # [G_MAX, 1] mask of real segments
    total = jnp.sum(jnp.where(valid, rel_errors, jnp.float32(0.0)))
    mean = total / (G.astype(jnp.float32) * C)
    return mean * 10000.0

if __name__ == "__main__":
    import jax
    _d = setup_inputs()
    print(jax.jit(kernel)(*tuple(_d.values())))

</pallas_src>

<mosaic_0001>
#map = affine_map<(d0, d1) -> (0)>
module attributes {stable_mosaic.version = 14 : i64} {
  func.func @_phase1_body(%arg0: i32, %arg1: i32, %arg2: memref<12800000xf32, #tpu.memory_space<hbm>>, %arg3: memref<100608xi32, #tpu.memory_space<hbm>>, %arg4: memref<262144xf32, #tpu.memory_space<hbm>>, %arg5: memref<262144xi32, #tpu.memory_space<hbm>>, %arg6: memref<3144xi32, #tpu.memory_space<vmem>>, %arg7: memref<64000xf32, #tpu.memory_space<vmem>>, %arg8: memref<8192xf32, #tpu.memory_space<vmem>>, %arg9: memref<8192xi32, #tpu.memory_space<vmem>>, %arg10: memref<128xf32, #tpu.memory_space<vmem>>, %arg11: memref<128xi32, #tpu.memory_space<vmem>>, %arg12: memref<1xi32, #tpu.memory_space<smem>>, %arg13: memref<!tpu.dma_semaphore, #tpu.memory_space<semaphore_mem>>) attributes {dimension_semantics = [#tpu.dimension_semantics<core_parallel>, #tpu.dimension_semantics<subcore_parallel>], iteration_bounds = array<i64: 2, 16>, scalar_prefetch = 0 : i64, scratch_operands = 8 : i64, tpu.core_type = #tpu.core_type<sc_vector_subcore>, window_params = [{transform_indices = #map}, {transform_indices = #map}, {transform_indices = #map}, {transform_indices = #map}]} {
    %mul3A = arith.constant 16 : i32
    %mul3A_0 = arith.muli %arg0, %mul3A : i32
    %add3A = arith.addi %mul3A_0, %arg1 : i32
    %mul3A_1 = arith.constant 3125 : i32
    %mul3A_2 = arith.muli %add3A, %mul3A_1 : i32
    %mul3A_3 = arith.constant 3144 : i32
    %mul3A_4 = arith.muli %add3A, %mul3A_3 : i32
    "tpu.region"() ({
      %run_scoped3A = tpu.sem_alloc : memref<!tpu.dma_semaphore, #tpu.memory_space<semaphore_mem>>
      %dma_start3A_1044 = tpu.memref_slice %arg3[%mul3A_4] : memref<100608xi32, #tpu.memory_space<hbm>> -> memref<3144xi32, #tpu.memory_space<hbm>>
      %dma_start3A_1045 = tpu.memref_slice %arg3[%mul3A_4] : memref<100608xi32, #tpu.memory_space<hbm>> -> memref<3144xi32, #tpu.memory_space<hbm>>
      tpu.enqueue_dma source(%dma_start3A_1045 : memref<3144xi32, #tpu.memory_space<hbm>>) target(%arg6 : memref<3144xi32, #tpu.memory_space<vmem>>) target_semaphore(%run_scoped3A : memref<!tpu.dma_semaphore, #tpu.memory_space<semaphore_mem>>)
      %dma_wait3A_1046 = tpu.memref_slice %arg3[%mul3A_4] : memref<100608xi32, #tpu.memory_space<hbm>> -> memref<3144xi32, #tpu.memory_space<hbm>>
      %dma_wait3A_1047 = tpu.memref_slice %arg3[%mul3A_4] : memref<100608xi32, #tpu.memory_space<hbm>> -> memref<3144xi32, #tpu.memory_space<hbm>>
      tpu.wait_dma2 semaphore(%run_scoped3A : memref<!tpu.dma_semaphore, #tpu.memory_space<semaphore_mem>>) src(%dma_wait3A_1047 : memref<3144xi32, #tpu.memory_space<hbm>>) dst(%arg6 : memref<3144xi32, #tpu.memory_space<vmem>>)
      tpu.yield
    }) : () -> ()
    %scan3A = arith.constant 0 : i32
    %scan3A_5 = arith.constant 0 : i32
    %scan3A_6 = arith.constant 512 : i32
    %scan3A_7 = arith.addi %scan3A_5, %scan3A_6 : i32
    %scan3A_8 = arith.constant 1 : i32
    %scan3A_9 = scf.for %scan3A_1044 = %scan3A_5 to %scan3A_7 step %scan3A_8 iter_args(%scan3A_1045 = %scan3A) -> (i32)  : i32 {
      %broadcast_in_dim3A_1046 = arith.constant -1.000000e+00 : f32
      %broadcast_in_dim3A_1047 = vector.broadcast %broadcast_in_dim3A_1046 : f32 to vector<16xf32>
      %mul3A_1048 = arith.constant 16 : i32
      %mul3A_1049 = arith.muli %scan3A_1044, %mul3A_1048 : i32
      %swap3A_1050 = arith.index_cast %mul3A_1049 : i32 to index
      %swap3A_1051 = tpu.vector_load %arg8[%swap3A_1050] {strides = array<i32>} : memref<8192xf32, #tpu.memory_space<vmem>>, vector<16xf32>,
      %swap3A_1052 = vector.shape_cast %swap3A_1051 : vector<16xf32> to vector<16xf32>
      %swap3A_1053 = vector.shape_cast %broadcast_in_dim3A_1047 : vector<16xf32> to vector<16xf32>
      tpu.vector_store %arg8[%swap3A_1050], %swap3A_1053 {strides = array<i32>} : memref<8192xf32, #tpu.memory_space<vmem>>, vector<16xf32>,
      %broadcast_in_dim3A_1054 = arith.constant 99999 : i32
      %broadcast_in_dim3A_1055 = vector.broadcast %broadcast_in_dim3A_1054 : i32 to vector<16xi32>
      %mul3A_1056 = arith.constant 16 : i32
      %mul3A_1057 = arith.muli %scan3A_1044, %mul3A_1056 : i32
      %swap3A_1058 = arith.index_cast %mul3A_1057 : i32 to index
      %swap3A_1059 = tpu.vector_load %arg9[%swap3A_1058] {strides = array<i32>} : memref<8192xi32, #tpu.memory_space<vmem>>, vector<16xi32>,
      %swap3A_1060 = vector.shape_cast %swap3A_1059 : vector<16xi32> to vector<16xi32>
      %swap3A_1061 = vector.shape_cast %broadcast_in_dim3A_1055 : vector<16xi32> to vector<16xi32>
      tpu.vector_store %arg9[%swap3A_1058], %swap3A_1061 {strides = array<i32>} : memref<8192xi32, #tpu.memory_space<vmem>>, vector<16xi32>,
      %scan3A_1062 = arith.constant 0 : i32
      scf.yield %scan3A_1062 : i32
    }
    %scan3A_10 = arith.constant 512 : i32
    %broadcast_in_dim3A = arith.constant -1.000000e+00 : f32
    %broadcast_in_dim3A_11 = vector.broadcast %broadcast_in_dim3A : f32 to vector<16xf32>
    %swap3A = arith.constant 0 : index
    %swap3A_12 = tpu.vector_load %arg10[%swap3A] {strides = array<i32>} : memref<128xf32, #tpu.memory_space<vmem>>, vector<16xf32>,
    %swap3A_13 = vector.shape_cast %swap3A_12 : vector<16xf32> to vector<16xf32>
    %swap3A_14 = vector.shape_cast %broadcast_in_dim3A_11 : vector<16xf32> to vector<16xf32>
    tpu.vector_store %arg10[%swap3A], %swap3A_14 {strides = array<i32>} : memref<128xf32, #tpu.memory_space<vmem>>, vector<16xf32>,
    %broadcast_in_dim3A_15 = arith.constant 99999 : i32
    %broadcast_in_dim3A_16 = vector.broadcast %broadcast_in_dim3A_15 : i32 to vector<16xi32>
    %swap3A_17 = arith.constant 0 : index
    %swap3A_18 = tpu.vector_load %arg11[%swap3A_17] {strides = array<i32>} : memref<128xi32, #tpu.memory_space<vmem>>, vector<16xi32>,
    %swap3A_19 = vector.shape_cast %swap3A_18 : vector<16xi32> to vector<16xi32>
    %swap3A_20 = vector.shape_cast %broadcast_in_dim3A_16 : vector<16xi32> to vector<16xi32>
    tpu.vector_store %arg11[%swap3A_17], %swap3A_20 {strides = array<i32>} : memref<128xi32, #tpu.memory_space<vmem>>, vector<16xi32>,
    %broadcast_in_dim3A_21 = arith.constant -1.000000e+00 : f32
    %broadcast_in_dim3A_22 = vector.broadcast %broadcast_in_dim3A_21 : f32 to vector<16xf32>
    %swap3A_23 = arith.constant 16 : index
    %swap3A_24 = tpu.vector_load %arg10[%swap3A_23] {strides = array<i32>} : memref<128xf32, #tpu.memory_space<vmem>>, vector<16xf32>,
    %swap3A_25 = vector.shape_cast %swap3A_24 : vector<16xf32> to vector<16xf32>
    %swap3A_26 = vector.shape_cast %broadcast_in_dim3A_22 : vector<16xf32> to vector<16xf32>
    tpu.vector_store %arg10[%swap3A_23], %swap3A_26 {strides = array<i32>} : memref<128xf32, #tpu.memory_space<vmem>>, vector<16xf32>,
    %broadcast_in_dim3A_27 = arith.constant 99999 : i32
    %broadcast_in_dim3A_28 = vector.broadcast %broadcast_in_dim3A_27 : i32 to vector<16xi32>
    %swap3A_29 = arith.constant 16 : index
    %swap3A_30 = tpu.vector_load %arg11[%swap3A_29] {strides = array<i32>} : memref<128xi32, #tpu.memory_space<vmem>>, vector<16xi32>,
    %swap3A_31 = vector.shape_cast %swap3A_30 : vector<16xi32> to vector<16xi32>
    %swap3A_32 = vector.shape_cast %broadcast_in_dim3A_28 : vector<16xi32> to vector<16xi32>
    tpu.vector_store %arg11[%swap3A_29], %swap3A_32 {strides = array<i32>} : memref<128xi32, #tpu.memory_space<vmem>>, vector<16xi32>,
    %broadcast_in_dim3A_33 = arith.constant -1.000000e+00 : f32
    %broadcast_in_dim3A_34 = vector.broadcast %broadcast_in_dim3A_33 : f32 to vector<16xf32>
    %swap3A_35 = arith.constant 32 : index
    %swap3A_36 = tpu.vector_load %arg10[%swap3A_35] {strides = array<i32>} : memref<128xf32, #tpu.memory_space<vmem>>, vector<16xf32>,
    %swap3A_37 = vector.shape_cast %swap3A_36 : vector<16xf32> to vector<16xf32>
    %swap3A_38 = vector.shape_cast %broadcast_in_dim3A_34 : vector<16xf32> to vector<16xf32>
    tpu.vector_store %arg10[%swap3A_35], %swap3A_38 {strides = array<i32>} : memref<128xf32, #tpu.memory_space<vmem>>, vector<16xf32>,
    %broadcast_in_dim3A_39 = arith.constant 99999 : i32
    %broadcast_in_dim3A_40 = vector.broadcast %broadcast_in_dim3A_39 : i32 to vector<16xi32>
    %swap3A_41 = arith.constant 32 : index
    %swap3A_42 = tpu.vector_load %arg11[%swap3A_41] {strides = array<i32>} : memref<128xi32, #tpu.memory_space<vmem>>, vector<16xi32>,
    %swap3A_43 = vector.shape_cast %swap3A_42 : vector<16xi32> to vector<16xi32>
    %swap3A_44 = vector.shape_cast %broadcast_in_dim3A_40 : vector<16xi32> to vector<16xi32>
    tpu.vector_store %arg11[%swap3A_41], %swap3A_44 {strides = array<i32>} : memref<128xi32, #tpu.memory_space<vmem>>, vector<16xi32>,
    %broadcast_in_dim3A_45 = arith.constant -1.000000e+00 : f32
    %broadcast_in_dim3A_46 = vector.broadcast %broadcast_in_dim3A_45 : f32 to vector<16xf32>
    %swap3A_47 = arith.constant 48 : index
    %swap3A_48 = tpu.vector_load %arg10[%swap3A_47] {strides = array<i32>} : memref<128xf32, #tpu.memory_space<vmem>>, vector<16xf32>,
    %swap3A_49 = vector.shape_cast %swap3A_48 : vector<16xf32> to vector<16xf32>
    %swap3A_50 = vector.shape_cast %broadcast_in_dim3A_46 : vector<16xf32> to vector<16xf32>
    tpu.vector_store %arg10[%swap3A_47], %swap3A_50 {strides = array<i32>} : memref<128xf32, #tpu.memory_space<vmem>>, vector<16xf32>,
    %broadcast_in_dim3A_51 = arith.constant 99999 : i32
    %broadcast_in_dim3A_52 = vector.broadcast %broadcast_in_dim3A_51 : i32 to vector<16xi32>
    %swap3A_53 = arith.constant 48 : index
    %swap3A_54 = tpu.vector_load %arg11[%swap3A_53] {strides = array<i32>} : memref<128xi32, #tpu.memory_space<vmem>>, vector<16xi32>,
    %swap3A_55 = vector.shape_cast %swap3A_54 : vector<16xi32> to vector<16xi32>
    %swap3A_56 = vector.shape_cast %broadcast_in_dim3A_52 : vector<16xi32> to vector<16xi32>
    tpu.vector_store %arg11[%swap3A_53], %swap3A_56 {strides = array<i32>} : memref<128xi32, #tpu.memory_space<vmem>>, vector<16xi32>,
    %broadcast_in_dim3A_57 = arith.constant -1.000000e+00 : f32
    %broadcast_in_dim3A_58 = vector.broadcast %broadcast_in_dim3A_57 : f32 to vector<16xf32>
    %swap3A_59 = arith.constant 64 : index
    %swap3A_60 = tpu.vector_load %arg10[%swap3A_59] {strides = array<i32>} : memref<128xf32, #tpu.memory_space<vmem>>, vector<16xf32>,
    %swap3A_61 = vector.shape_cast %swap3A_60 : vector<16xf32> to vector<16xf32>
    %swap3A_62 = vector.shape_cast %broadcast_in_dim3A_58 : vector<16xf32> to vector<16xf32>
    tpu.vector_store %arg10[%swap3A_59], %swap3A_62 {strides = array<i32>} : memref<128xf32, #tpu.memory_space<vmem>>, vector<16xf32>,
    %broadcast_in_dim3A_63 = arith.constant 99999 : i32
    %broadcast_in_dim3A_64 = vector.broadcast %broadcast_in_dim3A_63 : i32 to vector<16xi32>
    %swap3A_65 = arith.constant 64 : index
    %swap3A_66 = tpu.vector_load %arg11[%swap3A_65] {strides = array<i32>} : memref<128xi32, #tpu.memory_space<vmem>>, vector<16xi32>,
    %swap3A_67 = vector.shape_cast %swap3A_66 : vector<16xi32> to vector<16xi32>
    %swap3A_68 = vector.shape_cast %broadcast_in_dim3A_64 : vector<16xi32> to vector<16xi32>
    tpu.vector_store %arg11[%swap3A_65], %swap3A_68 {strides = array<i32>} : memref<128xi32, #tpu.memory_space<vmem>>, vector<16xi32>,
    %broadcast_in_dim3A_69 = arith.constant -1.000000e+00 : f32
    %broadcast_in_dim3A_70 = vector.broadcast %broadcast_in_dim3A_69 : f32 to vector<16xf32>
    %swap3A_71 = arith.constant 80 : index
    %swap3A_72 = tpu.vector_load %arg10[%swap3A_71] {strides = array<i32>} : memref<128xf32, #tpu.memory_space<vmem>>, vector<16xf32>,
    %swap3A_73 = vector.shape_cast %swap3A_72 : vector<16xf32> to vector<16xf32>
    %swap3A_74 = vector.shape_cast %broadcast_in_dim3A_70 : vector<16xf32> to vector<16xf32>
    tpu.vector_store %arg10[%swap3A_71], %swap3A_74 {strides = array<i32>} : memref<128xf32, #tpu.memory_space<vmem>>, vector<16xf32>,
    %broadcast_in_dim3A_75 = arith.constant 99999 : i32
    %broadcast_in_dim3A_76 = vector.broadcast %broadcast_in_dim3A_75 : i32 to vector<16xi32>
    %swap3A_77 = arith.constant 80 : index
    %swap3A_78 = tpu.vector_load %arg11[%swap3A_77] {strides = array<i32>} : memref<128xi32, #tpu.memory_space<vmem>>, vector<16xi32>,
    %swap3A_79 = vector.shape_cast %swap3A_78 : vector<16xi32> to vector<16xi32>
    %swap3A_80 = vector.shape_cast %broadcast_in_dim3A_76 : vector<16xi32> to vector<16xi32>
    tpu.vector_store %arg11[%swap3A_77], %swap3A_80 {strides = array<i32>} : memref<128xi32, #tpu.memory_space<vmem>>, vector<16xi32>,
    %broadcast_in_dim3A_81 = arith.constant -1.000000e+00 : f32
    %broadcast_in_dim3A_82 = vector.broadcast %broadcast_in_dim3A_81 : f32 to vector<16xf32>
    %swap3A_83 = arith.constant 96 : index
    %swap3A_84 = tpu.vector_load %arg10[%swap3A_83] {strides = array<i32>} : memref<128xf32, #tpu.memory_space<vmem>>, vector<16xf32>,
    %swap3A_85 = vector.shape_cast %swap3A_84 : vector<16xf32> to vector<16xf32>
    %swap3A_86 = vector.shape_cast %broadcast_in_dim3A_82 : vector<16xf32> to vector<16xf32>
    tpu.vector_store %arg10[%swap3A_83], %swap3A_86 {strides = array<i32>} : memref<128xf32, #tpu.memory_space<vmem>>, vector<16xf32>,
    %broadcast_in_dim3A_87 = arith.constant 99999 : i32
    %broadcast_in_dim3A_88 = vector.broadcast %broadcast_in_dim3A_87 : i32 to vector<16xi32>
    %swap3A_89 = arith.constant 96 : index
    %swap3A_90 = tpu.vector_load %arg11[%swap3A_89] {strides = array<i32>} : memref<128xi32, #tpu.memory_space<vmem>>, vector<16xi32>,
    %swap3A_91 = vector.shape_cast %swap3A_90 : vector<16xi32> to vector<16xi32>
    %swap3A_92 = vector.shape_cast %broadcast_in_dim3A_88 : vector<16xi32> to vector<16xi32>
    tpu.vector_store %arg11[%swap3A_89], %swap3A_92 {strides = array<i32>} : memref<128xi32, #tpu.memory_space<vmem>>, vector<16xi32>,
    %broadcast_in_dim3A_93 = arith.constant -1.000000e+00 : f32
    %broadcast_in_dim3A_94 = vector.broadcast %broadcast_in_dim3A_93 : f32 to vector<16xf32>
    %swap3A_95 = arith.constant 112 : index
    %swap3A_96 = tpu.vector_load %arg10[%swap3A_95] {strides = array<i32>} : memref<128xf32, #tpu.memory_space<vmem>>, vector<16xf32>,
    %swap3A_97 = vector.shape_cast %swap3A_96 : vector<16xf32> to vector<16xf32>
    %swap3A_98 = vector.shape_cast %broadcast_in_dim3A_94 : vector<16xf32> to vector<16xf32>
    tpu.vector_store %arg10[%swap3A_95], %swap3A_98 {strides = array<i32>} : memref<128xf32, #tpu.memory_space<vmem>>, vector<16xf32>,
    %broadcast_in_dim3A_99 = arith.constant 99999 : i32
    %broadcast_in_dim3A_100 = vector.broadcast %broadcast_in_dim3A_99 : i32 to vector<16xi32>
    %swap3A_101 = arith.constant 112 : index
    %swap3A_102 = tpu.vector_load %arg11[%swap3A_101] {strides = array<i32>} : memref<128xi32, #tpu.memory_space<vmem>>, vector<16xi32>,
    %swap3A_103 = vector.shape_cast %swap3A_102 : vector<16xi32> to vector<16xi32>
    %swap3A_104 = vector.shape_cast %broadcast_in_dim3A_100 : vector<16xi32> to vector<16xi32>
    tpu.vector_store %arg11[%swap3A_101], %swap3A_104 {strides = array<i32>} : memref<128xi32, #tpu.memory_space<vmem>>, vector<16xi32>,
    %get3A = arith.constant 0 : index
    %get3A_105 = tpu.vector_load %arg6[%get3A] {strides = array<i32>} : memref<3144xi32, #tpu.memory_space<vmem>>, vector<16xi32>,
    %get3A_106 = vector.shape_cast %get3A_105 : vector<16xi32> to vector<16xi32>
    %slice3A = vector.extract_strided_slice %get3A_106 {offsets = [0], sizes = [1], strides = [1]} : vector<16xi32> to vector<1xi32>
    %squeeze3A = vector.extract %slice3A[0] : i32 from vector<1xi32>
    %swap3A_107 = arith.constant 0 : i32
    %swap3A_108 = arith.index_cast %swap3A_107 : i32 to index
    %swap3A_109 = memref.load %arg12[%swap3A_108] : memref<1xi32, #tpu.memory_space<smem>>
    memref.store %squeeze3A, %arg12[%swap3A_108] : memref<1xi32, #tpu.memory_space<smem>>
    %add3A_110 = arith.constant 0 : i32
    %add3A_111 = arith.addi %mul3A_2, %add3A_110 : i32
    %mul3A_112 = arith.constant 128 : i32
    %mul3A_113 = arith.muli %add3A_111, %mul3A_112 : i32
    %rem3A = arith.constant 0 : i32
    %rem3A_114 = arith.constant 4 : i32
    %rem3A_115 = arith.remsi %rem3A, %rem3A_114 : i32
    %mul3A_116 = arith.constant 16000 : i32
    %mul3A_117 = arith.muli %rem3A_115, %mul3A_116 : i32
    %dma_start3A = tpu.memref_slice %arg7[%mul3A_117] : memref<64000xf32, #tpu.memory_space<vmem>> -> memref<16000xf32, #tpu.memory_space<vmem>>
    %dma_start3A_118 = tpu.memref_slice %arg2[%mul3A_113] : memref<12800000xf32, #tpu.memory_space<hbm>> -> memref<16000xf32, #tpu.memory_space<hbm>>
    %dma_start3A_119 = tpu.memref_slice %arg7[%mul3A_117] : memref<64000xf32, #tpu.memory_space<vmem>> -> memref<16000xf32, #tpu.memory_space<vmem>>
    %dma_start3A_120 = tpu.memref_slice %arg2[%mul3A_113] : memref<12800000xf32, #tpu.memory_space<hbm>> -> memref<16000xf32, #tpu.memory_space<hbm>>
    tpu.enqueue_dma source(%dma_start3A_120 : memref<16000xf32, #tpu.memory_space<hbm>>) target(%dma_start3A_119 : memref<16000xf32, #tpu.memory_space<vmem>>) target_semaphore(%arg13 : memref<!tpu.dma_semaphore, #tpu.memory_space<semaphore_mem>>)
    %add3A_121 = arith.constant 125 : i32
    %add3A_122 = arith.addi %mul3A_2, %add3A_121 : i32
    %mul3A_123 = arith.constant 128 : i32
    %mul3A_124 = arith.muli %add3A_122, %mul3A_123 : i32
    %rem3A_125 = arith.constant 1 : i32
    %rem3A_126 = arith.constant 4 : i32
    %rem3A_127 = arith.remsi %rem3A_125, %rem3A_126 : i32
    %mul3A_128 = arith.constant 16000 : i32
    %mul3A_129 = arith.muli %rem3A_127, %mul3A_128 : i32
    %dma_start3A_130 = tpu.memref_slice %arg7[%mul3A_129] : memref<64000xf32, #tpu.memory_space<vmem>> -> memref<16000xf32, #tpu.memory_space<vmem>>
    %dma_start3A_131 = tpu.memref_slice %arg2[%mul3A_124] : memref<12800000xf32, #tpu.memory_space<hbm>> -> memref<16000xf32, #tpu.memory_space<hbm>>
    %dma_start3A_132 = tpu.memref_slice %arg7[%mul3A_129] : memref<64000xf32, #tpu.memory_space<vmem>> -> memref<16000xf32, #tpu.memory_space<vmem>>
    %dma_start3A_133 = tpu.memref_slice %arg2[%mul3A_124] : memref<12800000xf32, #tpu.memory_space<hbm>> -> memref<16000xf32, #tpu.memory_space<hbm>>
    tpu.enqueue_dma source(%dma_start3A_133 : memref<16000xf32, #tpu.memory_space<hbm>>) target(%dma_start3A_132 : memref<16000xf32, #tpu.memory_space<vmem>>) target_semaphore(%arg13 : memref<!tpu.dma_semaphore, #tpu.memory_space<semaphore_mem>>)
    %add3A_134 = arith.constant 250 : i32
    %add3A_135 = arith.addi %mul3A_2, %add3A_134 : i32
    %mul3A_136 = arith.constant 128 : i32
    %mul3A_137 = arith.muli %add3A_135, %mul3A_136 : i32
    %rem3A_138 = arith.constant 2 : i32
    %rem3A_139 = arith.constant 4 : i32
    %rem3A_140 = arith.remsi %rem3A_138, %rem3A_139 : i32
    %mul3A_141 = arith.constant 16000 : i32
    %mul3A_142 = arith.muli %rem3A_140, %mul3A_141 : i32
    %dma_start3A_143 = tpu.memref_slice %arg7[%mul3A_142] : memref<64000xf32, #tpu.memory_space<vmem>> -> memref<16000xf32, #tpu.memory_space<vmem>>
    %dma_start3A_144 = tpu.memref_slice %arg2[%mul3A_137] : memref<12800000xf32, #tpu.memory_space<hbm>> -> memref<16000xf32, #tpu.memory_space<hbm>>
    %dma_start3A_145 = tpu.memref_slice %arg7[%mul3A_142] : memref<64000xf32, #tpu.memory_space<vmem>> -> memref<16000xf32, #tpu.memory_space<vmem>>
    %dma_start3A_146 = tpu.memref_slice %arg2[%mul3A_137] : memref<12800000xf32, #tpu.memory_space<hbm>> -> memref<16000xf32, #tpu.memory_space<hbm>>
    tpu.enqueue_dma source(%dma_start3A_146 : memref<16000xf32, #tpu.memory_space<hbm>>) target(%dma_start3A_145 : memref<16000xf32, #tpu.memory_space<vmem>>) target_semaphore(%arg13 : memref<!tpu.dma_semaphore, #tpu.memory_space<semaphore_mem>>)
    %scan3A_147 = arith.constant 0 : i32
    %scan3A_148 = arith.constant 0 : i32
    %scan3A_149 = arith.constant 25 : i32
    %scan3A_150 = arith.addi %scan3A_148, %scan3A_149 : i32
    %scan3A_151 = arith.constant 1 : i32
    %scan3A_152 = scf.for %scan3A_1044 = %scan3A_148 to %scan3A_150 step %scan3A_151 iter_args(%scan3A_1045 = %scan3A_147) -> (i32)  : i32 {
      %mul3A_1046 = arith.constant 125 : i32
      %mul3A_1047 = arith.muli %scan3A_1044, %mul3A_1046 : i32
      %add3A_1048 = arith.addi %mul3A_2, %mul3A_1047 : i32
      %mul3A_1049 = arith.constant 128 : i32
      %mul3A_1050 = arith.muli %add3A_1048, %mul3A_1049 : i32
      %rem3A_1051 = arith.constant 4 : i32
      %rem3A_1052 = arith.remsi %scan3A_1044, %rem3A_1051 : i32
      %mul3A_1053 = arith.constant 16000 : i32
      %mul3A_1054 = arith.muli %rem3A_1052, %mul3A_1053 : i32
      %dma_wait3A_1055 = tpu.memref_slice %arg7[%mul3A_1054] : memref<64000xf32, #tpu.memory_space<vmem>> -> memref<16000xf32, #tpu.memory_space<vmem>>
      %dma_wait3A_1056 = tpu.memref_slice %arg2[%mul3A_1050] : memref<12800000xf32, #tpu.memory_space<hbm>> -> memref<16000xf32, #tpu.memory_space<hbm>>
      %dma_wait3A_1057 = tpu.memref_slice %arg7[%mul3A_1054] : memref<64000xf32, #tpu.memory_space<vmem>> -> memref<16000xf32, #tpu.memory_space<vmem>>
      %dma_wait3A_1058 = tpu.memref_slice %arg2[%mul3A_1050] : memref<12800000xf32, #tpu.memory_space<hbm>> -> memref<16000xf32, #tpu.memory_space<hbm>>
      tpu.wait_dma2 semaphore(%arg13 : memref<!tpu.dma_semaphore, #tpu.memory_space<semaphore_mem>>) src(%dma_wait3A_1058 : memref<16000xf32, #tpu.memory_space<hbm>>) dst(%dma_wait3A_1057 : memref<16000xf32, #tpu.memory_space<vmem>>)
      %add3A_1059 = arith.constant 4 : i32
      %add3A_1060 = arith.addi %scan3A_1044, %add3A_1059 : i32
      %sub3A = arith.constant 1 : i32
      %sub3A_1061 = arith.subi %add3A_1060, %sub3A : i32
      %lt3A = arith.constant 25 : i32
      %lt3A_1062 = arith.cmpi slt, %sub3A_1061, %lt3A : i32
      %convert_element_type3A = arith.extui %lt3A_1062 : i1 to i32
      %cond3A = arith.constant 0 : i32
      %cond3A_1063 = arith.cmpi ne, %convert_element_type3A, %cond3A : i32
      scf.if %cond3A_1063 {
        %add3A_1098 = arith.constant 4 : i32
        %add3A_1099 = arith.addi %scan3A_1044, %add3A_1098 : i32
        %sub3A_1100 = arith.constant 1 : i32
        %sub3A_1101 = arith.subi %add3A_1099, %sub3A_1100 : i32
        %mul3A_1102 = arith.constant 125 : i32
        %mul3A_1103 = arith.muli %sub3A_1101, %mul3A_1102 : i32
        %add3A_1104 = arith.addi %mul3A_2, %mul3A_1103 : i32
        %mul3A_1105 = arith.constant 128 : i32
        %mul3A_1106 = arith.muli %add3A_1104, %mul3A_1105 : i32
        %rem3A_1107 = arith.constant 4 : i32
        %rem3A_1108 = arith.remsi %sub3A_1101, %rem3A_1107 : i32
        %mul3A_1109 = arith.constant 16000 : i32
        %mul3A_1110 = arith.muli %rem3A_1108, %mul3A_1109 : i32
        %dma_start3A_1111 = tpu.memref_slice %arg7[%mul3A_1110] : memref<64000xf32, #tpu.memory_space<vmem>> -> memref<16000xf32, #tpu.memory_space<vmem>>
        %dma_start3A_1112 = tpu.memref_slice %arg2[%mul3A_1106] : memref<12800000xf32, #tpu.memory_space<hbm>> -> memref<16000xf32, #tpu.memory_space<hbm>>
        %dma_start3A_1113 = tpu.memref_slice %arg7[%mul3A_1110] : memref<64000xf32, #tpu.memory_space<vmem>> -> memref<16000xf32, #tpu.memory_space<vmem>>
        %dma_start3A_1114 = tpu.memref_slice %arg2[%mul3A_1106] : memref<12800000xf32, #tpu.memory_space<hbm>> -> memref<16000xf32, #tpu.memory_space<hbm>>
        tpu.enqueue_dma source(%dma_start3A_1114 : memref<16000xf32, #tpu.memory_space<hbm>>) target(%dma_start3A_1113 : memref<16000xf32, #tpu.memory_space<vmem>>) target_semaphore(%arg13 : memref<!tpu.dma_semaphore, #tpu.memory_space<semaphore_mem>>)
      } else {
      }
      %rem3A_1064 = arith.constant 4 : i32
      %rem3A_1065 = arith.remsi %scan3A_1044, %rem3A_1064 : i32
      %mul3A_1066 = arith.constant 16000 : i32
      %mul3A_1067 = arith.muli %rem3A_1065, %mul3A_1066 : i32
      %get3A_1068 = arith.constant 0 : i32
      %get3A_1069 = arith.index_cast %get3A_1068 : i32 to index
      %get3A_1070 = memref.load %arg12[%get3A_1069] : memref<1xi32, #tpu.memory_space<smem>>
      %mul3A_1071 = arith.constant 125 : i32
      %mul3A_1072 = arith.muli %scan3A_1044, %mul3A_1071 : i32
      %get3A_1073 = arith.index_cast %mul3A_1072 : i32 to index
      %get3A_1074 = tpu.vector_load %arg6[%get3A_1073] {strides = array<i32>} : memref<3144xi32, #tpu.memory_space<vmem>>, vector<16xi32>,
      %get3A_1075 = vector.shape_cast %get3A_1074 : vector<16xi32> to vector<16xi32>
      %slice3A_1076 = vector.extract_strided_slice %get3A_1075 {offsets = [0], sizes = [1], strides = [1]} : vector<16xi32> to vector<1xi32>
      %squeeze3A_1077 = vector.extract %slice3A_1076[0] : i32 from vector<1xi32>
      %mul3A_1078 = arith.constant 125 : i32
      %mul3A_1079 = arith.muli %scan3A_1044, %mul3A_1078 : i32
      %add3A_1080 = arith.constant 125 : i32
      %add3A_1081 = arith.addi %mul3A_1079, %add3A_1080 : i32
      %sub3A_1082 = arith.constant 16 : i32
      %sub3A_1083 = arith.subi %add3A_1081, %sub3A_1082 : i32
      %get3A_1084 = arith.index_cast %sub3A_1083 : i32 to index
      %get3A_1085 = tpu.vector_load %arg6[%get3A_1084] {strides = array<i32>} : memref<3144xi32, #tpu.memory_space<vmem>>, vector<16xi32>,
      %get3A_1086 = vector.shape_cast %get3A_1085 : vector<16xi32> to vector<16xi32>
      %slice3A_1087 = vector.extract_strided_slice %get3A_1086 {offsets = [15], sizes = [1], strides = [1]} : vector<16xi32> to vector<1xi32>
      %squeeze3A_1088 = vector.extract %slice3A_1087[0] : i32 from vector<1xi32>
      %eq3A = arith.cmpi eq, %squeeze3A_1077, %squeeze3A_1088 : i32
      %eq3A_1089 = arith.cmpi eq, %squeeze3A_1077, %get3A_1070 : i32
      %and3A = arith.andi %eq3A, %eq3A_1089 : i1
      %convert_element_type3A_1090 = arith.extui %and3A : i1 to i32
      %cond3A_1091 = arith.constant 0 : i32
      %cond3A_1092 = arith.cmpi ne, %convert_element_type3A_1090, %cond3A_1091 : i32
      scf.if %cond3A_1092 {
        %get3A_1098 = arith.constant 0 : index
        %get3A_1099 = tpu.vector_load %arg10[%get3A_1098] {strides = array<i32>} : memref<128xf32, #tpu.memory_space<vmem>>, vector<16xf32>,
        %get3A_1100 = vector.shape_cast %get3A_1099 : vector<16xf32> to vector<16xf32>
        %get3A_1101 = arith.constant 16 : index
        %get3A_1102 = tpu.vector_load %arg10[%get3A_1101] {strides = array<i32>} : memref<128xf32, #tpu.memory_space<vmem>>, vector<16xf32>,
        %get3A_1103 = vector.shape_cast %get3A_1102 : vector<16xf32> to vector<16xf32>
        %get3A_1104 = arith.constant 32 : index
        %get3A_1105 = tpu.vector_load %arg10[%get3A_1104] {strides = array<i32>} : memref<128xf32, #tpu.memory_space<vmem>>, vector<16xf32>,
        %get3A_1106 = vector.shape_cast %get3A_1105 : vector<16xf32> to vector<16xf32>
        %get3A_1107 = arith.constant 48 : index
        %get3A_1108 = tpu.vector_load %arg10[%get3A_1107] {strides = array<i32>} : memref<128xf32, #tpu.memory_space<vmem>>, vector<16xf32>,
        %get3A_1109 = vector.shape_cast %get3A_1108 : vector<16xf32> to vector<16xf32>
        %get3A_1110 = arith.constant 64 : index
        %get3A_1111 = tpu.vector_load %arg10[%get3A_1110] {strides = array<i32>} : memref<128xf32, #tpu.memory_space<vmem>>, vector<16xf32>,
        %get3A_1112 = vector.shape_cast %get3A_1111 : vector<16xf32> to vector<16xf32>
        %get3A_1113 = arith.constant 80 : index
        %get3A_1114 = tpu.vector_load %arg10[%get3A_1113] {strides = array<i32>} : memref<128xf32, #tpu.memory_space<vmem>>, vector<16xf32>,
        %get3A_1115 = vector.shape_cast %get3A_1114 : vector<16xf32> to vector<16xf32>
        %get3A_1116 = arith.constant 96 : index
        %get3A_1117 = tpu.vector_load %arg10[%get3A_1116] {strides = array<i32>} : memref<128xf32, #tpu.memory_space<vmem>>, vector<16xf32>,
        %get3A_1118 = vector.shape_cast %get3A_1117 : vector<16xf32> to vector<16xf32>
        %get3A_1119 = arith.constant 112 : index
        %get3A_1120 = tpu.vector_load %arg10[%get3A_1119] {strides = array<i32>} : memref<128xf32, #tpu.memory_space<vmem>>, vector<16xf32>,
        %get3A_1121 = vector.shape_cast %get3A_1120 : vector<16xf32> to vector<16xf32>
        %get3A_1122 = arith.constant 0 : index
        %get3A_1123 = tpu.vector_load %arg11[%get3A_1122] {strides = array<i32>} : memref<128xi32, #tpu.memory_space<vmem>>, vector<16xi32>,
        %get3A_1124 = vector.shape_cast %get3A_1123 : vector<16xi32> to vector<16xi32>
        %get3A_1125 = arith.constant 16 : index
        %get3A_1126 = tpu.vector_load %arg11[%get3A_1125] {strides = array<i32>} : memref<128xi32, #tpu.memory_space<vmem>>, vector<16xi32>,
        %get3A_1127 = vector.shape_cast %get3A_1126 : vector<16xi32> to vector<16xi32>
        %get3A_1128 = arith.constant 32 : index
        %get3A_1129 = tpu.vector_load %arg11[%get3A_1128] {strides = array<i32>} : memref<128xi32, #tpu.memory_space<vmem>>, vector<16xi32>,
        %get3A_1130 = vector.shape_cast %get3A_1129 : vector<16xi32> to vector<16xi32>
        %get3A_1131 = arith.constant 48 : index
        %get3A_1132 = tpu.vector_load %arg11[%get3A_1131] {strides = array<i32>} : memref<128xi32, #tpu.memory_space<vmem>>, vector<16xi32>,
        %get3A_1133 = vector.shape_cast %get3A_1132 : vector<16xi32> to vector<16xi32>
        %get3A_1134 = arith.constant 64 : index
        %get3A_1135 = tpu.vector_load %arg11[%get3A_1134] {strides = array<i32>} : memref<128xi32, #tpu.memory_space<vmem>>, vector<16xi32>,
        %get3A_1136 = vector.shape_cast %get3A_1135 : vector<16xi32> to vector<16xi32>
        %get3A_1137 = arith.constant 80 : index
        %get3A_1138 = tpu.vector_load %arg11[%get3A_1137] {strides = array<i32>} : memref<128xi32, #tpu.memory_space<vmem>>, vector<16xi32>,
        %get3A_1139 = vector.shape_cast %get3A_1138 : vector<16xi32> to vector<16xi32>
        %get3A_1140 = arith.constant 96 : index
        %get3A_1141 = tpu.vector_load %arg11[%get3A_1140] {strides = array<i32>} : memref<128xi32, #tpu.memory_space<vmem>>, vector<16xi32>,
        %get3A_1142 = vector.shape_cast %get3A_1141 : vector<16xi32> to vector<16xi32>
        %get3A_1143 = arith.constant 112 : index
        %get3A_1144 = tpu.vector_load %arg11[%get3A_1143] {strides = array<i32>} : memref<128xi32, #tpu.memory_space<vmem>>, vector<16xi32>,
        %get3A_1145 = vector.shape_cast %get3A_1144 : vector<16xi32> to vector<16xi32>
        %scan3A_1146 = arith.constant 0 : i32
        %scan3A_1147 = arith.constant 62 : i32
        %scan3A_1148 = arith.addi %scan3A_1146, %scan3A_1147 : i32
        %scan3A_1149 = arith.constant 1 : i32
        %scan3A_1150:16 = scf.for %scan3A_1308 = %scan3A_1146 to %scan3A_1148 step %scan3A_1149 iter_args(%scan3A_1309 = %get3A_1100, %scan3A_1310 = %get3A_1103, %scan3A_1311 = %get3A_1106, %scan3A_1312 = %get3A_1109, %scan3A_1313 = %get3A_1112, %scan3A_1314 = %get3A_1115, %scan3A_1315 = %get3A_1118, %scan3A_1316 = %get3A_1121, %scan3A_1317 = %get3A_1124, %scan3A_1318 = %get3A_1127, %scan3A_1319 = %get3A_1130, %scan3A_1320 = %get3A_1133, %scan3A_1321 = %get3A_1136, %scan3A_1322 = %get3A_1139, %scan3A_1323 = %get3A_1142, %scan3A_1324 = %get3A_1145) -> (vector<16xf32>, vector<16xf32>, vector<16xf32>, vector<16xf32>, vector<16xf32>, vector<16xf32>, vector<16xf32>, vector<16xf32>, vector<16xi32>, vector<16xi32>, vector<16xi32>, vector<16xi32>, vector<16xi32>, vector<16xi32>, vector<16xi32>, vector<16xi32>)  : i32 {
          %mul3A_1325 = arith.constant 2 : i32
          %mul3A_1326 = arith.muli %scan3A_1308, %mul3A_1325 : i32
          %mul3A_1327 = arith.constant 2 : i32
          %mul3A_1328 = arith.muli %scan3A_1308, %mul3A_1327 : i32
          %add3A_1329 = arith.constant 1 : i32
          %add3A_1330 = arith.addi %mul3A_1328, %add3A_1329 : i32
          %mul3A_1331 = arith.constant 125 : i32
          %mul3A_1332 = arith.muli %scan3A_1044, %mul3A_1331 : i32
          %add3A_1333 = arith.addi %mul3A_2, %mul3A_1332 : i32
          %add3A_1334 = arith.addi %add3A_1333, %mul3A_1326 : i32
          %broadcast_in_dim3A_1335 = vector.broadcast %add3A_1334 : i32 to vector<16xi32>
          %mul3A_1336 = arith.constant 125 : i32
          %mul3A_1337 = arith.muli %scan3A_1044, %mul3A_1336 : i32
          %add3A_1338 = arith.addi %mul3A_2, %mul3A_1337 : i32
          %add3A_1339 = arith.addi %add3A_1338, %add3A_1330 : i32
          %broadcast_in_dim3A_1340 = vector.broadcast %add3A_1339 : i32 to vector<16xi32>
          %mul3A_1341 = arith.constant 128 : i32
          %mul3A_1342 = arith.muli %mul3A_1326, %mul3A_1341 : i32
          %add3A_1343 = arith.addi %mul3A_1067, %mul3A_1342 : i32
          %add3A_1344 = arith.constant 0 : i32
          %add3A_1345 = arith.addi %add3A_1343, %add3A_1344 : i32
          %get3A_1346 = arith.index_cast %add3A_1345 : i32 to index
          %get3A_1347 = tpu.vector_load %arg7[%get3A_1346] {strides = array<i32>} : memref<64000xf32, #tpu.memory_space<vmem>>, vector<16xf32>,
          %get3A_1348 = vector.shape_cast %get3A_1347 : vector<16xf32> to vector<16xf32>
          %abs3A_1349 = math.absf %get3A_1348 : vector<16xf32>
          %mul3A_1350 = arith.constant 128 : i32
          %mul3A_1351 = arith.muli %add3A_1330, %mul3A_1350 : i32
          %add3A_1352 = arith.addi %mul3A_1067, %mul3A_1351 : i32
          %add3A_1353 = arith.constant 0 : i32
          %add3A_1354 = arith.addi %add3A_1352, %add3A_1353 : i32
          %get3A_1355 = arith.index_cast %add3A_1354 : i32 to index
          %get3A_1356 = tpu.vector_load %arg7[%get3A_1355] {strides = array<i32>} : memref<64000xf32, #tpu.memory_space<vmem>>, vector<16xf32>,
          %get3A_1357 = vector.shape_cast %get3A_1356 : vector<16xf32> to vector<16xf32>
          %abs3A_1358 = math.absf %get3A_1357 : vector<16xf32>
          %gt3A_1359 = arith.cmpf ogt, %abs3A_1358, %abs3A_1349 : vector<16xf32>
          %max3A_1360 = arith.maximumf %abs3A_1349, %abs3A_1358 : vector<16xf32>
          %select_n3A_1361 = arith.select %gt3A_1359, %broadcast_in_dim3A_1340, %broadcast_in_dim3A_1335 : vector<16xi1>, vector<16xi32>
          %gt3A_1362 = arith.cmpf ogt, %max3A_1360, %scan3A_1309 : vector<16xf32>
          %max3A_1363 = arith.maximumf %scan3A_1309, %max3A_1360 : vector<16xf32>
          %select_n3A_1364 = arith.select %gt3A_1362, %select_n3A_1361, %scan3A_1317 : vector<16xi1>, vector<16xi32>
          %mul3A_1365 = arith.constant 128 : i32
          %mul3A_1366 = arith.muli %mul3A_1326, %mul3A_1365 : i32
          %add3A_1367 = arith.addi %mul3A_1067, %mul3A_1366 : i32
          %add3A_1368 = arith.constant 16 : i32
          %add3A_1369 = arith.addi %add3A_1367, %add3A_1368 : i32
          %get3A_1370 = arith.index_cast %add3A_1369 : i32 to index
          %get3A_1371 = tpu.vector_load %arg7[%get3A_1370] {strides = array<i32>} : memref<64000xf32, #tpu.memory_space<vmem>>, vector<16xf32>,
          %get3A_1372 = vector.shape_cast %get3A_1371 : vector<16xf32> to vector<16xf32>
          %abs3A_1373 = math.absf %get3A_1372 : vector<16xf32>
          %mul3A_1374 = arith.constant 128 : i32
          %mul3A_1375 = arith.muli %add3A_1330, %mul3A_1374 : i32
          %add3A_1376 = arith.addi %mul3A_1067, %mul3A_1375 : i32
          %add3A_1377 = arith.constant 16 : i32
          %add3A_1378 = arith.addi %add3A_1376, %add3A_1377 : i32
          %get3A_1379 = arith.index_cast %add3A_1378 : i32 to index
          %get3A_1380 = tpu.vector_load %arg7[%get3A_1379] {strides = array<i32>} : memref<64000xf32, #tpu.memory_space<vmem>>, vector<16xf32>,
          %get3A_1381 = vector.shape_cast %get3A_1380 : vector<16xf32> to vector<16xf32>
          %abs3A_1382 = math.absf %get3A_1381 : vector<16xf32>
          %gt3A_1383 = arith.cmpf ogt, %abs3A_1382, %abs3A_1373 : vector<16xf32>
          %max3A_1384 = arith.maximumf %abs3A_1373, %abs3A_1382 : vector<16xf32>
          %select_n3A_1385 = arith.select %gt3A_1383, %broadcast_in_dim3A_1340, %broadcast_in_dim3A_1335 : vector<16xi1>, vector<16xi32>
          %gt3A_1386 = arith.cmpf ogt, %max3A_1384, %scan3A_1310 : vector<16xf32>
          %max3A_1387 = arith.maximumf %scan3A_1310, %max3A_1384 : vector<16xf32>
          %select_n3A_1388 = arith.select %gt3A_1386, %select_n3A_1385, %scan3A_1318 : vector<16xi1>, vector<16xi32>
          %mul3A_1389 = arith.constant 128 : i32
          %mul3A_1390 = arith.muli %mul3A_1326, %mul3A_1389 : i32
          %add3A_1391 = arith.addi %mul3A_1067, %mul3A_1390 : i32
          %add3A_1392 = arith.constant 32 : i32
          %add3A_1393 = arith.addi %add3A_1391, %add3A_1392 : i32
          %get3A_1394 = arith.index_cast %add3A_1393 : i32 to index
          %get3A_1395 = tpu.vector_load %arg7[%get3A_1394] {strides = array<i32>} : memref<64000xf32, #tpu.memory_space<vmem>>, vector<16xf32>,
          %get3A_1396 = vector.shape_cast %get3A_1395 : vector<16xf32> to vector<16xf32>
          %abs3A_1397 = math.absf %get3A_1396 : vector<16xf32>
          %mul3A_1398 = arith.constant 128 : i32
          %mul3A_1399 = arith.muli %add3A_1330, %mul3A_1398 : i32
          %add3A_1400 = arith.addi %mul3A_1067, %mul3A_1399 : i32
          %add3A_1401 = arith.constant 32 : i32
          %add3A_1402 = arith.addi %add3A_1400, %add3A_1401 : i32
          %get3A_1403 = arith.index_cast %add3A_1402 : i32 to index
          %get3A_1404 = tpu.vector_load %arg7[%get3A_1403] {strides = array<i32>} : memref<64000xf32, #tpu.memory_space<vmem>>, vector<16xf32>,
          %get3A_1405 = vector.shape_cast %get3A_1404 : vector<16xf32> to vector<16xf32>
          %abs3A_1406 = math.absf %get3A_1405 : vector<16xf32>
          %gt3A_1407 = arith.cmpf ogt, %abs3A_1406, %abs3A_1397 : vector<16xf32>
          %max3A_1408 = arith.maximumf %abs3A_1397, %abs3A_1406 : vector<16xf32>
          %select_n3A_1409 = arith.select %gt3A_1407, %broadcast_in_dim3A_1340, %broadcast_in_dim3A_1335 : vector<16xi1>, vector<16xi32>
          %gt3A_1410 = arith.cmpf ogt, %max3A_1408, %scan3A_1311 : vector<16xf32>
          %max3A_1411 = arith.maximumf %scan3A_1311, %max3A_1408 : vector<16xf32>
          %select_n3A_1412 = arith.select %gt3A_1410, %select_n3A_1409, %scan3A_1319 : vector<16xi1>, vector<16xi32>
          %mul3A_1413 = arith.constant 128 : i32
          %mul3A_1414 = arith.muli %mul3A_1326, %mul3A_1413 : i32
          %add3A_1415 = arith.addi %mul3A_1067, %mul3A_1414 : i32
          %add3A_1416 = arith.constant 48 : i32
          %add3A_1417 = arith.addi %add3A_1415, %add3A_1416 : i32
          %get3A_1418 = arith.index_cast %add3A_1417 : i32 to index
          %get3A_1419 = tpu.vector_load %arg7[%get3A_1418] {strides = array<i32>} : memref<64000xf32, #tpu.memory_space<vmem>>, vector<16xf32>,
          %get3A_1420 = vector.shape_cast %get3A_1419 : vector<16xf32> to vector<16xf32>
          %abs3A_1421 = math.absf %get3A_1420 : vector<16xf32>
          %mul3A_1422 = arith.constant 128 : i32
          %mul3A_1423 = arith.muli %add3A_1330, %mul3A_1422 : i32
          %add3A_1424 = arith.addi %mul3A_1067, %mul3A_1423 : i32
          %add3A_1425 = arith.constant 48 : i32
          %add3A_1426 = arith.addi %add3A_1424, %add3A_1425 : i32
          %get3A_1427 = arith.index_cast %add3A_1426 : i32 to index
          %get3A_1428 = tpu.vector_load %arg7[%get3A_1427] {strides = array<i32>} : memref<64000xf32, #tpu.memory_space<vmem>>, vector<16xf32>,
          %get3A_1429 = vector.shape_cast %get3A_1428 : vector<16xf32> to vector<16xf32>
          %abs3A_1430 = math.absf %get3A_1429 : vector<16xf32>
          %gt3A_1431 = arith.cmpf ogt, %abs3A_1430, %abs3A_1421 : vector<16xf32>
          %max3A_1432 = arith.maximumf %abs3A_1421, %abs3A_1430 : vector<16xf32>
          %select_n3A_1433 = arith.select %gt3A_1431, %broadcast_in_dim3A_1340, %broadcast_in_dim3A_1335 : vector<16xi1>, vector<16xi32>
          %gt3A_1434 = arith.cmpf ogt, %max3A_1432, %scan3A_1312 : vector<16xf32>
          %max3A_1435 = arith.maximumf %scan3A_1312, %max3A_1432 : vector<16xf32>
          %select_n3A_1436 = arith.select %gt3A_1434, %select_n3A_1433, %scan3A_1320 : vector<16xi1>, vector<16xi32>
          %mul3A_1437 = arith.constant 128 : i32
          %mul3A_1438 = arith.muli %mul3A_1326, %mul3A_1437 : i32
          %add3A_1439 = arith.addi %mul3A_1067, %mul3A_1438 : i32
          %add3A_1440 = arith.constant 64 : i32
          %add3A_1441 = arith.addi %add3A_1439, %add3A_1440 : i32
          %get3A_1442 = arith.index_cast %add3A_1441 : i32 to index
          %get3A_1443 = tpu.vector_load %arg7[%get3A_1442] {strides = array<i32>} : memref<64000xf32, #tpu.memory_space<vmem>>, vector<16xf32>,
          %get3A_1444 = vector.shape_cast %get3A_1443 : vector<16xf32> to vector<16xf32>
          %abs3A_1445 = math.absf %get3A_1444 : vector<16xf32>
          %mul3A_1446 = arith.constant 128 : i32
          %mul3A_1447 = arith.muli %add3A_1330, %mul3A_1446 : i32
          %add3A_1448 = arith.addi %mul3A_1067, %mul3A_1447 : i32
          %add3A_1449 = arith.constant 64 : i32
          %add3A_1450 = arith.addi %add3A_1448, %add3A_1449 : i32
          %get3A_1451 = arith.index_cast %add3A_1450 : i32 to index
          %get3A_1452 = tpu.vector_load %arg7[%get3A_1451] {strides = array<i32>} : memref<64000xf32, #tpu.memory_space<vmem>>, vector<16xf32>,
          %get3A_1453 = vector.shape_cast %get3A_1452 : vector<16xf32> to vector<16xf32>
          %abs3A_1454 = math.absf %get3A_1453 : vector<16xf32>
          %gt3A_1455 = arith.cmpf ogt, %abs3A_1454, %abs3A_1445 : vector<16xf32>
          %max3A_1456 = arith.maximumf %abs3A_1445, %abs3A_1454 : vector<16xf32>
          %select_n3A_1457 = arith.select %gt3A_1455, %broadcast_in_dim3A_1340, %broadcast_in_dim3A_1335 : vector<16xi1>, vector<16xi32>
          %gt3A_1458 = arith.cmpf ogt, %max3A_1456, %scan3A_1313 : vector<16xf32>
          %max3A_1459 = arith.maximumf %scan3A_1313, %max3A_1456 : vector<16xf32>
          %select_n3A_1460 = arith.select %gt3A_1458, %select_n3A_1457, %scan3A_1321 : vector<16xi1>, vector<16xi32>
          %mul3A_1461 = arith.constant 128 : i32
          %mul3A_1462 = arith.muli %mul3A_1326, %mul3A_1461 : i32
          %add3A_1463 = arith.addi %mul3A_1067, %mul3A_1462 : i32
          %add3A_1464 = arith.constant 80 : i32
          %add3A_1465 = arith.addi %add3A_1463, %add3A_1464 : i32
          %get3A_1466 = arith.index_cast %add3A_1465 : i32 to index
          %get3A_1467 = tpu.vector_load %arg7[%get3A_1466] {strides = array<i32>} : memref<64000xf32, #tpu.memory_space<vmem>>, vector<16xf32>,
          %get3A_1468 = vector.shape_cast %get3A_1467 : vector<16xf32> to vector<16xf32>
          %abs3A_1469 = math.absf %get3A_1468 : vector<16xf32>
          %mul3A_1470 = arith.constant 128 : i32
          %mul3A_1471 = arith.muli %add3A_1330, %mul3A_1470 : i32
          %add3A_1472 = arith.addi %mul3A_1067, %mul3A_1471 : i32
          %add3A_1473 = arith.constant 80 : i32
          %add3A_1474 = arith.addi %add3A_1472, %add3A_1473 : i32
          %get3A_1475 = arith.index_cast %add3A_1474 : i32 to index
          %get3A_1476 = tpu.vector_load %arg7[%get3A_1475] {strides = array<i32>} : memref<64000xf32, #tpu.memory_space<vmem>>, vector<16xf32>,
          %get3A_1477 = vector.shape_cast %get3A_1476 : vector<16xf32> to vector<16xf32>
          %abs3A_1478 = math.absf %get3A_1477 : vector<16xf32>
          %gt3A_1479 = arith.cmpf ogt, %abs3A_1478, %abs3A_1469 : vector<16xf32>
          %max3A_1480 = arith.maximumf %abs3A_1469, %abs3A_1478 : vector<16xf32>
          %select_n3A_1481 = arith.select %gt3A_1479, %broadcast_in_dim3A_1340, %broadcast_in_dim3A_1335 : vector<16xi1>, vector<16xi32>
          %gt3A_1482 = arith.cmpf ogt, %max3A_1480, %scan3A_1314 : vector<16xf32>
          %max3A_1483 = arith.maximumf %scan3A_1314, %max3A_1480 : vector<16xf32>
          %select_n3A_1484 = arith.select %gt3A_1482, %select_n3A_1481, %scan3A_1322 : vector<16xi1>, vector<16xi32>
          %mul3A_1485 = arith.constant 128 : i32
          %mul3A_1486 = arith.muli %mul3A_1326, %mul3A_1485 : i32
          %add3A_1487 = arith.addi %mul3A_1067, %mul3A_1486 : i32
          %add3A_1488 = arith.constant 96 : i32
          %add3A_1489 = arith.addi %add3A_1487, %add3A_1488 : i32
          %get3A_1490 = arith.index_cast %add3A_1489 : i32 to index
          %get3A_1491 = tpu.vector_load %arg7[%get3A_1490] {strides = array<i32>} : memref<64000xf32, #tpu.memory_space<vmem>>, vector<16xf32>,
          %get3A_1492 = vector.shape_cast %get3A_1491 : vector<16xf32> to vector<16xf32>
          %abs3A_1493 = math.absf %get3A_1492 : vector<16xf32>
          %mul3A_1494 = arith.constant 128 : i32
          %mul3A_1495 = arith.muli %add3A_1330, %mul3A_1494 : i32
          %add3A_1496 = arith.addi %mul3A_1067, %mul3A_1495 : i32
          %add3A_1497 = arith.constant 96 : i32
          %add3A_1498 = arith.addi %add3A_1496, %add3A_1497 : i32
          %get3A_1499 = arith.index_cast %add3A_1498 : i32 to index
          %get3A_1500 = tpu.vector_load %arg7[%get3A_1499] {strides = array<i32>} : memref<64000xf32, #tpu.memory_space<vmem>>, vector<16xf32>,
          %get3A_1501 = vector.shape_cast %get3A_1500 : vector<16xf32> to vector<16xf32>
          %abs3A_1502 = math.absf %get3A_1501 : vector<16xf32>
          %gt3A_1503 = arith.cmpf ogt, %abs3A_1502, %abs3A_1493 : vector<16xf32>
          %max3A_1504 = arith.maximumf %abs3A_1493, %abs3A_1502 : vector<16xf32>
          %select_n3A_1505 = arith.select %gt3A_1503, %broadcast_in_dim3A_1340, %broadcast_in_dim3A_1335 : vector<16xi1>, vector<16xi32>
          %gt3A_1506 = arith.cmpf ogt, %max3A_1504, %scan3A_1315 : vector<16xf32>
          %max3A_1507 = arith.maximumf %scan3A_1315, %max3A_1504 : vector<16xf32>
          %select_n3A_1508 = arith.select %gt3A_1506, %select_n3A_1505, %scan3A_1323 : vector<16xi1>, vector<16xi32>
          %mul3A_1509 = arith.constant 128 : i32
          %mul3A_1510 = arith.muli %mul3A_1326, %mul3A_1509 : i32
          %add3A_1511 = arith.addi %mul3A_1067, %mul3A_1510 : i32
          %add3A_1512 = arith.constant 112 : i32
          %add3A_1513 = arith.addi %add3A_1511, %add3A_1512 : i32
          %get3A_1514 = arith.index_cast %add3A_1513 : i32 to index
          %get3A_1515 = tpu.vector_load %arg7[%get3A_1514] {strides = array<i32>} : memref<64000xf32, #tpu.memory_space<vmem>>, vector<16xf32>,
          %get3A_1516 = vector.shape_cast %get3A_1515 : vector<16xf32> to vector<16xf32>
          %abs3A_1517 = math.absf %get3A_1516 : vector<16xf32>
          %mul3A_1518 = arith.constant 128 : i32
          %mul3A_1519 = arith.muli %add3A_1330, %mul3A_1518 : i32
          %add3A_1520 = arith.addi %mul3A_1067, %mul3A_1519 : i32
          %add3A_1521 = arith.constant 112 : i32
          %add3A_1522 = arith.addi %add3A_1520, %add3A_1521 : i32
          %get3A_1523 = arith.index_cast %add3A_1522 : i32 to index
          %get3A_1524 = tpu.vector_load %arg7[%get3A_1523] {strides = array<i32>} : memref<64000xf32, #tpu.memory_space<vmem>>, vector<16xf32>,
          %get3A_1525 = vector.shape_cast %get3A_1524 : vector<16xf32> to vector<16xf32>
          %abs3A_1526 = math.absf %get3A_1525 : vector<16xf32>
          %gt3A_1527 = arith.cmpf ogt, %abs3A_1526, %abs3A_1517 : vector<16xf32>
          %max3A_1528 = arith.maximumf %abs3A_1517, %abs3A_1526 : vector<16xf32>
          %select_n3A_1529 = arith.select %gt3A_1527, %broadcast_in_dim3A_1340, %broadcast_in_dim3A_1335 : vector<16xi1>, vector<16xi32>
          %gt3A_1530 = arith.cmpf ogt, %max3A_1528, %scan3A_1316 : vector<16xf32>
          %max3A_1531 = arith.maximumf %scan3A_1316, %max3A_1528 : vector<16xf32>
          %select_n3A_1532 = arith.select %gt3A_1530, %select_n3A_1529, %scan3A_1324 : vector<16xi1>, vector<16xi32>
          scf.yield %max3A_1363, %max3A_1387, %max3A_1411, %max3A_1435, %max3A_1459, %max3A_1483, %max3A_1507, %max3A_1531, %select_n3A_1364, %select_n3A_1388, %select_n3A_1412, %select_n3A_1436, %select_n3A_1460, %select_n3A_1484, %select_n3A_1508, %select_n3A_1532 : vector<16xf32>, vector<16xf32>, vector<16xf32>, vector<16xf32>, vector<16xf32>, vector<16xf32>, vector<16xf32>, vector<16xf32>, vector<16xi32>, vector<16xi32>, vector<16xi32>, vector<16xi32>, vector<16xi32>, vector<16xi32>, vector<16xi32>, vector<16xi32>
        }
        %scan3A_1151 = arith.constant 62 : i32
        %mul3A_1152 = arith.constant 125 : i32
        %mul3A_1153 = arith.muli %scan3A_1044, %mul3A_1152 : i32
        %add3A_1154 = arith.addi %mul3A_2, %mul3A_1153 : i32
        %add3A_1155 = arith.constant 124 : i32
        %add3A_1156 = arith.addi %add3A_1154, %add3A_1155 : i32
        %broadcast_in_dim3A_1157 = vector.broadcast %add3A_1156 : i32 to vector<16xi32>
        %add3A_1158 = arith.constant 15872 : i32
        %add3A_1159 = arith.addi %mul3A_1067, %add3A_1158 : i32
        %add3A_1160 = arith.constant 0 : i32
        %add3A_1161 = arith.addi %add3A_1159, %add3A_1160 : i32
        %get3A_1162 = arith.index_cast %add3A_1161 : i32 to index
        %get3A_1163 = tpu.vector_load %arg7[%get3A_1162] {strides = array<i32>} : memref<64000xf32, #tpu.memory_space<vmem>>, vector<16xf32>,
        %get3A_1164 = vector.shape_cast %get3A_1163 : vector<16xf32> to vector<16xf32>
        %abs3A = math.absf %get3A_1164 : vector<16xf32>
        %gt3A_1165 = arith.cmpf ogt, %abs3A, %scan3A_1150#0 : vector<16xf32>
        %max3A = arith.maximumf %scan3A_1150#0, %abs3A : vector<16xf32>
        %select_n3A_1166 = arith.select %gt3A_1165, %broadcast_in_dim3A_1157, %scan3A_1150#8 : vector<16xi1>, vector<16xi32>
        %add3A_1167 = arith.constant 15872 : i32
        %add3A_1168 = arith.addi %mul3A_1067, %add3A_1167 : i32
        %add3A_1169 = arith.constant 16 : i32
        %add3A_1170 = arith.addi %add3A_1168, %add3A_1169 : i32
        %get3A_1171 = arith.index_cast %add3A_1170 : i32 to index
        %get3A_1172 = tpu.vector_load %arg7[%get3A_1171] {strides = array<i32>} : memref<64000xf32, #tpu.memory_space<vmem>>, vector<16xf32>,
        %get3A_1173 = vector.shape_cast %get3A_1172 : vector<16xf32> to vector<16xf32>
        %abs3A_1174 = math.absf %get3A_1173 : vector<16xf32>
        %gt3A_1175 = arith.cmpf ogt, %abs3A_1174, %scan3A_1150#1 : vector<16xf32>
        %max3A_1176 = arith.maximumf %scan3A_1150#1, %abs3A_1174 : vector<16xf32>
        %select_n3A_1177 = arith.select %gt3A_1175, %broadcast_in_dim3A_1157, %scan3A_1150#9 : vector<16xi1>, vector<16xi32>
        %add3A_1178 = arith.constant 15872 : i32
        %add3A_1179 = arith.addi %mul3A_1067, %add3A_1178 : i32
        %add3A_1180 = arith.constant 32 : i32
        %add3A_1181 = arith.addi %add3A_1179, %add3A_1180 : i32
        %get3A_1182 = arith.index_cast %add3A_1181 : i32 to index
        %get3A_1183 = tpu.vector_load %arg7[%get3A_1182] {strides = array<i32>} : memref<64000xf32, #tpu.memory_space<vmem>>, vector<16xf32>,
        %get3A_1184 = vector.shape_cast %get3A_1183 : vector<16xf32> to vector<16xf32>
        %abs3A_1185 = math.absf %get3A_1184 : vector<16xf32>
        %gt3A_1186 = arith.cmpf ogt, %abs3A_1185, %scan3A_1150#2 : vector<16xf32>
        %max3A_1187 = arith.maximumf %scan3A_1150#2, %abs3A_1185 : vector<16xf32>
        %select_n3A_1188 = arith.select %gt3A_1186, %broadcast_in_dim3A_1157, %scan3A_1150#10 : vector<16xi1>, vector<16xi32>
        %add3A_1189 = arith.constant 15872 : i32
        %add3A_1190 = arith.addi %mul3A_1067, %add3A_1189 : i32
        %add3A_1191 = arith.constant 48 : i32
        %add3A_1192 = arith.addi %add3A_1190, %add3A_1191 : i32
        %get3A_1193 = arith.index_cast %add3A_1192 : i32 to index
        %get3A_1194 = tpu.vector_load %arg7[%get3A_1193] {strides = array<i32>} : memref<64000xf32, #tpu.memory_space<vmem>>, vector<16xf32>,
        %get3A_1195 = vector.shape_cast %get3A_1194 : vector<16xf32> to vector<16xf32>
        %abs3A_1196 = math.absf %get3A_1195 : vector<16xf32>
        %gt3A_1197 = arith.cmpf ogt, %abs3A_1196, %scan3A_1150#3 : vector<16xf32>
        %max3A_1198 = arith.maximumf %scan3A_1150#3, %abs3A_1196 : vector<16xf32>
        %select_n3A_1199 = arith.select %gt3A_1197, %broadcast_in_dim3A_1157, %scan3A_1150#11 : vector<16xi1>, vector<16xi32>
        %add3A_1200 = arith.constant 15872 : i32
        %add3A_1201 = arith.addi %mul3A_1067, %add3A_1200 : i32
        %add3A_1202 = arith.constant 64 : i32
        %add3A_1203 = arith.addi %add3A_1201, %add3A_1202 : i32
        %get3A_1204 = arith.index_cast %add3A_1203 : i32 to index
        %get3A_1205 = tpu.vector_load %arg7[%get3A_1204] {strides = array<i32>} : memref<64000xf32, #tpu.memory_space<vmem>>, vector<16xf32>,
        %get3A_1206 = vector.shape_cast %get3A_1205 : vector<16xf32> to vector<16xf32>
        %abs3A_1207 = math.absf %get3A_1206 : vector<16xf32>
        %gt3A_1208 = arith.cmpf ogt, %abs3A_1207, %scan3A_1150#4 : vector<16xf32>
        %max3A_1209 = arith.maximumf %scan3A_1150#4, %abs3A_1207 : vector<16xf32>
        %select_n3A_1210 = arith.select %gt3A_1208, %broadcast_in_dim3A_1157, %scan3A_1150#12 : vector<16xi1>, vector<16xi32>
        %add3A_1211 = arith.constant 15872 : i32
        %add3A_1212 = arith.addi %mul3A_1067, %add3A_1211 : i32
        %add3A_1213 = arith.constant 80 : i32
        %add3A_1214 = arith.addi %add3A_1212, %add3A_1213 : i32
        %get3A_1215 = arith.index_cast %add3A_1214 : i32 to index
        %get3A_1216 = tpu.vector_load %arg7[%get3A_1215] {strides = array<i32>} : memref<64000xf32, #tpu.memory_space<vmem>>, vector<16xf32>,
        %get3A_1217 = vector.shape_cast %get3A_1216 : vector<16xf32> to vector<16xf32>
        %abs3A_1218 = math.absf %get3A_1217 : vector<16xf32>
        %gt3A_1219 = arith.cmpf ogt, %abs3A_1218, %scan3A_1150#5 : vector<16xf32>
        %max3A_1220 = arith.maximumf %scan3A_1150#5, %abs3A_1218 : vector<16xf32>
        %select_n3A_1221 = arith.select %gt3A_1219, %broadcast_in_dim3A_1157, %scan3A_1150#13 : vector<16xi1>, vector<16xi32>
        %add3A_1222 = arith.constant 15872 : i32
        %add3A_1223 = arith.addi %mul3A_1067, %add3A_1222 : i32
        %add3A_1224 = arith.constant 96 : i32
        %add3A_1225 = arith.addi %add3A_1223, %add3A_1224 : i32
        %get3A_1226 = arith.index_cast %add3A_1225 : i32 to index
        %get3A_1227 = tpu.vector_load %arg7[%get3A_1226] {strides = array<i32>} : memref<64000xf32, #tpu.memory_space<vmem>>, vector<16xf32>,
        %get3A_1228 = vector.shape_cast %get3A_1227 : vector<16xf32> to vector<16xf32>
        %abs3A_1229 = math.absf %get3A_1228 : vector<16xf32>
        %gt3A_1230 = arith.cmpf ogt, %abs3A_1229, %scan3A_1150#6 : vector<16xf32>
        %max3A_1231 = arith.maximumf %scan3A_1150#6, %abs3A_1229 : vector<16xf32>
        %select_n3A_1232 = arith.select %gt3A_1230, %broadcast_in_dim3A_1157, %scan3A_1150#14 : vector<16xi1>, vector<16xi32>
        %add3A_1233 = arith.constant 15872 : i32
        %add3A_1234 = arith.addi %mul3A_1067, %add3A_1233 : i32
        %add3A_1235 = arith.constant 112 : i32
        %add3A_1236 = arith.addi %add3A_1234, %add3A_1235 : i32
        %get3A_1237 = arith.index_cast %add3A_1236 : i32 to index
        %get3A_1238 = tpu.vector_load %arg7[%get3A_1237] {strides = array<i32>} : memref<64000xf32, #tpu.memory_space<vmem>>, vector<16xf32>,
        %get3A_1239 = vector.shape_cast %get3A_1238 : vector<16xf32> to vector<16xf32>
        %abs3A_1240 = math.absf %get3A_1239 : vector<16xf32>
        %gt3A_1241 = arith.cmpf ogt, %abs3A_1240, %scan3A_1150#7 : vector<16xf32>
        %max3A_1242 = arith.maximumf %scan3A_1150#7, %abs3A_1240 : vector<16xf32>
        %select_n3A_1243 = arith.select %gt3A_1241, %broadcast_in_dim3A_1157, %scan3A_1150#15 : vector<16xi1>, vector<16xi32>
        %swap3A_1244 = arith.constant 0 : index
        %swap3A_1245 = tpu.vector_load %arg10[%swap3A_1244] {strides = array<i32>} : memref<128xf32, #tpu.memory_space<vmem>>, vector<16xf32>,
        %swap3A_1246 = vector.shape_cast %swap3A_1245 : vector<16xf32> to vector<16xf32>
        %swap3A_1247 = vector.shape_cast %max3A : vector<16xf32> to vector<16xf32>
        tpu.vector_store %arg10[%swap3A_1244], %swap3A_1247 {strides = array<i32>} : memref<128xf32, #tpu.memory_space<vmem>>, vector<16xf32>,
        %swap3A_1248 = arith.constant 0 : index
        %swap3A_1249 = tpu.vector_load %arg11[%swap3A_1248] {strides = array<i32>} : memref<128xi32, #tpu.memory_space<vmem>>, vector<16xi32>,
        %swap3A_1250 = vector.shape_cast %swap3A_1249 : vector<16xi32> to vector<16xi32>
        %swap3A_1251 = vector.shape_cast %select_n3A_1166 : vector<16xi32> to vector<16xi32>
        tpu.vector_store %arg11[%swap3A_1248], %swap3A_1251 {strides = array<i32>} : memref<128xi32, #tpu.memory_space<vmem>>, vector<16xi32>,
        %swap3A_1252 = arith.constant 16 : index
        %swap3A_1253 = tpu.vector_load %arg10[%swap3A_1252] {strides = array<i32>} : memref<128xf32, #tpu.memory_space<vmem>>, vector<16xf32>,
        %swap3A_1254 = vector.shape_cast %swap3A_1253 : vector<16xf32> to vector<16xf32>
        %swap3A_1255 = vector.shape_cast %max3A_1176 : vector<16xf32> to vector<16xf32>
        tpu.vector_store %arg10[%swap3A_1252], %swap3A_1255 {strides = array<i32>} : memref<128xf32, #tpu.memory_space<vmem>>, vector<16xf32>,
        %swap3A_1256 = arith.constant 16 : index
        %swap3A_1257 = tpu.vector_load %arg11[%swap3A_1256] {strides = array<i32>} : memref<128xi32, #tpu.memory_space<vmem>>, vector<16xi32>,
        %swap3A_1258 = vector.shape_cast %swap3A_1257 : vector<16xi32> to vector<16xi32>
        %swap3A_1259 = vector.shape_cast %select_n3A_1177 : vector<16xi32> to vector<16xi32>
        tpu.vector_store %arg11[%swap3A_1256], %swap3A_1259 {strides = array<i32>} : memref<128xi32, #tpu.memory_space<vmem>>, vector<16xi32>,
        %swap3A_1260 = arith.constant 32 : index
        %swap3A_1261 = tpu.vector_load %arg10[%swap3A_1260] {strides = array<i32>} : memref<128xf32, #tpu.memory_space<vmem>>, vector<16xf32>,
        %swap3A_1262 = vector.shape_cast %swap3A_1261 : vector<16xf32> to vector<16xf32>
        %swap3A_1263 = vector.shape_cast %max3A_1187 : vector<16xf32> to vector<16xf32>
        tpu.vector_store %arg10[%swap3A_1260], %swap3A_1263 {strides = array<i32>} : memref<128xf32, #tpu.memory_space<vmem>>, vector<16xf32>,
        %swap3A_1264 = arith.constant 32 : index
        %swap3A_1265 = tpu.vector_load %arg11[%swap3A_1264] {strides = array<i32>} : memref<128xi32, #tpu.memory_space<vmem>>, vector<16xi32>,
        %swap3A_1266 = vector.shape_cast %swap3A_1265 : vector<16xi32> to vector<16xi32>
        %swap3A_1267 = vector.shape_cast %select_n3A_1188 : vector<16xi32> to vector<16xi32>
        tpu.vector_store %arg11[%swap3A_1264], %swap3A_1267 {strides = array<i32>} : memref<128xi32, #tpu.memory_space<vmem>>, vector<16xi32>,
        %swap3A_1268 = arith.constant 48 : index
        %swap3A_1269 = tpu.vector_load %arg10[%swap3A_1268] {strides = array<i32>} : memref<128xf32, #tpu.memory_space<vmem>>, vector<16xf32>,
        %swap3A_1270 = vector.shape_cast %swap3A_1269 : vector<16xf32> to vector<16xf32>
        %swap3A_1271 = vector.shape_cast %max3A_1198 : vector<16xf32> to vector<16xf32>
        tpu.vector_store %arg10[%swap3A_1268], %swap3A_1271 {strides = array<i32>} : memref<128xf32, #tpu.memory_space<vmem>>, vector<16xf32>,
        %swap3A_1272 = arith.constant 48 : index
        %swap3A_1273 = tpu.vector_load %arg11[%swap3A_1272] {strides = array<i32>} : memref<128xi32, #tpu.memory_space<vmem>>, vector<16xi32>,
        %swap3A_1274 = vector.shape_cast %swap3A_1273 : vector<16xi32> to vector<16xi32>
        %swap3A_1275 = vector.shape_cast %select_n3A_1199 : vector<16xi32> to vector<16xi32>
        tpu.vector_store %arg11[%swap3A_1272], %swap3A_1275 {strides = array<i32>} : memref<128xi32, #tpu.memory_space<vmem>>, vector<16xi32>,
        %swap3A_1276 = arith.constant 64 : index
        %swap3A_1277 = tpu.vector_load %arg10[%swap3A_1276] {strides = array<i32>} : memref<128xf32, #tpu.memory_space<vmem>>, vector<16xf32>,
        %swap3A_1278 = vector.shape_cast %swap3A_1277 : vector<16xf32> to vector<16xf32>
        %swap3A_1279 = vector.shape_cast %max3A_1209 : vector<16xf32> to vector<16xf32>
        tpu.vector_store %arg10[%swap3A_1276], %swap3A_1279 {strides = array<i32>} : memref<128xf32, #tpu.memory_space<vmem>>, vector<16xf32>,
        %swap3A_1280 = arith.constant 64 : index
        %swap3A_1281 = tpu.vector_load %arg11[%swap3A_1280] {strides = array<i32>} : memref<128xi32, #tpu.memory_space<vmem>>, vector<16xi32>,
        %swap3A_1282 = vector.shape_cast %swap3A_1281 : vector<16xi32> to vector<16xi32>
        %swap3A_1283 = vector.shape_cast %select_n3A_1210 : vector<16xi32> to vector<16xi32>
        tpu.vector_store %arg11[%swap3A_1280], %swap3A_1283 {strides = array<i32>} : memref<128xi32, #tpu.memory_space<vmem>>, vector<16xi32>,
        %swap3A_1284 = arith.constant 80 : index
        %swap3A_1285 = tpu.vector_load %arg10[%swap3A_1284] {strides = array<i32>} : memref<128xf32, #tpu.memory_space<vmem>>, vector<16xf32>,
        %swap3A_1286 = vector.shape_cast %swap3A_1285 : vector<16xf32> to vector<16xf32>
        %swap3A_1287 = vector.shape_cast %max3A_1220 : vector<16xf32> to vector<16xf32>
        tpu.vector_store %arg10[%swap3A_1284], %swap3A_1287 {strides = array<i32>} : memref<128xf32, #tpu.memory_space<vmem>>, vector<16xf32>,
        %swap3A_1288 = arith.constant 80 : index
        %swap3A_1289 = tpu.vector_load %arg11[%swap3A_1288] {strides = array<i32>} : memref<128xi32, #tpu.memory_space<vmem>>, vector<16xi32>,
        %swap3A_1290 = vector.shape_cast %swap3A_1289 : vector<16xi32> to vector<16xi32>
        %swap3A_1291 = vector.shape_cast %select_n3A_1221 : vector<16xi32> to vector<16xi32>
        tpu.vector_store %arg11[%swap3A_1288], %swap3A_1291 {strides = array<i32>} : memref<128xi32, #tpu.memory_space<vmem>>, vector<16xi32>,
        %swap3A_1292 = arith.constant 96 : index
        %swap3A_1293 = tpu.vector_load %arg10[%swap3A_1292] {strides = array<i32>} : memref<128xf32, #tpu.memory_space<vmem>>, vector<16xf32>,
        %swap3A_1294 = vector.shape_cast %swap3A_1293 : vector<16xf32> to vector<16xf32>
        %swap3A_1295 = vector.shape_cast %max3A_1231 : vector<16xf32> to vector<16xf32>
        tpu.vector_store %arg10[%swap3A_1292], %swap3A_1295 {strides = array<i32>} : memref<128xf32, #tpu.memory_space<vmem>>, vector<16xf32>,
        %swap3A_1296 = arith.constant 96 : index
        %swap3A_1297 = tpu.vector_load %arg11[%swap3A_1296] {strides = array<i32>} : memref<128xi32, #tpu.memory_space<vmem>>, vector<16xi32>,
        %swap3A_1298 = vector.shape_cast %swap3A_1297 : vector<16xi32> to vector<16xi32>
        %swap3A_1299 = vector.shape_cast %select_n3A_1232 : vector<16xi32> to vector<16xi32>
        tpu.vector_store %arg11[%swap3A_1296], %swap3A_1299 {strides = array<i32>} : memref<128xi32, #tpu.memory_space<vmem>>, vector<16xi32>,
        %swap3A_1300 = arith.constant 112 : index
        %swap3A_1301 = tpu.vector_load %arg10[%swap3A_1300] {strides = array<i32>} : memref<128xf32, #tpu.memory_space<vmem>>, vector<16xf32>,
        %swap3A_1302 = vector.shape_cast %swap3A_1301 : vector<16xf32> to vector<16xf32>
        %swap3A_1303 = vector.shape_cast %max3A_1242 : vector<16xf32> to vector<16xf32>
        tpu.vector_store %arg10[%swap3A_1300], %swap3A_1303 {strides = array<i32>} : memref<128xf32, #tpu.memory_space<vmem>>, vector<16xf32>,
        %swap3A_1304 = arith.constant 112 : index
        %swap3A_1305 = tpu.vector_load %arg11[%swap3A_1304] {strides = array<i32>} : memref<128xi32, #tpu.memory_space<vmem>>, vector<16xi32>,
        %swap3A_1306 = vector.shape_cast %swap3A_1305 : vector<16xi32> to vector<16xi32>
        %swap3A_1307 = vector.shape_cast %select_n3A_1243 : vector<16xi32> to vector<16xi32>
        tpu.vector_store %arg11[%swap3A_1304], %swap3A_1307 {strides = array<i32>} : memref<128xi32, #tpu.memory_space<vmem>>, vector<16xi32>,
      } else {
      }
      %not3A = arith.constant true
      %not3A_1093 = arith.xori %and3A, %not3A : i1
      %convert_element_type3A_1094 = arith.extui %not3A_1093 : i1 to i32
      %cond3A_1095 = arith.constant 0 : i32
      %cond3A_1096 = arith.cmpi ne, %convert_element_type3A_1094, %cond3A_1095 : i32
      scf.if %cond3A_1096 {
        %get3A_1098 = arith.constant 0 : index
        %get3A_1099 = tpu.vector_load %arg10[%get3A_1098] {strides = array<i32>} : memref<128xf32, #tpu.memory_space<vmem>>, vector<16xf32>,
        %get3A_1100 = vector.shape_cast %get3A_1099 : vector<16xf32> to vector<16xf32>
        %get3A_1101 = arith.constant 16 : index
        %get3A_1102 = tpu.vector_load %arg10[%get3A_1101] {strides = array<i32>} : memref<128xf32, #tpu.memory_space<vmem>>, vector<16xf32>,
        %get3A_1103 = vector.shape_cast %get3A_1102 : vector<16xf32> to vector<16xf32>
        %get3A_1104 = arith.constant 32 : index
        %get3A_1105 = tpu.vector_load %arg10[%get3A_1104] {strides = array<i32>} : memref<128xf32, #tpu.memory_space<vmem>>, vector<16xf32>,
        %get3A_1106 = vector.shape_cast %get3A_1105 : vector<16xf32> to vector<16xf32>
        %get3A_1107 = arith.constant 48 : index
        %get3A_1108 = tpu.vector_load %arg10[%get3A_1107] {strides = array<i32>} : memref<128xf32, #tpu.memory_space<vmem>>, vector<16xf32>,
        %get3A_1109 = vector.shape_cast %get3A_1108 : vector<16xf32> to vector<16xf32>
        %get3A_1110 = arith.constant 64 : index
        %get3A_1111 = tpu.vector_load %arg10[%get3A_1110] {strides = array<i32>} : memref<128xf32, #tpu.memory_space<vmem>>, vector<16xf32>,
        %get3A_1112 = vector.shape_cast %get3A_1111 : vector<16xf32> to vector<16xf32>
        %get3A_1113 = arith.constant 80 : index
        %get3A_1114 = tpu.vector_load %arg10[%get3A_1113] {strides = array<i32>} : memref<128xf32, #tpu.memory_space<vmem>>, vector<16xf32>,
        %get3A_1115 = vector.shape_cast %get3A_1114 : vector<16xf32> to vector<16xf32>
        %get3A_1116 = arith.constant 96 : index
        %get3A_1117 = tpu.vector_load %arg10[%get3A_1116] {strides = array<i32>} : memref<128xf32, #tpu.memory_space<vmem>>, vector<16xf32>,
        %get3A_1118 = vector.shape_cast %get3A_1117 : vector<16xf32> to vector<16xf32>
        %get3A_1119 = arith.constant 112 : index
        %get3A_1120 = tpu.vector_load %arg10[%get3A_1119] {strides = array<i32>} : memref<128xf32, #tpu.memory_space<vmem>>, vector<16xf32>,
        %get3A_1121 = vector.shape_cast %get3A_1120 : vector<16xf32> to vector<16xf32>
        %get3A_1122 = arith.constant 0 : index
        %get3A_1123 = tpu.vector_load %arg11[%get3A_1122] {strides = array<i32>} : memref<128xi32, #tpu.memory_space<vmem>>, vector<16xi32>,
        %get3A_1124 = vector.shape_cast %get3A_1123 : vector<16xi32> to vector<16xi32>
        %get3A_1125 = arith.constant 16 : index
        %get3A_1126 = tpu.vector_load %arg11[%get3A_1125] {strides = array<i32>} : memref<128xi32, #tpu.memory_space<vmem>>, vector<16xi32>,
        %get3A_1127 = vector.shape_cast %get3A_1126 : vector<16xi32> to vector<16xi32>
        %get3A_1128 = arith.constant 32 : index
        %get3A_1129 = tpu.vector_load %arg11[%get3A_1128] {strides = array<i32>} : memref<128xi32, #tpu.memory_space<vmem>>, vector<16xi32>,
        %get3A_1130 = vector.shape_cast %get3A_1129 : vector<16xi32> to vector<16xi32>
        %get3A_1131 = arith.constant 48 : index
        %get3A_1132 = tpu.vector_load %arg11[%get3A_1131] {strides = array<i32>} : memref<128xi32, #tpu.memory_space<vmem>>, vector<16xi32>,
        %get3A_1133 = vector.shape_cast %get3A_1132 : vector<16xi32> to vector<16xi32>
        %get3A_1134 = arith.constant 64 : index
        %get3A_1135 = tpu.vector_load %arg11[%get3A_1134] {strides = array<i32>} : memref<128xi32, #tpu.memory_space<vmem>>, vector<16xi32>,
        %get3A_1136 = vector.shape_cast %get3A_1135 : vector<16xi32> to vector<16xi32>
        %get3A_1137 = arith.constant 80 : index
        %get3A_1138 = tpu.vector_load %arg11[%get3A_1137] {strides = array<i32>} : memref<128xi32, #tpu.memory_space<vmem>>, vector<16xi32>,
        %get3A_1139 = vector.shape_cast %get3A_1138 : vector<16xi32> to vector<16xi32>
        %get3A_1140 = arith.constant 96 : index
        %get3A_1141 = tpu.vector_load %arg11[%get3A_1140] {strides = array<i32>} : memref<128xi32, #tpu.memory_space<vmem>>, vector<16xi32>,
        %get3A_1142 = vector.shape_cast %get3A_1141 : vector<16xi32> to vector<16xi32>
        %get3A_1143 = arith.constant 112 : index
        %get3A_1144 = tpu.vector_load %arg11[%get3A_1143] {strides = array<i32>} : memref<128xi32, #tpu.memory_space<vmem>>, vector<16xi32>,
        %get3A_1145 = vector.shape_cast %get3A_1144 : vector<16xi32> to vector<16xi32>
        %mul3A_1146 = arith.constant 128 : i32
        %mul3A_1147 = arith.muli %get3A_1070, %mul3A_1146 : i32
        %add3A_1148 = arith.constant 0 : i32
        %add3A_1149 = arith.addi %mul3A_1147, %add3A_1148 : i32
        %get3A_1150 = arith.index_cast %add3A_1149 : i32 to index
        %get3A_1151 = tpu.vector_load %arg8[%get3A_1150] {strides = array<i32>} : memref<8192xf32, #tpu.memory_space<vmem>>, vector<16xf32>,
        %get3A_1152 = vector.shape_cast %get3A_1151 : vector<16xf32> to vector<16xf32>
        %add3A_1153 = arith.constant 0 : i32
        %add3A_1154 = arith.addi %mul3A_1147, %add3A_1153 : i32
        %get3A_1155 = arith.index_cast %add3A_1154 : i32 to index
        %get3A_1156 = tpu.vector_load %arg9[%get3A_1155] {strides = array<i32>} : memref<8192xi32, #tpu.memory_space<vmem>>, vector<16xi32>,
        %get3A_1157 = vector.shape_cast %get3A_1156 : vector<16xi32> to vector<16xi32>
        %gt3A_1158 = arith.cmpf ogt, %get3A_1100, %get3A_1152 : vector<16xf32>
        %select_n3A_1159 = arith.select %gt3A_1158, %get3A_1100, %get3A_1152 : vector<16xi1>, vector<16xf32>
        %add3A_1160 = arith.constant 0 : i32
        %add3A_1161 = arith.addi %mul3A_1147, %add3A_1160 : i32
        %swap3A_1162 = arith.index_cast %add3A_1161 : i32 to index
        %swap3A_1163 = tpu.vector_load %arg8[%swap3A_1162] {strides = array<i32>} : memref<8192xf32, #tpu.memory_space<vmem>>, vector<16xf32>,
        %swap3A_1164 = vector.shape_cast %swap3A_1163 : vector<16xf32> to vector<16xf32>
        %swap3A_1165 = vector.shape_cast %select_n3A_1159 : vector<16xf32> to vector<16xf32>
        tpu.vector_store %arg8[%swap3A_1162], %swap3A_1165 {strides = array<i32>} : memref<8192xf32, #tpu.memory_space<vmem>>, vector<16xf32>,
        %select_n3A_1166 = arith.select %gt3A_1158, %get3A_1124, %get3A_1157 : vector<16xi1>, vector<16xi32>
        %add3A_1167 = arith.constant 0 : i32
        %add3A_1168 = arith.addi %mul3A_1147, %add3A_1167 : i32
        %swap3A_1169 = arith.index_cast %add3A_1168 : i32 to index
        %swap3A_1170 = tpu.vector_load %arg9[%swap3A_1169] {strides = array<i32>} : memref<8192xi32, #tpu.memory_space<vmem>>, vector<16xi32>,
        %swap3A_1171 = vector.shape_cast %swap3A_1170 : vector<16xi32> to vector<16xi32>
        %swap3A_1172 = vector.shape_cast %select_n3A_1166 : vector<16xi32> to vector<16xi32>
        tpu.vector_store %arg9[%swap3A_1169], %swap3A_1172 {strides = array<i32>} : memref<8192xi32, #tpu.memory_space<vmem>>, vector<16xi32>,
        %add3A_1173 = arith.constant 16 : i32
        %add3A_1174 = arith.addi %mul3A_1147, %add3A_1173 : i32
        %get3A_1175 = arith.index_cast %add3A_1174 : i32 to index
        %get3A_1176 = tpu.vector_load %arg8[%get3A_1175] {strides = array<i32>} : memref<8192xf32, #tpu.memory_space<vmem>>, vector<16xf32>,
        %get3A_1177 = vector.shape_cast %get3A_1176 : vector<16xf32> to vector<16xf32>
        %add3A_1178 = arith.constant 16 : i32
        %add3A_1179 = arith.addi %mul3A_1147, %add3A_1178 : i32
        %get3A_1180 = arith.index_cast %add3A_1179 : i32 to index
        %get3A_1181 = tpu.vector_load %arg9[%get3A_1180] {strides = array<i32>} : memref<8192xi32, #tpu.memory_space<vmem>>, vector<16xi32>,
        %get3A_1182 = vector.shape_cast %get3A_1181 : vector<16xi32> to vector<16xi32>
        %gt3A_1183 = arith.cmpf ogt, %get3A_1103, %get3A_1177 : vector<16xf32>
        %select_n3A_1184 = arith.select %gt3A_1183, %get3A_1103, %get3A_1177 : vector<16xi1>, vector<16xf32>
        %add3A_1185 = arith.constant 16 : i32
        %add3A_1186 = arith.addi %mul3A_1147, %add3A_1185 : i32
        %swap3A_1187 = arith.index_cast %add3A_1186 : i32 to index
        %swap3A_1188 = tpu.vector_load %arg8[%swap3A_1187] {strides = array<i32>} : memref<8192xf32, #tpu.memory_space<vmem>>, vector<16xf32>,
        %swap3A_1189 = vector.shape_cast %swap3A_1188 : vector<16xf32> to vector<16xf32>
        %swap3A_1190 = vector.shape_cast %select_n3A_1184 : vector<16xf32> to vector<16xf32>
        tpu.vector_store %arg8[%swap3A_1187], %swap3A_1190 {strides = array<i32>} : memref<8192xf32, #tpu.memory_space<vmem>>, vector<16xf32>,
        %select_n3A_1191 = arith.select %gt3A_1183, %get3A_1127, %get3A_1182 : vector<16xi1>, vector<16xi32>
        %add3A_1192 = arith.constant 16 : i32
        %add3A_1193 = arith.addi %mul3A_1147, %add3A_1192 : i32
        %swap3A_1194 = arith.index_cast %add3A_1193 : i32 to index
        %swap3A_1195 = tpu.vector_load %arg9[%swap3A_1194] {strides = array<i32>} : memref<8192xi32, #tpu.memory_space<vmem>>, vector<16xi32>,
        %swap3A_1196 = vector.shape_cast %swap3A_1195 : vector<16xi32> to vector<16xi32>
        %swap3A_1197 = vector.shape_cast %select_n3A_1191 : vector<16xi32> to vector<16xi32>
        tpu.vector_store %arg9[%swap3A_1194], %swap3A_1197 {strides = array<i32>} : memref<8192xi32, #tpu.memory_space<vmem>>, vector<16xi32>,
        %add3A_1198 = arith.constant 32 : i32
        %add3A_1199 = arith.addi %mul3A_1147, %add3A_1198 : i32
        %get3A_1200 = arith.index_cast %add3A_1199 : i32 to index
        %get3A_1201 = tpu.vector_load %arg8[%get3A_1200] {strides = array<i32>} : memref<8192xf32, #tpu.memory_space<vmem>>, vector<16xf32>,
        %get3A_1202 = vector.shape_cast %get3A_1201 : vector<16xf32> to vector<16xf32>
        %add3A_1203 = arith.constant 32 : i32
        %add3A_1204 = arith.addi %mul3A_1147, %add3A_1203 : i32
        %get3A_1205 = arith.index_cast %add3A_1204 : i32 to index
        %get3A_1206 = tpu.vector_load %arg9[%get3A_1205] {strides = array<i32>} : memref<8192xi32, #tpu.memory_space<vmem>>, vector<16xi32>,
        %get3A_1207 = vector.shape_cast %get3A_1206 : vector<16xi32> to vector<16xi32>
        %gt3A_1208 = arith.cmpf ogt, %get3A_1106, %get3A_1202 : vector<16xf32>
        %select_n3A_1209 = arith.select %gt3A_1208, %get3A_1106, %get3A_1202 : vector<16xi1>, vector<16xf32>
        %add3A_1210 = arith.constant 32 : i32
        %add3A_1211 = arith.addi %mul3A_1147, %add3A_1210 : i32
        %swap3A_1212 = arith.index_cast %add3A_1211 : i32 to index
        %swap3A_1213 = tpu.vector_load %arg8[%swap3A_1212] {strides = array<i32>} : memref<8192xf32, #tpu.memory_space<vmem>>, vector<16xf32>,
        %swap3A_1214 = vector.shape_cast %swap3A_1213 : vector<16xf32> to vector<16xf32>
        %swap3A_1215 = vector.shape_cast %select_n3A_1209 : vector<16xf32> to vector<16xf32>
        tpu.vector_store %arg8[%swap3A_1212], %swap3A_1215 {strides = array<i32>} : memref<8192xf32, #tpu.memory_space<vmem>>, vector<16xf32>,
        %select_n3A_1216 = arith.select %gt3A_1208, %get3A_1130, %get3A_1207 : vector<16xi1>, vector<16xi32>
        %add3A_1217 = arith.constant 32 : i32
        %add3A_1218 = arith.addi %mul3A_1147, %add3A_1217 : i32
        %swap3A_1219 = arith.index_cast %add3A_1218 : i32 to index
        %swap3A_1220 = tpu.vector_load %arg9[%swap3A_1219] {strides = array<i32>} : memref<8192xi32, #tpu.memory_space<vmem>>, vector<16xi32>,
        %swap3A_1221 = vector.shape_cast %swap3A_1220 : vector<16xi32> to vector<16xi32>
        %swap3A_1222 = vector.shape_cast %select_n3A_1216 : vector<16xi32> to vector<16xi32>
        tpu.vector_store %arg9[%swap3A_1219], %swap3A_1222 {strides = array<i32>} : memref<8192xi32, #tpu.memory_space<vmem>>, vector<16xi32>,
        %add3A_1223 = arith.constant 48 : i32
        %add3A_1224 = arith.addi %mul3A_1147, %add3A_1223 : i32
        %get3A_1225 = arith.index_cast %add3A_1224 : i32 to index
        %get3A_1226 = tpu.vector_load %arg8[%get3A_1225] {strides = array<i32>} : memref<8192xf32, #tpu.memory_space<vmem>>, vector<16xf32>,
        %get3A_1227 = vector.shape_cast %get3A_1226 : vector<16xf32> to vector<16xf32>
        %add3A_1228 = arith.constant 48 : i32
        %add3A_1229 = arith.addi %mul3A_1147, %add3A_1228 : i32
        %get3A_1230 = arith.index_cast %add3A_1229 : i32 to index
        %get3A_1231 = tpu.vector_load %arg9[%get3A_1230] {strides = array<i32>} : memref<8192xi32, #tpu.memory_space<vmem>>, vector<16xi32>,
        %get3A_1232 = vector.shape_cast %get3A_1231 : vector<16xi32> to vector<16xi32>
        %gt3A_1233 = arith.cmpf ogt, %get3A_1109, %get3A_1227 : vector<16xf32>
        %select_n3A_1234 = arith.select %gt3A_1233, %get3A_1109, %get3A_1227 : vector<16xi1>, vector<16xf32>
        %add3A_1235 = arith.constant 48 : i32
        %add3A_1236 = arith.addi %mul3A_1147, %add3A_1235 : i32
        %swap3A_1237 = arith.index_cast %add3A_1236 : i32 to index
        %swap3A_1238 = tpu.vector_load %arg8[%swap3A_1237] {strides = array<i32>} : memref<8192xf32, #tpu.memory_space<vmem>>, vector<16xf32>,
        %swap3A_1239 = vector.shape_cast %swap3A_1238 : vector<16xf32> to vector<16xf32>
        %swap3A_1240 = vector.shape_cast %select_n3A_1234 : vector<16xf32> to vector<16xf32>
        tpu.vector_store %arg8[%swap3A_1237], %swap3A_1240 {strides = array<i32>} : memref<8192xf32, #tpu.memory_space<vmem>>, vector<16xf32>,
        %select_n3A_1241 = arith.select %gt3A_1233, %get3A_1133, %get3A_1232 : vector<16xi1>, vector<16xi32>
        %add3A_1242 = arith.constant 48 : i32
        %add3A_1243 = arith.addi %mul3A_1147, %add3A_1242 : i32
        %swap3A_1244 = arith.index_cast %add3A_1243 : i32 to index
        %swap3A_1245 = tpu.vector_load %arg9[%swap3A_1244] {strides = array<i32>} : memref<8192xi32, #tpu.memory_space<vmem>>, vector<16xi32>,
        %swap3A_1246 = vector.shape_cast %swap3A_1245 : vector<16xi32> to vector<16xi32>
        %swap3A_1247 = vector.shape_cast %select_n3A_1241 : vector<16xi32> to vector<16xi32>
        tpu.vector_store %arg9[%swap3A_1244], %swap3A_1247 {strides = array<i32>} : memref<8192xi32, #tpu.memory_space<vmem>>, vector<16xi32>,
        %add3A_1248 = arith.constant 64 : i32
        %add3A_1249 = arith.addi %mul3A_1147, %add3A_1248 : i32
        %get3A_1250 = arith.index_cast %add3A_1249 : i32 to index
        %get3A_1251 = tpu.vector_load %arg8[%get3A_1250] {strides = array<i32>} : memref<8192xf32, #tpu.memory_space<vmem>>, vector<16xf32>,
        %get3A_1252 = vector.shape_cast %get3A_1251 : vector<16xf32> to vector<16xf32>
        %add3A_1253 = arith.constant 64 : i32
        %add3A_1254 = arith.addi %mul3A_1147, %add3A_1253 : i32
        %get3A_1255 = arith.index_cast %add3A_1254 : i32 to index
        %get3A_1256 = tpu.vector_load %arg9[%get3A_1255] {strides = array<i32>} : memref<8192xi32, #tpu.memory_space<vmem>>, vector<16xi32>,
        %get3A_1257 = vector.shape_cast %get3A_1256 : vector<16xi32> to vector<16xi32>
        %gt3A_1258 = arith.cmpf ogt, %get3A_1112, %get3A_1252 : vector<16xf32>
        %select_n3A_1259 = arith.select %gt3A_1258, %get3A_1112, %get3A_1252 : vector<16xi1>, vector<16xf32>
        %add3A_1260 = arith.constant 64 : i32
        %add3A_1261 = arith.addi %mul3A_1147, %add3A_1260 : i32
        %swap3A_1262 = arith.index_cast %add3A_1261 : i32 to index
        %swap3A_1263 = tpu.vector_load %arg8[%swap3A_1262] {strides = array<i32>} : memref<8192xf32, #tpu.memory_space<vmem>>, vector<16xf32>,
        %swap3A_1264 = vector.shape_cast %swap3A_1263 : vector<16xf32> to vector<16xf32>
        %swap3A_1265 = vector.shape_cast %select_n3A_1259 : vector<16xf32> to vector<16xf32>
        tpu.vector_store %arg8[%swap3A_1262], %swap3A_1265 {strides = array<i32>} : memref<8192xf32, #tpu.memory_space<vmem>>, vector<16xf32>,
        %select_n3A_1266 = arith.select %gt3A_1258, %get3A_1136, %get3A_1257 : vector<16xi1>, vector<16xi32>
        %add3A_1267 = arith.constant 64 : i32
        %add3A_1268 = arith.addi %mul3A_1147, %add3A_1267 : i32
        %swap3A_1269 = arith.index_cast %add3A_1268 : i32 to index
        %swap3A_1270 = tpu.vector_load %arg9[%swap3A_1269] {strides = array<i32>} : memref<8192xi32, #tpu.memory_space<vmem>>, vector<16xi32>,
        %swap3A_1271 = vector.shape_cast %swap3A_1270 : vector<16xi32> to vector<16xi32>
        %swap3A_1272 = vector.shape_cast %select_n3A_1266 : vector<16xi32> to vector<16xi32>
        tpu.vector_store %arg9[%swap3A_1269], %swap3A_1272 {strides = array<i32>} : memref<8192xi32, #tpu.memory_space<vmem>>, vector<16xi32>,
        %add3A_1273 = arith.constant 80 : i32
        %add3A_1274 = arith.addi %mul3A_1147, %add3A_1273 : i32
        %get3A_1275 = arith.index_cast %add3A_1274 : i32 to index
        %get3A_1276 = tpu.vector_load %arg8[%get3A_1275] {strides = array<i32>} : memref<8192xf32, #tpu.memory_space<vmem>>, vector<16xf32>,
        %get3A_1277 = vector.shape_cast %get3A_1276 : vector<16xf32> to vector<16xf32>
        %add3A_1278 = arith.constant 80 : i32
        %add3A_1279 = arith.addi %mul3A_1147, %add3A_1278 : i32
        %get3A_1280 = arith.index_cast %add3A_1279 : i32 to index
        %get3A_1281 = tpu.vector_load %arg9[%get3A_1280] {strides = array<i32>} : memref<8192xi32, #tpu.memory_space<vmem>>, vector<16xi32>,
        %get3A_1282 = vector.shape_cast %get3A_1281 : vector<16xi32> to vector<16xi32>
        %gt3A_1283 = arith.cmpf ogt, %get3A_1115, %get3A_1277 : vector<16xf32>
        %select_n3A_1284 = arith.select %gt3A_1283, %get3A_1115, %get3A_1277 : vector<16xi1>, vector<16xf32>
        %add3A_1285 = arith.constant 80 : i32
        %add3A_1286 = arith.addi %mul3A_1147, %add3A_1285 : i32
        %swap3A_1287 = arith.index_cast %add3A_1286 : i32 to index
        %swap3A_1288 = tpu.vector_load %arg8[%swap3A_1287] {strides = array<i32>} : memref<8192xf32, #tpu.memory_space<vmem>>, vector<16xf32>,
        %swap3A_1289 = vector.shape_cast %swap3A_1288 : vector<16xf32> to vector<16xf32>
        %swap3A_1290 = vector.shape_cast %select_n3A_1284 : vector<16xf32> to vector<16xf32>
        tpu.vector_store %arg8[%swap3A_1287], %swap3A_1290 {strides = array<i32>} : memref<8192xf32, #tpu.memory_space<vmem>>, vector<16xf32>,
        %select_n3A_1291 = arith.select %gt3A_1283, %get3A_1139, %get3A_1282 : vector<16xi1>, vector<16xi32>
        %add3A_1292 = arith.constant 80 : i32
        %add3A_1293 = arith.addi %mul3A_1147, %add3A_1292 : i32
        %swap3A_1294 = arith.index_cast %add3A_1293 : i32 to index
        %swap3A_1295 = tpu.vector_load %arg9[%swap3A_1294] {strides = array<i32>} : memref<8192xi32, #tpu.memory_space<vmem>>, vector<16xi32>,
        %swap3A_1296 = vector.shape_cast %swap3A_1295 : vector<16xi32> to vector<16xi32>
        %swap3A_1297 = vector.shape_cast %select_n3A_1291 : vector<16xi32> to vector<16xi32>
        tpu.vector_store %arg9[%swap3A_1294], %swap3A_1297 {strides = array<i32>} : memref<8192xi32, #tpu.memory_space<vmem>>, vector<16xi32>,
        %add3A_1298 = arith.constant 96 : i32
        %add3A_1299 = arith.addi %mul3A_1147, %add3A_1298 : i32
        %get3A_1300 = arith.index_cast %add3A_1299 : i32 to index
        %get3A_1301 = tpu.vector_load %arg8[%get3A_1300] {strides = array<i32>} : memref<8192xf32, #tpu.memory_space<vmem>>, vector<16xf32>,
        %get3A_1302 = vector.shape_cast %get3A_1301 : vector<16xf32> to vector<16xf32>
        %add3A_1303 = arith.constant 96 : i32
        %add3A_1304 = arith.addi %mul3A_1147, %add3A_1303 : i32
        %get3A_1305 = arith.index_cast %add3A_1304 : i32 to index
        %get3A_1306 = tpu.vector_load %arg9[%get3A_1305] {strides = array<i32>} : memref<8192xi32, #tpu.memory_space<vmem>>, vector<16xi32>,
        %get3A_1307 = vector.shape_cast %get3A_1306 : vector<16xi32> to vector<16xi32>
        %gt3A_1308 = arith.cmpf ogt, %get3A_1118, %get3A_1302 : vector<16xf32>
        %select_n3A_1309 = arith.select %gt3A_1308, %get3A_1118, %get3A_1302 : vector<16xi1>, vector<16xf32>
        %add3A_1310 = arith.constant 96 : i32
        %add3A_1311 = arith.addi %mul3A_1147, %add3A_1310 : i32
        %swap3A_1312 = arith.index_cast %add3A_1311 : i32 to index
        %swap3A_1313 = tpu.vector_load %arg8[%swap3A_1312] {strides = array<i32>} : memref<8192xf32, #tpu.memory_space<vmem>>, vector<16xf32>,
        %swap3A_1314 = vector.shape_cast %swap3A_1313 : vector<16xf32> to vector<16xf32>
        %swap3A_1315 = vector.shape_cast %select_n3A_1309 : vector<16xf32> to vector<16xf32>
        tpu.vector_store %arg8[%swap3A_1312], %swap3A_1315 {strides = array<i32>} : memref<8192xf32, #tpu.memory_space<vmem>>, vector<16xf32>,
        %select_n3A_1316 = arith.select %gt3A_1308, %get3A_1142, %get3A_1307 : vector<16xi1>, vector<16xi32>
        %add3A_1317 = arith.constant 96 : i32
        %add3A_1318 = arith.addi %mul3A_1147, %add3A_1317 : i32
        %swap3A_1319 = arith.index_cast %add3A_1318 : i32 to index
        %swap3A_1320 = tpu.vector_load %arg9[%swap3A_1319] {strides = array<i32>} : memref<8192xi32, #tpu.memory_space<vmem>>, vector<16xi32>,
        %swap3A_1321 = vector.shape_cast %swap3A_1320 : vector<16xi32> to vector<16xi32>
        %swap3A_1322 = vector.shape_cast %select_n3A_1316 : vector<16xi32> to vector<16xi32>
        tpu.vector_store %arg9[%swap3A_1319], %swap3A_1322 {strides = array<i32>} : memref<8192xi32, #tpu.memory_space<vmem>>, vector<16xi32>,
        %add3A_1323 = arith.constant 112 : i32
        %add3A_1324 = arith.addi %mul3A_1147, %add3A_1323 : i32
        %get3A_1325 = arith.index_cast %add3A_1324 : i32 to index
        %get3A_1326 = tpu.vector_load %arg8[%get3A_1325] {strides = array<i32>} : memref<8192xf32, #tpu.memory_space<vmem>>, vector<16xf32>,
        %get3A_1327 = vector.shape_cast %get3A_1326 : vector<16xf32> to vector<16xf32>
        %add3A_1328 = arith.constant 112 : i32
        %add3A_1329 = arith.addi %mul3A_1147, %add3A_1328 : i32
        %get3A_1330 = arith.index_cast %add3A_1329 : i32 to index
        %get3A_1331 = tpu.vector_load %arg9[%get3A_1330] {strides = array<i32>} : memref<8192xi32, #tpu.memory_space<vmem>>, vector<16xi32>,
        %get3A_1332 = vector.shape_cast %get3A_1331 : vector<16xi32> to vector<16xi32>
        %gt3A_1333 = arith.cmpf ogt, %get3A_1121, %get3A_1327 : vector<16xf32>
        %select_n3A_1334 = arith.select %gt3A_1333, %get3A_1121, %get3A_1327 : vector<16xi1>, vector<16xf32>
        %add3A_1335 = arith.constant 112 : i32
        %add3A_1336 = arith.addi %mul3A_1147, %add3A_1335 : i32
        %swap3A_1337 = arith.index_cast %add3A_1336 : i32 to index
        %swap3A_1338 = tpu.vector_load %arg8[%swap3A_1337] {strides = array<i32>} : memref<8192xf32, #tpu.memory_space<vmem>>, vector<16xf32>,
        %swap3A_1339 = vector.shape_cast %swap3A_1338 : vector<16xf32> to vector<16xf32>
        %swap3A_1340 = vector.shape_cast %select_n3A_1334 : vector<16xf32> to vector<16xf32>
        tpu.vector_store %arg8[%swap3A_1337], %swap3A_1340 {strides = array<i32>} : memref<8192xf32, #tpu.memory_space<vmem>>, vector<16xf32>,
        %select_n3A_1341 = arith.select %gt3A_1333, %get3A_1145, %get3A_1332 : vector<16xi1>, vector<16xi32>
        %add3A_1342 = arith.constant 112 : i32
        %add3A_1343 = arith.addi %mul3A_1147, %add3A_1342 : i32
        %swap3A_1344 = arith.index_cast %add3A_1343 : i32 to index
        %swap3A_1345 = tpu.vector_load %arg9[%swap3A_1344] {strides = array<i32>} : memref<8192xi32, #tpu.memory_space<vmem>>, vector<16xi32>,
        %swap3A_1346 = vector.shape_cast %swap3A_1345 : vector<16xi32> to vector<16xi32>
        %swap3A_1347 = vector.shape_cast %select_n3A_1341 : vector<16xi32> to vector<16xi32>
        tpu.vector_store %arg9[%swap3A_1344], %swap3A_1347 {strides = array<i32>} : memref<8192xi32, #tpu.memory_space<vmem>>, vector<16xi32>,
        %scan3A_1348 = arith.constant 0 : i32
        %scan3A_1349 = arith.constant 0 : i32
        %scan3A_1350 = arith.constant 125 : i32
        %scan3A_1351 = arith.addi %scan3A_1349, %scan3A_1350 : i32
        %scan3A_1352 = arith.constant 1 : i32
        %scan3A_1353 = scf.for %scan3A_1504 = %scan3A_1349 to %scan3A_1351 step %scan3A_1352 iter_args(%scan3A_1505 = %scan3A_1348) -> (i32)  : i32 {
          %mul3A_1506 = arith.constant 125 : i32
          %mul3A_1507 = arith.muli %scan3A_1044, %mul3A_1506 : i32
          %add3A_1508 = arith.addi %mul3A_1507, %scan3A_1504 : i32
          %get3A_1509 = arith.index_cast %add3A_1508 : i32 to index
          %get3A_1510 = tpu.vector_load %arg6[%get3A_1509] {strides = array<i32>} : memref<3144xi32, #tpu.memory_space<vmem>>, vector<16xi32>,
          %get3A_1511 = vector.shape_cast %get3A_1510 : vector<16xi32> to vector<16xi32>
          %slice3A_1512 = vector.extract_strided_slice %get3A_1511 {offsets = [0], sizes = [1], strides = [1]} : vector<16xi32> to vector<1xi32>
          %squeeze3A_1513 = vector.extract %slice3A_1512[0] : i32 from vector<1xi32>
          %mul3A_1514 = arith.constant 128 : i32
          %mul3A_1515 = arith.muli %squeeze3A_1513, %mul3A_1514 : i32
          %mul3A_1516 = arith.constant 125 : i32
          %mul3A_1517 = arith.muli %scan3A_1044, %mul3A_1516 : i32
          %add3A_1518 = arith.addi %mul3A_2, %mul3A_1517 : i32
          %add3A_1519 = arith.addi %add3A_1518, %scan3A_1504 : i32
          %broadcast_in_dim3A_1520 = vector.broadcast %add3A_1519 : i32 to vector<16xi32>
          %mul3A_1521 = arith.constant 128 : i32
          %mul3A_1522 = arith.muli %scan3A_1504, %mul3A_1521 : i32
          %add3A_1523 = arith.addi %mul3A_1067, %mul3A_1522 : i32
          %add3A_1524 = arith.constant 0 : i32
          %add3A_1525 = arith.addi %add3A_1523, %add3A_1524 : i32
          %get3A_1526 = arith.index_cast %add3A_1525 : i32 to index
          %get3A_1527 = tpu.vector_load %arg7[%get3A_1526] {strides = array<i32>} : memref<64000xf32, #tpu.memory_space<vmem>>, vector<16xf32>,
          %get3A_1528 = vector.shape_cast %get3A_1527 : vector<16xf32> to vector<16xf32>
          %abs3A = math.absf %get3A_1528 : vector<16xf32>
          %add3A_1529 = arith.constant 0 : i32
          %add3A_1530 = arith.addi %mul3A_1515, %add3A_1529 : i32
          %get3A_1531 = arith.index_cast %add3A_1530 : i32 to index
          %get3A_1532 = tpu.vector_load %arg8[%get3A_1531] {strides = array<i32>} : memref<8192xf32, #tpu.memory_space<vmem>>, vector<16xf32>,
          %get3A_1533 = vector.shape_cast %get3A_1532 : vector<16xf32> to vector<16xf32>
          %add3A_1534 = arith.constant 0 : i32
          %add3A_1535 = arith.addi %mul3A_1515, %add3A_1534 : i32
          %get3A_1536 = arith.index_cast %add3A_1535 : i32 to index
          %get3A_1537 = tpu.vector_load %arg9[%get3A_1536] {strides = array<i32>} : memref<8192xi32, #tpu.memory_space<vmem>>, vector<16xi32>,
          %get3A_1538 = vector.shape_cast %get3A_1537 : vector<16xi32> to vector<16xi32>
          %gt3A_1539 = arith.cmpf ogt, %abs3A, %get3A_1533 : vector<16xf32>
          %select_n3A_1540 = arith.select %gt3A_1539, %abs3A, %get3A_1533 : vector<16xi1>, vector<16xf32>
          %add3A_1541 = arith.constant 0 : i32
          %add3A_1542 = arith.addi %mul3A_1515, %add3A_1541 : i32
          %swap3A_1543 = arith.index_cast %add3A_1542 : i32 to index
          %swap3A_1544 = tpu.vector_load %arg8[%swap3A_1543] {strides = array<i32>} : memref<8192xf32, #tpu.memory_space<vmem>>, vector<16xf32>,
          %swap3A_1545 = vector.shape_cast %swap3A_1544 : vector<16xf32> to vector<16xf32>
          %swap3A_1546 = vector.shape_cast %select_n3A_1540 : vector<16xf32> to vector<16xf32>
          tpu.vector_store %arg8[%swap3A_1543], %swap3A_1546 {strides = array<i32>} : memref<8192xf32, #tpu.memory_space<vmem>>, vector<16xf32>,
          %select_n3A_1547 = arith.select %gt3A_1539, %broadcast_in_dim3A_1520, %get3A_1538 : vector<16xi1>, vector<16xi32>
          %add3A_1548 = arith.constant 0 : i32
          %add3A_1549 = arith.addi %mul3A_1515, %add3A_1548 : i32
          %swap3A_1550 = arith.index_cast %add3A_1549 : i32 to index
          %swap3A_1551 = tpu.vector_load %arg9[%swap3A_1550] {strides = array<i32>} : memref<8192xi32, #tpu.memory_space<vmem>>, vector<16xi32>,
          %swap3A_1552 = vector.shape_cast %swap3A_1551 : vector<16xi32> to vector<16xi32>
          %swap3A_1553 = vector.shape_cast %select_n3A_1547 : vector<16xi32> to vector<16xi32>
          tpu.vector_store %arg9[%swap3A_1550], %swap3A_1553 {strides = array<i32>} : memref<8192xi32, #tpu.memory_space<vmem>>, vector<16xi32>,
          %mul3A_1554 = arith.constant 128 : i32
          %mul3A_1555 = arith.muli %scan3A_1504, %mul3A_1554 : i32
          %add3A_1556 = arith.addi %mul3A_1067, %mul3A_1555 : i32
          %add3A_1557 = arith.constant 16 : i32
          %add3A_1558 = arith.addi %add3A_1556, %add3A_1557 : i32
          %get3A_1559 = arith.index_cast %add3A_1558 : i32 to index
          %get3A_1560 = tpu.vector_load %arg7[%get3A_1559] {strides = array<i32>} : memref<64000xf32, #tpu.memory_space<vmem>>, vector<16xf32>,
          %get3A_1561 = vector.shape_cast %get3A_1560 : vector<16xf32> to vector<16xf32>
          %abs3A_1562 = math.absf %get3A_1561 : vector<16xf32>
          %add3A_1563 = arith.constant 16 : i32
          %add3A_1564 = arith.addi %mul3A_1515, %add3A_1563 : i32
          %get3A_1565 = arith.index_cast %add3A_1564 : i32 to index
          %get3A_1566 = tpu.vector_load %arg8[%get3A_1565] {strides = array<i32>} : memref<8192xf32, #tpu.memory_space<vmem>>, vector<16xf32>,
          %get3A_1567 = vector.shape_cast %get3A_1566 : vector<16xf32> to vector<16xf32>
          %add3A_1568 = arith.constant 16 : i32
          %add3A_1569 = arith.addi %mul3A_1515, %add3A_1568 : i32
          %get3A_1570 = arith.index_cast %add3A_1569 : i32 to index
          %get3A_1571 = tpu.vector_load %arg9[%get3A_1570] {strides = array<i32>} : memref<8192xi32, #tpu.memory_space<vmem>>, vector<16xi32>,
          %get3A_1572 = vector.shape_cast %get3A_1571 : vector<16xi32> to vector<16xi32>
          %gt3A_1573 = arith.cmpf ogt, %abs3A_1562, %get3A_1567 : vector<16xf32>
          %select_n3A_1574 = arith.select %gt3A_1573, %abs3A_1562, %get3A_1567 : vector<16xi1>, vector<16xf32>
          %add3A_1575 = arith.constant 16 : i32
          %add3A_1576 = arith.addi %mul3A_1515, %add3A_1575 : i32
          %swap3A_1577 = arith.index_cast %add3A_1576 : i32 to index
          %swap3A_1578 = tpu.vector_load %arg8[%swap3A_1577] {strides = array<i32>} : memref<8192xf32, #tpu.memory_space<vmem>>, vector<16xf32>,
          %swap3A_1579 = vector.shape_cast %swap3A_1578 : vector<16xf32> to vector<16xf32>
          %swap3A_1580 = vector.shape_cast %select_n3A_1574 : vector<16xf32> to vector<16xf32>
          tpu.vector_store %arg8[%swap3A_1577], %swap3A_1580 {strides = array<i32>} : memref<8192xf32, #tpu.memory_space<vmem>>, vector<16xf32>,
          %select_n3A_1581 = arith.select %gt3A_1573, %broadcast_in_dim3A_1520, %get3A_1572 : vector<16xi1>, vector<16xi32>
          %add3A_1582 = arith.constant 16 : i32
          %add3A_1583 = arith.addi %mul3A_1515, %add3A_1582 : i32
          %swap3A_1584 = arith.index_cast %add3A_1583 : i32 to index
          %swap3A_1585 = tpu.vector_load %arg9[%swap3A_1584] {strides = array<i32>} : memref<8192xi32, #tpu.memory_space<vmem>>, vector<16xi32>,
          %swap3A_1586 = vector.shape_cast %swap3A_1585 : vector<16xi32> to vector<16xi32>
          %swap3A_1587 = vector.shape_cast %select_n3A_1581 : vector<16xi32> to vector<16xi32>
          tpu.vector_store %arg9[%swap3A_1584], %swap3A_1587 {strides = array<i32>} : memref<8192xi32, #tpu.memory_space<vmem>>, vector<16xi32>,
          %mul3A_1588 = arith.constant 128 : i32
          %mul3A_1589 = arith.muli %scan3A_1504, %mul3A_1588 : i32
          %add3A_1590 = arith.addi %mul3A_1067, %mul3A_1589 : i32
          %add3A_1591 = arith.constant 32 : i32
          %add3A_1592 = arith.addi %add3A_1590, %add3A_1591 : i32
          %get3A_1593 = arith.index_cast %add3A_1592 : i32 to index
          %get3A_1594 = tpu.vector_load %arg7[%get3A_1593] {strides = array<i32>} : memref<64000xf32, #tpu.memory_space<vmem>>, vector<16xf32>,
          %get3A_1595 = vector.shape_cast %get3A_1594 : vector<16xf32> to vector<16xf32>
          %abs3A_1596 = math.absf %get3A_1595 : vector<16xf32>
          %add3A_1597 = arith.constant 32 : i32
          %add3A_1598 = arith.addi %mul3A_1515, %add3A_1597 : i32
          %get3A_1599 = arith.index_cast %add3A_1598 : i32 to index
          %get3A_1600 = tpu.vector_load %arg8[%get3A_1599] {strides = array<i32>} : memref<8192xf32, #tpu.memory_space<vmem>>, vector<16xf32>,
          %get3A_1601 = vector.shape_cast %get3A_1600 : vector<16xf32> to vector<16xf32>
          %add3A_1602 = arith.constant 32 : i32
          %add3A_1603 = arith.addi %mul3A_1515, %add3A_1602 : i32
          %get3A_1604 = arith.index_cast %add3A_1603 : i32 to index
          %get3A_1605 = tpu.vector_load %arg9[%get3A_1604] {strides = array<i32>} : memref<8192xi32, #tpu.memory_space<vmem>>, vector<16xi32>,
          %get3A_1606 = vector.shape_cast %get3A_1605 : vector<16xi32> to vector<16xi32>
          %gt3A_1607 = arith.cmpf ogt, %abs3A_1596, %get3A_1601 : vector<16xf32>
          %select_n3A_1608 = arith.select %gt3A_1607, %abs3A_1596, %get3A_1601 : vector<16xi1>, vector<16xf32>
          %add3A_1609 = arith.constant 32 : i32
          %add3A_1610 = arith.addi %mul3A_1515, %add3A_1609 : i32
          %swap3A_1611 = arith.index_cast %add3A_1610 : i32 to index
          %swap3A_1612 = tpu.vector_load %arg8[%swap3A_1611] {strides = array<i32>} : memref<8192xf32, #tpu.memory_space<vmem>>, vector<16xf32>,
          %swap3A_1613 = vector.shape_cast %swap3A_1612 : vector<16xf32> to vector<16xf32>
          %swap3A_1614 = vector.shape_cast %select_n3A_1608 : vector<16xf32> to vector<16xf32>
          tpu.vector_store %arg8[%swap3A_1611], %swap3A_1614 {strides = array<i32>} : memref<8192xf32, #tpu.memory_space<vmem>>, vector<16xf32>,
          %select_n3A_1615 = arith.select %gt3A_1607, %broadcast_in_dim3A_1520, %get3A_1606 : vector<16xi1>, vector<16xi32>
          %add3A_1616 = arith.constant 32 : i32
          %add3A_1617 = arith.addi %mul3A_1515, %add3A_1616 : i32
          %swap3A_1618 = arith.index_cast %add3A_1617 : i32 to index
          %swap3A_1619 = tpu.vector_load %arg9[%swap3A_1618] {strides = array<i32>} : memref<8192xi32, #tpu.memory_space<vmem>>, vector<16xi32>,
          %swap3A_1620 = vector.shape_cast %swap3A_1619 : vector<16xi32> to vector<16xi32>
          %swap3A_1621 = vector.shape_cast %select_n3A_1615 : vector<16xi32> to vector<16xi32>
          tpu.vector_store %arg9[%swap3A_1618], %swap3A_1621 {strides = array<i32>} : memref<8192xi32, #tpu.memory_space<vmem>>, vector<16xi32>,
          %mul3A_1622 = arith.constant 128 : i32
          %mul3A_1623 = arith.muli %scan3A_1504, %mul3A_1622 : i32
          %add3A_1624 = arith.addi %mul3A_1067, %mul3A_1623 : i32
          %add3A_1625 = arith.constant 48 : i32
          %add3A_1626 = arith.addi %add3A_1624, %add3A_1625 : i32
          %get3A_1627 = arith.index_cast %add3A_1626 : i32 to index
          %get3A_1628 = tpu.vector_load %arg7[%get3A_1627] {strides = array<i32>} : memref<64000xf32, #tpu.memory_space<vmem>>, vector<16xf32>,
          %get3A_1629 = vector.shape_cast %get3A_1628 : vector<16xf32> to vector<16xf32>
          %abs3A_1630 = math.absf %get3A_1629 : vector<16xf32>
          %add3A_1631 = arith.constant 48 : i32
          %add3A_1632 = arith.addi %mul3A_1515, %add3A_1631 : i32
          %get3A_1633 = arith.index_cast %add3A_1632 : i32 to index
          %get3A_1634 = tpu.vector_load %arg8[%get3A_1633] {strides = array<i32>} : memref<8192xf32, #tpu.memory_space<vmem>>, vector<16xf32>,
          %get3A_1635 = vector.shape_cast %get3A_1634 : vector<16xf32> to vector<16xf32>
          %add3A_1636 = arith.constant 48 : i32
          %add3A_1637 = arith.addi %mul3A_1515, %add3A_1636 : i32
          %get3A_1638 = arith.index_cast %add3A_1637 : i32 to index
          %get3A_1639 = tpu.vector_load %arg9[%get3A_1638] {strides = array<i32>} : memref<8192xi32, #tpu.memory_space<vmem>>, vector<16xi32>,
          %get3A_1640 = vector.shape_cast %get3A_1639 : vector<16xi32> to vector<16xi32>
          %gt3A_1641 = arith.cmpf ogt, %abs3A_1630, %get3A_1635 : vector<16xf32>
          %select_n3A_1642 = arith.select %gt3A_1641, %abs3A_1630, %get3A_1635 : vector<16xi1>, vector<16xf32>
          %add3A_1643 = arith.constant 48 : i32
          %add3A_1644 = arith.addi %mul3A_1515, %add3A_1643 : i32
          %swap3A_1645 = arith.index_cast %add3A_1644 : i32 to index
          %swap3A_1646 = tpu.vector_load %arg8[%swap3A_1645] {strides = array<i32>} : memref<8192xf32, #tpu.memory_space<vmem>>, vector<16xf32>,
          %swap3A_1647 = vector.shape_cast %swap3A_1646 : vector<16xf32> to vector<16xf32>
          %swap3A_1648 = vector.shape_cast %select_n3A_1642 : vector<16xf32> to vector<16xf32>
          tpu.vector_store %arg8[%swap3A_1645], %swap3A_1648 {strides = array<i32>} : memref<8192xf32, #tpu.memory_space<vmem>>, vector<16xf32>,
          %select_n3A_1649 = arith.select %gt3A_1641, %broadcast_in_dim3A_1520, %get3A_1640 : vector<16xi1>, vector<16xi32>
          %add3A_1650 = arith.constant 48 : i32
          %add3A_1651 = arith.addi %mul3A_1515, %add3A_1650 : i32
          %swap3A_1652 = arith.index_cast %add3A_1651 : i32 to index
          %swap3A_1653 = tpu.vector_load %arg9[%swap3A_1652] {strides = array<i32>} : memref<8192xi32, #tpu.memory_space<vmem>>, vector<16xi32>,
          %swap3A_1654 = vector.shape_cast %swap3A_1653 : vector<16xi32> to vector<16xi32>
          %swap3A_1655 = vector.shape_cast %select_n3A_1649 : vector<16xi32> to vector<16xi32>
          tpu.vector_store %arg9[%swap3A_1652], %swap3A_1655 {strides = array<i32>} : memref<8192xi32, #tpu.memory_space<vmem>>, vector<16xi32>,
          %mul3A_1656 = arith.constant 128 : i32
          %mul3A_1657 = arith.muli %scan3A_1504, %mul3A_1656 : i32
          %add3A_1658 = arith.addi %mul3A_1067, %mul3A_1657 : i32
          %add3A_1659 = arith.constant 64 : i32
          %add3A_1660 = arith.addi %add3A_1658, %add3A_1659 : i32
          %get3A_1661 = arith.index_cast %add3A_1660 : i32 to index
          %get3A_1662 = tpu.vector_load %arg7[%get3A_1661] {strides = array<i32>} : memref<64000xf32, #tpu.memory_space<vmem>>, vector<16xf32>,
          %get3A_1663 = vector.shape_cast %get3A_1662 : vector<16xf32> to vector<16xf32>
          %abs3A_1664 = math.absf %get3A_1663 : vector<16xf32>
          %add3A_1665 = arith.constant 64 : i32
          %add3A_1666 = arith.addi %mul3A_1515, %add3A_1665 : i32
          %get3A_1667 = arith.index_cast %add3A_1666 : i32 to index
          %get3A_1668 = tpu.vector_load %arg8[%get3A_1667] {strides = array<i32>} : memref<8192xf32, #tpu.memory_space<vmem>>, vector<16xf32>,
          %get3A_1669 = vector.shape_cast %get3A_1668 : vector<16xf32> to vector<16xf32>
          %add3A_1670 = arith.constant 64 : i32
          %add3A_1671 = arith.addi %mul3A_1515, %add3A_1670 : i32
          %get3A_1672 = arith.index_cast %add3A_1671 : i32 to index
          %get3A_1673 = tpu.vector_load %arg9[%get3A_1672] {strides = array<i32>} : memref<8192xi32, #tpu.memory_space<vmem>>, vector<16xi32>,
          %get3A_1674 = vector.shape_cast %get3A_1673 : vector<16xi32> to vector<16xi32>
          %gt3A_1675 = arith.cmpf ogt, %abs3A_1664, %get3A_1669 : vector<16xf32>
          %select_n3A_1676 = arith.select %gt3A_1675, %abs3A_1664, %get3A_1669 : vector<16xi1>, vector<16xf32>
          %add3A_1677 = arith.constant 64 : i32
          %add3A_1678 = arith.addi %mul3A_1515, %add3A_1677 : i32
          %swap3A_1679 = arith.index_cast %add3A_1678 : i32 to index
          %swap3A_1680 = tpu.vector_load %arg8[%swap3A_1679] {strides = array<i32>} : memref<8192xf32, #tpu.memory_space<vmem>>, vector<16xf32>,
          %swap3A_1681 = vector.shape_cast %swap3A_1680 : vector<16xf32> to vector<16xf32>
          %swap3A_1682 = vector.shape_cast %select_n3A_1676 : vector<16xf32> to vector<16xf32>
          tpu.vector_store %arg8[%swap3A_1679], %swap3A_1682 {strides = array<i32>} : memref<8192xf32, #tpu.memory_space<vmem>>, vector<16xf32>,
          %select_n3A_1683 = arith.select %gt3A_1675, %broadcast_in_dim3A_1520, %get3A_1674 : vector<16xi1>, vector<16xi32>
          %add3A_1684 = arith.constant 64 : i32
          %add3A_1685 = arith.addi %mul3A_1515, %add3A_1684 : i32
          %swap3A_1686 = arith.index_cast %add3A_1685 : i32 to index
          %swap3A_1687 = tpu.vector_load %arg9[%swap3A_1686] {strides = array<i32>} : memref<8192xi32, #tpu.memory_space<vmem>>, vector<16xi32>,
          %swap3A_1688 = vector.shape_cast %swap3A_1687 : vector<16xi32> to vector<16xi32>
          %swap3A_1689 = vector.shape_cast %select_n3A_1683 : vector<16xi32> to vector<16xi32>
          tpu.vector_store %arg9[%swap3A_1686], %swap3A_1689 {strides = array<i32>} : memref<8192xi32, #tpu.memory_space<vmem>>, vector<16xi32>,
          %mul3A_1690 = arith.constant 128 : i32
          %mul3A_1691 = arith.muli %scan3A_1504, %mul3A_1690 : i32
          %add3A_1692 = arith.addi %mul3A_1067, %mul3A_1691 : i32
          %add3A_1693 = arith.constant 80 : i32
          %add3A_1694 = arith.addi %add3A_1692, %add3A_1693 : i32
          %get3A_1695 = arith.index_cast %add3A_1694 : i32 to index
          %get3A_1696 = tpu.vector_load %arg7[%get3A_1695] {strides = array<i32>} : memref<64000xf32, #tpu.memory_space<vmem>>, vector<16xf32>,
          %get3A_1697 = vector.shape_cast %get3A_1696 : vector<16xf32> to vector<16xf32>
          %abs3A_1698 = math.absf %get3A_1697 : vector<16xf32>
          %add3A_1699 = arith.constant 80 : i32
          %add3A_1700 = arith.addi %mul3A_1515, %add3A_1699 : i32
          %get3A_1701 = arith.index_cast %add3A_1700 : i32 to index
          %get3A_1702 = tpu.vector_load %arg8[%get3A_1701] {strides = array<i32>} : memref<8192xf32, #tpu.memory_space<vmem>>, vector<16xf32>,
          %get3A_1703 = vector.shape_cast %get3A_1702 : vector<16xf32> to vector<16xf32>
          %add3A_1704 = arith.constant 80 : i32
          %add3A_1705 = arith.addi %mul3A_1515, %add3A_1704 : i32
          %get3A_1706 = arith.index_cast %add3A_1705 : i32 to index
          %get3A_1707 = tpu.vector_load %arg9[%get3A_1706] {strides = array<i32>} : memref<8192xi32, #tpu.memory_space<vmem>>, vector<16xi32>,
          %get3A_1708 = vector.shape_cast %get3A_1707 : vector<16xi32> to vector<16xi32>
          %gt3A_1709 = arith.cmpf ogt, %abs3A_1698, %get3A_1703 : vector<16xf32>
          %select_n3A_1710 = arith.select %gt3A_1709, %abs3A_1698, %get3A_1703 : vector<16xi1>, vector<16xf32>
          %add3A_1711 = arith.constant 80 : i32
          %add3A_1712 = arith.addi %mul3A_1515, %add3A_1711 : i32
          %swap3A_1713 = arith.index_cast %add3A_1712 : i32 to index
          %swap3A_1714 = tpu.vector_load %arg8[%swap3A_1713] {strides = array<i32>} : memref<8192xf32, #tpu.memory_space<vmem>>, vector<16xf32>,
          %swap3A_1715 = vector.shape_cast %swap3A_1714 : vector<16xf32> to vector<16xf32>
          %swap3A_1716 = vector.shape_cast %select_n3A_1710 : vector<16xf32> to vector<16xf32>
          tpu.vector_store %arg8[%swap3A_1713], %swap3A_1716 {strides = array<i32>} : memref<8192xf32, #tpu.memory_space<vmem>>, vector<16xf32>,
          %select_n3A_1717 = arith.select %gt3A_1709, %broadcast_in_dim3A_1520, %get3A_1708 : vector<16xi1>, vector<16xi32>
          %add3A_1718 = arith.constant 80 : i32
          %add3A_1719 = arith.addi %mul3A_1515, %add3A_1718 : i32
          %swap3A_1720 = arith.index_cast %add3A_1719 : i32 to index
          %swap3A_1721 = tpu.vector_load %arg9[%swap3A_1720] {strides = array<i32>} : memref<8192xi32, #tpu.memory_space<vmem>>, vector<16xi32>,
          %swap3A_1722 = vector.shape_cast %swap3A_1721 : vector<16xi32> to vector<16xi32>
          %swap3A_1723 = vector.shape_cast %select_n3A_1717 : vector<16xi32> to vector<16xi32>
          tpu.vector_store %arg9[%swap3A_1720], %swap3A_1723 {strides = array<i32>} : memref<8192xi32, #tpu.memory_space<vmem>>, vector<16xi32>,
          %mul3A_1724 = arith.constant 128 : i32
          %mul3A_1725 = arith.muli %scan3A_1504, %mul3A_1724 : i32
          %add3A_1726 = arith.addi %mul3A_1067, %mul3A_1725 : i32
          %add3A_1727 = arith.constant 96 : i32
          %add3A_1728 = arith.addi %add3A_1726, %add3A_1727 : i32
          %get3A_1729 = arith.index_cast %add3A_1728 : i32 to index
          %get3A_1730 = tpu.vector_load %arg7[%get3A_1729] {strides = array<i32>} : memref<64000xf32, #tpu.memory_space<vmem>>, vector<16xf32>,
          %get3A_1731 = vector.shape_cast %get3A_1730 : vector<16xf32> to vector<16xf32>
          %abs3A_1732 = math.absf %get3A_1731 : vector<16xf32>
          %add3A_1733 = arith.constant 96 : i32
          %add3A_1734 = arith.addi %mul3A_1515, %add3A_1733 : i32
          %get3A_1735 = arith.index_cast %add3A_1734 : i32 to index
          %get3A_1736 = tpu.vector_load %arg8[%get3A_1735] {strides = array<i32>} : memref<8192xf32, #tpu.memory_space<vmem>>, vector<16xf32>,
          %get3A_1737 = vector.shape_cast %get3A_1736 : vector<16xf32> to vector<16xf32>
          %add3A_1738 = arith.constant 96 : i32
          %add3A_1739 = arith.addi %mul3A_1515, %add3A_1738 : i32
          %get3A_1740 = arith.index_cast %add3A_1739 : i32 to index
          %get3A_1741 = tpu.vector_load %arg9[%get3A_1740] {strides = array<i32>} : memref<8192xi32, #tpu.memory_space<vmem>>, vector<16xi32>,
          %get3A_1742 = vector.shape_cast %get3A_1741 : vector<16xi32> to vector<16xi32>
          %gt3A_1743 = arith.cmpf ogt, %abs3A_1732, %get3A_1737 : vector<16xf32>
          %select_n3A_1744 = arith.select %gt3A_1743, %abs3A_1732, %get3A_1737 : vector<16xi1>, vector<16xf32>
          %add3A_1745 = arith.constant 96 : i32
          %add3A_1746 = arith.addi %mul3A_1515, %add3A_1745 : i32
          %swap3A_1747 = arith.index_cast %add3A_1746 : i32 to index
          %swap3A_1748 = tpu.vector_load %arg8[%swap3A_1747] {strides = array<i32>} : memref<8192xf32, #tpu.memory_space<vmem>>, vector<16xf32>,
          %swap3A_1749 = vector.shape_cast %swap3A_1748 : vector<16xf32> to vector<16xf32>
          %swap3A_1750 = vector.shape_cast %select_n3A_1744 : vector<16xf32> to vector<16xf32>
          tpu.vector_store %arg8[%swap3A_1747], %swap3A_1750 {strides = array<i32>} : memref<8192xf32, #tpu.memory_space<vmem>>, vector<16xf32>,
          %select_n3A_1751 = arith.select %gt3A_1743, %broadcast_in_dim3A_1520, %get3A_1742 : vector<16xi1>, vector<16xi32>
          %add3A_1752 = arith.constant 96 : i32
          %add3A_1753 = arith.addi %mul3A_1515, %add3A_1752 : i32
          %swap3A_1754 = arith.index_cast %add3A_1753 : i32 to index
          %swap3A_1755 = tpu.vector_load %arg9[%swap3A_1754] {strides = array<i32>} : memref<8192xi32, #tpu.memory_space<vmem>>, vector<16xi32>,
          %swap3A_1756 = vector.shape_cast %swap3A_1755 : vector<16xi32> to vector<16xi32>
          %swap3A_1757 = vector.shape_cast %select_n3A_1751 : vector<16xi32> to vector<16xi32>
          tpu.vector_store %arg9[%swap3A_1754], %swap3A_1757 {strides = array<i32>} : memref<8192xi32, #tpu.memory_space<vmem>>, vector<16xi32>,
          %mul3A_1758 = arith.constant 128 : i32
          %mul3A_1759 = arith.muli %scan3A_1504, %mul3A_1758 : i32
          %add3A_1760 = arith.addi %mul3A_1067, %mul3A_1759 : i32
          %add3A_1761 = arith.constant 112 : i32
          %add3A_1762 = arith.addi %add3A_1760, %add3A_1761 : i32
          %get3A_1763 = arith.index_cast %add3A_1762 : i32 to index
          %get3A_1764 = tpu.vector_load %arg7[%get3A_1763] {strides = array<i32>} : memref<64000xf32, #tpu.memory_space<vmem>>, vector<16xf32>,
          %get3A_1765 = vector.shape_cast %get3A_1764 : vector<16xf32> to vector<16xf32>
          %abs3A_1766 = math.absf %get3A_1765 : vector<16xf32>
          %add3A_1767 = arith.constant 112 : i32
          %add3A_1768 = arith.addi %mul3A_1515, %add3A_1767 : i32
          %get3A_1769 = arith.index_cast %add3A_1768 : i32 to index
          %get3A_1770 = tpu.vector_load %arg8[%get3A_1769] {strides = array<i32>} : memref<8192xf32, #tpu.memory_space<vmem>>, vector<16xf32>,
          %get3A_1771 = vector.shape_cast %get3A_1770 : vector<16xf32> to vector<16xf32>
          %add3A_1772 = arith.constant 112 : i32
          %add3A_1773 = arith.addi %mul3A_1515, %add3A_1772 : i32
          %get3A_1774 = arith.index_cast %add3A_1773 : i32 to index
          %get3A_1775 = tpu.vector_load %arg9[%get3A_1774] {strides = array<i32>} : memref<8192xi32, #tpu.memory_space<vmem>>, vector<16xi32>,
          %get3A_1776 = vector.shape_cast %get3A_1775 : vector<16xi32> to vector<16xi32>
          %gt3A_1777 = arith.cmpf ogt, %abs3A_1766, %get3A_1771 : vector<16xf32>
          %select_n3A_1778 = arith.select %gt3A_1777, %abs3A_1766, %get3A_1771 : vector<16xi1>, vector<16xf32>
          %add3A_1779 = arith.constant 112 : i32
          %add3A_1780 = arith.addi %mul3A_1515, %add3A_1779 : i32
          %swap3A_1781 = arith.index_cast %add3A_1780 : i32 to index
          %swap3A_1782 = tpu.vector_load %arg8[%swap3A_1781] {strides = array<i32>} : memref<8192xf32, #tpu.memory_space<vmem>>, vector<16xf32>,
          %swap3A_1783 = vector.shape_cast %swap3A_1782 : vector<16xf32> to vector<16xf32>
          %swap3A_1784 = vector.shape_cast %select_n3A_1778 : vector<16xf32> to vector<16xf32>
          tpu.vector_store %arg8[%swap3A_1781], %swap3A_1784 {strides = array<i32>} : memref<8192xf32, #tpu.memory_space<vmem>>, vector<16xf32>,
          %select_n3A_1785 = arith.select %gt3A_1777, %broadcast_in_dim3A_1520, %get3A_1776 : vector<16xi1>, vector<16xi32>
          %add3A_1786 = arith.constant 112 : i32
          %add3A_1787 = arith.addi %mul3A_1515, %add3A_1786 : i32
          %swap3A_1788 = arith.index_cast %add3A_1787 : i32 to index
          %swap3A_1789 = tpu.vector_load %arg9[%swap3A_1788] {strides = array<i32>} : memref<8192xi32, #tpu.memory_space<vmem>>, vector<16xi32>,
          %swap3A_1790 = vector.shape_cast %swap3A_1789 : vector<16xi32> to vector<16xi32>
          %swap3A_1791 = vector.shape_cast %select_n3A_1785 : vector<16xi32> to vector<16xi32>
          tpu.vector_store %arg9[%swap3A_1788], %swap3A_1791 {strides = array<i32>} : memref<8192xi32, #tpu.memory_space<vmem>>, vector<16xi32>,
          %scan3A_1792 = arith.constant 0 : i32
          scf.yield %scan3A_1792 : i32
        }
        %scan3A_1354 = arith.constant 125 : i32
        %mul3A_1355 = arith.constant 128 : i32
        %mul3A_1356 = arith.muli %squeeze3A_1088, %mul3A_1355 : i32
        %add3A_1357 = arith.constant 0 : i32
        %add3A_1358 = arith.addi %mul3A_1356, %add3A_1357 : i32
        %get3A_1359 = arith.index_cast %add3A_1358 : i32 to index
        %get3A_1360 = tpu.vector_load %arg8[%get3A_1359] {strides = array<i32>} : memref<8192xf32, #tpu.memory_space<vmem>>, vector<16xf32>,
        %get3A_1361 = vector.shape_cast %get3A_1360 : vector<16xf32> to vector<16xf32>
        %swap3A_1362 = arith.constant 0 : index
        %swap3A_1363 = tpu.vector_load %arg10[%swap3A_1362] {strides = array<i32>} : memref<128xf32, #tpu.memory_space<vmem>>, vector<16xf32>,
        %swap3A_1364 = vector.shape_cast %swap3A_1363 : vector<16xf32> to vector<16xf32>
        %swap3A_1365 = vector.shape_cast %get3A_1361 : vector<16xf32> to vector<16xf32>
        tpu.vector_store %arg10[%swap3A_1362], %swap3A_1365 {strides = array<i32>} : memref<128xf32, #tpu.memory_space<vmem>>, vector<16xf32>,
        %add3A_1366 = arith.constant 0 : i32
        %add3A_1367 = arith.addi %mul3A_1356, %add3A_1366 : i32
        %get3A_1368 = arith.index_cast %add3A_1367 : i32 to index
        %get3A_1369 = tpu.vector_load %arg9[%get3A_1368] {strides = array<i32>} : memref<8192xi32, #tpu.memory_space<vmem>>, vector<16xi32>,
        %get3A_1370 = vector.shape_cast %get3A_1369 : vector<16xi32> to vector<16xi32>
        %swap3A_1371 = arith.constant 0 : index
        %swap3A_1372 = tpu.vector_load %arg11[%swap3A_1371] {strides = array<i32>} : memref<128xi32, #tpu.memory_space<vmem>>, vector<16xi32>,
        %swap3A_1373 = vector.shape_cast %swap3A_1372 : vector<16xi32> to vector<16xi32>
        %swap3A_1374 = vector.shape_cast %get3A_1370 : vector<16xi32> to vector<16xi32>
        tpu.vector_store %arg11[%swap3A_1371], %swap3A_1374 {strides = array<i32>} : memref<128xi32, #tpu.memory_space<vmem>>, vector<16xi32>,
        %add3A_1375 = arith.constant 16 : i32
        %add3A_1376 = arith.addi %mul3A_1356, %add3A_1375 : i32
        %get3A_1377 = arith.index_cast %add3A_1376 : i32 to index
        %get3A_1378 = tpu.vector_load %arg8[%get3A_1377] {strides = array<i32>} : memref<8192xf32, #tpu.memory_space<vmem>>, vector<16xf32>,
        %get3A_1379 = vector.shape_cast %get3A_1378 : vector<16xf32> to vector<16xf32>
        %swap3A_1380 = arith.constant 16 : index
        %swap3A_1381 = tpu.vector_load %arg10[%swap3A_1380] {strides = array<i32>} : memref<128xf32, #tpu.memory_space<vmem>>, vector<16xf32>,
        %swap3A_1382 = vector.shape_cast %swap3A_1381 : vector<16xf32> to vector<16xf32>
        %swap3A_1383 = vector.shape_cast %get3A_1379 : vector<16xf32> to vector<16xf32>
        tpu.vector_store %arg10[%swap3A_1380], %swap3A_1383 {strides = array<i32>} : memref<128xf32, #tpu.memory_space<vmem>>, vector<16xf32>,
        %add3A_1384 = arith.constant 16 : i32
        %add3A_1385 = arith.addi %mul3A_1356, %add3A_1384 : i32
        %get3A_1386 = arith.index_cast %add3A_1385 : i32 to index
        %get3A_1387 = tpu.vector_load %arg9[%get3A_1386] {strides = array<i32>} : memref<8192xi32, #tpu.memory_space<vmem>>, vector<16xi32>,
        %get3A_1388 = vector.shape_cast %get3A_1387 : vector<16xi32> to vector<16xi32>
        %swap3A_1389 = arith.constant 16 : index
        %swap3A_1390 = tpu.vector_load %arg11[%swap3A_1389] {strides = array<i32>} : memref<128xi32, #tpu.memory_space<vmem>>, vector<16xi32>,
        %swap3A_1391 = vector.shape_cast %swap3A_1390 : vector<16xi32> to vector<16xi32>
        %swap3A_1392 = vector.shape_cast %get3A_1388 : vector<16xi32> to vector<16xi32>
        tpu.vector_store %arg11[%swap3A_1389], %swap3A_1392 {strides = array<i32>} : memref<128xi32, #tpu.memory_space<vmem>>, vector<16xi32>,
        %add3A_1393 = arith.constant 32 : i32
        %add3A_1394 = arith.addi %mul3A_1356, %add3A_1393 : i32
        %get3A_1395 = arith.index_cast %add3A_1394 : i32 to index
        %get3A_1396 = tpu.vector_load %arg8[%get3A_1395] {strides = array<i32>} : memref<8192xf32, #tpu.memory_space<vmem>>, vector<16xf32>,
        %get3A_1397 = vector.shape_cast %get3A_1396 : vector<16xf32> to vector<16xf32>
        %swap3A_1398 = arith.constant 32 : index
        %swap3A_1399 = tpu.vector_load %arg10[%swap3A_1398] {strides = array<i32>} : memref<128xf32, #tpu.memory_space<vmem>>, vector<16xf32>,
        %swap3A_1400 = vector.shape_cast %swap3A_1399 : vector<16xf32> to vector<16xf32>
        %swap3A_1401 = vector.shape_cast %get3A_1397 : vector<16xf32> to vector<16xf32>
        tpu.vector_store %arg10[%swap3A_1398], %swap3A_1401 {strides = array<i32>} : memref<128xf32, #tpu.memory_space<vmem>>, vector<16xf32>,
        %add3A_1402 = arith.constant 32 : i32
        %add3A_1403 = arith.addi %mul3A_1356, %add3A_1402 : i32
        %get3A_1404 = arith.index_cast %add3A_1403 : i32 to index
        %get3A_1405 = tpu.vector_load %arg9[%get3A_1404] {strides = array<i32>} : memref<8192xi32, #tpu.memory_space<vmem>>, vector<16xi32>,
        %get3A_1406 = vector.shape_cast %get3A_1405 : vector<16xi32> to vector<16xi32>
        %swap3A_1407 = arith.constant 32 : index
        %swap3A_1408 = tpu.vector_load %arg11[%swap3A_1407] {strides = array<i32>} : memref<128xi32, #tpu.memory_space<vmem>>, vector<16xi32>,
        %swap3A_1409 = vector.shape_cast %swap3A_1408 : vector<16xi32> to vector<16xi32>
        %swap3A_1410 = vector.shape_cast %get3A_1406 : vector<16xi32> to vector<16xi32>
        tpu.vector_store %arg11[%swap3A_1407], %swap3A_1410 {strides = array<i32>} : memref<128xi32, #tpu.memory_space<vmem>>, vector<16xi32>,
        %add3A_1411 = arith.constant 48 : i32
        %add3A_1412 = arith.addi %mul3A_1356, %add3A_1411 : i32
        %get3A_1413 = arith.index_cast %add3A_1412 : i32 to index
        %get3A_1414 = tpu.vector_load %arg8[%get3A_1413] {strides = array<i32>} : memref<8192xf32, #tpu.memory_space<vmem>>, vector<16xf32>,
        %get3A_1415 = vector.shape_cast %get3A_1414 : vector<16xf32> to vector<16xf32>
        %swap3A_1416 = arith.constant 48 : index
        %swap3A_1417 = tpu.vector_load %arg10[%swap3A_1416] {strides = array<i32>} : memref<128xf32, #tpu.memory_space<vmem>>, vector<16xf32>,
        %swap3A_1418 = vector.shape_cast %swap3A_1417 : vector<16xf32> to vector<16xf32>
        %swap3A_1419 = vector.shape_cast %get3A_1415 : vector<16xf32> to vector<16xf32>
        tpu.vector_store %arg10[%swap3A_1416], %swap3A_1419 {strides = array<i32>} : memref<128xf32, #tpu.memory_space<vmem>>, vector<16xf32>,
        %add3A_1420 = arith.constant 48 : i32
        %add3A_1421 = arith.addi %mul3A_1356, %add3A_1420 : i32
        %get3A_1422 = arith.index_cast %add3A_1421 : i32 to index
        %get3A_1423 = tpu.vector_load %arg9[%get3A_1422] {strides = array<i32>} : memref<8192xi32, #tpu.memory_space<vmem>>, vector<16xi32>,
        %get3A_1424 = vector.shape_cast %get3A_1423 : vector<16xi32> to vector<16xi32>
        %swap3A_1425 = arith.constant 48 : index
        %swap3A_1426 = tpu.vector_load %arg11[%swap3A_1425] {strides = array<i32>} : memref<128xi32, #tpu.memory_space<vmem>>, vector<16xi32>,
        %swap3A_1427 = vector.shape_cast %swap3A_1426 : vector<16xi32> to vector<16xi32>
        %swap3A_1428 = vector.shape_cast %get3A_1424 : vector<16xi32> to vector<16xi32>
        tpu.vector_store %arg11[%swap3A_1425], %swap3A_1428 {strides = array<i32>} : memref<128xi32, #tpu.memory_space<vmem>>, vector<16xi32>,
        %add3A_1429 = arith.constant 64 : i32
        %add3A_1430 = arith.addi %mul3A_1356, %add3A_1429 : i32
        %get3A_1431 = arith.index_cast %add3A_1430 : i32 to index
        %get3A_1432 = tpu.vector_load %arg8[%get3A_1431] {strides = array<i32>} : memref<8192xf32, #tpu.memory_space<vmem>>, vector<16xf32>,
        %get3A_1433 = vector.shape_cast %get3A_1432 : vector<16xf32> to vector<16xf32>
        %swap3A_1434 = arith.constant 64 : index
        %swap3A_1435 = tpu.vector_load %arg10[%swap3A_1434] {strides = array<i32>} : memref<128xf32, #tpu.memory_space<vmem>>, vector<16xf32>,
        %swap3A_1436 = vector.shape_cast %swap3A_1435 : vector<16xf32> to vector<16xf32>
        %swap3A_1437 = vector.shape_cast %get3A_1433 : vector<16xf32> to vector<16xf32>
        tpu.vector_store %arg10[%swap3A_1434], %swap3A_1437 {strides = array<i32>} : memref<128xf32, #tpu.memory_space<vmem>>, vector<16xf32>,
        %add3A_1438 = arith.constant 64 : i32
        %add3A_1439 = arith.addi %mul3A_1356, %add3A_1438 : i32
        %get3A_1440 = arith.index_cast %add3A_1439 : i32 to index
        %get3A_1441 = tpu.vector_load %arg9[%get3A_1440] {strides = array<i32>} : memref<8192xi32, #tpu.memory_space<vmem>>, vector<16xi32>,
        %get3A_1442 = vector.shape_cast %get3A_1441 : vector<16xi32> to vector<16xi32>
        %swap3A_1443 = arith.constant 64 : index
        %swap3A_1444 = tpu.vector_load %arg11[%swap3A_1443] {strides = array<i32>} : memref<128xi32, #tpu.memory_space<vmem>>, vector<16xi32>,
        %swap3A_1445 = vector.shape_cast %swap3A_1444 : vector<16xi32> to vector<16xi32>
        %swap3A_1446 = vector.shape_cast %get3A_1442 : vector<16xi32> to vector<16xi32>
        tpu.vector_store %arg11[%swap3A_1443], %swap3A_1446 {strides = array<i32>} : memref<128xi32, #tpu.memory_space<vmem>>, vector<16xi32>,
        %add3A_1447 = arith.constant 80 : i32
        %add3A_1448 = arith.addi %mul3A_1356, %add3A_1447 : i32
        %get3A_1449 = arith.index_cast %add3A_1448 : i32 to index
        %get3A_1450 = tpu.vector_load %arg8[%get3A_1449] {strides = array<i32>} : memref<8192xf32, #tpu.memory_space<vmem>>, vector<16xf32>,
        %get3A_1451 = vector.shape_cast %get3A_1450 : vector<16xf32> to vector<16xf32>
        %swap3A_1452 = arith.constant 80 : index
        %swap3A_1453 = tpu.vector_load %arg10[%swap3A_1452] {strides = array<i32>} : memref<128xf32, #tpu.memory_space<vmem>>, vector<16xf32>,
        %swap3A_1454 = vector.shape_cast %swap3A_1453 : vector<16xf32> to vector<16xf32>
        %swap3A_1455 = vector.shape_cast %get3A_1451 : vector<16xf32> to vector<16xf32>
        tpu.vector_store %arg10[%swap3A_1452], %swap3A_1455 {strides = array<i32>} : memref<128xf32, #tpu.memory_space<vmem>>, vector<16xf32>,
        %add3A_1456 = arith.constant 80 : i32
        %add3A_1457 = arith.addi %mul3A_1356, %add3A_1456 : i32
        %get3A_1458 = arith.index_cast %add3A_1457 : i32 to index
        %get3A_1459 = tpu.vector_load %arg9[%get3A_1458] {strides = array<i32>} : memref<8192xi32, #tpu.memory_space<vmem>>, vector<16xi32>,
        %get3A_1460 = vector.shape_cast %get3A_1459 : vector<16xi32> to vector<16xi32>
        %swap3A_1461 = arith.constant 80 : index
        %swap3A_1462 = tpu.vector_load %arg11[%swap3A_1461] {strides = array<i32>} : memref<128xi32, #tpu.memory_space<vmem>>, vector<16xi32>,
        %swap3A_1463 = vector.shape_cast %swap3A_1462 : vector<16xi32> to vector<16xi32>
        %swap3A_1464 = vector.shape_cast %get3A_1460 : vector<16xi32> to vector<16xi32>
        tpu.vector_store %arg11[%swap3A_1461], %swap3A_1464 {strides = array<i32>} : memref<128xi32, #tpu.memory_space<vmem>>, vector<16xi32>,
        %add3A_1465 = arith.constant 96 : i32
        %add3A_1466 = arith.addi %mul3A_1356, %add3A_1465 : i32
        %get3A_1467 = arith.index_cast %add3A_1466 : i32 to index
        %get3A_1468 = tpu.vector_load %arg8[%get3A_1467] {strides = array<i32>} : memref<8192xf32, #tpu.memory_space<vmem>>, vector<16xf32>,
        %get3A_1469 = vector.shape_cast %get3A_1468 : vector<16xf32> to vector<16xf32>
        %swap3A_1470 = arith.constant 96 : index
        %swap3A_1471 = tpu.vector_load %arg10[%swap3A_1470] {strides = array<i32>} : memref<128xf32, #tpu.memory_space<vmem>>, vector<16xf32>,
        %swap3A_1472 = vector.shape_cast %swap3A_1471 : vector<16xf32> to vector<16xf32>
        %swap3A_1473 = vector.shape_cast %get3A_1469 : vector<16xf32> to vector<16xf32>
        tpu.vector_store %arg10[%swap3A_1470], %swap3A_1473 {strides = array<i32>} : memref<128xf32, #tpu.memory_space<vmem>>, vector<16xf32>,
        %add3A_1474 = arith.constant 96 : i32
        %add3A_1475 = arith.addi %mul3A_1356, %add3A_1474 : i32
        %get3A_1476 = arith.index_cast %add3A_1475 : i32 to index
        %get3A_1477 = tpu.vector_load %arg9[%get3A_1476] {strides = array<i32>} : memref<8192xi32, #tpu.memory_space<vmem>>, vector<16xi32>,
        %get3A_1478 = vector.shape_cast %get3A_1477 : vector<16xi32> to vector<16xi32>
        %swap3A_1479 = arith.constant 96 : index
        %swap3A_1480 = tpu.vector_load %arg11[%swap3A_1479] {strides = array<i32>} : memref<128xi32, #tpu.memory_space<vmem>>, vector<16xi32>,
        %swap3A_1481 = vector.shape_cast %swap3A_1480 : vector<16xi32> to vector<16xi32>
        %swap3A_1482 = vector.shape_cast %get3A_1478 : vector<16xi32> to vector<16xi32>
        tpu.vector_store %arg11[%swap3A_1479], %swap3A_1482 {strides = array<i32>} : memref<128xi32, #tpu.memory_space<vmem>>, vector<16xi32>,
        %add3A_1483 = arith.constant 112 : i32
        %add3A_1484 = arith.addi %mul3A_1356, %add3A_1483 : i32
        %get3A_1485 = arith.index_cast %add3A_1484 : i32 to index
        %get3A_1486 = tpu.vector_load %arg8[%get3A_1485] {strides = array<i32>} : memref<8192xf32, #tpu.memory_space<vmem>>, vector<16xf32>,
        %get3A_1487 = vector.shape_cast %get3A_1486 : vector<16xf32> to vector<16xf32>
        %swap3A_1488 = arith.constant 112 : index
        %swap3A_1489 = tpu.vector_load %arg10[%swap3A_1488] {strides = array<i32>} : memref<128xf32, #tpu.memory_space<vmem>>, vector<16xf32>,
        %swap3A_1490 = vector.shape_cast %swap3A_1489 : vector<16xf32> to vector<16xf32>
        %swap3A_1491 = vector.shape_cast %get3A_1487 : vector<16xf32> to vector<16xf32>
        tpu.vector_store %arg10[%swap3A_1488], %swap3A_1491 {strides = array<i32>} : memref<128xf32, #tpu.memory_space<vmem>>, vector<16xf32>,
        %add3A_1492 = arith.constant 112 : i32
        %add3A_1493 = arith.addi %mul3A_1356, %add3A_1492 : i32
        %get3A_1494 = arith.index_cast %add3A_1493 : i32 to index
        %get3A_1495 = tpu.vector_load %arg9[%get3A_1494] {strides = array<i32>} : memref<8192xi32, #tpu.memory_space<vmem>>, vector<16xi32>,
        %get3A_1496 = vector.shape_cast %get3A_1495 : vector<16xi32> to vector<16xi32>
        %swap3A_1497 = arith.constant 112 : index
        %swap3A_1498 = tpu.vector_load %arg11[%swap3A_1497] {strides = array<i32>} : memref<128xi32, #tpu.memory_space<vmem>>, vector<16xi32>,
        %swap3A_1499 = vector.shape_cast %swap3A_1498 : vector<16xi32> to vector<16xi32>
        %swap3A_1500 = vector.shape_cast %get3A_1496 : vector<16xi32> to vector<16xi32>
        tpu.vector_store %arg11[%swap3A_1497], %swap3A_1500 {strides = array<i32>} : memref<128xi32, #tpu.memory_space<vmem>>, vector<16xi32>,
        %swap3A_1501 = arith.constant 0 : i32
        %swap3A_1502 = arith.index_cast %swap3A_1501 : i32 to index
        %swap3A_1503 = memref.load %arg12[%swap3A_1502] : memref<1xi32, #tpu.memory_space<smem>>
        memref.store %squeeze3A_1088, %arg12[%swap3A_1502] : memref<1xi32, #tpu.memory_space<smem>>
      } else {
      }
      %scan3A_1097 = arith.constant 0 : i32
      scf.yield %scan3A_1097 : i32
    }
    %scan3A_153 = arith.constant 25 : i32
    %get3A_154 = arith.constant 0 : i32
    %get3A_155 = arith.index_cast %get3A_154 : i32 to index
    %get3A_156 = memref.load %arg12[%get3A_155] : memref<1xi32, #tpu.memory_space<smem>>
    %get3A_157 = arith.constant 0 : index
    %get3A_158 = tpu.vector_load %arg10[%get3A_157] {strides = array<i32>} : memref<128xf32, #tpu.memory_space<vmem>>, vector<16xf32>,
    %get3A_159 = vector.shape_cast %get3A_158 : vector<16xf32> to vector<16xf32>
    %get3A_160 = arith.constant 16 : index
    %get3A_161 = tpu.vector_load %arg10[%get3A_160] {strides = array<i32>} : memref<128xf32, #tpu.memory_space<vmem>>, vector<16xf32>,
    %get3A_162 = vector.shape_cast %get3A_161 : vector<16xf32> to vector<16xf32>
    %get3A_163 = arith.constant 32 : index
    %get3A_164 = tpu.vector_load %arg10[%get3A_163] {strides = array<i32>} : memref<128xf32, #tpu.memory_space<vmem>>, vector<16xf32>,
    %get3A_165 = vector.shape_cast %get3A_164 : vector<16xf32> to vector<16xf32>
    %get3A_166 = arith.constant 48 : index
    %get3A_167 = tpu.vector_load %arg10[%get3A_166] {strides = array<i32>} : memref<128xf32, #tpu.memory_space<vmem>>, vector<16xf32>,
    %get3A_168 = vector.shape_cast %get3A_167 : vector<16xf32> to vector<16xf32>
    %get3A_169 = arith.constant 64 : index
    %get3A_170 = tpu.vector_load %arg10[%get3A_169] {strides = array<i32>} : memref<128xf32, #tpu.memory_space<vmem>>, vector<16xf32>,
    %get3A_171 = vector.shape_cast %get3A_170 : vector<16xf32> to vector<16xf32>
    %get3A_172 = arith.constant 80 : index
    %get3A_173 = tpu.vector_load %arg10[%get3A_172] {strides = array<i32>} : memref<128xf32, #tpu.memory_space<vmem>>, vector<16xf32>,
    %get3A_174 = vector.shape_cast %get3A_173 : vector<16xf32> to vector<16xf32>
    %get3A_175 = arith.constant 96 : index
    %get3A_176 = tpu.vector_load %arg10[%get3A_175] {strides = array<i32>} : memref<128xf32, #tpu.memory_space<vmem>>, vector<16xf32>,
    %get3A_177 = vector.shape_cast %get3A_176 : vector<16xf32> to vector<16xf32>
    %get3A_178 = arith.constant 112 : index
    %get3A_179 = tpu.vector_load %arg10[%get3A_178] {strides = array<i32>} : memref<128xf32, #tpu.memory_space<vmem>>, vector<16xf32>,
    %get3A_180 = vector.shape_cast %get3A_179 : vector<16xf32> to vector<16xf32>
    %get3A_181 = arith.constant 0 : index
    %get3A_182 = tpu.vector_load %arg11[%get3A_181] {strides = array<i32>} : memref<128xi32, #tpu.memory_space<vmem>>, vector<16xi32>,
    %get3A_183 = vector.shape_cast %get3A_182 : vector<16xi32> to vector<16xi32>
    %get3A_184 = arith.constant 16 : index
    %get3A_185 = tpu.vector_load %arg11[%get3A_184] {strides = array<i32>} : memref<128xi32, #tpu.memory_space<vmem>>, vector<16xi32>,
    %get3A_186 = vector.shape_cast %get3A_185 : vector<16xi32> to vector<16xi32>
    %get3A_187 = arith.constant 32 : index
    %get3A_188 = tpu.vector_load %arg11[%get3A_187] {strides = array<i32>} : memref<128xi32, #tpu.memory_space<vmem>>, vector<16xi32>,
    %get3A_189 = vector.shape_cast %get3A_188 : vector<16xi32> to vector<16xi32>
    %get3A_190 = arith.constant 48 : index
    %get3A_191 = tpu.vector_load %arg11[%get3A_190] {strides = array<i32>} : memref<128xi32, #tpu.memory_space<vmem>>, vector<16xi32>,
    %get3A_192 = vector.shape_cast %get3A_191 : vector<16xi32> to vector<16xi32>
    %get3A_193 = arith.constant 64 : index
    %get3A_194 = tpu.vector_load %arg11[%get3A_193] {strides = array<i32>} : memref<128xi32, #tpu.memory_space<vmem>>, vector<16xi32>,
    %get3A_195 = vector.shape_cast %get3A_194 : vector<16xi32> to vector<16xi32>
    %get3A_196 = arith.constant 80 : index
    %get3A_197 = tpu.vector_load %arg11[%get3A_196] {strides = array<i32>} : memref<128xi32, #tpu.memory_space<vmem>>, vector<16xi32>,
    %get3A_198 = vector.shape_cast %get3A_197 : vector<16xi32> to vector<16xi32>
    %get3A_199 = arith.constant 96 : index
    %get3A_200 = tpu.vector_load %arg11[%get3A_199] {strides = array<i32>} : memref<128xi32, #tpu.memory_space<vmem>>, vector<16xi32>,
    %get3A_201 = vector.shape_cast %get3A_200 : vector<16xi32> to vector<16xi32>
    %get3A_202 = arith.constant 112 : index
    %get3A_203 = tpu.vector_load %arg11[%get3A_202] {strides = array<i32>} : memref<128xi32, #tpu.memory_space<vmem>>, vector<16xi32>,
    %get3A_204 = vector.shape_cast %get3A_203 : vector<16xi32> to vector<16xi32>
    %mul3A_205 = arith.constant 128 : i32
    %mul3A_206 = arith.muli %get3A_156, %mul3A_205 : i32
    %add3A_207 = arith.constant 0 : i32
    %add3A_208 = arith.addi %mul3A_206, %add3A_207 : i32
    %get3A_209 = arith.index_cast %add3A_208 : i32 to index
    %get3A_210 = tpu.vector_load %arg8[%get3A_209] {strides = array<i32>} : memref<8192xf32, #tpu.memory_space<vmem>>, vector<16xf32>,
    %get3A_211 = vector.shape_cast %get3A_210 : vector<16xf32> to vector<16xf32>
    %add3A_212 = arith.constant 0 : i32
    %add3A_213 = arith.addi %mul3A_206, %add3A_212 : i32
    %get3A_214 = arith.index_cast %add3A_213 : i32 to index
    %get3A_215 = tpu.vector_load %arg9[%get3A_214] {strides = array<i32>} : memref<8192xi32, #tpu.memory_space<vmem>>, vector<16xi32>,
    %get3A_216 = vector.shape_cast %get3A_215 : vector<16xi32> to vector<16xi32>
    %gt3A = arith.cmpf ogt, %get3A_159, %get3A_211 : vector<16xf32>
    %select_n3A = arith.select %gt3A, %get3A_159, %get3A_211 : vector<16xi1>, vector<16xf32>
    %add3A_217 = arith.constant 0 : i32
    %add3A_218 = arith.addi %mul3A_206, %add3A_217 : i32
    %swap3A_219 = arith.index_cast %add3A_218 : i32 to index
    %swap3A_220 = tpu.vector_load %arg8[%swap3A_219] {strides = array<i32>} : memref<8192xf32, #tpu.memory_space<vmem>>, vector<16xf32>,
    %swap3A_221 = vector.shape_cast %swap3A_220 : vector<16xf32> to vector<16xf32>
    %swap3A_222 = vector.shape_cast %select_n3A : vector<16xf32> to vector<16xf32>
    tpu.vector_store %arg8[%swap3A_219], %swap3A_222 {strides = array<i32>} : memref<8192xf32, #tpu.memory_space<vmem>>, vector<16xf32>,
    %select_n3A_223 = arith.select %gt3A, %get3A_183, %get3A_216 : vector<16xi1>, vector<16xi32>
    %add3A_224 = arith.constant 0 : i32
    %add3A_225 = arith.addi %mul3A_206, %add3A_224 : i32
    %swap3A_226 = arith.index_cast %add3A_225 : i32 to index
    %swap3A_227 = tpu.vector_load %arg9[%swap3A_226] {strides = array<i32>} : memref<8192xi32, #tpu.memory_space<vmem>>, vector<16xi32>,
    %swap3A_228 = vector.shape_cast %swap3A_227 : vector<16xi32> to vector<16xi32>
    %swap3A_229 = vector.shape_cast %select_n3A_223 : vector<16xi32> to vector<16xi32>
    tpu.vector_store %arg9[%swap3A_226], %swap3A_229 {strides = array<i32>} : memref<8192xi32, #tpu.memory_space<vmem>>, vector<16xi32>,
    %add3A_230 = arith.constant 16 : i32
    %add3A_231 = arith.addi %mul3A_206, %add3A_230 : i32
    %get3A_232 = arith.index_cast %add3A_231 : i32 to index
    %get3A_233 = tpu.vector_load %arg8[%get3A_232] {strides = array<i32>} : memref<8192xf32, #tpu.memory_space<vmem>>, vector<16xf32>,
    %get3A_234 = vector.shape_cast %get3A_233 : vector<16xf32> to vector<16xf32>
    %add3A_235 = arith.constant 16 : i32
    %add3A_236 = arith.addi %mul3A_206, %add3A_235 : i32
    %get3A_237 = arith.index_cast %add3A_236 : i32 to index
    %get3A_238 = tpu.vector_load %arg9[%get3A_237] {strides = array<i32>} : memref<8192xi32, #tpu.memory_space<vmem>>, vector<16xi32>,
    %get3A_239 = vector.shape_cast %get3A_238 : vector<16xi32> to vector<16xi32>
    %gt3A_240 = arith.cmpf ogt, %get3A_162, %get3A_234 : vector<16xf32>
    %select_n3A_241 = arith.select %gt3A_240, %get3A_162, %get3A_234 : vector<16xi1>, vector<16xf32>
    %add3A_242 = arith.constant 16 : i32
    %add3A_243 = arith.addi %mul3A_206, %add3A_242 : i32
    %swap3A_244 = arith.index_cast %add3A_243 : i32 to index
    %swap3A_245 = tpu.vector_load %arg8[%swap3A_244] {strides = array<i32>} : memref<8192xf32, #tpu.memory_space<vmem>>, vector<16xf32>,
    %swap3A_246 = vector.shape_cast %swap3A_245 : vector<16xf32> to vector<16xf32>
    %swap3A_247 = vector.shape_cast %select_n3A_241 : vector<16xf32> to vector<16xf32>
    tpu.vector_store %arg8[%swap3A_244], %swap3A_247 {strides = array<i32>} : memref<8192xf32, #tpu.memory_space<vmem>>, vector<16xf32>,
    %select_n3A_248 = arith.select %gt3A_240, %get3A_186, %get3A_239 : vector<16xi1>, vector<16xi32>
    %add3A_249 = arith.constant 16 : i32
    %add3A_250 = arith.addi %mul3A_206, %add3A_249 : i32
    %swap3A_251 = arith.index_cast %add3A_250 : i32 to index
    %swap3A_252 = tpu.vector_load %arg9[%swap3A_251] {strides = array<i32>} : memref<8192xi32, #tpu.memory_space<vmem>>, vector<16xi32>,
    %swap3A_253 = vector.shape_cast %swap3A_252 : vector<16xi32> to vector<16xi32>
    %swap3A_254 = vector.shape_cast %select_n3A_248 : vector<16xi32> to vector<16xi32>
    tpu.vector_store %arg9[%swap3A_251], %swap3A_254 {strides = array<i32>} : memref<8192xi32, #tpu.memory_space<vmem>>, vector<16xi32>,
    %add3A_255 = arith.constant 32 : i32
    %add3A_256 = arith.addi %mul3A_206, %add3A_255 : i32
    %get3A_257 = arith.index_cast %add3A_256 : i32 to index
    %get3A_258 = tpu.vector_load %arg8[%get3A_257] {strides = array<i32>} : memref<8192xf32, #tpu.memory_space<vmem>>, vector<16xf32>,
    %get3A_259 = vector.shape_cast %get3A_258 : vector<16xf32> to vector<16xf32>
    %add3A_260 = arith.constant 32 : i32
    %add3A_261 = arith.addi %mul3A_206, %add3A_260 : i32
    %get3A_262 = arith.index_cast %add3A_261 : i32 to index
    %get3A_263 = tpu.vector_load %arg9[%get3A_262] {strides = array<i32>} : memref<8192xi32, #tpu.memory_space<vmem>>, vector<16xi32>,
    %get3A_264 = vector.shape_cast %get3A_263 : vector<16xi32> to vector<16xi32>
    %gt3A_265 = arith.cmpf ogt, %get3A_165, %get3A_259 : vector<16xf32>
    %select_n3A_266 = arith.select %gt3A_265, %get3A_165, %get3A_259 : vector<16xi1>, vector<16xf32>
    %add3A_267 = arith.constant 32 : i32
    %add3A_268 = arith.addi %mul3A_206, %add3A_267 : i32
    %swap3A_269 = arith.index_cast %add3A_268 : i32 to index
    %swap3A_270 = tpu.vector_load %arg8[%swap3A_269] {strides = array<i32>} : memref<8192xf32, #tpu.memory_space<vmem>>, vector<16xf32>,
    %swap3A_271 = vector.shape_cast %swap3A_270 : vector<16xf32> to vector<16xf32>
    %swap3A_272 = vector.shape_cast %select_n3A_266 : vector<16xf32> to vector<16xf32>
    tpu.vector_store %arg8[%swap3A_269], %swap3A_272 {strides = array<i32>} : memref<8192xf32, #tpu.memory_space<vmem>>, vector<16xf32>,
    %select_n3A_273 = arith.select %gt3A_265, %get3A_189, %get3A_264 : vector<16xi1>, vector<16xi32>
    %add3A_274 = arith.constant 32 : i32
    %add3A_275 = arith.addi %mul3A_206, %add3A_274 : i32
    %swap3A_276 = arith.index_cast %add3A_275 : i32 to index
    %swap3A_277 = tpu.vector_load %arg9[%swap3A_276] {strides = array<i32>} : memref<8192xi32, #tpu.memory_space<vmem>>, vector<16xi32>,
    %swap3A_278 = vector.shape_cast %swap3A_277 : vector<16xi32> to vector<16xi32>
    %swap3A_279 = vector.shape_cast %select_n3A_273 : vector<16xi32> to vector<16xi32>
    tpu.vector_store %arg9[%swap3A_276], %swap3A_279 {strides = array<i32>} : memref<8192xi32, #tpu.memory_space<vmem>>, vector<16xi32>,
    %add3A_280 = arith.constant 48 : i32
    %add3A_281 = arith.addi %mul3A_206, %add3A_280 : i32
    %get3A_282 = arith.index_cast %add3A_281 : i32 to index
    %get3A_283 = tpu.vector_load %arg8[%get3A_282] {strides = array<i32>} : memref<8192xf32, #tpu.memory_space<vmem>>, vector<16xf32>,
    %get3A_284 = vector.shape_cast %get3A_283 : vector<16xf32> to vector<16xf32>
    %add3A_285 = arith.constant 48 : i32
    %add3A_286 = arith.addi %mul3A_206, %add3A_285 : i32
    %get3A_287 = arith.index_cast %add3A_286 : i32 to index
    %get3A_288 = tpu.vector_load %arg9[%get3A_287] {strides = array<i32>} : memref<8192xi32, #tpu.memory_space<vmem>>, vector<16xi32>,
    %get3A_289 = vector.shape_cast %get3A_288 : vector<16xi32> to vector<16xi32>
    %gt3A_290 = arith.cmpf ogt, %get3A_168, %get3A_284 : vector<16xf32>
    %select_n3A_291 = arith.select %gt3A_290, %get3A_168, %get3A_284 : vector<16xi1>, vector<16xf32>
    %add3A_292 = arith.constant 48 : i32
    %add3A_293 = arith.addi %mul3A_206, %add3A_292 : i32
    %swap3A_294 = arith.index_cast %add3A_293 : i32 to index
    %swap3A_295 = tpu.vector_load %arg8[%swap3A_294] {strides = array<i32>} : memref<8192xf32, #tpu.memory_space<vmem>>, vector<16xf32>,
    %swap3A_296 = vector.shape_cast %swap3A_295 : vector<16xf32> to vector<16xf32>
    %swap3A_297 = vector.shape_cast %select_n3A_291 : vector<16xf32> to vector<16xf32>
    tpu.vector_store %arg8[%swap3A_294], %swap3A_297 {strides = array<i32>} : memref<8192xf32, #tpu.memory_space<vmem>>, vector<16xf32>,
    %select_n3A_298 = arith.select %gt3A_290, %get3A_192, %get3A_289 : vector<16xi1>, vector<16xi32>
    %add3A_299 = arith.constant 48 : i32
    %add3A_300 = arith.addi %mul3A_206, %add3A_299 : i32
    %swap3A_301 = arith.index_cast %add3A_300 : i32 to index
    %swap3A_302 = tpu.vector_load %arg9[%swap3A_301] {strides = array<i32>} : memref<8192xi32, #tpu.memory_space<vmem>>, vector<16xi32>,
    %swap3A_303 = vector.shape_cast %swap3A_302 : vector<16xi32> to vector<16xi32>
    %swap3A_304 = vector.shape_cast %select_n3A_298 : vector<16xi32> to vector<16xi32>
    tpu.vector_store %arg9[%swap3A_301], %swap3A_304 {strides = array<i32>} : memref<8192xi32, #tpu.memory_space<vmem>>, vector<16xi32>,
    %add3A_305 = arith.constant 64 : i32
    %add3A_306 = arith.addi %mul3A_206, %add3A_305 : i32
    %get3A_307 = arith.index_cast %add3A_306 : i32 to index
    %get3A_308 = tpu.vector_load %arg8[%get3A_307] {strides = array<i32>} : memref<8192xf32, #tpu.memory_space<vmem>>, vector<16xf32>,
    %get3A_309 = vector.shape_cast %get3A_308 : vector<16xf32> to vector<16xf32>
    %add3A_310 = arith.constant 64 : i32
    %add3A_311 = arith.addi %mul3A_206, %add3A_310 : i32
    %get3A_312 = arith.index_cast %add3A_311 : i32 to index
    %get3A_313 = tpu.vector_load %arg9[%get3A_312] {strides = array<i32>} : memref<8192xi32, #tpu.memory_space<vmem>>, vector<16xi32>,
    %get3A_314 = vector.shape_cast %get3A_313 : vector<16xi32> to vector<16xi32>
    %gt3A_315 = arith.cmpf ogt, %get3A_171, %get3A_309 : vector<16xf32>
    %select_n3A_316 = arith.select %gt3A_315, %get3A_171, %get3A_309 : vector<16xi1>, vector<16xf32>
    %add3A_317 = arith.constant 64 : i32
    %add3A_318 = arith.addi %mul3A_206, %add3A_317 : i32
    %swap3A_319 = arith.index_cast %add3A_318 : i32 to index
    %swap3A_320 = tpu.vector_load %arg8[%swap3A_319] {strides = array<i32>} : memref<8192xf32, #tpu.memory_space<vmem>>, vector<16xf32>,
    %swap3A_321 = vector.shape_cast %swap3A_320 : vector<16xf32> to vector<16xf32>
    %swap3A_322 = vector.shape_cast %select_n3A_316 : vector<16xf32> to vector<16xf32>
    tpu.vector_store %arg8[%swap3A_319], %swap3A_322 {strides = array<i32>} : memref<8192xf32, #tpu.memory_space<vmem>>, vector<16xf32>,
    %select_n3A_323 = arith.select %gt3A_315, %get3A_195, %get3A_314 : vector<16xi1>, vector<16xi32>
    %add3A_324 = arith.constant 64 : i32
    %add3A_325 = arith.addi %mul3A_206, %add3A_324 : i32
    %swap3A_326 = arith.index_cast %add3A_325 : i32 to index
    %swap3A_327 = tpu.vector_load %arg9[%swap3A_326] {strides = array<i32>} : memref<8192xi32, #tpu.memory_space<vmem>>, vector<16xi32>,
    %swap3A_328 = vector.shape_cast %swap3A_327 : vector<16xi32> to vector<16xi32>
    %swap3A_329 = vector.shape_cast %select_n3A_323 : vector<16xi32> to vector<16xi32>
    tpu.vector_store %arg9[%swap3A_326], %swap3A_329 {strides = array<i32>} : memref<8192xi32, #tpu.memory_space<vmem>>, vector<16xi32>,
    %add3A_330 = arith.constant 80 : i32
    %add3A_331 = arith.addi %mul3A_206, %add3A_330 : i32
    %get3A_332 = arith.index_cast %add3A_331 : i32 to index
    %get3A_333 = tpu.vector_load %arg8[%get3A_332] {strides = array<i32>} : memref<8192xf32, #tpu.memory_space<vmem>>, vector<16xf32>,
    %get3A_334 = vector.shape_cast %get3A_333 : vector<16xf32> to vector<16xf32>
    %add3A_335 = arith.constant 80 : i32
    %add3A_336 = arith.addi %mul3A_206, %add3A_335 : i32
    %get3A_337 = arith.index_cast %add3A_336 : i32 to index
    %get3A_338 = tpu.vector_load %arg9[%get3A_337] {strides = array<i32>} : memref<8192xi32, #tpu.memory_space<vmem>>, vector<16xi32>,
    %get3A_339 = vector.shape_cast %get3A_338 : vector<16xi32> to vector<16xi32>
    %gt3A_340 = arith.cmpf ogt, %get3A_174, %get3A_334 : vector<16xf32>
    %select_n3A_341 = arith.select %gt3A_340, %get3A_174, %get3A_334 : vector<16xi1>, vector<16xf32>
    %add3A_342 = arith.constant 80 : i32
    %add3A_343 = arith.addi %mul3A_206, %add3A_342 : i32
    %swap3A_344 = arith.index_cast %add3A_343 : i32 to index
    %swap3A_345 = tpu.vector_load %arg8[%swap3A_344] {strides = array<i32>} : memref<8192xf32, #tpu.memory_space<vmem>>, vector<16xf32>,
    %swap3A_346 = vector.shape_cast %swap3A_345 : vector<16xf32> to vector<16xf32>
    %swap3A_347 = vector.shape_cast %select_n3A_341 : vector<16xf32> to vector<16xf32>
    tpu.vector_store %arg8[%swap3A_344], %swap3A_347 {strides = array<i32>} : memref<8192xf32, #tpu.memory_space<vmem>>, vector<16xf32>,
    %select_n3A_348 = arith.select %gt3A_340, %get3A_198, %get3A_339 : vector<16xi1>, vector<16xi32>
    %add3A_349 = arith.constant 80 : i32
    %add3A_350 = arith.addi %mul3A_206, %add3A_349 : i32
    %swap3A_351 = arith.index_cast %add3A_350 : i32 to index
    %swap3A_352 = tpu.vector_load %arg9[%swap3A_351] {strides = array<i32>} : memref<8192xi32, #tpu.memory_space<vmem>>, vector<16xi32>,
    %swap3A_353 = vector.shape_cast %swap3A_352 : vector<16xi32> to vector<16xi32>
    %swap3A_354 = vector.shape_cast %select_n3A_348 : vector<16xi32> to vector<16xi32>
    tpu.vector_store %arg9[%swap3A_351], %swap3A_354 {strides = array<i32>} : memref<8192xi32, #tpu.memory_space<vmem>>, vector<16xi32>,
    %add3A_355 = arith.constant 96 : i32
    %add3A_356 = arith.addi %mul3A_206, %add3A_355 : i32
    %get3A_357 = arith.index_cast %add3A_356 : i32 to index
    %get3A_358 = tpu.vector_load %arg8[%get3A_357] {strides = array<i32>} : memref<8192xf32, #tpu.memory_space<vmem>>, vector<16xf32>,
    %get3A_359 = vector.shape_cast %get3A_358 : vector<16xf32> to vector<16xf32>
    %add3A_360 = arith.constant 96 : i32
    %add3A_361 = arith.addi %mul3A_206, %add3A_360 : i32
    %get3A_362 = arith.index_cast %add3A_361 : i32 to index
    %get3A_363 = tpu.vector_load %arg9[%get3A_362] {strides = array<i32>} : memref<8192xi32, #tpu.memory_space<vmem>>, vector<16xi32>,
    %get3A_364 = vector.shape_cast %get3A_363 : vector<16xi32> to vector<16xi32>
    %gt3A_365 = arith.cmpf ogt, %get3A_177, %get3A_359 : vector<16xf32>
    %select_n3A_366 = arith.select %gt3A_365, %get3A_177, %get3A_359 : vector<16xi1>, vector<16xf32>
    %add3A_367 = arith.constant 96 : i32
    %add3A_368 = arith.addi %mul3A_206, %add3A_367 : i32
    %swap3A_369 = arith.index_cast %add3A_368 : i32 to index
    %swap3A_370 = tpu.vector_load %arg8[%swap3A_369] {strides = array<i32>} : memref<8192xf32, #tpu.memory_space<vmem>>, vector<16xf32>,
    %swap3A_371 = vector.shape_cast %swap3A_370 : vector<16xf32> to vector<16xf32>
    %swap3A_372 = vector.shape_cast %select_n3A_366 : vector<16xf32> to vector<16xf32>
    tpu.vector_store %arg8[%swap3A_369], %swap3A_372 {strides = array<i32>} : memref<8192xf32, #tpu.memory_space<vmem>>, vector<16xf32>,
    %select_n3A_373 = arith.select %gt3A_365, %get3A_201, %get3A_364 : vector<16xi1>, vector<16xi32>
    %add3A_374 = arith.constant 96 : i32
    %add3A_375 = arith.addi %mul3A_206, %add3A_374 : i32
    %swap3A_376 = arith.index_cast %add3A_375 : i32 to index
    %swap3A_377 = tpu.vector_load %arg9[%swap3A_376] {strides = array<i32>} : memref<8192xi32, #tpu.memory_space<vmem>>, vector<16xi32>,
    %swap3A_378 = vector.shape_cast %swap3A_377 : vector<16xi32> to vector<16xi32>
    %swap3A_379 = vector.shape_cast %select_n3A_373 : vector<16xi32> to vector<16xi32>
    tpu.vector_store %arg9[%swap3A_376], %swap3A_379 {strides = array<i32>} : memref<8192xi32, #tpu.memory_space<vmem>>, vector<16xi32>,
    %add3A_380 = arith.constant 112 : i32
    %add3A_381 = arith.addi %mul3A_206, %add3A_380 : i32
    %get3A_382 = arith.index_cast %add3A_381 : i32 to index
    %get3A_383 = tpu.vector_load %arg8[%get3A_382] {strides = array<i32>} : memref<8192xf32, #tpu.memory_space<vmem>>, vector<16xf32>,
    %get3A_384 = vector.shape_cast %get3A_383 : vector<16xf32> to vector<16xf32>
    %add3A_385 = arith.constant 112 : i32
    %add3A_386 = arith.addi %mul3A_206, %add3A_385 : i32
    %get3A_387 = arith.index_cast %add3A_386 : i32 to index
    %get3A_388 = tpu.vector_load %arg9[%get3A_387] {strides = array<i32>} : memref<8192xi32, #tpu.memory_space<vmem>>, vector<16xi32>,
    %get3A_389 = vector.shape_cast %get3A_388 : vector<16xi32> to vector<16xi32>
    %gt3A_390 = arith.cmpf ogt, %get3A_180, %get3A_384 : vector<16xf32>
    %select_n3A_391 = arith.select %gt3A_390, %get3A_180, %get3A_384 : vector<16xi1>, vector<16xf32>
    %add3A_392 = arith.constant 112 : i32
    %add3A_393 = arith.addi %mul3A_206, %add3A_392 : i32
    %swap3A_394 = arith.index_cast %add3A_393 : i32 to index
    %swap3A_395 = tpu.vector_load %arg8[%swap3A_394] {strides = array<i32>} : memref<8192xf32, #tpu.memory_space<vmem>>, vector<16xf32>,
    %swap3A_396 = vector.shape_cast %swap3A_395 : vector<16xf32> to vector<16xf32>
    %swap3A_397 = vector.shape_cast %select_n3A_391 : vector<16xf32> to vector<16xf32>
    tpu.vector_store %arg8[%swap3A_394], %swap3A_397 {strides = array<i32>} : memref<8192xf32, #tpu.memory_space<vmem>>, vector<16xf32>,
    %select_n3A_398 = arith.select %gt3A_390, %get3A_204, %get3A_389 : vector<16xi1>, vector<16xi32>
    %add3A_399 = arith.constant 112 : i32
    %add3A_400 = arith.addi %mul3A_206, %add3A_399 : i32
    %swap3A_401 = arith.index_cast %add3A_400 : i32 to index
    %swap3A_402 = tpu.vector_load %arg9[%swap3A_401] {strides = array<i32>} : memref<8192xi32, #tpu.memory_space<vmem>>, vector<16xi32>,
    %swap3A_403 = vector.shape_cast %swap3A_402 : vector<16xi32> to vector<16xi32>
    %swap3A_404 = vector.shape_cast %select_n3A_398 : vector<16xi32> to vector<16xi32>
    tpu.vector_store %arg9[%swap3A_401], %swap3A_404 {strides = array<i32>} : memref<8192xi32, #tpu.memory_space<vmem>>, vector<16xi32>,
    %mul3A_405 = arith.constant 512 : i32
    %mul3A_406 = arith.muli %add3A, %mul3A_405 : i32
    %add3A_407 = arith.constant 0 : i32
    %add3A_408 = arith.addi %add3A_407, %mul3A_406 : i32
    %dma_start3A_409 = arith.constant 0 : i32
    %dma_start3A_410 = tpu.memref_slice %arg8[%dma_start3A_409] : memref<8192xf32, #tpu.memory_space<vmem>> -> memref<512xf32, #tpu.memory_space<vmem>>
    %dma_start3A_411 = tpu.memref_slice %arg4[%add3A_408] : memref<262144xf32, #tpu.memory_space<hbm>> -> memref<512xf32, #tpu.memory_space<hbm>>
    %dma_start3A_412 = tpu.memref_slice %arg4[%add3A_408] : memref<262144xf32, #tpu.memory_space<hbm>> -> memref<512xf32, #tpu.memory_space<hbm>>
    %dma_start3A_413 = arith.constant 0 : i32
    %dma_start3A_414 = tpu.memref_slice %arg8[%dma_start3A_413] : memref<8192xf32, #tpu.memory_space<vmem>> -> memref<512xf32, #tpu.memory_space<vmem>>
    tpu.enqueue_dma source(%dma_start3A_414 : memref<512xf32, #tpu.memory_space<vmem>>) target(%dma_start3A_412 : memref<512xf32, #tpu.memory_space<hbm>>) target_semaphore(%arg13 : memref<!tpu.dma_semaphore, #tpu.memory_space<semaphore_mem>>)
    %mul3A_415 = arith.constant 512 : i32
    %mul3A_416 = arith.muli %add3A, %mul3A_415 : i32
    %add3A_417 = arith.constant 0 : i32
    %add3A_418 = arith.addi %add3A_417, %mul3A_416 : i32
    %dma_start3A_419 = arith.constant 0 : i32
    %dma_start3A_420 = tpu.memref_slice %arg9[%dma_start3A_419] : memref<8192xi32, #tpu.memory_space<vmem>> -> memref<512xi32, #tpu.memory_space<vmem>>
    %dma_start3A_421 = tpu.memref_slice %arg5[%add3A_418] : memref<262144xi32, #tpu.memory_space<hbm>> -> memref<512xi32, #tpu.memory_space<hbm>>
    %dma_start3A_422 = tpu.memref_slice %arg5[%add3A_418] : memref<262144xi32, #tpu.memory_space<hbm>> -> memref<512xi32, #tpu.memory_space<hbm>>
    %dma_start3A_423 = arith.constant 0 : i32
    %dma_start3A_424 = tpu.memref_slice %arg9[%dma_start3A_423] : memref<8192xi32, #tpu.memory_space<vmem>> -> memref<512xi32, #tpu.memory_space<vmem>>
    tpu.enqueue_dma source(%dma_start3A_424 : memref<512xi32, #tpu.memory_space<vmem>>) target(%dma_start3A_422 : memref<512xi32, #tpu.memory_space<hbm>>) target_semaphore(%arg13 : memref<!tpu.dma_semaphore, #tpu.memory_space<semaphore_mem>>)
    %mul3A_425 = arith.constant 512 : i32
    %mul3A_426 = arith.muli %add3A, %mul3A_425 : i32
    %add3A_427 = arith.constant 16384 : i32
    %add3A_428 = arith.addi %add3A_427, %mul3A_426 : i32
    %dma_start3A_429 = arith.constant 512 : i32
    %dma_start3A_430 = tpu.memref_slice %arg8[%dma_start3A_429] : memref<8192xf32, #tpu.memory_space<vmem>> -> memref<512xf32, #tpu.memory_space<vmem>>
    %dma_start3A_431 = tpu.memref_slice %arg4[%add3A_428] : memref<262144xf32, #tpu.memory_space<hbm>> -> memref<512xf32, #tpu.memory_space<hbm>>
    %dma_start3A_432 = tpu.memref_slice %arg4[%add3A_428] : memref<262144xf32, #tpu.memory_space<hbm>> -> memref<512xf32, #tpu.memory_space<hbm>>
    %dma_start3A_433 = arith.constant 512 : i32
    %dma_start3A_434 = tpu.memref_slice %arg8[%dma_start3A_433] : memref<8192xf32, #tpu.memory_space<vmem>> -> memref<512xf32, #tpu.memory_space<vmem>>
    tpu.enqueue_dma source(%dma_start3A_434 : memref<512xf32, #tpu.memory_space<vmem>>) target(%dma_start3A_432 : memref<512xf32, #tpu.memory_space<hbm>>) target_semaphore(%arg13 : memref<!tpu.dma_semaphore, #tpu.memory_space<semaphore_mem>>)
    %mul3A_435 = arith.constant 512 : i32
    %mul3A_436 = arith.muli %add3A, %mul3A_435 : i32
    %add3A_437 = arith.constant 16384 : i32
    %add3A_438 = arith.addi %add3A_437, %mul3A_436 : i32
    %dma_start3A_439 = arith.constant 512 : i32
    %dma_start3A_440 = tpu.memref_slice %arg9[%dma_start3A_439] : memref<8192xi32, #tpu.memory_space<vmem>> -> memref<512xi32, #tpu.memory_space<vmem>>
    %dma_start3A_441 = tpu.memref_slice %arg5[%add3A_438] : memref<262144xi32, #tpu.memory_space<hbm>> -> memref<512xi32, #tpu.memory_space<hbm>>
    %dma_start3A_442 = tpu.memref_slice %arg5[%add3A_438] : memref<262144xi32, #tpu.memory_space<hbm>> -> memref<512xi32, #tpu.memory_space<hbm>>
    %dma_start3A_443 = arith.constant 512 : i32
    %dma_start3A_444 = tpu.memref_slice %arg9[%dma_start3A_443] : memref<8192xi32, #tpu.memory_space<vmem>> -> memref<512xi32, #tpu.memory_space<vmem>>
    tpu.enqueue_dma source(%dma_start3A_444 : memref<512xi32, #tpu.memory_space<vmem>>) target(%dma_start3A_442 : memref<512xi32, #tpu.memory_space<hbm>>) target_semaphore(%arg13 : memref<!tpu.dma_semaphore, #tpu.memory_space<semaphore_mem>>)
    %mul3A_445 = arith.constant 512 : i32
    %mul3A_446 = arith.muli %add3A, %mul3A_445 : i32
    %add3A_447 = arith.constant 32768 : i32
    %add3A_448 = arith.addi %add3A_447, %mul3A_446 : i32
    %dma_start3A_449 = arith.constant 1024 : i32
    %dma_start3A_450 = tpu.memref_slice %arg8[%dma_start3A_449] : memref<8192xf32, #tpu.memory_space<vmem>> -> memref<512xf32, #tpu.memory_space<vmem>>
    %dma_start3A_451 = tpu.memref_slice %arg4[%add3A_448] : memref<262144xf32, #tpu.memory_space<hbm>> -> memref<512xf32, #tpu.memory_space<hbm>>
    %dma_start3A_452 = tpu.memref_slice %arg4[%add3A_448] : memref<262144xf32, #tpu.memory_space<hbm>> -> memref<512xf32, #tpu.memory_space<hbm>>
    %dma_start3A_453 = arith.constant 1024 : i32
    %dma_start3A_454 = tpu.memref_slice %arg8[%dma_start3A_453] : memref<8192xf32, #tpu.memory_space<vmem>> -> memref<512xf32, #tpu.memory_space<vmem>>
    tpu.enqueue_dma source(%dma_start3A_454 : memref<512xf32, #tpu.memory_space<vmem>>) target(%dma_start3A_452 : memref<512xf32, #tpu.memory_space<hbm>>) target_semaphore(%arg13 : memref<!tpu.dma_semaphore, #tpu.memory_space<semaphore_mem>>)
    %mul3A_455 = arith.constant 512 : i32
    %mul3A_456 = arith.muli %add3A, %mul3A_455 : i32
    %add3A_457 = arith.constant 32768 : i32
    %add3A_458 = arith.addi %add3A_457, %mul3A_456 : i32
    %dma_start3A_459 = arith.constant 1024 : i32
    %dma_start3A_460 = tpu.memref_slice %arg9[%dma_start3A_459] : memref<8192xi32, #tpu.memory_space<vmem>> -> memref<512xi32, #tpu.memory_space<vmem>>
    %dma_start3A_461 = tpu.memref_slice %arg5[%add3A_458] : memref<262144xi32, #tpu.memory_space<hbm>> -> memref<512xi32, #tpu.memory_space<hbm>>
    %dma_start3A_462 = tpu.memref_slice %arg5[%add3A_458] : memref<262144xi32, #tpu.memory_space<hbm>> -> memref<512xi32, #tpu.memory_space<hbm>>
    %dma_start3A_463 = arith.constant 1024 : i32
    %dma_start3A_464 = tpu.memref_slice %arg9[%dma_start3A_463] : memref<8192xi32, #tpu.memory_space<vmem>> -> memref<512xi32, #tpu.memory_space<vmem>>
    tpu.enqueue_dma source(%dma_start3A_464 : memref<512xi32, #tpu.memory_space<vmem>>) target(%dma_start3A_462 : memref<512xi32, #tpu.memory_space<hbm>>) target_semaphore(%arg13 : memref<!tpu.dma_semaphore, #tpu.memory_space<semaphore_mem>>)
    %mul3A_465 = arith.constant 512 : i32
    %mul3A_466 = arith.muli %add3A, %mul3A_465 : i32
    %add3A_467 = arith.constant 49152 : i32
    %add3A_468 = arith.addi %add3A_467, %mul3A_466 : i32
    %dma_start3A_469 = arith.constant 1536 : i32
    %dma_start3A_470 = tpu.memref_slice %arg8[%dma_start3A_469] : memref<8192xf32, #tpu.memory_space<vmem>> -> memref<512xf32, #tpu.memory_space<vmem>>
    %dma_start3A_471 = tpu.memref_slice %arg4[%add3A_468] : memref<262144xf32, #tpu.memory_space<hbm>> -> memref<512xf32, #tpu.memory_space<hbm>>
    %dma_start3A_472 = tpu.memref_slice %arg4[%add3A_468] : memref<262144xf32, #tpu.memory_space<hbm>> -> memref<512xf32, #tpu.memory_space<hbm>>
    %dma_start3A_473 = arith.constant 1536 : i32
    %dma_start3A_474 = tpu.memref_slice %arg8[%dma_start3A_473] : memref<8192xf32, #tpu.memory_space<vmem>> -> memref<512xf32, #tpu.memory_space<vmem>>
    tpu.enqueue_dma source(%dma_start3A_474 : memref<512xf32, #tpu.memory_space<vmem>>) target(%dma_start3A_472 : memref<512xf32, #tpu.memory_space<hbm>>) target_semaphore(%arg13 : memref<!tpu.dma_semaphore, #tpu.memory_space<semaphore_mem>>)
    %mul3A_475 = arith.constant 512 : i32
    %mul3A_476 = arith.muli %add3A, %mul3A_475 : i32
    %add3A_477 = arith.constant 49152 : i32
    %add3A_478 = arith.addi %add3A_477, %mul3A_476 : i32
    %dma_start3A_479 = arith.constant 1536 : i32
    %dma_start3A_480 = tpu.memref_slice %arg9[%dma_start3A_479] : memref<8192xi32, #tpu.memory_space<vmem>> -> memref<512xi32, #tpu.memory_space<vmem>>
    %dma_start3A_481 = tpu.memref_slice %arg5[%add3A_478] : memref<262144xi32, #tpu.memory_space<hbm>> -> memref<512xi32, #tpu.memory_space<hbm>>
    %dma_start3A_482 = tpu.memref_slice %arg5[%add3A_478] : memref<262144xi32, #tpu.memory_space<hbm>> -> memref<512xi32, #tpu.memory_space<hbm>>
    %dma_start3A_483 = arith.constant 1536 : i32
    %dma_start3A_484 = tpu.memref_slice %arg9[%dma_start3A_483] : memref<8192xi32, #tpu.memory_space<vmem>> -> memref<512xi32, #tpu.memory_space<vmem>>
    tpu.enqueue_dma source(%dma_start3A_484 : memref<512xi32, #tpu.memory_space<vmem>>) target(%dma_start3A_482 : memref<512xi32, #tpu.memory_space<hbm>>) target_semaphore(%arg13 : memref<!tpu.dma_semaphore, #tpu.memory_space<semaphore_mem>>)
    %mul3A_485 = arith.constant 512 : i32
    %mul3A_486 = arith.muli %add3A, %mul3A_485 : i32
    %add3A_487 = arith.constant 65536 : i32
    %add3A_488 = arith.addi %add3A_487, %mul3A_486 : i32
    %dma_start3A_489 = arith.constant 2048 : i32
    %dma_start3A_490 = tpu.memref_slice %arg8[%dma_start3A_489] : memref<8192xf32, #tpu.memory_space<vmem>> -> memref<512xf32, #tpu.memory_space<vmem>>
    %dma_start3A_491 = tpu.memref_slice %arg4[%add3A_488] : memref<262144xf32, #tpu.memory_space<hbm>> -> memref<512xf32, #tpu.memory_space<hbm>>
    %dma_start3A_492 = tpu.memref_slice %arg4[%add3A_488] : memref<262144xf32, #tpu.memory_space<hbm>> -> memref<512xf32, #tpu.memory_space<hbm>>
    %dma_start3A_493 = arith.constant 2048 : i32
    %dma_start3A_494 = tpu.memref_slice %arg8[%dma_start3A_493] : memref<8192xf32, #tpu.memory_space<vmem>> -> memref<512xf32, #tpu.memory_space<vmem>>
    tpu.enqueue_dma source(%dma_start3A_494 : memref<512xf32, #tpu.memory_space<vmem>>) target(%dma_start3A_492 : memref<512xf32, #tpu.memory_space<hbm>>) target_semaphore(%arg13 : memref<!tpu.dma_semaphore, #tpu.memory_space<semaphore_mem>>)
    %mul3A_495 = arith.constant 512 : i32
    %mul3A_496 = arith.muli %add3A, %mul3A_495 : i32
    %add3A_497 = arith.constant 65536 : i32
    %add3A_498 = arith.addi %add3A_497, %mul3A_496 : i32
    %dma_start3A_499 = arith.constant 2048 : i32
    %dma_start3A_500 = tpu.memref_slice %arg9[%dma_start3A_499] : memref<8192xi32, #tpu.memory_space<vmem>> -> memref<512xi32, #tpu.memory_space<vmem>>
    %dma_start3A_501 = tpu.memref_slice %arg5[%add3A_498] : memref<262144xi32, #tpu.memory_space<hbm>> -> memref<512xi32, #tpu.memory_space<hbm>>
    %dma_start3A_502 = tpu.memref_slice %arg5[%add3A_498] : memref<262144xi32, #tpu.memory_space<hbm>> -> memref<512xi32, #tpu.memory_space<hbm>>
    %dma_start3A_503 = arith.constant 2048 : i32
    %dma_start3A_504 = tpu.memref_slice %arg9[%dma_start3A_503] : memref<8192xi32, #tpu.memory_space<vmem>> -> memref<512xi32, #tpu.memory_space<vmem>>
    tpu.enqueue_dma source(%dma_start3A_504 : memref<512xi32, #tpu.memory_space<vmem>>) target(%dma_start3A_502 : memref<512xi32, #tpu.memory_space<hbm>>) target_semaphore(%arg13 : memref<!tpu.dma_semaphore, #tpu.memory_space<semaphore_mem>>)
    %mul3A_505 = arith.constant 512 : i32
    %mul3A_506 = arith.muli %add3A, %mul3A_505 : i32
    %add3A_507 = arith.constant 81920 : i32
    %add3A_508 = arith.addi %add3A_507, %mul3A_506 : i32
    %dma_start3A_509 = arith.constant 2560 : i32
    %dma_start3A_510 = tpu.memref_slice %arg8[%dma_start3A_509] : memref<8192xf32, #tpu.memory_space<vmem>> -> memref<512xf32, #tpu.memory_space<vmem>>
    %dma_start3A_511 = tpu.memref_slice %arg4[%add3A_508] : memref<262144xf32, #tpu.memory_space<hbm>> -> memref<512xf32, #tpu.memory_space<hbm>>
    %dma_start3A_512 = tpu.memref_slice %arg4[%add3A_508] : memref<262144xf32, #tpu.memory_space<hbm>> -> memref<512xf32, #tpu.memory_space<hbm>>
    %dma_start3A_513 = arith.constant 2560 : i32
    %dma_start3A_514 = tpu.memref_slice %arg8[%dma_start3A_513] : memref<8192xf32, #tpu.memory_space<vmem>> -> memref<512xf32, #tpu.memory_space<vmem>>
    tpu.enqueue_dma source(%dma_start3A_514 : memref<512xf32, #tpu.memory_space<vmem>>) target(%dma_start3A_512 : memref<512xf32, #tpu.memory_space<hbm>>) target_semaphore(%arg13 : memref<!tpu.dma_semaphore, #tpu.memory_space<semaphore_mem>>)
    %mul3A_515 = arith.constant 512 : i32
    %mul3A_516 = arith.muli %add3A, %mul3A_515 : i32
    %add3A_517 = arith.constant 81920 : i32
    %add3A_518 = arith.addi %add3A_517, %mul3A_516 : i32
    %dma_start3A_519 = arith.constant 2560 : i32
    %dma_start3A_520 = tpu.memref_slice %arg9[%dma_start3A_519] : memref<8192xi32, #tpu.memory_space<vmem>> -> memref<512xi32, #tpu.memory_space<vmem>>
    %dma_start3A_521 = tpu.memref_slice %arg5[%add3A_518] : memref<262144xi32, #tpu.memory_space<hbm>> -> memref<512xi32, #tpu.memory_space<hbm>>
    %dma_start3A_522 = tpu.memref_slice %arg5[%add3A_518] : memref<262144xi32, #tpu.memory_space<hbm>> -> memref<512xi32, #tpu.memory_space<hbm>>
    %dma_start3A_523 = arith.constant 2560 : i32
    %dma_start3A_524 = tpu.memref_slice %arg9[%dma_start3A_523] : memref<8192xi32, #tpu.memory_space<vmem>> -> memref<512xi32, #tpu.memory_space<vmem>>
    tpu.enqueue_dma source(%dma_start3A_524 : memref<512xi32, #tpu.memory_space<vmem>>) target(%dma_start3A_522 : memref<512xi32, #tpu.memory_space<hbm>>) target_semaphore(%arg13 : memref<!tpu.dma_semaphore, #tpu.memory_space<semaphore_mem>>)
    %mul3A_525 = arith.constant 512 : i32
    %mul3A_526 = arith.muli %add3A, %mul3A_525 : i32
    %add3A_527 = arith.constant 98304 : i32
    %add3A_528 = arith.addi %add3A_527, %mul3A_526 : i32
    %dma_start3A_529 = arith.constant 3072 : i32
    %dma_start3A_530 = tpu.memref_slice %arg8[%dma_start3A_529] : memref<8192xf32, #tpu.memory_space<vmem>> -> memref<512xf32, #tpu.memory_space<vmem>>
    %dma_start3A_531 = tpu.memref_slice %arg4[%add3A_528] : memref<262144xf32, #tpu.memory_space<hbm>> -> memref<512xf32, #tpu.memory_space<hbm>>
    %dma_start3A_532 = tpu.memref_slice %arg4[%add3A_528] : memref<262144xf32, #tpu.memory_space<hbm>> -> memref<512xf32, #tpu.memory_space<hbm>>
    %dma_start3A_533 = arith.constant 3072 : i32
    %dma_start3A_534 = tpu.memref_slice %arg8[%dma_start3A_533] : memref<8192xf32, #tpu.memory_space<vmem>> -> memref<512xf32, #tpu.memory_space<vmem>>
    tpu.enqueue_dma source(%dma_start3A_534 : memref<512xf32, #tpu.memory_space<vmem>>) target(%dma_start3A_532 : memref<512xf32, #tpu.memory_space<hbm>>) target_semaphore(%arg13 : memref<!tpu.dma_semaphore, #tpu.memory_space<semaphore_mem>>)
    %mul3A_535 = arith.constant 512 : i32
    %mul3A_536 = arith.muli %add3A, %mul3A_535 : i32
    %add3A_537 = arith.constant 98304 : i32
    %add3A_538 = arith.addi %add3A_537, %mul3A_536 : i32
    %dma_start3A_539 = arith.constant 3072 : i32
    %dma_start3A_540 = tpu.memref_slice %arg9[%dma_start3A_539] : memref<8192xi32, #tpu.memory_space<vmem>> -> memref<512xi32, #tpu.memory_space<vmem>>
    %dma_start3A_541 = tpu.memref_slice %arg5[%add3A_538] : memref<262144xi32, #tpu.memory_space<hbm>> -> memref<512xi32, #tpu.memory_space<hbm>>
    %dma_start3A_542 = tpu.memref_slice %arg5[%add3A_538] : memref<262144xi32, #tpu.memory_space<hbm>> -> memref<512xi32, #tpu.memory_space<hbm>>
    %dma_start3A_543 = arith.constant 3072 : i32
    %dma_start3A_544 = tpu.memref_slice %arg9[%dma_start3A_543] : memref<8192xi32, #tpu.memory_space<vmem>> -> memref<512xi32, #tpu.memory_space<vmem>>
    tpu.enqueue_dma source(%dma_start3A_544 : memref<512xi32, #tpu.memory_space<vmem>>) target(%dma_start3A_542 : memref<512xi32, #tpu.memory_space<hbm>>) target_semaphore(%arg13 : memref<!tpu.dma_semaphore, #tpu.memory_space<semaphore_mem>>)
    %mul3A_545 = arith.constant 512 : i32
    %mul3A_546 = arith.muli %add3A, %mul3A_545 : i32
    %add3A_547 = arith.constant 114688 : i32
    %add3A_548 = arith.addi %add3A_547, %mul3A_546 : i32
    %dma_start3A_549 = arith.constant 3584 : i32
    %dma_start3A_550 = tpu.memref_slice %arg8[%dma_start3A_549] : memref<8192xf32, #tpu.memory_space<vmem>> -> memref<512xf32, #tpu.memory_space<vmem>>
    %dma_start3A_551 = tpu.memref_slice %arg4[%add3A_548] : memref<262144xf32, #tpu.memory_space<hbm>> -> memref<512xf32, #tpu.memory_space<hbm>>
    %dma_start3A_552 = tpu.memref_slice %arg4[%add3A_548] : memref<262144xf32, #tpu.memory_space<hbm>> -> memref<512xf32, #tpu.memory_space<hbm>>
    %dma_start3A_553 = arith.constant 3584 : i32
    %dma_start3A_554 = tpu.memref_slice %arg8[%dma_start3A_553] : memref<8192xf32, #tpu.memory_space<vmem>> -> memref<512xf32, #tpu.memory_space<vmem>>
    tpu.enqueue_dma source(%dma_start3A_554 : memref<512xf32, #tpu.memory_space<vmem>>) target(%dma_start3A_552 : memref<512xf32, #tpu.memory_space<hbm>>) target_semaphore(%arg13 : memref<!tpu.dma_semaphore, #tpu.memory_space<semaphore_mem>>)
    %mul3A_555 = arith.constant 512 : i32
    %mul3A_556 = arith.muli %add3A, %mul3A_555 : i32
    %add3A_557 = arith.constant 114688 : i32
    %add3A_558 = arith.addi %add3A_557, %mul3A_556 : i32
    %dma_start3A_559 = arith.constant 3584 : i32
    %dma_start3A_560 = tpu.memref_slice %arg9[%dma_start3A_559] : memref<8192xi32, #tpu.memory_space<vmem>> -> memref<512xi32, #tpu.memory_space<vmem>>
    %dma_start3A_561 = tpu.memref_slice %arg5[%add3A_558] : memref<262144xi32, #tpu.memory_space<hbm>> -> memref<512xi32, #tpu.memory_space<hbm>>
    %dma_start3A_562 = tpu.memref_slice %arg5[%add3A_558] : memref<262144xi32, #tpu.memory_space<hbm>> -> memref<512xi32, #tpu.memory_space<hbm>>
    %dma_start3A_563 = arith.constant 3584 : i32
    %dma_start3A_564 = tpu.memref_slice %arg9[%dma_start3A_563] : memref<8192xi32, #tpu.memory_space<vmem>> -> memref<512xi32, #tpu.memory_space<vmem>>
    tpu.enqueue_dma source(%dma_start3A_564 : memref<512xi32, #tpu.memory_space<vmem>>) target(%dma_start3A_562 : memref<512xi32, #tpu.memory_space<hbm>>) target_semaphore(%arg13 : memref<!tpu.dma_semaphore, #tpu.memory_space<semaphore_mem>>)
    %mul3A_565 = arith.constant 512 : i32
    %mul3A_566 = arith.muli %add3A, %mul3A_565 : i32
    %add3A_567 = arith.constant 131072 : i32
    %add3A_568 = arith.addi %add3A_567, %mul3A_566 : i32
    %dma_start3A_569 = arith.constant 4096 : i32
    %dma_start3A_570 = tpu.memref_slice %arg8[%dma_start3A_569] : memref<8192xf32, #tpu.memory_space<vmem>> -> memref<512xf32, #tpu.memory_space<vmem>>
    %dma_start3A_571 = tpu.memref_slice %arg4[%add3A_568] : memref<262144xf32, #tpu.memory_space<hbm>> -> memref<512xf32, #tpu.memory_space<hbm>>
    %dma_start3A_572 = tpu.memref_slice %arg4[%add3A_568] : memref<262144xf32, #tpu.memory_space<hbm>> -> memref<512xf32, #tpu.memory_space<hbm>>
    %dma_start3A_573 = arith.constant 4096 : i32
    %dma_start3A_574 = tpu.memref_slice %arg8[%dma_start3A_573] : memref<8192xf32, #tpu.memory_space<vmem>> -> memref<512xf32, #tpu.memory_space<vmem>>
    tpu.enqueue_dma source(%dma_start3A_574 : memref<512xf32, #tpu.memory_space<vmem>>) target(%dma_start3A_572 : memref<512xf32, #tpu.memory_space<hbm>>) target_semaphore(%arg13 : memref<!tpu.dma_semaphore, #tpu.memory_space<semaphore_mem>>)
    %mul3A_575 = arith.constant 512 : i32
    %mul3A_576 = arith.muli %add3A, %mul3A_575 : i32
    %add3A_577 = arith.constant 131072 : i32
    %add3A_578 = arith.addi %add3A_577, %mul3A_576 : i32
    %dma_start3A_579 = arith.constant 4096 : i32
    %dma_start3A_580 = tpu.memref_slice %arg9[%dma_start3A_579] : memref<8192xi32, #tpu.memory_space<vmem>> -> memref<512xi32, #tpu.memory_space<vmem>>
    %dma_start3A_581 = tpu.memref_slice %arg5[%add3A_578] : memref<262144xi32, #tpu.memory_space<hbm>> -> memref<512xi32, #tpu.memory_space<hbm>>
    %dma_start3A_582 = tpu.memref_slice %arg5[%add3A_578] : memref<262144xi32, #tpu.memory_space<hbm>> -> memref<512xi32, #tpu.memory_space<hbm>>
    %dma_start3A_583 = arith.constant 4096 : i32
    %dma_start3A_584 = tpu.memref_slice %arg9[%dma_start3A_583] : memref<8192xi32, #tpu.memory_space<vmem>> -> memref<512xi32, #tpu.memory_space<vmem>>
    tpu.enqueue_dma source(%dma_start3A_584 : memref<512xi32, #tpu.memory_space<vmem>>) target(%dma_start3A_582 : memref<512xi32, #tpu.memory_space<hbm>>) target_semaphore(%arg13 : memref<!tpu.dma_semaphore, #tpu.memory_space<semaphore_mem>>)
    %mul3A_585 = arith.constant 512 : i32
    %mul3A_586 = arith.muli %add3A, %mul3A_585 : i32
    %add3A_587 = arith.constant 147456 : i32
    %add3A_588 = arith.addi %add3A_587, %mul3A_586 : i32
    %dma_start3A_589 = arith.constant 4608 : i32
    %dma_start3A_590 = tpu.memref_slice %arg8[%dma_start3A_589] : memref<8192xf32, #tpu.memory_space<vmem>> -> memref<512xf32, #tpu.memory_space<vmem>>
    %dma_start3A_591 = tpu.memref_slice %arg4[%add3A_588] : memref<262144xf32, #tpu.memory_space<hbm>> -> memref<512xf32, #tpu.memory_space<hbm>>
    %dma_start3A_592 = tpu.memref_slice %arg4[%add3A_588] : memref<262144xf32, #tpu.memory_space<hbm>> -> memref<512xf32, #tpu.memory_space<hbm>>
    %dma_start3A_593 = arith.constant 4608 : i32
    %dma_start3A_594 = tpu.memref_slice %arg8[%dma_start3A_593] : memref<8192xf32, #tpu.memory_space<vmem>> -> memref<512xf32, #tpu.memory_space<vmem>>
    tpu.enqueue_dma source(%dma_start3A_594 : memref<512xf32, #tpu.memory_space<vmem>>) target(%dma_start3A_592 : memref<512xf32, #tpu.memory_space<hbm>>) target_semaphore(%arg13 : memref<!tpu.dma_semaphore, #tpu.memory_space<semaphore_mem>>)
    %mul3A_595 = arith.constant 512 : i32
    %mul3A_596 = arith.muli %add3A, %mul3A_595 : i32
    %add3A_597 = arith.constant 147456 : i32
    %add3A_598 = arith.addi %add3A_597, %mul3A_596 : i32
    %dma_start3A_599 = arith.constant 4608 : i32
    %dma_start3A_600 = tpu.memref_slice %arg9[%dma_start3A_599] : memref<8192xi32, #tpu.memory_space<vmem>> -> memref<512xi32, #tpu.memory_space<vmem>>
    %dma_start3A_601 = tpu.memref_slice %arg5[%add3A_598] : memref<262144xi32, #tpu.memory_space<hbm>> -> memref<512xi32, #tpu.memory_space<hbm>>
    %dma_start3A_602 = tpu.memref_slice %arg5[%add3A_598] : memref<262144xi32, #tpu.memory_space<hbm>> -> memref<512xi32, #tpu.memory_space<hbm>>
    %dma_start3A_603 = arith.constant 4608 : i32
    %dma_start3A_604 = tpu.memref_slice %arg9[%dma_start3A_603] : memref<8192xi32, #tpu.memory_space<vmem>> -> memref<512xi32, #tpu.memory_space<vmem>>
    tpu.enqueue_dma source(%dma_start3A_604 : memref<512xi32, #tpu.memory_space<vmem>>) target(%dma_start3A_602 : memref<512xi32, #tpu.memory_space<hbm>>) target_semaphore(%arg13 : memref<!tpu.dma_semaphore, #tpu.memory_space<semaphore_mem>>)
    %mul3A_605 = arith.constant 512 : i32
    %mul3A_606 = arith.muli %add3A, %mul3A_605 : i32
    %add3A_607 = arith.constant 163840 : i32
    %add3A_608 = arith.addi %add3A_607, %mul3A_606 : i32
    %dma_start3A_609 = arith.constant 5120 : i32
    %dma_start3A_610 = tpu.memref_slice %arg8[%dma_start3A_609] : memref<8192xf32, #tpu.memory_space<vmem>> -> memref<512xf32, #tpu.memory_space<vmem>>
    %dma_start3A_611 = tpu.memref_slice %arg4[%add3A_608] : memref<262144xf32, #tpu.memory_space<hbm>> -> memref<512xf32, #tpu.memory_space<hbm>>
    %dma_start3A_612 = tpu.memref_slice %arg4[%add3A_608] : memref<262144xf32, #tpu.memory_space<hbm>> -> memref<512xf32, #tpu.memory_space<hbm>>
    %dma_start3A_613 = arith.constant 5120 : i32
    %dma_start3A_614 = tpu.memref_slice %arg8[%dma_start3A_613] : memref<8192xf32, #tpu.memory_space<vmem>> -> memref<512xf32, #tpu.memory_space<vmem>>
    tpu.enqueue_dma source(%dma_start3A_614 : memref<512xf32, #tpu.memory_space<vmem>>) target(%dma_start3A_612 : memref<512xf32, #tpu.memory_space<hbm>>) target_semaphore(%arg13 : memref<!tpu.dma_semaphore, #tpu.memory_space<semaphore_mem>>)
    %mul3A_615 = arith.constant 512 : i32
    %mul3A_616 = arith.muli %add3A, %mul3A_615 : i32
    %add3A_617 = arith.constant 163840 : i32
    %add3A_618 = arith.addi %add3A_617, %mul3A_616 : i32
    %dma_start3A_619 = arith.constant 5120 : i32
    %dma_start3A_620 = tpu.memref_slice %arg9[%dma_start3A_619] : memref<8192xi32, #tpu.memory_space<vmem>> -> memref<512xi32, #tpu.memory_space<vmem>>
    %dma_start3A_621 = tpu.memref_slice %arg5[%add3A_618] : memref<262144xi32, #tpu.memory_space<hbm>> -> memref<512xi32, #tpu.memory_space<hbm>>
    %dma_start3A_622 = tpu.memref_slice %arg5[%add3A_618] : memref<262144xi32, #tpu.memory_space<hbm>> -> memref<512xi32, #tpu.memory_space<hbm>>
    %dma_start3A_623 = arith.constant 5120 : i32
    %dma_start3A_624 = tpu.memref_slice %arg9[%dma_start3A_623] : memref<8192xi32, #tpu.memory_space<vmem>> -> memref<512xi32, #tpu.memory_space<vmem>>
    tpu.enqueue_dma source(%dma_start3A_624 : memref<512xi32, #tpu.memory_space<vmem>>) target(%dma_start3A_622 : memref<512xi32, #tpu.memory_space<hbm>>) target_semaphore(%arg13 : memref<!tpu.dma_semaphore, #tpu.memory_space<semaphore_mem>>)
    %mul3A_625 = arith.constant 512 : i32
    %mul3A_626 = arith.muli %add3A, %mul3A_625 : i32
    %add3A_627 = arith.constant 180224 : i32
    %add3A_628 = arith.addi %add3A_627, %mul3A_626 : i32
    %dma_start3A_629 = arith.constant 5632 : i32
    %dma_start3A_630 = tpu.memref_slice %arg8[%dma_start3A_629] : memref<8192xf32, #tpu.memory_space<vmem>> -> memref<512xf32, #tpu.memory_space<vmem>>
    %dma_start3A_631 = tpu.memref_slice %arg4[%add3A_628] : memref<262144xf32, #tpu.memory_space<hbm>> -> memref<512xf32, #tpu.memory_space<hbm>>
    %dma_start3A_632 = tpu.memref_slice %arg4[%add3A_628] : memref<262144xf32, #tpu.memory_space<hbm>> -> memref<512xf32, #tpu.memory_space<hbm>>
    %dma_start3A_633 = arith.constant 5632 : i32
    %dma_start3A_634 = tpu.memref_slice %arg8[%dma_start3A_633] : memref<8192xf32, #tpu.memory_space<vmem>> -> memref<512xf32, #tpu.memory_space<vmem>>
    tpu.enqueue_dma source(%dma_start3A_634 : memref<512xf32, #tpu.memory_space<vmem>>) target(%dma_start3A_632 : memref<512xf32, #tpu.memory_space<hbm>>) target_semaphore(%arg13 : memref<!tpu.dma_semaphore, #tpu.memory_space<semaphore_mem>>)
    %mul3A_635 = arith.constant 512 : i32
    %mul3A_636 = arith.muli %add3A, %mul3A_635 : i32
    %add3A_637 = arith.constant 180224 : i32
    %add3A_638 = arith.addi %add3A_637, %mul3A_636 : i32
    %dma_start3A_639 = arith.constant 5632 : i32
    %dma_start3A_640 = tpu.memref_slice %arg9[%dma_start3A_639] : memref<8192xi32, #tpu.memory_space<vmem>> -> memref<512xi32, #tpu.memory_space<vmem>>
    %dma_start3A_641 = tpu.memref_slice %arg5[%add3A_638] : memref<262144xi32, #tpu.memory_space<hbm>> -> memref<512xi32, #tpu.memory_space<hbm>>
    %dma_start3A_642 = tpu.memref_slice %arg5[%add3A_638] : memref<262144xi32, #tpu.memory_space<hbm>> -> memref<512xi32, #tpu.memory_space<hbm>>
    %dma_start3A_643 = arith.constant 5632 : i32
    %dma_start3A_644 = tpu.memref_slice %arg9[%dma_start3A_643] : memref<8192xi32, #tpu.memory_space<vmem>> -> memref<512xi32, #tpu.memory_space<vmem>>
    tpu.enqueue_dma source(%dma_start3A_644 : memref<512xi32, #tpu.memory_space<vmem>>) target(%dma_start3A_642 : memref<512xi32, #tpu.memory_space<hbm>>) target_semaphore(%arg13 : memref<!tpu.dma_semaphore, #tpu.memory_space<semaphore_mem>>)
    %mul3A_645 = arith.constant 512 : i32
    %mul3A_646 = arith.muli %add3A, %mul3A_645 : i32
    %add3A_647 = arith.constant 196608 : i32
    %add3A_648 = arith.addi %add3A_647, %mul3A_646 : i32
    %dma_start3A_649 = arith.constant 6144 : i32
    %dma_start3A_650 = tpu.memref_slice %arg8[%dma_start3A_649] : memref<8192xf32, #tpu.memory_space<vmem>> -> memref<512xf32, #tpu.memory_space<vmem>>
    %dma_start3A_651 = tpu.memref_slice %arg4[%add3A_648] : memref<262144xf32, #tpu.memory_space<hbm>> -> memref<512xf32, #tpu.memory_space<hbm>>
    %dma_start3A_652 = tpu.memref_slice %arg4[%add3A_648] : memref<262144xf32, #tpu.memory_space<hbm>> -> memref<512xf32, #tpu.memory_space<hbm>>
    %dma_start3A_653 = arith.constant 6144 : i32
    %dma_start3A_654 = tpu.memref_slice %arg8[%dma_start3A_653] : memref<8192xf32, #tpu.memory_space<vmem>> -> memref<512xf32, #tpu.memory_space<vmem>>
    tpu.enqueue_dma source(%dma_start3A_654 : memref<512xf32, #tpu.memory_space<vmem>>) target(%dma_start3A_652 : memref<512xf32, #tpu.memory_space<hbm>>) target_semaphore(%arg13 : memref<!tpu.dma_semaphore, #tpu.memory_space<semaphore_mem>>)
    %mul3A_655 = arith.constant 512 : i32
    %mul3A_656 = arith.muli %add3A, %mul3A_655 : i32
    %add3A_657 = arith.constant 196608 : i32
    %add3A_658 = arith.addi %add3A_657, %mul3A_656 : i32
    %dma_start3A_659 = arith.constant 6144 : i32
    %dma_start3A_660 = tpu.memref_slice %arg9[%dma_start3A_659] : memref<8192xi32, #tpu.memory_space<vmem>> -> memref<512xi32, #tpu.memory_space<vmem>>
    %dma_start3A_661 = tpu.memref_slice %arg5[%add3A_658] : memref<262144xi32, #tpu.memory_space<hbm>> -> memref<512xi32, #tpu.memory_space<hbm>>
    %dma_start3A_662 = tpu.memref_slice %arg5[%add3A_658] : memref<262144xi32, #tpu.memory_space<hbm>> -> memref<512xi32, #tpu.memory_space<hbm>>
    %dma_start3A_663 = arith.constant 6144 : i32
    %dma_start3A_664 = tpu.memref_slice %arg9[%dma_start3A_663] : memref<8192xi32, #tpu.memory_space<vmem>> -> memref<512xi32, #tpu.memory_space<vmem>>
    tpu.enqueue_dma source(%dma_start3A_664 : memref<512xi32, #tpu.memory_space<vmem>>) target(%dma_start3A_662 : memref<512xi32, #tpu.memory_space<hbm>>) target_semaphore(%arg13 : memref<!tpu.dma_semaphore, #tpu.memory_space<semaphore_mem>>)
    %mul3A_665 = arith.constant 512 : i32
    %mul3A_666 = arith.muli %add3A, %mul3A_665 : i32
    %add3A_667 = arith.constant 212992 : i32
    %add3A_668 = arith.addi %add3A_667, %mul3A_666 : i32
    %dma_start3A_669 = arith.constant 6656 : i32
    %dma_start3A_670 = tpu.memref_slice %arg8[%dma_start3A_669] : memref<8192xf32, #tpu.memory_space<vmem>> -> memref<512xf32, #tpu.memory_space<vmem>>
    %dma_start3A_671 = tpu.memref_slice %arg4[%add3A_668] : memref<262144xf32, #tpu.memory_space<hbm>> -> memref<512xf32, #tpu.memory_space<hbm>>
    %dma_start3A_672 = tpu.memref_slice %arg4[%add3A_668] : memref<262144xf32, #tpu.memory_space<hbm>> -> memref<512xf32, #tpu.memory_space<hbm>>
    %dma_start3A_673 = arith.constant 6656 : i32
    %dma_start3A_674 = tpu.memref_slice %arg8[%dma_start3A_673] : memref<8192xf32, #tpu.memory_space<vmem>> -> memref<512xf32, #tpu.memory_space<vmem>>
    tpu.enqueue_dma source(%dma_start3A_674 : memref<512xf32, #tpu.memory_space<vmem>>) target(%dma_start3A_672 : memref<512xf32, #tpu.memory_space<hbm>>) target_semaphore(%arg13 : memref<!tpu.dma_semaphore, #tpu.memory_space<semaphore_mem>>)
    %mul3A_675 = arith.constant 512 : i32
    %mul3A_676 = arith.muli %add3A, %mul3A_675 : i32
    %add3A_677 = arith.constant 212992 : i32
    %add3A_678 = arith.addi %add3A_677, %mul3A_676 : i32
    %dma_start3A_679 = arith.constant 6656 : i32
    %dma_start3A_680 = tpu.memref_slice %arg9[%dma_start3A_679] : memref<8192xi32, #tpu.memory_space<vmem>> -> memref<512xi32, #tpu.memory_space<vmem>>
    %dma_start3A_681 = tpu.memref_slice %arg5[%add3A_678] : memref<262144xi32, #tpu.memory_space<hbm>> -> memref<512xi32, #tpu.memory_space<hbm>>
    %dma_start3A_682 = tpu.memref_slice %arg5[%add3A_678] : memref<262144xi32, #tpu.memory_space<hbm>> -> memref<512xi32, #tpu.memory_space<hbm>>
    %dma_start3A_683 = arith.constant 6656 : i32
    %dma_start3A_684 = tpu.memref_slice %arg9[%dma_start3A_683] : memref<8192xi32, #tpu.memory_space<vmem>> -> memref<512xi32, #tpu.memory_space<vmem>>
    tpu.enqueue_dma source(%dma_start3A_684 : memref<512xi32, #tpu.memory_space<vmem>>) target(%dma_start3A_682 : memref<512xi32, #tpu.memory_space<hbm>>) target_semaphore(%arg13 : memref<!tpu.dma_semaphore, #tpu.memory_space<semaphore_mem>>)
    %mul3A_685 = arith.constant 512 : i32
    %mul3A_686 = arith.muli %add3A, %mul3A_685 : i32
    %add3A_687 = arith.constant 229376 : i32
    %add3A_688 = arith.addi %add3A_687, %mul3A_686 : i32
    %dma_start3A_689 = arith.constant 7168 : i32
    %dma_start3A_690 = tpu.memref_slice %arg8[%dma_start3A_689] : memref<8192xf32, #tpu.memory_space<vmem>> -> memref<512xf32, #tpu.memory_space<vmem>>
    %dma_start3A_691 = tpu.memref_slice %arg4[%add3A_688] : memref<262144xf32, #tpu.memory_space<hbm>> -> memref<512xf32, #tpu.memory_space<hbm>>
    %dma_start3A_692 = tpu.memref_slice %arg4[%add3A_688] : memref<262144xf32, #tpu.memory_space<hbm>> -> memref<512xf32, #tpu.memory_space<hbm>>
    %dma_start3A_693 = arith.constant 7168 : i32
    %dma_start3A_694 = tpu.memref_slice %arg8[%dma_start3A_693] : memref<8192xf32, #tpu.memory_space<vmem>> -> memref<512xf32, #tpu.memory_space<vmem>>
    tpu.enqueue_dma source(%dma_start3A_694 : memref<512xf32, #tpu.memory_space<vmem>>) target(%dma_start3A_692 : memref<512xf32, #tpu.memory_space<hbm>>) target_semaphore(%arg13 : memref<!tpu.dma_semaphore, #tpu.memory_space<semaphore_mem>>)
    %mul3A_695 = arith.constant 512 : i32
    %mul3A_696 = arith.muli %add3A, %mul3A_695 : i32
    %add3A_697 = arith.constant 229376 : i32
    %add3A_698 = arith.addi %add3A_697, %mul3A_696 : i32
    %dma_start3A_699 = arith.constant 7168 : i32
    %dma_start3A_700 = tpu.memref_slice %arg9[%dma_start3A_699] : memref<8192xi32, #tpu.memory_space<vmem>> -> memref<512xi32, #tpu.memory_space<vmem>>
    %dma_start3A_701 = tpu.memref_slice %arg5[%add3A_698] : memref<262144xi32, #tpu.memory_space<hbm>> -> memref<512xi32, #tpu.memory_space<hbm>>
    %dma_start3A_702 = tpu.memref_slice %arg5[%add3A_698] : memref<262144xi32, #tpu.memory_space<hbm>> -> memref<512xi32, #tpu.memory_space<hbm>>
    %dma_start3A_703 = arith.constant 7168 : i32
    %dma_start3A_704 = tpu.memref_slice %arg9[%dma_start3A_703] : memref<8192xi32, #tpu.memory_space<vmem>> -> memref<512xi32, #tpu.memory_space<vmem>>
    tpu.enqueue_dma source(%dma_start3A_704 : memref<512xi32, #tpu.memory_space<vmem>>) target(%dma_start3A_702 : memref<512xi32, #tpu.memory_space<hbm>>) target_semaphore(%arg13 : memref<!tpu.dma_semaphore, #tpu.memory_space<semaphore_mem>>)
    %mul3A_705 = arith.constant 512 : i32
    %mul3A_706 = arith.muli %add3A, %mul3A_705 : i32
    %add3A_707 = arith.constant 245760 : i32
    %add3A_708 = arith.addi %add3A_707, %mul3A_706 : i32
    %dma_start3A_709 = arith.constant 7680 : i32
    %dma_start3A_710 = tpu.memref_slice %arg8[%dma_start3A_709] : memref<8192xf32, #tpu.memory_space<vmem>> -> memref<512xf32, #tpu.memory_space<vmem>>
    %dma_start3A_711 = tpu.memref_slice %arg4[%add3A_708] : memref<262144xf32, #tpu.memory_space<hbm>> -> memref<512xf32, #tpu.memory_space<hbm>>
    %dma_start3A_712 = tpu.memref_slice %arg4[%add3A_708] : memref<262144xf32, #tpu.memory_space<hbm>> -> memref<512xf32, #tpu.memory_space<hbm>>
    %dma_start3A_713 = arith.constant 7680 : i32
    %dma_start3A_714 = tpu.memref_slice %arg8[%dma_start3A_713] : memref<8192xf32, #tpu.memory_space<vmem>> -> memref<512xf32, #tpu.memory_space<vmem>>
    tpu.enqueue_dma source(%dma_start3A_714 : memref<512xf32, #tpu.memory_space<vmem>>) target(%dma_start3A_712 : memref<512xf32, #tpu.memory_space<hbm>>) target_semaphore(%arg13 : memref<!tpu.dma_semaphore, #tpu.memory_space<semaphore_mem>>)
    %mul3A_715 = arith.constant 512 : i32
    %mul3A_716 = arith.muli %add3A, %mul3A_715 : i32
    %add3A_717 = arith.constant 245760 : i32
    %add3A_718 = arith.addi %add3A_717, %mul3A_716 : i32
    %dma_start3A_719 = arith.constant 7680 : i32
    %dma_start3A_720 = tpu.memref_slice %arg9[%dma_start3A_719] : memref<8192xi32, #tpu.memory_space<vmem>> -> memref<512xi32, #tpu.memory_space<vmem>>
    %dma_start3A_721 = tpu.memref_slice %arg5[%add3A_718] : memref<262144xi32, #tpu.memory_space<hbm>> -> memref<512xi32, #tpu.memory_space<hbm>>
    %dma_start3A_722 = tpu.memref_slice %arg5[%add3A_718] : memref<262144xi32, #tpu.memory_space<hbm>> -> memref<512xi32, #tpu.memory_space<hbm>>
    %dma_start3A_723 = arith.constant 7680 : i32
    %dma_start3A_724 = tpu.memref_slice %arg9[%dma_start3A_723] : memref<8192xi32, #tpu.memory_space<vmem>> -> memref<512xi32, #tpu.memory_space<vmem>>
    tpu.enqueue_dma source(%dma_start3A_724 : memref<512xi32, #tpu.memory_space<vmem>>) target(%dma_start3A_722 : memref<512xi32, #tpu.memory_space<hbm>>) target_semaphore(%arg13 : memref<!tpu.dma_semaphore, #tpu.memory_space<semaphore_mem>>)
    %mul3A_725 = arith.constant 512 : i32
    %mul3A_726 = arith.muli %add3A, %mul3A_725 : i32
    %add3A_727 = arith.constant 0 : i32
    %add3A_728 = arith.addi %add3A_727, %mul3A_726 : i32
    %dma_wait3A = arith.constant 0 : i32
    %dma_wait3A_729 = tpu.memref_slice %arg8[%dma_wait3A] : memref<8192xf32, #tpu.memory_space<vmem>> -> memref<512xf32, #tpu.memory_space<vmem>>
    %dma_wait3A_730 = tpu.memref_slice %arg4[%add3A_728] : memref<262144xf32, #tpu.memory_space<hbm>> -> memref<512xf32, #tpu.memory_space<hbm>>
    %dma_wait3A_731 = tpu.memref_slice %arg4[%add3A_728] : memref<262144xf32, #tpu.memory_space<hbm>> -> memref<512xf32, #tpu.memory_space<hbm>>
    %dma_wait3A_732 = arith.constant 0 : i32
    %dma_wait3A_733 = tpu.memref_slice %arg8[%dma_wait3A_732] : memref<8192xf32, #tpu.memory_space<vmem>> -> memref<512xf32, #tpu.memory_space<vmem>>
    tpu.wait_dma2 semaphore(%arg13 : memref<!tpu.dma_semaphore, #tpu.memory_space<semaphore_mem>>) src(%dma_wait3A_733 : memref<512xf32, #tpu.memory_space<vmem>>) dst(%dma_wait3A_731 : memref<512xf32, #tpu.memory_space<hbm>>)
    %mul3A_734 = arith.constant 512 : i32
    %mul3A_735 = arith.muli %add3A, %mul3A_734 : i32
    %add3A_736 = arith.constant 0 : i32
    %add3A_737 = arith.addi %add3A_736, %mul3A_735 : i32
    %dma_wait3A_738 = arith.constant 0 : i32
    %dma_wait3A_739 = tpu.memref_slice %arg9[%dma_wait3A_738] : memref<8192xi32, #tpu.memory_space<vmem>> -> memref<512xi32, #tpu.memory_space<vmem>>
    %dma_wait3A_740 = tpu.memref_slice %arg5[%add3A_737] : memref<262144xi32, #tpu.memory_space<hbm>> -> memref<512xi32, #tpu.memory_space<hbm>>
    %dma_wait3A_741 = tpu.memref_slice %arg5[%add3A_737] : memref<262144xi32, #tpu.memory_space<hbm>> -> memref<512xi32, #tpu.memory_space<hbm>>
    %dma_wait3A_742 = arith.constant 0 : i32
    %dma_wait3A_743 = tpu.memref_slice %arg9[%dma_wait3A_742] : memref<8192xi32, #tpu.memory_space<vmem>> -> memref<512xi32, #tpu.memory_space<vmem>>
    tpu.wait_dma2 semaphore(%arg13 : memref<!tpu.dma_semaphore, #tpu.memory_space<semaphore_mem>>) src(%dma_wait3A_743 : memref<512xi32, #tpu.memory_space<vmem>>) dst(%dma_wait3A_741 : memref<512xi32, #tpu.memory_space<hbm>>)
    %mul3A_744 = arith.constant 512 : i32
    %mul3A_745 = arith.muli %add3A, %mul3A_744 : i32
    %add3A_746 = arith.constant 16384 : i32
    %add3A_747 = arith.addi %add3A_746, %mul3A_745 : i32
    %dma_wait3A_748 = arith.constant 512 : i32
    %dma_wait3A_749 = tpu.memref_slice %arg8[%dma_wait3A_748] : memref<8192xf32, #tpu.memory_space<vmem>> -> memref<512xf32, #tpu.memory_space<vmem>>
    %dma_wait3A_750 = tpu.memref_slice %arg4[%add3A_747] : memref<262144xf32, #tpu.memory_space<hbm>> -> memref<512xf32, #tpu.memory_space<hbm>>
    %dma_wait3A_751 = tpu.memref_slice %arg4[%add3A_747] : memref<262144xf32, #tpu.memory_space<hbm>> -> memref<512xf32, #tpu.memory_space<hbm>>
    %dma_wait3A_752 = arith.constant 512 : i32
    %dma_wait3A_753 = tpu.memref_slice %arg8[%dma_wait3A_752] : memref<8192xf32, #tpu.memory_space<vmem>> -> memref<512xf32, #tpu.memory_space<vmem>>
    tpu.wait_dma2 semaphore(%arg13 : memref<!tpu.dma_semaphore, #tpu.memory_space<semaphore_mem>>) src(%dma_wait3A_753 : memref<512xf32, #tpu.memory_space<vmem>>) dst(%dma_wait3A_751 : memref<512xf32, #tpu.memory_space<hbm>>)
    %mul3A_754 = arith.constant 512 : i32
    %mul3A_755 = arith.muli %add3A, %mul3A_754 : i32
    %add3A_756 = arith.constant 16384 : i32
    %add3A_757 = arith.addi %add3A_756, %mul3A_755 : i32
    %dma_wait3A_758 = arith.constant 512 : i32
    %dma_wait3A_759 = tpu.memref_slice %arg9[%dma_wait3A_758] : memref<8192xi32, #tpu.memory_space<vmem>> -> memref<512xi32, #tpu.memory_space<vmem>>
    %dma_wait3A_760 = tpu.memref_slice %arg5[%add3A_757] : memref<262144xi32, #tpu.memory_space<hbm>> -> memref<512xi32, #tpu.memory_space<hbm>>
    %dma_wait3A_761 = tpu.memref_slice %arg5[%add3A_757] : memref<262144xi32, #tpu.memory_space<hbm>> -> memref<512xi32, #tpu.memory_space<hbm>>
    %dma_wait3A_762 = arith.constant 512 : i32
    %dma_wait3A_763 = tpu.memref_slice %arg9[%dma_wait3A_762] : memref<8192xi32, #tpu.memory_space<vmem>> -> memref<512xi32, #tpu.memory_space<vmem>>
    tpu.wait_dma2 semaphore(%arg13 : memref<!tpu.dma_semaphore, #tpu.memory_space<semaphore_mem>>) src(%dma_wait3A_763 : memref<512xi32, #tpu.memory_space<vmem>>) dst(%dma_wait3A_761 : memref<512xi32, #tpu.memory_space<hbm>>)
    %mul3A_764 = arith.constant 512 : i32
    %mul3A_765 = arith.muli %add3A, %mul3A_764 : i32
    %add3A_766 = arith.constant 32768 : i32
    %add3A_767 = arith.addi %add3A_766, %mul3A_765 : i32
    %dma_wait3A_768 = arith.constant 1024 : i32
    %dma_wait3A_769 = tpu.memref_slice %arg8[%dma_wait3A_768] : memref<8192xf32, #tpu.memory_space<vmem>> -> memref<512xf32, #tpu.memory_space<vmem>>
    %dma_wait3A_770 = tpu.memref_slice %arg4[%add3A_767] : memref<262144xf32, #tpu.memory_space<hbm>> -> memref<512xf32, #tpu.memory_space<hbm>>
    %dma_wait3A_771 = tpu.memref_slice %arg4[%add3A_767] : memref<262144xf32, #tpu.memory_space<hbm>> -> memref<512xf32, #tpu.memory_space<hbm>>
    %dma_wait3A_772 = arith.constant 1024 : i32
    %dma_wait3A_773 = tpu.memref_slice %arg8[%dma_wait3A_772] : memref<8192xf32, #tpu.memory_space<vmem>> -> memref<512xf32, #tpu.memory_space<vmem>>
    tpu.wait_dma2 semaphore(%arg13 : memref<!tpu.dma_semaphore, #tpu.memory_space<semaphore_mem>>) src(%dma_wait3A_773 : memref<512xf32, #tpu.memory_space<vmem>>) dst(%dma_wait3A_771 : memref<512xf32, #tpu.memory_space<hbm>>)
    %mul3A_774 = arith.constant 512 : i32
    %mul3A_775 = arith.muli %add3A, %mul3A_774 : i32
    %add3A_776 = arith.constant 32768 : i32
    %add3A_777 = arith.addi %add3A_776, %mul3A_775 : i32
    %dma_wait3A_778 = arith.constant 1024 : i32
    %dma_wait3A_779 = tpu.memref_slice %arg9[%dma_wait3A_778] : memref<8192xi32, #tpu.memory_space<vmem>> -> memref<512xi32, #tpu.memory_space<vmem>>
    %dma_wait3A_780 = tpu.memref_slice %arg5[%add3A_777] : memref<262144xi32, #tpu.memory_space<hbm>> -> memref<512xi32, #tpu.memory_space<hbm>>
    %dma_wait3A_781 = tpu.memref_slice %arg5[%add3A_777] : memref<262144xi32, #tpu.memory_space<hbm>> -> memref<512xi32, #tpu.memory_space<hbm>>
    %dma_wait3A_782 = arith.constant 1024 : i32
    %dma_wait3A_783 = tpu.memref_slice %arg9[%dma_wait3A_782] : memref<8192xi32, #tpu.memory_space<vmem>> -> memref<512xi32, #tpu.memory_space<vmem>>
    tpu.wait_dma2 semaphore(%arg13 : memref<!tpu.dma_semaphore, #tpu.memory_space<semaphore_mem>>) src(%dma_wait3A_783 : memref<512xi32, #tpu.memory_space<vmem>>) dst(%dma_wait3A_781 : memref<512xi32, #tpu.memory_space<hbm>>)
    %mul3A_784 = arith.constant 512 : i32
    %mul3A_785 = arith.muli %add3A, %mul3A_784 : i32
    %add3A_786 = arith.constant 49152 : i32
    %add3A_787 = arith.addi %add3A_786, %mul3A_785 : i32
    %dma_wait3A_788 = arith.constant 1536 : i32
    %dma_wait3A_789 = tpu.memref_slice %arg8[%dma_wait3A_788] : memref<8192xf32, #tpu.memory_space<vmem>> -> memref<512xf32, #tpu.memory_space<vmem>>
    %dma_wait3A_790 = tpu.memref_slice %arg4[%add3A_787] : memref<262144xf32, #tpu.memory_space<hbm>> -> memref<512xf32, #tpu.memory_space<hbm>>
    %dma_wait3A_791 = tpu.memref_slice %arg4[%add3A_787] : memref<262144xf32, #tpu.memory_space<hbm>> -> memref<512xf32, #tpu.memory_space<hbm>>
    %dma_wait3A_792 = arith.constant 1536 : i32
    %dma_wait3A_793 = tpu.memref_slice %arg8[%dma_wait3A_792] : memref<8192xf32, #tpu.memory_space<vmem>> -> memref<512xf32, #tpu.memory_space<vmem>>
    tpu.wait_dma2 semaphore(%arg13 : memref<!tpu.dma_semaphore, #tpu.memory_space<semaphore_mem>>) src(%dma_wait3A_793 : memref<512xf32, #tpu.memory_space<vmem>>) dst(%dma_wait3A_791 : memref<512xf32, #tpu.memory_space<hbm>>)
    %mul3A_794 = arith.constant 512 : i32
    %mul3A_795 = arith.muli %add3A, %mul3A_794 : i32
    %add3A_796 = arith.constant 49152 : i32
    %add3A_797 = arith.addi %add3A_796, %mul3A_795 : i32
    %dma_wait3A_798 = arith.constant 1536 : i32
    %dma_wait3A_799 = tpu.memref_slice %arg9[%dma_wait3A_798] : memref<8192xi32, #tpu.memory_space<vmem>> -> memref<512xi32, #tpu.memory_space<vmem>>
    %dma_wait3A_800 = tpu.memref_slice %arg5[%add3A_797] : memref<262144xi32, #tpu.memory_space<hbm>> -> memref<512xi32, #tpu.memory_space<hbm>>
    %dma_wait3A_801 = tpu.memref_slice %arg5[%add3A_797] : memref<262144xi32, #tpu.memory_space<hbm>> -> memref<512xi32, #tpu.memory_space<hbm>>
    %dma_wait3A_802 = arith.constant 1536 : i32
    %dma_wait3A_803 = tpu.memref_slice %arg9[%dma_wait3A_802] : memref<8192xi32, #tpu.memory_space<vmem>> -> memref<512xi32, #tpu.memory_space<vmem>>
    tpu.wait_dma2 semaphore(%arg13 : memref<!tpu.dma_semaphore, #tpu.memory_space<semaphore_mem>>) src(%dma_wait3A_803 : memref<512xi32, #tpu.memory_space<vmem>>) dst(%dma_wait3A_801 : memref<512xi32, #tpu.memory_space<hbm>>)
    %mul3A_804 = arith.constant 512 : i32
    %mul3A_805 = arith.muli %add3A, %mul3A_804 : i32
    %add3A_806 = arith.constant 65536 : i32
    %add3A_807 = arith.addi %add3A_806, %mul3A_805 : i32
    %dma_wait3A_808 = arith.constant 2048 : i32
    %dma_wait3A_809 = tpu.memref_slice %arg8[%dma_wait3A_808] : memref<8192xf32, #tpu.memory_space<vmem>> -> memref<512xf32, #tpu.memory_space<vmem>>
    %dma_wait3A_810 = tpu.memref_slice %arg4[%add3A_807] : memref<262144xf32, #tpu.memory_space<hbm>> -> memref<512xf32, #tpu.memory_space<hbm>>
    %dma_wait3A_811 = tpu.memref_slice %arg4[%add3A_807] : memref<262144xf32, #tpu.memory_space<hbm>> -> memref<512xf32, #tpu.memory_space<hbm>>
    %dma_wait3A_812 = arith.constant 2048 : i32
    %dma_wait3A_813 = tpu.memref_slice %arg8[%dma_wait3A_812] : memref<8192xf32, #tpu.memory_space<vmem>> -> memref<512xf32, #tpu.memory_space<vmem>>
    tpu.wait_dma2 semaphore(%arg13 : memref<!tpu.dma_semaphore, #tpu.memory_space<semaphore_mem>>) src(%dma_wait3A_813 : memref<512xf32, #tpu.memory_space<vmem>>) dst(%dma_wait3A_811 : memref<512xf32, #tpu.memory_space<hbm>>)
    %mul3A_814 = arith.constant 512 : i32
    %mul3A_815 = arith.muli %add3A, %mul3A_814 : i32
    %add3A_816 = arith.constant 65536 : i32
    %add3A_817 = arith.addi %add3A_816, %mul3A_815 : i32
    %dma_wait3A_818 = arith.constant 2048 : i32
    %dma_wait3A_819 = tpu.memref_slice %arg9[%dma_wait3A_818] : memref<8192xi32, #tpu.memory_space<vmem>> -> memref<512xi32, #tpu.memory_space<vmem>>
    %dma_wait3A_820 = tpu.memref_slice %arg5[%add3A_817] : memref<262144xi32, #tpu.memory_space<hbm>> -> memref<512xi32, #tpu.memory_space<hbm>>
    %dma_wait3A_821 = tpu.memref_slice %arg5[%add3A_817] : memref<262144xi32, #tpu.memory_space<hbm>> -> memref<512xi32, #tpu.memory_space<hbm>>
    %dma_wait3A_822 = arith.constant 2048 : i32
    %dma_wait3A_823 = tpu.memref_slice %arg9[%dma_wait3A_822] : memref<8192xi32, #tpu.memory_space<vmem>> -> memref<512xi32, #tpu.memory_space<vmem>>
    tpu.wait_dma2 semaphore(%arg13 : memref<!tpu.dma_semaphore, #tpu.memory_space<semaphore_mem>>) src(%dma_wait3A_823 : memref<512xi32, #tpu.memory_space<vmem>>) dst(%dma_wait3A_821 : memref<512xi32, #tpu.memory_space<hbm>>)
    %mul3A_824 = arith.constant 512 : i32
    %mul3A_825 = arith.muli %add3A, %mul3A_824 : i32
    %add3A_826 = arith.constant 81920 : i32
    %add3A_827 = arith.addi %add3A_826, %mul3A_825 : i32
    %dma_wait3A_828 = arith.constant 2560 : i32
    %dma_wait3A_829 = tpu.memref_slice %arg8[%dma_wait3A_828] : memref<8192xf32, #tpu.memory_space<vmem>> -> memref<512xf32, #tpu.memory_space<vmem>>
    %dma_wait3A_830 = tpu.memref_slice %arg4[%add3A_827] : memref<262144xf32, #tpu.memory_space<hbm>> -> memref<512xf32, #tpu.memory_space<hbm>>
    %dma_wait3A_831 = tpu.memref_slice %arg4[%add3A_827] : memref<262144xf32, #tpu.memory_space<hbm>> -> memref<512xf32, #tpu.memory_space<hbm>>
    %dma_wait3A_832 = arith.constant 2560 : i32
    %dma_wait3A_833 = tpu.memref_slice %arg8[%dma_wait3A_832] : memref<8192xf32, #tpu.memory_space<vmem>> -> memref<512xf32, #tpu.memory_space<vmem>>
    tpu.wait_dma2 semaphore(%arg13 : memref<!tpu.dma_semaphore, #tpu.memory_space<semaphore_mem>>) src(%dma_wait3A_833 : memref<512xf32, #tpu.memory_space<vmem>>) dst(%dma_wait3A_831 : memref<512xf32, #tpu.memory_space<hbm>>)
    %mul3A_834 = arith.constant 512 : i32
    %mul3A_835 = arith.muli %add3A, %mul3A_834 : i32
    %add3A_836 = arith.constant 81920 : i32
    %add3A_837 = arith.addi %add3A_836, %mul3A_835 : i32
    %dma_wait3A_838 = arith.constant 2560 : i32
    %dma_wait3A_839 = tpu.memref_slice %arg9[%dma_wait3A_838] : memref<8192xi32, #tpu.memory_space<vmem>> -> memref<512xi32, #tpu.memory_space<vmem>>
    %dma_wait3A_840 = tpu.memref_slice %arg5[%add3A_837] : memref<262144xi32, #tpu.memory_space<hbm>> -> memref<512xi32, #tpu.memory_space<hbm>>
    %dma_wait3A_841 = tpu.memref_slice %arg5[%add3A_837] : memref<262144xi32, #tpu.memory_space<hbm>> -> memref<512xi32, #tpu.memory_space<hbm>>
    %dma_wait3A_842 = arith.constant 2560 : i32
    %dma_wait3A_843 = tpu.memref_slice %arg9[%dma_wait3A_842] : memref<8192xi32, #tpu.memory_space<vmem>> -> memref<512xi32, #tpu.memory_space<vmem>>
    tpu.wait_dma2 semaphore(%arg13 : memref<!tpu.dma_semaphore, #tpu.memory_space<semaphore_mem>>) src(%dma_wait3A_843 : memref<512xi32, #tpu.memory_space<vmem>>) dst(%dma_wait3A_841 : memref<512xi32, #tpu.memory_space<hbm>>)
    %mul3A_844 = arith.constant 512 : i32
    %mul3A_845 = arith.muli %add3A, %mul3A_844 : i32
    %add3A_846 = arith.constant 98304 : i32
    %add3A_847 = arith.addi %add3A_846, %mul3A_845 : i32
    %dma_wait3A_848 = arith.constant 3072 : i32
    %dma_wait3A_849 = tpu.memref_slice %arg8[%dma_wait3A_848] : memref<8192xf32, #tpu.memory_space<vmem>> -> memref<512xf32, #tpu.memory_space<vmem>>
    %dma_wait3A_850 = tpu.memref_slice %arg4[%add3A_847] : memref<262144xf32, #tpu.memory_space<hbm>> -> memref<512xf32, #tpu.memory_space<hbm>>
    %dma_wait3A_851 = tpu.memref_slice %arg4[%add3A_847] : memref<262144xf32, #tpu.memory_space<hbm>> -> memref<512xf32, #tpu.memory_space<hbm>>
    %dma_wait3A_852 = arith.constant 3072 : i32
    %dma_wait3A_853 = tpu.memref_slice %arg8[%dma_wait3A_852] : memref<8192xf32, #tpu.memory_space<vmem>> -> memref<512xf32, #tpu.memory_space<vmem>>
    tpu.wait_dma2 semaphore(%arg13 : memref<!tpu.dma_semaphore, #tpu.memory_space<semaphore_mem>>) src(%dma_wait3A_853 : memref<512xf32, #tpu.memory_space<vmem>>) dst(%dma_wait3A_851 : memref<512xf32, #tpu.memory_space<hbm>>)
    %mul3A_854 = arith.constant 512 : i32
    %mul3A_855 = arith.muli %add3A, %mul3A_854 : i32
    %add3A_856 = arith.constant 98304 : i32
    %add3A_857 = arith.addi %add3A_856, %mul3A_855 : i32
    %dma_wait3A_858 = arith.constant 3072 : i32
    %dma_wait3A_859 = tpu.memref_slice %arg9[%dma_wait3A_858] : memref<8192xi32, #tpu.memory_space<vmem>> -> memref<512xi32, #tpu.memory_space<vmem>>
    %dma_wait3A_860 = tpu.memref_slice %arg5[%add3A_857] : memref<262144xi32, #tpu.memory_space<hbm>> -> memref<512xi32, #tpu.memory_space<hbm>>
    %dma_wait3A_861 = tpu.memref_slice %arg5[%add3A_857] : memref<262144xi32, #tpu.memory_space<hbm>> -> memref<512xi32, #tpu.memory_space<hbm>>
    %dma_wait3A_862 = arith.constant 3072 : i32
    %dma_wait3A_863 = tpu.memref_slice %arg9[%dma_wait3A_862] : memref<8192xi32, #tpu.memory_space<vmem>> -> memref<512xi32, #tpu.memory_space<vmem>>
    tpu.wait_dma2 semaphore(%arg13 : memref<!tpu.dma_semaphore, #tpu.memory_space<semaphore_mem>>) src(%dma_wait3A_863 : memref<512xi32, #tpu.memory_space<vmem>>) dst(%dma_wait3A_861 : memref<512xi32, #tpu.memory_space<hbm>>)
    %mul3A_864 = arith.constant 512 : i32
    %mul3A_865 = arith.muli %add3A, %mul3A_864 : i32
    %add3A_866 = arith.constant 114688 : i32
    %add3A_867 = arith.addi %add3A_866, %mul3A_865 : i32
    %dma_wait3A_868 = arith.constant 3584 : i32
    %dma_wait3A_869 = tpu.memref_slice %arg8[%dma_wait3A_868] : memref<8192xf32, #tpu.memory_space<vmem>> -> memref<512xf32, #tpu.memory_space<vmem>>
    %dma_wait3A_870 = tpu.memref_slice %arg4[%add3A_867] : memref<262144xf32, #tpu.memory_space<hbm>> -> memref<512xf32, #tpu.memory_space<hbm>>
    %dma_wait3A_871 = tpu.memref_slice %arg4[%add3A_867] : memref<262144xf32, #tpu.memory_space<hbm>> -> memref<512xf32, #tpu.memory_space<hbm>>
    %dma_wait3A_872 = arith.constant 3584 : i32
    %dma_wait3A_873 = tpu.memref_slice %arg8[%dma_wait3A_872] : memref<8192xf32, #tpu.memory_space<vmem>> -> memref<512xf32, #tpu.memory_space<vmem>>
    tpu.wait_dma2 semaphore(%arg13 : memref<!tpu.dma_semaphore, #tpu.memory_space<semaphore_mem>>) src(%dma_wait3A_873 : memref<512xf32, #tpu.memory_space<vmem>>) dst(%dma_wait3A_871 : memref<512xf32, #tpu.memory_space<hbm>>)
    %mul3A_874 = arith.constant 512 : i32
    %mul3A_875 = arith.muli %add3A, %mul3A_874 : i32
    %add3A_876 = arith.constant 114688 : i32
    %add3A_877 = arith.addi %add3A_876, %mul3A_875 : i32
    %dma_wait3A_878 = arith.constant 3584 : i32
    %dma_wait3A_879 = tpu.memref_slice %arg9[%dma_wait3A_878] : memref<8192xi32, #tpu.memory_space<vmem>> -> memref<512xi32, #tpu.memory_space<vmem>>
    %dma_wait3A_880 = tpu.memref_slice %arg5[%add3A_877] : memref<262144xi32, #tpu.memory_space<hbm>> -> memref<512xi32, #tpu.memory_space<hbm>>
    %dma_wait3A_881 = tpu.memref_slice %arg5[%add3A_877] : memref<262144xi32, #tpu.memory_space<hbm>> -> memref<512xi32, #tpu.memory_space<hbm>>
    %dma_wait3A_882 = arith.constant 3584 : i32
    %dma_wait3A_883 = tpu.memref_slice %arg9[%dma_wait3A_882] : memref<8192xi32, #tpu.memory_space<vmem>> -> memref<512xi32, #tpu.memory_space<vmem>>
    tpu.wait_dma2 semaphore(%arg13 : memref<!tpu.dma_semaphore, #tpu.memory_space<semaphore_mem>>) src(%dma_wait3A_883 : memref<512xi32, #tpu.memory_space<vmem>>) dst(%dma_wait3A_881 : memref<512xi32, #tpu.memory_space<hbm>>)
    %mul3A_884 = arith.constant 512 : i32
    %mul3A_885 = arith.muli %add3A, %mul3A_884 : i32
    %add3A_886 = arith.constant 131072 : i32
    %add3A_887 = arith.addi %add3A_886, %mul3A_885 : i32
    %dma_wait3A_888 = arith.constant 4096 : i32
    %dma_wait3A_889 = tpu.memref_slice %arg8[%dma_wait3A_888] : memref<8192xf32, #tpu.memory_space<vmem>> -> memref<512xf32, #tpu.memory_space<vmem>>
    %dma_wait3A_890 = tpu.memref_slice %arg4[%add3A_887] : memref<262144xf32, #tpu.memory_space<hbm>> -> memref<512xf32, #tpu.memory_space<hbm>>
    %dma_wait3A_891 = tpu.memref_slice %arg4[%add3A_887] : memref<262144xf32, #tpu.memory_space<hbm>> -> memref<512xf32, #tpu.memory_space<hbm>>
    %dma_wait3A_892 = arith.constant 4096 : i32
    %dma_wait3A_893 = tpu.memref_slice %arg8[%dma_wait3A_892] : memref<8192xf32, #tpu.memory_space<vmem>> -> memref<512xf32, #tpu.memory_space<vmem>>
    tpu.wait_dma2 semaphore(%arg13 : memref<!tpu.dma_semaphore, #tpu.memory_space<semaphore_mem>>) src(%dma_wait3A_893 : memref<512xf32, #tpu.memory_space<vmem>>) dst(%dma_wait3A_891 : memref<512xf32, #tpu.memory_space<hbm>>)
    %mul3A_894 = arith.constant 512 : i32
    %mul3A_895 = arith.muli %add3A, %mul3A_894 : i32
    %add3A_896 = arith.constant 131072 : i32
    %add3A_897 = arith.addi %add3A_896, %mul3A_895 : i32
    %dma_wait3A_898 = arith.constant 4096 : i32
    %dma_wait3A_899 = tpu.memref_slice %arg9[%dma_wait3A_898] : memref<8192xi32, #tpu.memory_space<vmem>> -> memref<512xi32, #tpu.memory_space<vmem>>
    %dma_wait3A_900 = tpu.memref_slice %arg5[%add3A_897] : memref<262144xi32, #tpu.memory_space<hbm>> -> memref<512xi32, #tpu.memory_space<hbm>>
    %dma_wait3A_901 = tpu.memref_slice %arg5[%add3A_897] : memref<262144xi32, #tpu.memory_space<hbm>> -> memref<512xi32, #tpu.memory_space<hbm>>
    %dma_wait3A_902 = arith.constant 4096 : i32
    %dma_wait3A_903 = tpu.memref_slice %arg9[%dma_wait3A_902] : memref<8192xi32, #tpu.memory_space<vmem>> -> memref<512xi32, #tpu.memory_space<vmem>>
    tpu.wait_dma2 semaphore(%arg13 : memref<!tpu.dma_semaphore, #tpu.memory_space<semaphore_mem>>) src(%dma_wait3A_903 : memref<512xi32, #tpu.memory_space<vmem>>) dst(%dma_wait3A_901 : memref<512xi32, #tpu.memory_space<hbm>>)
    %mul3A_904 = arith.constant 512 : i32
    %mul3A_905 = arith.muli %add3A, %mul3A_904 : i32
    %add3A_906 = arith.constant 147456 : i32
    %add3A_907 = arith.addi %add3A_906, %mul3A_905 : i32
    %dma_wait3A_908 = arith.constant 4608 : i32
    %dma_wait3A_909 = tpu.memref_slice %arg8[%dma_wait3A_908] : memref<8192xf32, #tpu.memory_space<vmem>> -> memref<512xf32, #tpu.memory_space<vmem>>
    %dma_wait3A_910 = tpu.memref_slice %arg4[%add3A_907] : memref<262144xf32, #tpu.memory_space<hbm>> -> memref<512xf32, #tpu.memory_space<hbm>>
    %dma_wait3A_911 = tpu.memref_slice %arg4[%add3A_907] : memref<262144xf32, #tpu.memory_space<hbm>> -> memref<512xf32, #tpu.memory_space<hbm>>
    %dma_wait3A_912 = arith.constant 4608 : i32
    %dma_wait3A_913 = tpu.memref_slice %arg8[%dma_wait3A_912] : memref<8192xf32, #tpu.memory_space<vmem>> -> memref<512xf32, #tpu.memory_space<vmem>>
    tpu.wait_dma2 semaphore(%arg13 : memref<!tpu.dma_semaphore, #tpu.memory_space<semaphore_mem>>) src(%dma_wait3A_913 : memref<512xf32, #tpu.memory_space<vmem>>) dst(%dma_wait3A_911 : memref<512xf32, #tpu.memory_space<hbm>>)
    %mul3A_914 = arith.constant 512 : i32
    %mul3A_915 = arith.muli %add3A, %mul3A_914 : i32
    %add3A_916 = arith.constant 147456 : i32
    %add3A_917 = arith.addi %add3A_916, %mul3A_915 : i32
    %dma_wait3A_918 = arith.constant 4608 : i32
    %dma_wait3A_919 = tpu.memref_slice %arg9[%dma_wait3A_918] : memref<8192xi32, #tpu.memory_space<vmem>> -> memref<512xi32, #tpu.memory_space<vmem>>
    %dma_wait3A_920 = tpu.memref_slice %arg5[%add3A_917] : memref<262144xi32, #tpu.memory_space<hbm>> -> memref<512xi32, #tpu.memory_space<hbm>>
    %dma_wait3A_921 = tpu.memref_slice %arg5[%add3A_917] : memref<262144xi32, #tpu.memory_space<hbm>> -> memref<512xi32, #tpu.memory_space<hbm>>
    %dma_wait3A_922 = arith.constant 4608 : i32
    %dma_wait3A_923 = tpu.memref_slice %arg9[%dma_wait3A_922] : memref<8192xi32, #tpu.memory_space<vmem>> -> memref<512xi32, #tpu.memory_space<vmem>>
    tpu.wait_dma2 semaphore(%arg13 : memref<!tpu.dma_semaphore, #tpu.memory_space<semaphore_mem>>) src(%dma_wait3A_923 : memref<512xi32, #tpu.memory_space<vmem>>) dst(%dma_wait3A_921 : memref<512xi32, #tpu.memory_space<hbm>>)
    %mul3A_924 = arith.constant 512 : i32
    %mul3A_925 = arith.muli %add3A, %mul3A_924 : i32
    %add3A_926 = arith.constant 163840 : i32
    %add3A_927 = arith.addi %add3A_926, %mul3A_925 : i32
    %dma_wait3A_928 = arith.constant 5120 : i32
    %dma_wait3A_929 = tpu.memref_slice %arg8[%dma_wait3A_928] : memref<8192xf32, #tpu.memory_space<vmem>> -> memref<512xf32, #tpu.memory_space<vmem>>
    %dma_wait3A_930 = tpu.memref_slice %arg4[%add3A_927] : memref<262144xf32, #tpu.memory_space<hbm>> -> memref<512xf32, #tpu.memory_space<hbm>>
    %dma_wait3A_931 = tpu.memref_slice %arg4[%add3A_927] : memref<262144xf32, #tpu.memory_space<hbm>> -> memref<512xf32, #tpu.memory_space<hbm>>
    %dma_wait3A_932 = arith.constant 5120 : i32
    %dma_wait3A_933 = tpu.memref_slice %arg8[%dma_wait3A_932] : memref<8192xf32, #tpu.memory_space<vmem>> -> memref<512xf32, #tpu.memory_space<vmem>>
    tpu.wait_dma2 semaphore(%arg13 : memref<!tpu.dma_semaphore, #tpu.memory_space<semaphore_mem>>) src(%dma_wait3A_933 : memref<512xf32, #tpu.memory_space<vmem>>) dst(%dma_wait3A_931 : memref<512xf32, #tpu.memory_space<hbm>>)
    %mul3A_934 = arith.constant 512 : i32
    %mul3A_935 = arith.muli %add3A, %mul3A_934 : i32
    %add3A_936 = arith.constant 163840 : i32
    %add3A_937 = arith.addi %add3A_936, %mul3A_935 : i32
    %dma_wait3A_938 = arith.constant 5120 : i32
    %dma_wait3A_939 = tpu.memref_slice %arg9[%dma_wait3A_938] : memref<8192xi32, #tpu.memory_space<vmem>> -> memref<512xi32, #tpu.memory_space<vmem>>
    %dma_wait3A_940 = tpu.memref_slice %arg5[%add3A_937] : memref<262144xi32, #tpu.memory_space<hbm>> -> memref<512xi32, #tpu.memory_space<hbm>>
    %dma_wait3A_941 = tpu.memref_slice %arg5[%add3A_937] : memref<262144xi32, #tpu.memory_space<hbm>> -> memref<512xi32, #tpu.memory_space<hbm>>
    %dma_wait3A_942 = arith.constant 5120 : i32
    %dma_wait3A_943 = tpu.memref_slice %arg9[%dma_wait3A_942] : memref<8192xi32, #tpu.memory_space<vmem>> -> memref<512xi32, #tpu.memory_space<vmem>>
    tpu.wait_dma2 semaphore(%arg13 : memref<!tpu.dma_semaphore, #tpu.memory_space<semaphore_mem>>) src(%dma_wait3A_943 : memref<512xi32, #tpu.memory_space<vmem>>) dst(%dma_wait3A_941 : memref<512xi32, #tpu.memory_space<hbm>>)
    %mul3A_944 = arith.constant 512 : i32
    %mul3A_945 = arith.muli %add3A, %mul3A_944 : i32
    %add3A_946 = arith.constant 180224 : i32
    %add3A_947 = arith.addi %add3A_946, %mul3A_945 : i32
    %dma_wait3A_948 = arith.constant 5632 : i32
    %dma_wait3A_949 = tpu.memref_slice %arg8[%dma_wait3A_948] : memref<8192xf32, #tpu.memory_space<vmem>> -> memref<512xf32, #tpu.memory_space<vmem>>
    %dma_wait3A_950 = tpu.memref_slice %arg4[%add3A_947] : memref<262144xf32, #tpu.memory_space<hbm>> -> memref<512xf32, #tpu.memory_space<hbm>>
    %dma_wait3A_951 = tpu.memref_slice %arg4[%add3A_947] : memref<262144xf32, #tpu.memory_space<hbm>> -> memref<512xf32, #tpu.memory_space<hbm>>
    %dma_wait3A_952 = arith.constant 5632 : i32
    %dma_wait3A_953 = tpu.memref_slice %arg8[%dma_wait3A_952] : memref<8192xf32, #tpu.memory_space<vmem>> -> memref<512xf32, #tpu.memory_space<vmem>>
    tpu.wait_dma2 semaphore(%arg13 : memref<!tpu.dma_semaphore, #tpu.memory_space<semaphore_mem>>) src(%dma_wait3A_953 : memref<512xf32, #tpu.memory_space<vmem>>) dst(%dma_wait3A_951 : memref<512xf32, #tpu.memory_space<hbm>>)
    %mul3A_954 = arith.constant 512 : i32
    %mul3A_955 = arith.muli %add3A, %mul3A_954 : i32
    %add3A_956 = arith.constant 180224 : i32
    %add3A_957 = arith.addi %add3A_956, %mul3A_955 : i32
    %dma_wait3A_958 = arith.constant 5632 : i32
    %dma_wait3A_959 = tpu.memref_slice %arg9[%dma_wait3A_958] : memref<8192xi32, #tpu.memory_space<vmem>> -> memref<512xi32, #tpu.memory_space<vmem>>
    %dma_wait3A_960 = tpu.memref_slice %arg5[%add3A_957] : memref<262144xi32, #tpu.memory_space<hbm>> -> memref<512xi32, #tpu.memory_space<hbm>>
    %dma_wait3A_961 = tpu.memref_slice %arg5[%add3A_957] : memref<262144xi32, #tpu.memory_space<hbm>> -> memref<512xi32, #tpu.memory_space<hbm>>
    %dma_wait3A_962 = arith.constant 5632 : i32
    %dma_wait3A_963 = tpu.memref_slice %arg9[%dma_wait3A_962] : memref<8192xi32, #tpu.memory_space<vmem>> -> memref<512xi32, #tpu.memory_space<vmem>>
    tpu.wait_dma2 semaphore(%arg13 : memref<!tpu.dma_semaphore, #tpu.memory_space<semaphore_mem>>) src(%dma_wait3A_963 : memref<512xi32, #tpu.memory_space<vmem>>) dst(%dma_wait3A_961 : memref<512xi32, #tpu.memory_space<hbm>>)
    %mul3A_964 = arith.constant 512 : i32
    %mul3A_965 = arith.muli %add3A, %mul3A_964 : i32
    %add3A_966 = arith.constant 196608 : i32
    %add3A_967 = arith.addi %add3A_966, %mul3A_965 : i32
    %dma_wait3A_968 = arith.constant 6144 : i32
    %dma_wait3A_969 = tpu.memref_slice %arg8[%dma_wait3A_968] : memref<8192xf32, #tpu.memory_space<vmem>> -> memref<512xf32, #tpu.memory_space<vmem>>
    %dma_wait3A_970 = tpu.memref_slice %arg4[%add3A_967] : memref<262144xf32, #tpu.memory_space<hbm>> -> memref<512xf32, #tpu.memory_space<hbm>>
    %dma_wait3A_971 = tpu.memref_slice %arg4[%add3A_967] : memref<262144xf32, #tpu.memory_space<hbm>> -> memref<512xf32, #tpu.memory_space<hbm>>
    %dma_wait3A_972 = arith.constant 6144 : i32
    %dma_wait3A_973 = tpu.memref_slice %arg8[%dma_wait3A_972] : memref<8192xf32, #tpu.memory_space<vmem>> -> memref<512xf32, #tpu.memory_space<vmem>>
    tpu.wait_dma2 semaphore(%arg13 : memref<!tpu.dma_semaphore, #tpu.memory_space<semaphore_mem>>) src(%dma_wait3A_973 : memref<512xf32, #tpu.memory_space<vmem>>) dst(%dma_wait3A_971 : memref<512xf32, #tpu.memory_space<hbm>>)
    %mul3A_974 = arith.constant 512 : i32
    %mul3A_975 = arith.muli %add3A, %mul3A_974 : i32
    %add3A_976 = arith.constant 196608 : i32
    %add3A_977 = arith.addi %add3A_976, %mul3A_975 : i32
    %dma_wait3A_978 = arith.constant 6144 : i32
    %dma_wait3A_979 = tpu.memref_slice %arg9[%dma_wait3A_978] : memref<8192xi32, #tpu.memory_space<vmem>> -> memref<512xi32, #tpu.memory_space<vmem>>
    %dma_wait3A_980 = tpu.memref_slice %arg5[%add3A_977] : memref<262144xi32, #tpu.memory_space<hbm>> -> memref<512xi32, #tpu.memory_space<hbm>>
    %dma_wait3A_981 = tpu.memref_slice %arg5[%add3A_977] : memref<262144xi32, #tpu.memory_space<hbm>> -> memref<512xi32, #tpu.memory_space<hbm>>
    %dma_wait3A_982 = arith.constant 6144 : i32
    %dma_wait3A_983 = tpu.memref_slice %arg9[%dma_wait3A_982] : memref<8192xi32, #tpu.memory_space<vmem>> -> memref<512xi32, #tpu.memory_space<vmem>>
    tpu.wait_dma2 semaphore(%arg13 : memref<!tpu.dma_semaphore, #tpu.memory_space<semaphore_mem>>) src(%dma_wait3A_983 : memref<512xi32, #tpu.memory_space<vmem>>) dst(%dma_wait3A_981 : memref<512xi32, #tpu.memory_space<hbm>>)
    %mul3A_984 = arith.constant 512 : i32
    %mul3A_985 = arith.muli %add3A, %mul3A_984 : i32
    %add3A_986 = arith.constant 212992 : i32
    %add3A_987 = arith.addi %add3A_986, %mul3A_985 : i32
    %dma_wait3A_988 = arith.constant 6656 : i32
    %dma_wait3A_989 = tpu.memref_slice %arg8[%dma_wait3A_988] : memref<8192xf32, #tpu.memory_space<vmem>> -> memref<512xf32, #tpu.memory_space<vmem>>
    %dma_wait3A_990 = tpu.memref_slice %arg4[%add3A_987] : memref<262144xf32, #tpu.memory_space<hbm>> -> memref<512xf32, #tpu.memory_space<hbm>>
    %dma_wait3A_991 = tpu.memref_slice %arg4[%add3A_987] : memref<262144xf32, #tpu.memory_space<hbm>> -> memref<512xf32, #tpu.memory_space<hbm>>
    %dma_wait3A_992 = arith.constant 6656 : i32
    %dma_wait3A_993 = tpu.memref_slice %arg8[%dma_wait3A_992] : memref<8192xf32, #tpu.memory_space<vmem>> -> memref<512xf32, #tpu.memory_space<vmem>>
    tpu.wait_dma2 semaphore(%arg13 : memref<!tpu.dma_semaphore, #tpu.memory_space<semaphore_mem>>) src(%dma_wait3A_993 : memref<512xf32, #tpu.memory_space<vmem>>) dst(%dma_wait3A_991 : memref<512xf32, #tpu.memory_space<hbm>>)
    %mul3A_994 = arith.constant 512 : i32
    %mul3A_995 = arith.muli %add3A, %mul3A_994 : i32
    %add3A_996 = arith.constant 212992 : i32
    %add3A_997 = arith.addi %add3A_996, %mul3A_995 : i32
    %dma_wait3A_998 = arith.constant 6656 : i32
    %dma_wait3A_999 = tpu.memref_slice %arg9[%dma_wait3A_998] : memref<8192xi32, #tpu.memory_space<vmem>> -> memref<512xi32, #tpu.memory_space<vmem>>
    %dma_wait3A_1000 = tpu.memref_slice %arg5[%add3A_997] : memref<262144xi32, #tpu.memory_space<hbm>> -> memref<512xi32, #tpu.memory_space<hbm>>
    %dma_wait3A_1001 = tpu.memref_slice %arg5[%add3A_997] : memref<262144xi32, #tpu.memory_space<hbm>> -> memref<512xi32, #tpu.memory_space<hbm>>
    %dma_wait3A_1002 = arith.constant 6656 : i32
    %dma_wait3A_1003 = tpu.memref_slice %arg9[%dma_wait3A_1002] : memref<8192xi32, #tpu.memory_space<vmem>> -> memref<512xi32, #tpu.memory_space<vmem>>
    tpu.wait_dma2 semaphore(%arg13 : memref<!tpu.dma_semaphore, #tpu.memory_space<semaphore_mem>>) src(%dma_wait3A_1003 : memref<512xi32, #tpu.memory_space<vmem>>) dst(%dma_wait3A_1001 : memref<512xi32, #tpu.memory_space<hbm>>)
    %mul3A_1004 = arith.constant 512 : i32
    %mul3A_1005 = arith.muli %add3A, %mul3A_1004 : i32
    %add3A_1006 = arith.constant 229376 : i32
    %add3A_1007 = arith.addi %add3A_1006, %mul3A_1005 : i32
    %dma_wait3A_1008 = arith.constant 7168 : i32
    %dma_wait3A_1009 = tpu.memref_slice %arg8[%dma_wait3A_1008] : memref<8192xf32, #tpu.memory_space<vmem>> -> memref<512xf32, #tpu.memory_space<vmem>>
    %dma_wait3A_1010 = tpu.memref_slice %arg4[%add3A_1007] : memref<262144xf32, #tpu.memory_space<hbm>> -> memref<512xf32, #tpu.memory_space<hbm>>
    %dma_wait3A_1011 = tpu.memref_slice %arg4[%add3A_1007] : memref<262144xf32, #tpu.memory_space<hbm>> -> memref<512xf32, #tpu.memory_space<hbm>>
    %dma_wait3A_1012 = arith.constant 7168 : i32
    %dma_wait3A_1013 = tpu.memref_slice %arg8[%dma_wait3A_1012] : memref<8192xf32, #tpu.memory_space<vmem>> -> memref<512xf32, #tpu.memory_space<vmem>>
    tpu.wait_dma2 semaphore(%arg13 : memref<!tpu.dma_semaphore, #tpu.memory_space<semaphore_mem>>) src(%dma_wait3A_1013 : memref<512xf32, #tpu.memory_space<vmem>>) dst(%dma_wait3A_1011 : memref<512xf32, #tpu.memory_space<hbm>>)
    %mul3A_1014 = arith.constant 512 : i32
    %mul3A_1015 = arith.muli %add3A, %mul3A_1014 : i32
    %add3A_1016 = arith.constant 229376 : i32
    %add3A_1017 = arith.addi %add3A_1016, %mul3A_1015 : i32
    %dma_wait3A_1018 = arith.constant 7168 : i32
    %dma_wait3A_1019 = tpu.memref_slice %arg9[%dma_wait3A_1018] : memref<8192xi32, #tpu.memory_space<vmem>> -> memref<512xi32, #tpu.memory_space<vmem>>
    %dma_wait3A_1020 = tpu.memref_slice %arg5[%add3A_1017] : memref<262144xi32, #tpu.memory_space<hbm>> -> memref<512xi32, #tpu.memory_space<hbm>>
    %dma_wait3A_1021 = tpu.memref_slice %arg5[%add3A_1017] : memref<262144xi32, #tpu.memory_space<hbm>> -> memref<512xi32, #tpu.memory_space<hbm>>
    %dma_wait3A_1022 = arith.constant 7168 : i32
    %dma_wait3A_1023 = tpu.memref_slice %arg9[%dma_wait3A_1022] : memref<8192xi32, #tpu.memory_space<vmem>> -> memref<512xi32, #tpu.memory_space<vmem>>
    tpu.wait_dma2 semaphore(%arg13 : memref<!tpu.dma_semaphore, #tpu.memory_space<semaphore_mem>>) src(%dma_wait3A_1023 : memref<512xi32, #tpu.memory_space<vmem>>) dst(%dma_wait3A_1021 : memref<512xi32, #tpu.memory_space<hbm>>)
    %mul3A_1024 = arith.constant 512 : i32
    %mul3A_1025 = arith.muli %add3A, %mul3A_1024 : i32
    %add3A_1026 = arith.constant 245760 : i32
    %add3A_1027 = arith.addi %add3A_1026, %mul3A_1025 : i32
    %dma_wait3A_1028 = arith.constant 7680 : i32
    %dma_wait3A_1029 = tpu.memref_slice %arg8[%dma_wait3A_1028] : memref<8192xf32, #tpu.memory_space<vmem>> -> memref<512xf32, #tpu.memory_space<vmem>>
    %dma_wait3A_1030 = tpu.memref_slice %arg4[%add3A_1027] : memref<262144xf32, #tpu.memory_space<hbm>> -> memref<512xf32, #tpu.memory_space<hbm>>
    %dma_wait3A_1031 = tpu.memref_slice %arg4[%add3A_1027] : memref<262144xf32, #tpu.memory_space<hbm>> -> memref<512xf32, #tpu.memory_space<hbm>>
    %dma_wait3A_1032 = arith.constant 7680 : i32
    %dma_wait3A_1033 = tpu.memref_slice %arg8[%dma_wait3A_1032] : memref<8192xf32, #tpu.memory_space<vmem>> -> memref<512xf32, #tpu.memory_space<vmem>>
    tpu.wait_dma2 semaphore(%arg13 : memref<!tpu.dma_semaphore, #tpu.memory_space<semaphore_mem>>) src(%dma_wait3A_1033 : memref<512xf32, #tpu.memory_space<vmem>>) dst(%dma_wait3A_1031 : memref<512xf32, #tpu.memory_space<hbm>>)
    %mul3A_1034 = arith.constant 512 : i32
    %mul3A_1035 = arith.muli %add3A, %mul3A_1034 : i32
    %add3A_1036 = arith.constant 245760 : i32
    %add3A_1037 = arith.addi %add3A_1036, %mul3A_1035 : i32
    %dma_wait3A_1038 = arith.constant 7680 : i32
    %dma_wait3A_1039 = tpu.memref_slice %arg9[%dma_wait3A_1038] : memref<8192xi32, #tpu.memory_space<vmem>> -> memref<512xi32, #tpu.memory_space<vmem>>
    %dma_wait3A_1040 = tpu.memref_slice %arg5[%add3A_1037] : memref<262144xi32, #tpu.memory_space<hbm>> -> memref<512xi32, #tpu.memory_space<hbm>>
    %dma_wait3A_1041 = tpu.memref_slice %arg5[%add3A_1037] : memref<262144xi32, #tpu.memory_space<hbm>> -> memref<512xi32, #tpu.memory_space<hbm>>
    %dma_wait3A_1042 = arith.constant 7680 : i32
    %dma_wait3A_1043 = tpu.memref_slice %arg9[%dma_wait3A_1042] : memref<8192xi32, #tpu.memory_space<vmem>> -> memref<512xi32, #tpu.memory_space<vmem>>
    tpu.wait_dma2 semaphore(%arg13 : memref<!tpu.dma_semaphore, #tpu.memory_space<semaphore_mem>>) src(%dma_wait3A_1043 : memref<512xi32, #tpu.memory_space<vmem>>) dst(%dma_wait3A_1041 : memref<512xi32, #tpu.memory_space<hbm>>)
    return
  }
}

#map = affine_map<(d0, d1) -> (0)>
module attributes {stable_mosaic.version = 14 : i64} {
  func.func @_phase2_body(%arg0: i32, %arg1: i32, %arg2: memref<262144xf32, #tpu.memory_space<hbm>>, %arg3: memref<262144xi32, #tpu.memory_space<hbm>>, %arg4: memref<12800000xf32, #tpu.memory_space<hbm>>, %arg5: memref<12800000xf32, #tpu.memory_space<hbm>>, %arg6: memref<100000xi32, #tpu.memory_space<hbm>>, %arg7: memref<32xf32, #tpu.memory_space<hbm>>, %arg8: memref<16384xf32, #tpu.memory_space<vmem>>, %arg9: memref<16384xi32, #tpu.memory_space<vmem>>, %arg10: memref<256xi32, #tpu.memory_space<vmem>>, %arg11: memref<256xf32, #tpu.memory_space<vmem>>, %arg12: memref<256xf32, #tpu.memory_space<vmem>>, %arg13: memref<16xi32, #tpu.memory_space<vmem>>, %arg14: memref<16xf32, #tpu.memory_space<vmem>>, %arg15: memref<16xf32, #tpu.memory_space<vmem>>, %arg16: memref<256xf32, #tpu.memory_space<vmem_shared>>, %arg17: memref<!tpu.dma_semaphore, #tpu.memory_space<semaphore_mem>>, %arg18: memref<!tpu.dma_semaphore, #tpu.memory_space<semaphore_mem>>) attributes {dimension_semantics = [#tpu.dimension_semantics<core_parallel>, #tpu.dimension_semantics<subcore_parallel>], iteration_bounds = array<i64: 2, 16>, scalar_prefetch = 0 : i64, scratch_operands = 11 : i64, tpu.core_type = #tpu.core_type<sc_vector_subcore>, window_params = [{transform_indices = #map}, {transform_indices = #map}, {transform_indices = #map}, {transform_indices = #map}, {transform_indices = #map}, {transform_indices = #map}]} {
    %mul3A = arith.constant 256 : i32
    %mul3A_0 = arith.muli %arg0, %mul3A : i32
    %mul3A_1 = arith.constant 512 : i32
    %mul3A_2 = arith.muli %arg1, %mul3A_1 : i32
    %add3A = arith.addi %mul3A_2, %mul3A_0 : i32
    %mul3A_3 = arith.constant 32 : i32
    %mul3A_4 = arith.muli %arg1, %mul3A_3 : i32
    %mul3A_5 = arith.constant 512 : i32
    %mul3A_6 = arith.muli %mul3A_4, %mul3A_5 : i32
    %dma_start3A = tpu.memref_slice %arg2[%mul3A_6] : memref<262144xf32, #tpu.memory_space<hbm>> -> memref<16384xf32, #tpu.memory_space<hbm>>
    %dma_start3A_7 = tpu.memref_slice %arg2[%mul3A_6] : memref<262144xf32, #tpu.memory_space<hbm>> -> memref<16384xf32, #tpu.memory_space<hbm>>
    tpu.enqueue_dma source(%dma_start3A_7 : memref<16384xf32, #tpu.memory_space<hbm>>) target(%arg8 : memref<16384xf32, #tpu.memory_space<vmem>>) target_semaphore(%arg17 : memref<!tpu.dma_semaphore, #tpu.memory_space<semaphore_mem>>)
    %mul3A_8 = arith.constant 32 : i32
    %mul3A_9 = arith.muli %arg1, %mul3A_8 : i32
    %mul3A_10 = arith.constant 512 : i32
    %mul3A_11 = arith.muli %mul3A_9, %mul3A_10 : i32
    %dma_start3A_12 = tpu.memref_slice %arg3[%mul3A_11] : memref<262144xi32, #tpu.memory_space<hbm>> -> memref<16384xi32, #tpu.memory_space<hbm>>
    %dma_start3A_13 = tpu.memref_slice %arg3[%mul3A_11] : memref<262144xi32, #tpu.memory_space<hbm>> -> memref<16384xi32, #tpu.memory_space<hbm>>
    tpu.enqueue_dma source(%dma_start3A_13 : memref<16384xi32, #tpu.memory_space<hbm>>) target(%arg9 : memref<16384xi32, #tpu.memory_space<vmem>>) target_semaphore(%arg17 : memref<!tpu.dma_semaphore, #tpu.memory_space<semaphore_mem>>)
    %dma_start3A_14 = arith.constant 99984 : i32
    %dma_start3A_15 = tpu.memref_slice %arg6[%dma_start3A_14] : memref<100000xi32, #tpu.memory_space<hbm>> -> memref<16xi32, #tpu.memory_space<hbm>>
    %dma_start3A_16 = arith.constant 99984 : i32
    %dma_start3A_17 = tpu.memref_slice %arg6[%dma_start3A_16] : memref<100000xi32, #tpu.memory_space<hbm>> -> memref<16xi32, #tpu.memory_space<hbm>>
    tpu.enqueue_dma source(%dma_start3A_17 : memref<16xi32, #tpu.memory_space<hbm>>) target(%arg13 : memref<16xi32, #tpu.memory_space<vmem>>) target_semaphore(%arg17 : memref<!tpu.dma_semaphore, #tpu.memory_space<semaphore_mem>>)
    %mul3A_18 = arith.constant 32 : i32
    %mul3A_19 = arith.muli %arg1, %mul3A_18 : i32
    %mul3A_20 = arith.constant 512 : i32
    %mul3A_21 = arith.muli %mul3A_19, %mul3A_20 : i32
    %dma_wait3A = tpu.memref_slice %arg2[%mul3A_21] : memref<262144xf32, #tpu.memory_space<hbm>> -> memref<16384xf32, #tpu.memory_space<hbm>>
    %dma_wait3A_22 = tpu.memref_slice %arg2[%mul3A_21] : memref<262144xf32, #tpu.memory_space<hbm>> -> memref<16384xf32, #tpu.memory_space<hbm>>
    tpu.wait_dma2 semaphore(%arg17 : memref<!tpu.dma_semaphore, #tpu.memory_space<semaphore_mem>>) src(%dma_wait3A_22 : memref<16384xf32, #tpu.memory_space<hbm>>) dst(%arg8 : memref<16384xf32, #tpu.memory_space<vmem>>)
    %mul3A_23 = arith.constant 32 : i32
    %mul3A_24 = arith.muli %arg1, %mul3A_23 : i32
    %mul3A_25 = arith.constant 512 : i32
    %mul3A_26 = arith.muli %mul3A_24, %mul3A_25 : i32
    %dma_wait3A_27 = tpu.memref_slice %arg3[%mul3A_26] : memref<262144xi32, #tpu.memory_space<hbm>> -> memref<16384xi32, #tpu.memory_space<hbm>>
    %dma_wait3A_28 = tpu.memref_slice %arg3[%mul3A_26] : memref<262144xi32, #tpu.memory_space<hbm>> -> memref<16384xi32, #tpu.memory_space<hbm>>
    tpu.wait_dma2 semaphore(%arg17 : memref<!tpu.dma_semaphore, #tpu.memory_space<semaphore_mem>>) src(%dma_wait3A_28 : memref<16384xi32, #tpu.memory_space<hbm>>) dst(%arg9 : memref<16384xi32, #tpu.memory_space<vmem>>)
    %dma_wait3A_29 = arith.constant 99984 : i32
    %dma_wait3A_30 = tpu.memref_slice %arg6[%dma_wait3A_29] : memref<100000xi32, #tpu.memory_space<hbm>> -> memref<16xi32, #tpu.memory_space<hbm>>
    %dma_wait3A_31 = arith.constant 99984 : i32
    %dma_wait3A_32 = tpu.memref_slice %arg6[%dma_wait3A_31] : memref<100000xi32, #tpu.memory_space<hbm>> -> memref<16xi32, #tpu.memory_space<hbm>>
    tpu.wait_dma2 semaphore(%arg17 : memref<!tpu.dma_semaphore, #tpu.memory_space<semaphore_mem>>) src(%dma_wait3A_32 : memref<16xi32, #tpu.memory_space<hbm>>) dst(%arg13 : memref<16xi32, #tpu.memory_space<vmem>>)
    %iota3A = tpu.iota {dimensions = array<i32: 0>} : vector<16xi32>
    %scan3A = arith.constant 0 : i32
    %scan3A_33 = arith.constant 0 : i32
    %scan3A_34 = arith.constant 16 : i32
    %scan3A_35 = arith.addi %scan3A_33, %scan3A_34 : i32
    %scan3A_36 = arith.constant 1 : i32
    %scan3A_37 = scf.for %scan3A_65 = %scan3A_33 to %scan3A_35 step %scan3A_36 iter_args(%scan3A_66 = %scan3A) -> (i32)  : i32 {
      %mul3A_67 = arith.constant 16 : i32
      %mul3A_68 = arith.muli %scan3A_65, %mul3A_67 : i32
      %add3A_69 = arith.addi %mul3A_0, %mul3A_68 : i32
      %get3A_70 = arith.index_cast %add3A_69 : i32 to index
      %get3A_71 = tpu.vector_load %arg8[%get3A_70] {strides = array<i32>} : memref<16384xf32, #tpu.memory_space<vmem>>, vector<16xf32>,
      %get3A_72 = vector.shape_cast %get3A_71 : vector<16xf32> to vector<16xf32>
      %get3A_73 = arith.index_cast %add3A_69 : i32 to index
      %get3A_74 = tpu.vector_load %arg9[%get3A_73] {strides = array<i32>} : memref<16384xi32, #tpu.memory_space<vmem>>, vector<16xi32>,
      %get3A_75 = vector.shape_cast %get3A_74 : vector<16xi32> to vector<16xi32>
      %scan3A_76 = arith.constant 1 : i32
      %scan3A_77 = arith.constant 31 : i32
      %scan3A_78 = arith.addi %scan3A_76, %scan3A_77 : i32
      %scan3A_79 = arith.constant 1 : i32
      %scan3A_80:2 = scf.for %scan3A_101 = %scan3A_76 to %scan3A_78 step %scan3A_79 iter_args(%scan3A_102 = %get3A_72, %scan3A_103 = %get3A_75) -> (vector<16xf32>, vector<16xi32>)  : i32 {
        %mul3A_104 = arith.constant 512 : i32
        %mul3A_105 = arith.muli %scan3A_101, %mul3A_104 : i32
        %add3A_106 = arith.addi %mul3A_105, %add3A_69 : i32
        %get3A_107 = arith.index_cast %add3A_106 : i32 to index
        %get3A_108 = tpu.vector_load %arg8[%get3A_107] {strides = array<i32>} : memref<16384xf32, #tpu.memory_space<vmem>>, vector<16xf32>,
        %get3A_109 = vector.shape_cast %get3A_108 : vector<16xf32> to vector<16xf32>
        %mul3A_110 = arith.constant 512 : i32
        %mul3A_111 = arith.muli %scan3A_101, %mul3A_110 : i32
        %add3A_112 = arith.addi %mul3A_111, %add3A_69 : i32
        %get3A_113 = arith.index_cast %add3A_112 : i32 to index
        %get3A_114 = tpu.vector_load %arg9[%get3A_113] {strides = array<i32>} : memref<16384xi32, #tpu.memory_space<vmem>>, vector<16xi32>,
        %get3A_115 = vector.shape_cast %get3A_114 : vector<16xi32> to vector<16xi32>
        %gt3A = arith.cmpf ogt, %get3A_109, %scan3A_102 : vector<16xf32>
        %select_n3A = arith.select %gt3A, %get3A_109, %scan3A_102 : vector<16xi1>, vector<16xf32>
        %select_n3A_116 = arith.select %gt3A, %get3A_115, %scan3A_103 : vector<16xi1>, vector<16xi32>
        scf.yield %select_n3A, %select_n3A_116 : vector<16xf32>, vector<16xi32>
      }
      %scan3A_81 = arith.constant 31 : i32
      %rem3A = arith.constant 128 : i32
      %rem3A_82 = arith.remsi %add3A, %rem3A : i32
      %mul3A_83 = arith.constant 16 : i32
      %mul3A_84 = arith.muli %scan3A_65, %mul3A_83 : i32
      %add3A_85 = arith.addi %rem3A_82, %mul3A_84 : i32
      %rem3A_86 = arith.constant 128 : i32
      %rem3A_87 = arith.remsi %add3A_85, %rem3A_86 : i32
      %broadcast_in_dim3A_88 = vector.broadcast %rem3A_87 : i32 to vector<16xi32>
      %add3A_89 = arith.addi %broadcast_in_dim3A_88, %iota3A : vector<16xi32>
      %mul3A_90 = arith.constant 128 : i32
      %mul3A_91 = vector.broadcast %mul3A_90 : i32 to vector<16xi32>
      %mul3A_92 = arith.muli %scan3A_80#1, %mul3A_91 : vector<16xi32>
      %add3A_93 = arith.addi %mul3A_92, %add3A_89 : vector<16xi32>
      %mul3A_94 = arith.constant 16 : i32
      %mul3A_95 = arith.muli %scan3A_65, %mul3A_94 : i32
      %swap3A_96 = arith.index_cast %mul3A_95 : i32 to index
      %swap3A_97 = tpu.vector_load %arg10[%swap3A_96] {strides = array<i32>} : memref<256xi32, #tpu.memory_space<vmem>>, vector<16xi32>,
      %swap3A_98 = vector.shape_cast %swap3A_97 : vector<16xi32> to vector<16xi32>
      %swap3A_99 = vector.shape_cast %add3A_93 : vector<16xi32> to vector<16xi32>
      tpu.vector_store %arg10[%swap3A_96], %swap3A_99 {strides = array<i32>} : memref<256xi32, #tpu.memory_space<vmem>>, vector<16xi32>,
      %scan3A_100 = arith.constant 0 : i32
      scf.yield %scan3A_100 : i32
    }
    %scan3A_38 = arith.constant 16 : i32
    %dma_start3A_39 = arith.constant 0 : i32
    %dma_start3A_40 = tpu.memref_slice %arg4[%dma_start3A_39] : memref<12800000xf32, #tpu.memory_space<hbm>> -> memref<12800000xf32, #tpu.memory_space<hbm>>
    tpu.enqueue_indirect_dma source(%dma_start3A_40 : memref<12800000xf32, #tpu.memory_space<hbm>>) target(%arg11 : memref<256xf32, #tpu.memory_space<vmem>>) offsets(%arg10 : memref<256xi32, #tpu.memory_space<vmem>>) semaphore(%arg18 : memref<!tpu.dma_semaphore, #tpu.memory_space<semaphore_mem>>)
    %dma_start3A_41 = arith.constant 0 : i32
    %dma_start3A_42 = tpu.memref_slice %arg5[%dma_start3A_41] : memref<12800000xf32, #tpu.memory_space<hbm>> -> memref<12800000xf32, #tpu.memory_space<hbm>>
    tpu.enqueue_indirect_dma source(%dma_start3A_42 : memref<12800000xf32, #tpu.memory_space<hbm>>) target(%arg12 : memref<256xf32, #tpu.memory_space<vmem>>) offsets(%arg10 : memref<256xi32, #tpu.memory_space<vmem>>) semaphore(%arg18 : memref<!tpu.dma_semaphore, #tpu.memory_space<semaphore_mem>>)
    %dma_wait3A_43 = arith.constant 0 : i32
    %dma_wait3A_44 = tpu.memref_slice %arg4[%dma_wait3A_43] : memref<12800000xf32, #tpu.memory_space<hbm>> -> memref<12800000xf32, #tpu.memory_space<hbm>>
    tpu.wait_indirect_dma semaphore(%arg18 : memref<!tpu.dma_semaphore, #tpu.memory_space<semaphore_mem>>) src(%dma_wait3A_44 : memref<12800000xf32, #tpu.memory_space<hbm>>) dst(%arg11 : memref<256xf32, #tpu.memory_space<vmem>>)
    %dma_wait3A_45 = arith.constant 0 : i32
    %dma_wait3A_46 = tpu.memref_slice %arg5[%dma_wait3A_45] : memref<12800000xf32, #tpu.memory_space<hbm>> -> memref<12800000xf32, #tpu.memory_space<hbm>>
    tpu.wait_indirect_dma semaphore(%arg18 : memref<!tpu.dma_semaphore, #tpu.memory_space<semaphore_mem>>) src(%dma_wait3A_46 : memref<12800000xf32, #tpu.memory_space<hbm>>) dst(%arg12 : memref<256xf32, #tpu.memory_space<vmem>>)
    %get3A = arith.constant 0 : index
    %get3A_47 = tpu.vector_load %arg13[%get3A] {strides = array<i32>} : memref<16xi32, #tpu.memory_space<vmem>>, vector<16xi32>,
    %get3A_48 = vector.shape_cast %get3A_47 : vector<16xi32> to vector<16xi32>
    %slice3A = vector.extract_strided_slice %get3A_48 {offsets = [15], sizes = [1], strides = [1]} : vector<16xi32> to vector<1xi32>
    %squeeze3A = vector.extract %slice3A[0] : i32 from vector<1xi32>
    %add3A_49 = arith.constant 1 : i32
    %add3A_50 = arith.addi %squeeze3A, %add3A_49 : i32
    %broadcast_in_dim3A = arith.constant 0.000000e+00 : f32
    %broadcast_in_dim3A_51 = vector.broadcast %broadcast_in_dim3A : f32 to vector<16xf32>
    %scan3A_52 = arith.constant 0 : i32
    %scan3A_53 = arith.constant 16 : i32
    %scan3A_54 = arith.addi %scan3A_52, %scan3A_53 : i32
    %scan3A_55 = arith.constant 1 : i32
    %scan3A_56 = scf.for %scan3A_65 = %scan3A_52 to %scan3A_54 step %scan3A_55 iter_args(%scan3A_66 = %broadcast_in_dim3A_51) -> (vector<16xf32>)  : i32 {
      %mul3A_67 = arith.constant 16 : i32
      %mul3A_68 = arith.muli %scan3A_65, %mul3A_67 : i32
      %get3A_69 = arith.index_cast %mul3A_68 : i32 to index
      %get3A_70 = tpu.vector_load %arg11[%get3A_69] {strides = array<i32>} : memref<256xf32, #tpu.memory_space<vmem>>, vector<16xf32>,
      %get3A_71 = vector.shape_cast %get3A_70 : vector<16xf32> to vector<16xf32>
      %mul3A_72 = arith.constant 16 : i32
      %mul3A_73 = arith.muli %scan3A_65, %mul3A_72 : i32
      %get3A_74 = arith.index_cast %mul3A_73 : i32 to index
      %get3A_75 = tpu.vector_load %arg12[%get3A_74] {strides = array<i32>} : memref<256xf32, #tpu.memory_space<vmem>>, vector<16xf32>,
      %get3A_76 = vector.shape_cast %get3A_75 : vector<16xf32> to vector<16xf32>
      %sub3A = arith.subf %get3A_76, %get3A_71 : vector<16xf32>
      %abs3A = math.absf %sub3A : vector<16xf32>
      %abs3A_77 = math.absf %get3A_71 : vector<16xf32>
      %add3A_78 = arith.constant 9.99999993E-9 : f32
      %add3A_79 = vector.broadcast %add3A_78 : f32 to vector<16xf32>
      %add3A_80 = arith.addf %abs3A_77, %add3A_79 : vector<16xf32>
      %div3A = arith.divf %abs3A, %add3A_80 : vector<16xf32>
      %mul3A_81 = arith.constant 16 : i32
      %mul3A_82 = arith.muli %scan3A_65, %mul3A_81 : i32
      %add3A_83 = arith.addi %add3A, %mul3A_82 : i32
      %broadcast_in_dim3A_84 = vector.broadcast %add3A_83 : i32 to vector<16xi32>
      %add3A_85 = arith.addi %broadcast_in_dim3A_84, %iota3A : vector<16xi32>
      %broadcast_in_dim3A_86 = arith.constant 7 : i32
      %broadcast_in_dim3A_87 = vector.broadcast %broadcast_in_dim3A_86 : i32 to vector<16xi32>
      %shift_right_logical3A = arith.shrui %add3A_85, %broadcast_in_dim3A_87 : vector<16xi32>
      %lt3A = vector.broadcast %add3A_50 : i32 to vector<16xi32>
      %lt3A_88 = arith.cmpi slt, %shift_right_logical3A, %lt3A : vector<16xi32>
      %jit3A = arith.constant 0.000000e+00 : f32
      %broadcast_in_dim3A_89 = vector.broadcast %jit3A : f32 to vector<16xf32>
      %select_n3A = arith.select %lt3A_88, %div3A, %broadcast_in_dim3A_89 : vector<16xi1>, vector<16xf32>
      %add3A_90 = arith.addf %scan3A_66, %select_n3A : vector<16xf32>
      scf.yield %add3A_90 : vector<16xf32>
    }
    %scan3A_57 = arith.constant 16 : i32
    %swap3A = arith.constant 0 : index
    %swap3A_58 = tpu.vector_load %arg14[%swap3A] {strides = array<i32>} : memref<16xf32, #tpu.memory_space<vmem>>, vector<16xf32>,
    %swap3A_59 = vector.shape_cast %swap3A_58 : vector<16xf32> to vector<16xf32>
    %swap3A_60 = vector.shape_cast %scan3A_56 : vector<16xf32> to vector<16xf32>
    tpu.vector_store %arg14[%swap3A], %swap3A_60 {strides = array<i32>} : memref<16xf32, #tpu.memory_space<vmem>>, vector<16xf32>,
    %mul3A_61 = arith.constant 16 : i32
    %mul3A_62 = arith.muli %arg1, %mul3A_61 : i32
    "tpu.region"() ({
      %run_scoped3A = tpu.sem_alloc : memref<!tpu.dma_semaphore, #tpu.memory_space<semaphore_mem>>
      %dma_start3A_65 = tpu.memref_slice %arg16[%mul3A_62] : memref<256xf32, #tpu.memory_space<vmem_shared>> -> memref<16xf32, #tpu.memory_space<vmem_shared>>
      %dma_start3A_66 = tpu.memref_slice %arg16[%mul3A_62] : memref<256xf32, #tpu.memory_space<vmem_shared>> -> memref<16xf32, #tpu.memory_space<vmem_shared>>
      tpu.enqueue_dma source(%arg14 : memref<16xf32, #tpu.memory_space<vmem>>) target(%dma_start3A_66 : memref<16xf32, #tpu.memory_space<vmem_shared>>) target_semaphore(%run_scoped3A : memref<!tpu.dma_semaphore, #tpu.memory_space<semaphore_mem>>)
      %dma_wait3A_67 = tpu.memref_slice %arg16[%mul3A_62] : memref<256xf32, #tpu.memory_space<vmem_shared>> -> memref<16xf32, #tpu.memory_space<vmem_shared>>
      %dma_wait3A_68 = tpu.memref_slice %arg16[%mul3A_62] : memref<256xf32, #tpu.memory_space<vmem_shared>> -> memref<16xf32, #tpu.memory_space<vmem_shared>>
      tpu.wait_dma2 semaphore(%run_scoped3A : memref<!tpu.dma_semaphore, #tpu.memory_space<semaphore_mem>>) src(%arg14 : memref<16xf32, #tpu.memory_space<vmem>>) dst(%dma_wait3A_68 : memref<16xf32, #tpu.memory_space<vmem_shared>>)
      tpu.yield
    }) : () -> ()
    %barrier3A = arith.constant 0 : index
    tpu.barrier barrier_id(%barrier3A)
    %eq3A = arith.constant 0 : i32
    %eq3A_63 = arith.cmpi eq, %arg1, %eq3A : i32
    %convert_element_type3A = arith.extui %eq3A_63 : i1 to i32
    %cond3A = arith.constant 0 : i32
    %cond3A_64 = arith.cmpi ne, %convert_element_type3A, %cond3A : i32
    scf.if %cond3A_64 {
      %broadcast_in_dim3A_65 = arith.constant 0.000000e+00 : f32
      %broadcast_in_dim3A_66 = vector.broadcast %broadcast_in_dim3A_65 : f32 to vector<16xf32>
      %scan3A_67 = arith.constant 0 : i32
      %scan3A_68 = arith.constant 16 : i32
      %scan3A_69 = arith.addi %scan3A_67, %scan3A_68 : i32
      %scan3A_70 = arith.constant 1 : i32
      %scan3A_71 = scf.for %scan3A_135 = %scan3A_67 to %scan3A_69 step %scan3A_70 iter_args(%scan3A_136 = %broadcast_in_dim3A_66) -> (vector<16xf32>)  : i32 {
        %mul3A_137 = arith.constant 16 : i32
        %mul3A_138 = arith.muli %scan3A_135, %mul3A_137 : i32
        "tpu.region"() ({
          %run_scoped3A = tpu.sem_alloc : memref<!tpu.dma_semaphore, #tpu.memory_space<semaphore_mem>>
          %dma_start3A_143 = tpu.memref_slice %arg16[%mul3A_138] : memref<256xf32, #tpu.memory_space<vmem_shared>> -> memref<16xf32, #tpu.memory_space<vmem_shared>>
          %dma_start3A_144 = tpu.memref_slice %arg16[%mul3A_138] : memref<256xf32, #tpu.memory_space<vmem_shared>> -> memref<16xf32, #tpu.memory_space<vmem_shared>>
          tpu.enqueue_dma source(%dma_start3A_144 : memref<16xf32, #tpu.memory_space<vmem_shared>>) target(%arg14 : memref<16xf32, #tpu.memory_space<vmem>>) target_semaphore(%run_scoped3A : memref<!tpu.dma_semaphore, #tpu.memory_space<semaphore_mem>>)
          %dma_wait3A_145 = tpu.memref_slice %arg16[%mul3A_138] : memref<256xf32, #tpu.memory_space<vmem_shared>> -> memref<16xf32, #tpu.memory_space<vmem_shared>>
          %dma_wait3A_146 = tpu.memref_slice %arg16[%mul3A_138] : memref<256xf32, #tpu.memory_space<vmem_shared>> -> memref<16xf32, #tpu.memory_space<vmem_shared>>
          tpu.wait_dma2 semaphore(%run_scoped3A : memref<!tpu.dma_semaphore, #tpu.memory_space<semaphore_mem>>) src(%dma_wait3A_146 : memref<16xf32, #tpu.memory_space<vmem_shared>>) dst(%arg14 : memref<16xf32, #tpu.memory_space<vmem>>)
          tpu.yield
        }) : () -> ()
        %get3A_139 = arith.constant 0 : index
        %get3A_140 = tpu.vector_load %arg14[%get3A_139] {strides = array<i32>} : memref<16xf32, #tpu.memory_space<vmem>>, vector<16xf32>,
        %get3A_141 = vector.shape_cast %get3A_140 : vector<16xf32> to vector<16xf32>
        %add3A_142 = arith.addf %scan3A_136, %get3A_141 : vector<16xf32>
        scf.yield %add3A_142 : vector<16xf32>
      }
      %scan3A_72 = arith.constant 16 : i32
      %slice3A_73 = vector.extract_strided_slice %scan3A_71 {offsets = [0], sizes = [1], strides = [1]} : vector<16xf32> to vector<1xf32>
      %squeeze3A_74 = vector.extract %slice3A_73[0] : f32 from vector<1xf32>
      %slice3A_75 = vector.extract_strided_slice %scan3A_71 {offsets = [1], sizes = [1], strides = [1]} : vector<16xf32> to vector<1xf32>
      %squeeze3A_76 = vector.extract %slice3A_75[0] : f32 from vector<1xf32>
      %add3A_77 = arith.addf %squeeze3A_74, %squeeze3A_76 : f32
      %slice3A_78 = vector.extract_strided_slice %scan3A_71 {offsets = [2], sizes = [1], strides = [1]} : vector<16xf32> to vector<1xf32>
      %squeeze3A_79 = vector.extract %slice3A_78[0] : f32 from vector<1xf32>
      %add3A_80 = arith.addf %add3A_77, %squeeze3A_79 : f32
      %slice3A_81 = vector.extract_strided_slice %scan3A_71 {offsets = [3], sizes = [1], strides = [1]} : vector<16xf32> to vector<1xf32>
      %squeeze3A_82 = vector.extract %slice3A_81[0] : f32 from vector<1xf32>
      %add3A_83 = arith.addf %add3A_80, %squeeze3A_82 : f32
      %slice3A_84 = vector.extract_strided_slice %scan3A_71 {offsets = [4], sizes = [1], strides = [1]} : vector<16xf32> to vector<1xf32>
      %squeeze3A_85 = vector.extract %slice3A_84[0] : f32 from vector<1xf32>
      %add3A_86 = arith.addf %add3A_83, %squeeze3A_85 : f32
      %slice3A_87 = vector.extract_strided_slice %scan3A_71 {offsets = [5], sizes = [1], strides = [1]} : vector<16xf32> to vector<1xf32>
      %squeeze3A_88 = vector.extract %slice3A_87[0] : f32 from vector<1xf32>
      %add3A_89 = arith.addf %add3A_86, %squeeze3A_88 : f32
      %slice3A_90 = vector.extract_strided_slice %scan3A_71 {offsets = [6], sizes = [1], strides = [1]} : vector<16xf32> to vector<1xf32>
      %squeeze3A_91 = vector.extract %slice3A_90[0] : f32 from vector<1xf32>
      %add3A_92 = arith.addf %add3A_89, %squeeze3A_91 : f32
      %slice3A_93 = vector.extract_strided_slice %scan3A_71 {offsets = [7], sizes = [1], strides = [1]} : vector<16xf32> to vector<1xf32>
      %squeeze3A_94 = vector.extract %slice3A_93[0] : f32 from vector<1xf32>
      %add3A_95 = arith.addf %add3A_92, %squeeze3A_94 : f32
      %slice3A_96 = vector.extract_strided_slice %scan3A_71 {offsets = [8], sizes = [1], strides = [1]} : vector<16xf32> to vector<1xf32>
      %squeeze3A_97 = vector.extract %slice3A_96[0] : f32 from vector<1xf32>
      %add3A_98 = arith.addf %add3A_95, %squeeze3A_97 : f32
      %slice3A_99 = vector.extract_strided_slice %scan3A_71 {offsets = [9], sizes = [1], strides = [1]} : vector<16xf32> to vector<1xf32>
      %squeeze3A_100 = vector.extract %slice3A_99[0] : f32 from vector<1xf32>
      %add3A_101 = arith.addf %add3A_98, %squeeze3A_100 : f32
      %slice3A_102 = vector.extract_strided_slice %scan3A_71 {offsets = [10], sizes = [1], strides = [1]} : vector<16xf32> to vector<1xf32>
      %squeeze3A_103 = vector.extract %slice3A_102[0] : f32 from vector<1xf32>
      %add3A_104 = arith.addf %add3A_101, %squeeze3A_103 : f32
      %slice3A_105 = vector.extract_strided_slice %scan3A_71 {offsets = [11], sizes = [1], strides = [1]} : vector<16xf32> to vector<1xf32>
      %squeeze3A_106 = vector.extract %slice3A_105[0] : f32 from vector<1xf32>
      %add3A_107 = arith.addf %add3A_104, %squeeze3A_106 : f32
      %slice3A_108 = vector.extract_strided_slice %scan3A_71 {offsets = [12], sizes = [1], strides = [1]} : vector<16xf32> to vector<1xf32>
      %squeeze3A_109 = vector.extract %slice3A_108[0] : f32 from vector<1xf32>
      %add3A_110 = arith.addf %add3A_107, %squeeze3A_109 : f32
      %slice3A_111 = vector.extract_strided_slice %scan3A_71 {offsets = [13], sizes = [1], strides = [1]} : vector<16xf32> to vector<1xf32>
      %squeeze3A_112 = vector.extract %slice3A_111[0] : f32 from vector<1xf32>
      %add3A_113 = arith.addf %add3A_110, %squeeze3A_112 : f32
      %slice3A_114 = vector.extract_strided_slice %scan3A_71 {offsets = [14], sizes = [1], strides = [1]} : vector<16xf32> to vector<1xf32>
      %squeeze3A_115 = vector.extract %slice3A_114[0] : f32 from vector<1xf32>
      %add3A_116 = arith.addf %add3A_113, %squeeze3A_115 : f32
      %slice3A_117 = vector.extract_strided_slice %scan3A_71 {offsets = [15], sizes = [1], strides = [1]} : vector<16xf32> to vector<1xf32>
      %squeeze3A_118 = vector.extract %slice3A_117[0] : f32 from vector<1xf32>
      %add3A_119 = arith.addf %add3A_116, %squeeze3A_118 : f32
      %broadcast_in_dim3A_120 = vector.broadcast %add3A_50 : i32 to vector<16xi32>
      %convert_element_type3A_121 = arith.sitofp %broadcast_in_dim3A_120 : vector<16xi32> to vector<16xf32>
      %mul3A_122 = arith.constant 1.280000e+02 : f32
      %mul3A_123 = vector.broadcast %mul3A_122 : f32 to vector<16xf32>
      %mul3A_124 = arith.mulf %convert_element_type3A_121, %mul3A_123 : vector<16xf32>
      %broadcast_in_dim3A_125 = vector.broadcast %add3A_119 : f32 to vector<16xf32>
      %div3A = arith.divf %broadcast_in_dim3A_125, %mul3A_124 : vector<16xf32>
      %mul3A_126 = arith.constant 1.000000e+04 : f32
      %mul3A_127 = vector.broadcast %mul3A_126 : f32 to vector<16xf32>
      %mul3A_128 = arith.mulf %div3A, %mul3A_127 : vector<16xf32>
      %swap3A_129 = arith.constant 0 : index
      %swap3A_130 = tpu.vector_load %arg15[%swap3A_129] {strides = array<i32>} : memref<16xf32, #tpu.memory_space<vmem>>, vector<16xf32>,
      %swap3A_131 = vector.shape_cast %swap3A_130 : vector<16xf32> to vector<16xf32>
      %swap3A_132 = vector.shape_cast %mul3A_128 : vector<16xf32> to vector<16xf32>
      tpu.vector_store %arg15[%swap3A_129], %swap3A_132 {strides = array<i32>} : memref<16xf32, #tpu.memory_space<vmem>>, vector<16xf32>,
      %mul3A_133 = arith.constant 16 : i32
      %mul3A_134 = arith.muli %arg0, %mul3A_133 : i32
      "tpu.region"() ({
        %run_scoped3A = tpu.sem_alloc : memref<!tpu.dma_semaphore, #tpu.memory_space<semaphore_mem>>
        %dma_start3A_135 = tpu.memref_slice %arg7[%mul3A_134] : memref<32xf32, #tpu.memory_space<hbm>> -> memref<16xf32, #tpu.memory_space<hbm>>
        %dma_start3A_136 = tpu.memref_slice %arg7[%mul3A_134] : memref<32xf32, #tpu.memory_space<hbm>> -> memref<16xf32, #tpu.memory_space<hbm>>
        tpu.enqueue_dma source(%arg15 : memref<16xf32, #tpu.memory_space<vmem>>) target(%dma_start3A_136 : memref<16xf32, #tpu.memory_space<hbm>>) target_semaphore(%run_scoped3A : memref<!tpu.dma_semaphore, #tpu.memory_space<semaphore_mem>>)
        %dma_wait3A_137 = tpu.memref_slice %arg7[%mul3A_134] : memref<32xf32, #tpu.memory_space<hbm>> -> memref<16xf32, #tpu.memory_space<hbm>>
        %dma_wait3A_138 = tpu.memref_slice %arg7[%mul3A_134] : memref<32xf32, #tpu.memory_space<hbm>> -> memref<16xf32, #tpu.memory_space<hbm>>
        tpu.wait_dma2 semaphore(%run_scoped3A : memref<!tpu.dma_semaphore, #tpu.memory_space<semaphore_mem>>) src(%arg15 : memref<16xf32, #tpu.memory_space<vmem>>) dst(%dma_wait3A_138 : memref<16xf32, #tpu.memory_space<hbm>>)
        tpu.yield
      }) : () -> ()
    } else {
    }
    return
  }
}

</mosaic_0001>

<sc_bundles>
// kernel: kernel.4.cloned.1.call-start
scs
__scs_entry_jumppad:
0x0: {  	(pc) =	sbr.rel $0x88, $3  }
0x1: {  	(tag) =	ssettag $0x0;
	lr =	simm.s32 $0x1  }
0x2: {  	[smem:$0x3F9E] =	sst lr;
	_ =	strace $0xD0000000  }
0x3: {  	_ = 	snop  }
0x4: {  	_ = 	snop  }
0x5: {  	_ = 	snop  }
0x6: {  	_ = 	snop  }
0x7: {  	_ = 	snop  }
__scs_overlays_trampoline_lowered:
0x8: {  	[smem:$0x3FAD] =	sst s0  }
0x9: {  	[smem:$0x3FAE] =	sst s1  }
0xa: {  	[smem:$0x3FAF] =	sst s2  }
0xb: {  	[smem:$0x3FB0] =	sst s3  }
0xc: {  	[smem:$0x3FB1] =	sst s4  }
0xd: {  	[smem:$0x3FB2] =	sst s5  }
0xe: {  	[smem:$0x3FB3] =	sst s6  }
0xf: {  	[smem:$0x3FB4] =	sst s7  }
0x10: {  	[smem:$0x3FB5] =	sst s8  }
0x11: {  	[smem:$0x3FB6] =	sst s9;
	s0 =	simm.s32 @!p0 $0x0  }
0x12: {  	s1 =	sld [smem:$0x3F9C];
	s0 =	simm.s32 @p0 $0x1  }
0x13: {  	[smem:$0x3FB7] =	sst s0;
	s0 =	simm.s32 @!p1 $0x0  }
0x14: {  	s2 =	sld [smem:$0x3F9B];
	s0 =	simm.s32 @p1 $0x1  }
0x15: {  	[smem:$0x3FB8] =	sst s0;
	s0 =	simm.s32 @!p2 $0x0  }
0x16: {  	s3 =	sld [smem:$0x3FDB];
	s0 =	simm.s32 @p2 $0x1  }
0x17: {  	s4 =	simm.s32 $0x1BF5;
	[smem:$0x3FBA] =	sst s0  }
0x18: {  	s0 =	sld [smem:$0x3F9D];
	_ =	swait.ge [sflag:s4], $0x0  }
0x19: {  	s7 =	sld [smem:$0x3F9E]  }
0x1a: {  	s8 =	sadd.s32 $0xFFFFE003, lr  }
0x1b: {  	s9 =	sadd.s32 $0xFFFFFEF7, lr;
	s5 =	simm.s32 $0xFFFFFFFF;
	p2 =	slt.u32 s8, $0xFFFFF086  }
0x1c: {  	p1 =	slt.u32 s9, $0xF7A;
	s5 =	simm.s32 @!p2 $0x0  }
0x1d: {  	s5 =	simm.s32 @p1 $0x1;
	p0 =	seq.s32 s7, s2  }
0x1e: {  	s7 =	smul.u32 @!p0 $0xF7A, s2;
	p2 =	seq.s32 @!p0 s5, $0x0  }
0x1f: {  	s9 =	smul.u32 $0xF7A, s1;
	s8 =	simm.s32 @!p0 $0x1BF5;
	p2 =	por !p2, p0  }
0x20: {  	[sflag:s8] =	ssyncset.s32 @!p0 $0xFFFFF086;
	s6 =	sadd.s32 @!p0 s3, s7;
	s7 =	simm.s32 @!p0 $0x108  }
0x21: {  	s3 =	sadd.s32 s3, s9;
	s6 =	sadd.s32 @!p0 $0x88, s6;
	s7 =	simm.s32 @p2 $0x1082  }
0x22: {  	[simem:s7], [sflag:s8] =	dma.local @!p0 [hbm:s6], $0xF7A  }
0x23: {  	s9 =	sor.u32 $0xD0000000, s2;
	s6 =	simm.s32 $0x108;
	_ =	swait.ge @!p0 [sflag:s8], $0x0  }
0x24: {  	s3 =	sadd.s32 $0x88, s3;
	s6 =	simm.s32 @!p1 $0x1082;
	[sflag:s4] =	ssyncset.s32 $0xFFFFF086  }
0x25: {  	[simem:s6], [sflag:s4] =	dma.local [hbm:s3], $0xF7A  }
0x26: {  	[smem:$0x3F9E] =	sst s1;
	(tag) =	ssettag s2;
	_ =	strace s9  }
0x27: {  	s1 =	sld [smem:$0x3FAE]  }
0x28: {  	s2 =	sld [smem:$0x3FAF]  }
0x29: {  	s4 =	sld [smem:$0x3FB1]  }
0x2a: {  	p0 =	seq.s32 s5, $0x0;
	s5 =	sld [smem:$0x3FB2]  }
0x2b: {  	s6 =	sld [smem:$0x3FB3]  }
0x2c: {  	s7 =	sld [smem:$0x3FB4]  }
0x2d: {  	s3 =	simm.s32 $0x108;
	s8 =	sld [smem:$0x3FB5]  }
0x2e: {  	s3 =	simm.s32 @!p0 $0x1082;
	s9 =	sld [smem:$0x3FB6]  }
0x2f: {  	lr =	sadd.s32 s0, s3;
	s0 =	sld [smem:$0x3FAD]  }
0x30: {  	s3 =	sld [smem:$0x3FB0]  }
0x31: {  	[smem:$0x3FB9] =	sst s10  }
0x32: {  	s10 =	sld [smem:$0x3FB7];
	_ =	sdelay $0x3  }
0x33: {  	p0 =	seq.s32 s10, $0x1;
	s10 =	sld [smem:$0x3FB9];
	_ =	sdelay $0x3  }
0x34: {  	[smem:$0x3FB9] =	sst s10  }
0x35: {  	s10 =	sld [smem:$0x3FB8];
	_ =	sdelay $0x3  }
0x36: {  	p1 =	seq.s32 s10, $0x1;
	s10 =	sld [smem:$0x3FB9];
	_ =	sdelay $0x3  }
0x37: {  	[smem:$0x3FB9] =	sst s10  }
0x38: {  	s10 =	sld [smem:$0x3FBA]  }
0x39: {  	_ = 	snop;
	(pc) =	sbr.ind lr, $3  }
0x3a: {  	_ = 	snop  }
0x3b: {  	_ = 	snop  }
0x3c: {  	p2 =	seq.s32 s10, $0x1;
	s10 =	sld [smem:$0x3FB9]  }
0x3d: {  	_ =	shalt  }
0x3e: {  	_ =	shalt  }
0x3f: {  	_ =	shalt  }
0x40: {  	_ =	shalt  }
0x41: {  	_ =	shalt  }
0x42: {  	_ =	shalt  }
0x43: {  	_ =	shalt  }
0x44: {  	_ =	shalt  }
0x45: {  	_ =	shalt  }
0x46: {  	_ =	shalt  }
0x47: {  	_ =	shalt  }
0x48: {  	_ =	shalt  }
0x49: {  	_ =	shalt  }
0x4a: {  	_ =	shalt  }
0x4b: {  	_ =	shalt  }
0x4c: {  	_ =	shalt  }
0x4d: {  	_ =	shalt  }
0x4e: {  	_ =	shalt  }
0x4f: {  	_ =	shalt  }
0x50: {  	_ =	shalt  }
0x51: {  	_ =	shalt  }
0x52: {  	_ =	shalt  }
0x53: {  	_ =	shalt  }
0x54: {  	_ =	shalt  }
0x55: {  	_ =	shalt  }
0x56: {  	_ =	shalt  }
0x57: {  	_ =	shalt  }
0x58: {  	_ =	shalt  }
0x59: {  	_ =	shalt  }
0x5a: {  	_ =	shalt  }
0x5b: {  	_ =	shalt  }
0x5c: {  	_ =	shalt  }
0x5d: {  	_ =	shalt  }
0x5e: {  	_ =	shalt  }
0x5f: {  	_ =	shalt  }
0x60: {  	_ =	shalt  }
0x61: {  	_ =	shalt  }
0x62: {  	_ =	shalt  }
0x63: {  	_ =	shalt  }
0x64: {  	_ =	shalt  }
0x65: {  	_ =	shalt  }
0x66: {  	_ =	shalt  }
0x67: {  	_ =	shalt  }
0x68: {  	_ =	shalt  }
0x69: {  	_ =	shalt  }
0x6a: {  	_ =	shalt  }
0x6b: {  	_ =	shalt  }
0x6c: {  	_ =	shalt  }
0x6d: {  	_ =	shalt  }
0x6e: {  	_ =	shalt  }
0x6f: {  	_ =	shalt  }
0x70: {  	_ =	shalt  }
0x71: {  	_ =	shalt  }
0x72: {  	_ =	shalt  }
0x73: {  	_ =	shalt  }
0x74: {  	_ =	shalt  }
0x75: {  	_ =	shalt  }
0x76: {  	_ =	shalt  }
0x77: {  	_ =	shalt  }
0x78: {  	_ =	shalt  }
0x79: {  	_ =	shalt  }
0x7a: {  	_ =	shalt  }
0x7b: {  	_ =	shalt  }
0x7c: {  	_ =	shalt  }
0x7d: {  	_ =	shalt  }
0x7e: {  	_ =	shalt  }
0x7f: {  	_ =	shalt  }
0x80: {  	_ =	shalt  }
0x81: {  	_ =	shalt  }
0x82: {  	_ =	shalt  }
0x83: {  	_ =	shalt  }
0x84: {  	_ =	shalt  }
0x85: {  	_ =	shalt  }
0x86: {  	_ =	shalt  }
0x87: {  	_ =	shalt  }
.Lfunc_end0:
.L_simem_size_0:
called_computation_lowered:
.L_overlay_start_0:
0x88: {  	s2 =	sld [smem:$0x3FD9]  }
0x89: {  	s3 =	sld [smem:$0x3FFE];
	_ =	sdelay $0x1  }
0x8a: {  	s1 =	srdreg.scid  }
0x8b: {  	s0 =	sand.u32 $0x1, s1  }
0x8c: {  	s17 =	sshll.u32 s0, $0xA;
	s2 =	sadd.s32 s3, s2  }
0x8d: {  	s2 =	sadd.s32 s2, s17  }
0x8e: {  	[smem:$0x3FC5] =	sst s2  }
0x8f: {  	_ = 	snop  }
0x90: {  	s2 =	sld [smem:$0x3FC8];
	(tm) =	ssettm $0x1  }
0x91: {  	s18 =	sld [smem:$0x3FFB];
	_ =	sdelay $0x3  }
0x92: {  	_ =	strace s18  }
0x93: {  	s3 =	sld [smem:$0x3FFC];
	_ =	sdelay $0x3  }
0x94: {  	_ =	strace s3  }
0x95: {  	s3 =	sld [smem:$0x3FFD];
	_ =	sdelay $0x3  }
0x96: {  	_ =	strace s3  }
0x97: {  	_ =	strace $0x8FFFFFFF  }
0x98: {  	s19 =	sld [smem:$0x3FDB];
	_ =	sdelay $0x1  }
0x99: {  	s4 =	simm.s32 $_scs_section_size  }
0x9a: {  	s5 =	simm.s32 $_size__tile_overlayer_lowered;
	s6 =	simm.s32 $_tile_overlayer_lowered  }
0x9b: {  	s22 =	simm.s32 $0x1BFF;
	s21 =	sshll.u32 s6, $0x1;
	s3 =	sadd.s32 s4, s19  }
0x9c: {  	s7 =	simm.s32 $0x0;
	s20 =	sshll.u32 s5, $0x1;
	s5 =	sadd.s32 s21, s3  }
0x9d: {  	[timem:s7], [sflag:s22] =	dma.local [hbm:s5], s20  }
0x9e: {  	_ =	swait.ge [sflag:s22], s20  }
0x9f: {  	s4 =	ssub.s32 $0x0, s20;
	[sflag:s22] =	ssyncset.done $0x0  }
0xa0: {  	[sflag:s22] =	ssyncadd.s32 s4;
	_ =	sdelay $0x1  }
0xa1: {  	s23 =	simm.s32 $0x1B8B  }
0xa2: {  	_ =	swait.ge [sflag:s23], $0x1  }
0xa3: {  	[sflag:s23] =	ssyncset.done $0x0  }
0xa4: {  	s25 =	simm.s32 $0x1B8E;
	s24 =	sld [smem:$0x3FFE];
	[sflag:s23] =	ssyncadd.s32 $0xFFFFFFFF  }
0xa5: {  	s26 =	simm.s32 $execute0_lowered;
	[smem:$0x3FD2] =	sst s25  }
0xa6: {  	s5 =	sshll.u32 s26, $0x1;
	_ =	strace $0x80000046;
	[dreg:$0x1] =	wrdreg $0xFFFFFFFF  }
0xa7: {  	s28 =	simm.s32 $_size_execute0_lowered;
	s3 =	sadd.s32 s3, s5;
	[dreg:$0x0] =	wrdreg $0x0  }
0xa8: {  	s5 =	sshll.u32 s28, $0x1;
	[dreg:$0x2] =	wrdreg s3  }
0xa9: {  	[dreg:$0x3] =	wrdreg s5  }
0xaa: {  	[dreg:$0x4] =	wrdreg $0xC0  }
0xab: {  	_ =	task [dreg:s7], $0x5FFFF  }
0xac: {  	[dreg:$0x1] =	wrdreg $0xFFFFFFFF  }
0xad: {  	[dreg:$0x0] =	wrdreg $0x60  }
0xae: {  	[dreg:$0x2] =	wrdreg s2  }
0xaf: {  	[dreg:$0x3] =	wrdreg s24  }
0xb0: {  	[dreg:$0x4] =	wrdreg $0x9  }
0xb1: {  	_ =	task.clear_ibuf [dreg:s7], $0x5FFFF;
	_ =	strace $0x90000046  }
0xb2: {  	s29 =	simm.s32 $0x9;
	_ =	strace $0x80000048  }
0xb3: {  	_ =	swait.ge [sflag:s29], $0x1  }
0xb4: {  	[sflag:s29] =	ssyncadd.s32 $0xFFFFFFFF  }
0xb5: {  	_ =	strace $0x90000048  }
0xb6: {  	_ =	sfence  }
0xb7: {  	s30 =	sld [smem:$0x0];
	_ =	sdelay $0x2  }
0xb8: {  	s31 =	sshll.u32 s1, $0xD;
	s1 =	sshrl.u32 s1, $0x2  }
0xb9: {  	s3 =	sand.u32 $0x4000, s31;
	s1 =	sadd.s32 s1, s30  }
0xba: {  	s0 =	sor.u32 s3, s0;
	s1 =	sshll.u32 s1, $0x11  }
0xbb: {  	s0 =	sor.u32 s1, s0  }
0xbc: {  	s0 =	sadd.s32 $0x8F2B, s0  }
0xbd: {  	[sflag:s0] =	ssyncadd.remote.s32 $0x1  }
0xbe: {  	_ =	sfence.sel $0xFFFF  }
0xbf: {  	[dreg:$0x0] =	wrdreg $0xFFFFFFFF;
	(pc) =	sbr.abs _section_cstart, $3  }
0xc0: {  	[dreg:$0x1] =	wrdreg $0xFFFFFFFF  }
0xc1: {  	_ =	task.clear_ibuf [dreg:s7], $0x2FFFF;
	_ =	strace $0x9FFFFFFF  }
0xc2: {  	(tm) =	ssettm $0x7FFFFFFF  }
0xc3: {  	_ =	shalt  }
tec
execute0_lowered:
.L_overlay_start_1:
0x0: {  	(tag) =	ssettag $0x1  }
0x1: {  	s0 =	srdreg.scid  }
0x2: {  	s10 =	stileid.u32;
	s2 =	rddreg [dreg:$0x1];
	s0 =	sand.u32 $0x1, s0  }
0x3: {  	s6 =	sadd.s32 $0xC000, s2;
	s1 =	sshll.u32 s0, $0x4;
	s4 =	ssub.s32 $0x2, s0  }
0x4: {  	s5 =	sor.u32 s10, s1;
	s1 =	simm.s32 $0x0;
	s18 =	sshrl.u32 s4, $0x1  }
0x5: {  	s3 =	smul.u32 $0x189, s5;
	[smem:$0x7FF] =	sst s1;
	s8 =	sshll.u32 s5, $0x6  }
0x6: {  	s11 =	ssub.s32 s4, s18;
	s19 =	sor.u32 $0x800, s8;
	s20 =	sor.u32 $0x1000, s8  }
0x7: {  	s23 =	sor.u32 $0x1800, s8;
	s24 =	sor.u32 $0x2000, s8;
	s12 =	sor.u32 $0x2800, s8  }
0x8: {  	s7 =	sadd.s32 s3, s2;
	s3 =	sadd.s32 $0x4000, s2;
	s2 =	sadd.s32 s6, s19  }
0x9: {  	s13 =	sor.u32 $0x3000, s8;
	s22 =	sadd.s32 s6, s20;
	[dreg:$0x4] =	wrdreg s2  }
0xa: {  	s17 =	sor.u32 $0x3800, s8;
	s16 =	sadd.s32 s6, s13;
	[dreg:$0x6] =	wrdreg s22  }
0xb: {  	s18 =	sor.u32 $0x4000, s8;
	s9 =	sadd.s32 s3, s19;
	[dreg:$0xe] =	wrdreg s16  }
0xc: {  	s4 =	sor.u32 $0x5800, s8;
	s21 =	sadd.s32 s3, s20;
	[dreg:$0x3] =	wrdreg s9  }
0xd: {  	s11 =	smax.u32 s11, $0x1;
	s25 =	sadd.s32 s3, s23;
	[dreg:$0x5] =	wrdreg s21  }
0xe: {  	s2 =	sadd.s32 s6, s23;
	s26 =	sadd.s32 s3, s24;
	[dreg:$0x7] =	wrdreg s25  }
0xf: {  	s14 =	sadd.s32 s3, s12;
	s15 =	sadd.s32 s3, s13;
	[dreg:$0x8] =	wrdreg s2  }
0x10: {  	s19 =	sadd.s32 s3, s17;
	s20 =	sadd.s32 s3, s18;
	[dreg:$0x9] =	wrdreg s26  }
0x11: {  	s22 =	sor.u32 $0x4800, s8;
	s23 =	sor.u32 $0x5000, s8;
	[dreg:$0xb] =	wrdreg s14  }
0x12: {  	s13 =	sadd.s32 s3, s4;
	s16 =	sor.u32 $0x6800, s8;
	[dreg:$0xd] =	wrdreg s15  }
0x13: {  	s31 =	sadd.s32 s3, s8;
	s7 =	sadd.s32 $0xE00, s7;
	[dreg:$0xf] =	wrdreg s19  }
0x14: {  	s9 =	sadd.s32 s6, s24;
	s2 =	sadd.s32 s6, s12;
	[dreg:$0x11] =	wrdreg s20  }
0x15: {  	s21 =	sadd.s32 s6, s18;
	s24 =	sadd.s32 s3, s22;
	[dreg:$0x17] =	wrdreg s13  }
0x16: {  	s25 =	sadd.s32 s3, s23;
	s26 =	sadd.s32 s6, s23;
	[dreg:$0xa] =	wrdreg s9  }
0x17: {  	s12 =	sor.u32 $0x6000, s8;
	s28 =	sadd.s32 s6, s16;
	[dreg:$0xc] =	wrdreg s2  }
0x18: {  	s18 =	smul.u32 $0xC350, s0;
	s0 =	sadd.s32 s6, s8;
	[dreg:$0x12] =	wrdreg s21  }
0x19: {  	s19 =	sor.u32 $0x7800, s8;
	s20 =	smul.u32 $0xC35, s10;
	[dreg:$0x13] =	wrdreg s24  }
0x1a: {  	s23 =	smul.u32 $0xC350, s5;
	s13 =	simm.s32 $0x1;
	[dreg:$0x15] =	wrdreg s25  }
0x1b: {  	s2 =	sadd.s32 s6, s17;
	[dreg:$0x16] =	wrdreg s26;
	s14 =	sadd.s32 s3, s12  }
0x1c: {  	s15 =	sadd.s32 s6, s12;
	s17 =	sor.u32 $0x7000, s8;
	[dreg:$0x10] =	wrdreg s2  }
0x1d: {  	s26 =	sadd.s32 s3, s16;
	s21 =	smul.u32 $0x61A80, s5;
	[dreg:$0x19] =	wrdreg s14  }
0x1e: {  	s12 =	simm.s32 $0x2;
	s2 =	sadd.s32 s6, s22;
	[dreg:$0x1a] =	wrdreg s15  }
0x1f: {  	s29 =	sadd.s32 s3, s17;
	s30 =	sadd.s32 s6, s17;
	s24 =	sadd.s32 s20, s18  }
.Ltmp0:
0x20: {  	[dreg:$0x14] =	wrdreg s2;
	s2 =	sadd.s32 s6, s4;
	(pc) =	sbr.rel .LBB2_1-.Ltmp0, $4  }
0x21: {  	s14 =	simm.s32 $0x0;
	s4 =	sadd.s32 s6, s19;
	[dreg:$0x18] =	wrdreg s2  }
0x22: {  	s22 =	sshrl.u32 s21, $0x3;
	s2 =	sadd.s32 s3, s19;
	s3 =	rddreg [dreg:$0x0]  }
0x23: {  	s6 =	smul.u32 $0xC35, s5;
	_ =	strace $0x80000047;
	s25 =	sadd.s32 s3, s22  }
0x24: {  	v0 =	vimm.f32 $-1.000000000e+00;
	v1 =	vimm.s32 $0x1869F;
	s8 =	sadd.s32 s3, s23;
	s9 =	sadd.s32 $0x7D0, s25;
	s10 =	sadd.s32 $0xFA0, s25  }
.LBB2_12:
0x25: {  	v3 =	vld [tilespmem:$0x14680]  }
0x26: {  	v4 =	vld [tilespmem:$0x14690]  }
0x27: {  	v5 =	vld [tilespmem:$0x146A0]  }
0x28: {  	v6 =	vld [tilespmem:$0x146B0]  }
0x29: {  	v7 =	vld [tilespmem:$0x146C0]  }
0x2a: {  	v8 =	vld [tilespmem:$0x146D0]  }
0x2b: {  	v9 =	vld [tilespmem:$0x146E0]  }
0x2c: {  	v10 =	vld [tilespmem:$0x146F0]  }
0x2d: {  	v11 =	vld [tilespmem:$0x14700]  }
0x2e: {  	v12 =	vld [tilespmem:$0x14710]  }
0x2f: {  	v13 =	vld [tilespmem:$0x14720]  }
0x30: {  	s5 =	sld [smem:$0x0];
	v14 =	vld [tilespmem:$0x14730]  }
0x31: {  	v15 =	vld [tilespmem:$0x14740]  }
0x32: {  	v16 =	vld [tilespmem:$0x14750]  }
0x33: {  	v17 =	vld [tilespmem:$0x14760];
	s5 =	sshll.u32 s5, $0x7  }
0x34: {  	v18 =	vld [tilespmem:s5+$0x10680]  }
0x35: {  	v19 =	vld [tilespmem:s5+$0x12680]  }
0x36: {  	v62 =	vld [tilespmem:s5+$0x106F0]  }
0x37: {  	v63 =	vld [tilespmem:s5+$0x126F0]  }
0x38: {  	v20 =	vld [tilespmem:s5+$0x10690]  }
0x39: {  	v21 =	vld [tilespmem:s5+$0x12690]  }
0x3a: {  	v22 =	vld [tilespmem:s5+$0x106A0];
	vm0 =	vgt.f32 v3, v18  }
0x3b: {  	v23 =	vld [tilespmem:s5+$0x126A0];
	vm15 =	vgt.f32 v10, v62;
	v3 =	vsel vm0, v3, v18  }
0x3c: {  	v54 =	vld [tilespmem:s5+$0x106B0];
	v2 =	vsel vm15, v2, v63;
	[tilespmem:s5+$0x10680] =	vst v3  }
0x3d: {  	v55 =	vld [tilespmem:s5+$0x126B0];
	vm9 =	vgt.f32 v4, v20;
	v3 =	vsel vm0, v11, v19;
	[tilespmem:s5+$0x126F0] =	vst v2  }
0x3e: {  	v56 =	vld [tilespmem:s5+$0x106C0];
	[tilespmem:s5+$0x12680] =	vst v3;
	v3 =	vsel vm9, v4, v20  }
0x3f: {  	v57 =	vld [tilespmem:s5+$0x126C0];
	vm10 =	vgt.f32 v5, v22;
	[tilespmem:s5+$0x10690] =	vst v3;
	v3 =	vsel vm9, v12, v21  }
0x40: {  	v58 =	vld [tilespmem:s5+$0x106D0];
	[tilespmem:s5+$0x12690] =	vst v3;
	v3 =	vsel vm10, v5, v22  }
0x41: {  	v59 =	vld [tilespmem:s5+$0x126D0];
	vm11 =	vgt.f32 v6, v54;
	[tilespmem:s5+$0x106A0] =	vst v3;
	v3 =	vsel vm10, v13, v23  }
0x42: {  	v60 =	vld [tilespmem:s5+$0x106E0];
	[tilespmem:s5+$0x126A0] =	vst v3;
	v3 =	vsel vm11, v6, v54  }
0x43: {  	vm12 =	vgt.f32 v7, v56;
	[tilespmem:s5+$0x106B0] =	vst v3;
	v3 =	vsel vm11, v14, v55  }
0x44: {  	v61 =	vld [tilespmem:s5+$0x126E0];
	[tilespmem:s5+$0x126B0] =	vst v3;
	v3 =	vsel vm12, v7, v56  }
0x45: {  	vm13 =	vgt.f32 v8, v58;
	[tilespmem:s5+$0x106C0] =	vst v3;
	v3 =	vsel vm12, v15, v57  }
0x46: {  	[tilespmem:s5+$0x126C0] =	vst v3;
	v3 =	vsel vm13, v8, v58  }
0x47: {  	vm14 =	vgt.f32 v9, v60;
	[tilespmem:s5+$0x106D0] =	vst v3;
	v3 =	vsel vm13, v16, v59  }
0x48: {  	[tilespmem:s5+$0x126D0] =	vst v3;
	v3 =	vsel vm14, v9, v60  }
0x49: {  	[tilespmem:s5+$0x106E0] =	vst v3;
	v3 =	vsel vm14, v17, v61  }
0x4a: {  	[tilespmem:s5+$0x126E0] =	vst v3;
	v3 =	vsel vm15, v10, v62  }
0x4b: {  	s20 =	simm.s32 $0x10680;
	[tilespmem:s5+$0x106F0] =	vst v3  }
0x4c: {  	[hbm4b:s31+s1] =	stream.linear.scatter [tilespmem:s20], [sflag:$0x1], $0x200, $0x38;
	[tilespmem:$0x14780] =	vst v63  }
0x4d: {  	s21 =	simm.s32 $0x12680  }
0x4e: {  	[hbm4b:s0+s1] =	stream.linear.scatter [tilespmem:s21], [sflag:$0x1], $0x200, $0x38;
	[tilespmem:$0x14780] =	vst v63  }
0x4f: {  	s22 =	rddreg [dreg:$0x3];
	s15 =	simm.s32 $0x10880  }
0x50: {  	[hbm4b:s22+s1] =	stream.linear.scatter [tilespmem:s15], [sflag:$0x1], $0x200, $0x38;
	[tilespmem:$0x14780] =	vst v63  }
0x51: {  	s23 =	rddreg [dreg:$0x4];
	s25 =	simm.s32 $0x12880  }
0x52: {  	[hbm4b:s23+s1] =	stream.linear.scatter [tilespmem:s25], [sflag:$0x1], $0x200, $0x38;
	[tilespmem:$0x14780] =	vst v63  }
0x53: {  	s16 =	simm.s32 $0x10A80;
	s15 =	rddreg [dreg:$0x5]  }
0x54: {  	[hbm4b:s15+s1] =	stream.linear.scatter [tilespmem:s16], [sflag:$0x1], $0x200, $0x38;
	[tilespmem:$0x14780] =	vst v63  }
0x55: {  	s17 =	rddreg [dreg:$0x6];
	s18 =	simm.s32 $0x12A80  }
0x56: {  	[hbm4b:s17+s1] =	stream.linear.scatter [tilespmem:s18], [sflag:$0x1], $0x200, $0x38;
	[tilespmem:$0x14780] =	vst v63  }
0x57: {  	s19 =	rddreg [dreg:$0x7];
	s20 =	simm.s32 $0x10C80  }
0x58: {  	[hbm4b:s19+s1] =	stream.linear.scatter [tilespmem:s20], [sflag:$0x1], $0x200, $0x38;
	[tilespmem:$0x14780] =	vst v63  }
0x59: {  	s21 =	rddreg [dreg:$0x8];
	s22 =	simm.s32 $0x12C80  }
0x5a: {  	[hbm4b:s21+s1] =	stream.linear.scatter [tilespmem:s22], [sflag:$0x1], $0x200, $0x38;
	[tilespmem:$0x14780] =	vst v63  }
0x5b: {  	s23 =	rddreg [dreg:$0x9];
	s25 =	simm.s32 $0x10E80  }
0x5c: {  	[hbm4b:s23+s1] =	stream.linear.scatter [tilespmem:s25], [sflag:$0x1], $0x200, $0x38;
	[tilespmem:$0x14780] =	vst v63  }
0x5d: {  	s15 =	rddreg [dreg:$0xa];
	s16 =	simm.s32 $0x12E80  }
0x5e: {  	[hbm4b:s15+s1] =	stream.linear.scatter [tilespmem:s16], [sflag:$0x1], $0x200, $0x38;
	[tilespmem:$0x14780] =	vst v63  }
0x5f: {  	s17 =	rddreg [dreg:$0xb];
	s18 =	simm.s32 $0x11080  }
0x60: {  	[hbm4b:s17+s1] =	stream.linear.scatter [tilespmem:s18], [sflag:$0x1], $0x200, $0x38;
	[tilespmem:$0x14780] =	vst v63  }
0x61: {  	s19 =	rddreg [dreg:$0xc];
	s20 =	simm.s32 $0x13080  }
0x62: {  	[hbm4b:s19+s1] =	stream.linear.scatter [tilespmem:s20], [sflag:$0x1], $0x200, $0x38;
	[tilespmem:$0x14780] =	vst v63  }
0x63: {  	s21 =	rddreg [dreg:$0xd];
	s22 =	simm.s32 $0x11280  }
0x64: {  	[hbm4b:s21+s1] =	stream.linear.scatter [tilespmem:s22], [sflag:$0x1], $0x200, $0x38;
	[tilespmem:$0x14780] =	vst v63  }
0x65: {  	s23 =	rddreg [dreg:$0xe];
	s25 =	simm.s32 $0x13280  }
0x66: {  	[hbm4b:s23+s1] =	stream.linear.scatter [tilespmem:s25], [sflag:$0x1], $0x200, $0x38;
	[tilespmem:$0x14780] =	vst v63  }
0x67: {  	s15 =	rddreg [dreg:$0xf];
	s16 =	simm.s32 $0x11480  }
0x68: {  	[hbm4b:s15+s1] =	stream.linear.scatter [tilespmem:s16], [sflag:$0x1], $0x200, $0x38;
	[tilespmem:$0x14780] =	vst v63  }
0x69: {  	s17 =	rddreg [dreg:$0x10];
	s18 =	simm.s32 $0x13480  }
0x6a: {  	[hbm4b:s17+s1] =	stream.linear.scatter [tilespmem:s18], [sflag:$0x1], $0x200, $0x38;
	[tilespmem:$0x14780] =	vst v63  }
0x6b: {  	s19 =	rddreg [dreg:$0x11];
	s20 =	simm.s32 $0x11680  }
0x6c: {  	[hbm4b:s19+s1] =	stream.linear.scatter [tilespmem:s20], [sflag:$0x1], $0x200, $0x38;
	[tilespmem:$0x14780] =	vst v63  }
0x6d: {  	s21 =	rddreg [dreg:$0x12];
	s22 =	simm.s32 $0x13680  }
0x6e: {  	[hbm4b:s21+s1] =	stream.linear.scatter [tilespmem:s22], [sflag:$0x1], $0x200, $0x38;
	[tilespmem:$0x14780] =	vst v63  }
0x6f: {  	s23 =	rddreg [dreg:$0x13];
	s25 =	simm.s32 $0x11880  }
0x70: {  	[hbm4b:s23+s1] =	stream.linear.scatter [tilespmem:s25], [sflag:$0x1], $0x200, $0x38;
	[tilespmem:$0x14780] =	vst v63  }
0x71: {  	s15 =	rddreg [dreg:$0x14];
	s16 =	simm.s32 $0x13880  }
0x72: {  	[hbm4b:s15+s1] =	stream.linear.scatter [tilespmem:s16], [sflag:$0x1], $0x200, $0x38;
	[tilespmem:$0x14780] =	vst v63  }
0x73: {  	s17 =	rddreg [dreg:$0x15];
	s18 =	simm.s32 $0x11A80  }
0x74: {  	[hbm4b:s17+s1] =	stream.linear.scatter [tilespmem:s18], [sflag:$0x1], $0x200, $0x38;
	[tilespmem:$0x14780] =	vst v63  }
0x75: {  	s19 =	rddreg [dreg:$0x16];
	s20 =	simm.s32 $0x13A80  }
0x76: {  	[hbm4b:s19+s1] =	stream.linear.scatter [tilespmem:s20], [sflag:$0x1], $0x200, $0x38;
	[tilespmem:$0x14780] =	vst v63  }
0x77: {  	s21 =	rddreg [dreg:$0x17];
	s22 =	simm.s32 $0x11C80  }
0x78: {  	[hbm4b:s21+s1] =	stream.linear.scatter [tilespmem:s22], [sflag:$0x1], $0x200, $0x38;
	[tilespmem:$0x14780] =	vst v63  }
0x79: {  	s23 =	rddreg [dreg:$0x18];
	s25 =	simm.s32 $0x13C80  }
0x7a: {  	[hbm4b:s23+s1] =	stream.linear.scatter [tilespmem:s25], [sflag:$0x1], $0x200, $0x38;
	[tilespmem:$0x14780] =	vst v63  }
0x7b: {  	s15 =	rddreg [dreg:$0x19];
	s16 =	simm.s32 $0x11E80  }
0x7c: {  	[hbm4b:s15+s1] =	stream.linear.scatter [tilespmem:s16], [sflag:$0x1], $0x200, $0x38;
	[tilespmem:$0x14780] =	vst v63  }
0x7d: {  	s17 =	rddreg [dreg:$0x1a];
	s18 =	simm.s32 $0x13E80  }
0x7e: {  	[hbm4b:s17+s1] =	stream.linear.scatter [tilespmem:s18], [sflag:$0x1], $0x200, $0x38;
	[tilespmem:$0x14780] =	vst v63  }
0x7f: {  	s19 =	simm.s32 $0x12080  }
0x80: {  	[hbm4b:s26+s1] =	stream.linear.scatter [tilespmem:s19], [sflag:$0x1], $0x200, $0x38;
	[tilespmem:$0x14780] =	vst v63  }
0x81: {  	s20 =	simm.s32 $0x14080  }
0x82: {  	[hbm4b:s28+s1] =	stream.linear.scatter [tilespmem:s20], [sflag:$0x1], $0x200, $0x38;
	[tilespmem:$0x14780] =	vst v63  }
0x83: {  	s21 =	simm.s32 $0x12280  }
0x84: {  	[hbm4b:s29+s1] =	stream.linear.scatter [tilespmem:s21], [sflag:$0x1], $0x200, $0x38;
	[tilespmem:$0x14780] =	vst v63  }
0x85: {  	s22 =	simm.s32 $0x14280  }
0x86: {  	[hbm4b:s30+s1] =	stream.linear.scatter [tilespmem:s22], [sflag:$0x1], $0x200, $0x38;
	[tilespmem:$0x14780] =	vst v63  }
0x87: {  	s23 =	simm.s32 $0x12480  }
0x88: {  	[hbm4b:s2+s1] =	stream.linear.scatter [tilespmem:s23], [sflag:$0x1], $0x200, $0x38;
	[tilespmem:$0x14780] =	vst v63  }
0x89: {  	s25 =	simm.s32 $0x14480  }
0x8a: {  	[hbm4b:s4+s1] =	stream.linear.scatter [tilespmem:s25], [sflag:$0x1], $0x200, $0x38;
	[tilespmem:$0x14780] =	vst v63  }
0x8b: {  	_ =	swait.ge [sflag:s13], $0x200  }
0x8c: {  	[sflag:s13] =	ssyncset.done $0x0  }
0x8d: {  	[sflag:s13] =	ssyncadd.s32 $0xFFFFFE00  }
0x8e: {  	_ =	swait.ge [sflag:s13], $0x200  }
0x8f: {  	[sflag:s13] =	ssyncset.done $0x0  }
0x90: {  	[sflag:s13] =	ssyncadd.s32 $0xFFFFFE00  }
0x91: {  	_ =	swait.ge [sflag:s13], $0x200  }
0x92: {  	[sflag:s13] =	ssyncset.done $0x0  }
0x93: {  	[sflag:s13] =	ssyncadd.s32 $0xFFFFFE00  }
0x94: {  	_ =	swait.ge [sflag:s13], $0x200  }
0x95: {  	[sflag:s13] =	ssyncset.done $0x0  }
0x96: {  	[sflag:s13] =	ssyncadd.s32 $0xFFFFFE00  }
0x97: {  	_ =	swait.ge [sflag:s13], $0x200  }
0x98: {  	[sflag:s13] =	ssyncset.done $0x0  }
0x99: {  	[sflag:s13] =	ssyncadd.s32 $0xFFFFFE00  }
0x9a: {  	_ =	swait.ge [sflag:s13], $0x200  }
0x9b: {  	[sflag:s13] =	ssyncset.done $0x0  }
0x9c: {  	[sflag:s13] =	ssyncadd.s32 $0xFFFFFE00  }
0x9d: {  	_ =	swait.ge [sflag:s13], $0x200  }
0x9e: {  	[sflag:s13] =	ssyncset.done $0x0  }
0x9f: {  	[sflag:s13] =	ssyncadd.s32 $0xFFFFFE00  }
0xa0: {  	_ =	swait.ge [sflag:s13], $0x200  }
0xa1: {  	[sflag:s13] =	ssyncset.done $0x0  }
0xa2: {  	[sflag:s13] =	ssyncadd.s32 $0xFFFFFE00  }
0xa3: {  	_ =	swait.ge [sflag:s13], $0x200  }
0xa4: {  	[sflag:s13] =	ssyncset.done $0x0  }
0xa5: {  	[sflag:s13] =	ssyncadd.s32 $0xFFFFFE00  }
0xa6: {  	_ =	swait.ge [sflag:s13], $0x200  }
0xa7: {  	[sflag:s13] =	ssyncset.done $0x0  }
0xa8: {  	[sflag:s13] =	ssyncadd.s32 $0xFFFFFE00  }
0xa9: {  	_ =	swait.ge [sflag:s13], $0x200  }
0xaa: {  	[sflag:s13] =	ssyncset.done $0x0  }
0xab: {  	[sflag:s13] =	ssyncadd.s32 $0xFFFFFE00  }
0xac: {  	_ =	swait.ge [sflag:s13], $0x200  }
0xad: {  	[sflag:s13] =	ssyncset.done $0x0  }
0xae: {  	[sflag:s13] =	ssyncadd.s32 $0xFFFFFE00  }
0xaf: {  	_ =	swait.ge [sflag:s13], $0x200  }
0xb0: {  	[sflag:s13] =	ssyncset.done $0x0  }
0xb1: {  	[sflag:s13] =	ssyncadd.s32 $0xFFFFFE00  }
0xb2: {  	_ =	swait.ge [sflag:s13], $0x200  }
0xb3: {  	[sflag:s13] =	ssyncset.done $0x0  }
0xb4: {  	[sflag:s13] =	ssyncadd.s32 $0xFFFFFE00  }
0xb5: {  	_ =	swait.ge [sflag:s13], $0x200  }
0xb6: {  	[sflag:s13] =	ssyncset.done $0x0  }
0xb7: {  	[sflag:s13] =	ssyncadd.s32 $0xFFFFFE00  }
0xb8: {  	_ =	swait.ge [sflag:s13], $0x200  }
0xb9: {  	[sflag:s13] =	ssyncset.done $0x0  }
0xba: {  	[sflag:s13] =	ssyncadd.s32 $0xFFFFFE00  }
0xbb: {  	_ =	swait.ge [sflag:s13], $0x200  }
0xbc: {  	[sflag:s13] =	ssyncset.done $0x0  }
0xbd: {  	[sflag:s13] =	ssyncadd.s32 $0xFFFFFE00  }
0xbe: {  	_ =	swait.ge [sflag:s13], $0x200  }
0xbf: {  	[sflag:s13] =	ssyncset.done $0x0  }
0xc0: {  	[sflag:s13] =	ssyncadd.s32 $0xFFFFFE00  }
0xc1: {  	_ =	swait.ge [sflag:s13], $0x200  }
0xc2: {  	[sflag:s13] =	ssyncset.done $0x0  }
0xc3: {  	[sflag:s13] =	ssyncadd.s32 $0xFFFFFE00  }
0xc4: {  	_ =	swait.ge [sflag:s13], $0x200  }
0xc5: {  	[sflag:s13] =	ssyncset.done $0x0  }
0xc6: {  	[sflag:s13] =	ssyncadd.s32 $0xFFFFFE00  }
0xc7: {  	_ =	swait.ge [sflag:s13], $0x200  }
0xc8: {  	[sflag:s13] =	ssyncset.done $0x0  }
0xc9: {  	[sflag:s13] =	ssyncadd.s32 $0xFFFFFE00  }
0xca: {  	_ =	swait.ge [sflag:s13], $0x200  }
0xcb: {  	[sflag:s13] =	ssyncset.done $0x0  }
0xcc: {  	[sflag:s13] =	ssyncadd.s32 $0xFFFFFE00  }
0xcd: {  	_ =	swait.ge [sflag:s13], $0x200  }
0xce: {  	[sflag:s13] =	ssyncset.done $0x0  }
0xcf: {  	[sflag:s13] =	ssyncadd.s32 $0xFFFFFE00  }
0xd0: {  	_ =	swait.ge [sflag:s13], $0x200  }
0xd1: {  	[sflag:s13] =	ssyncset.done $0x0  }
0xd2: {  	[sflag:s13] =	ssyncadd.s32 $0xFFFFFE00  }
0xd3: {  	_ =	swait.ge [sflag:s13], $0x200  }
0xd4: {  	[sflag:s13] =	ssyncset.done $0x0  }
0xd5: {  	[sflag:s13] =	ssyncadd.s32 $0xFFFFFE00  }
0xd6: {  	_ =	swait.ge [sflag:s13], $0x200  }
0xd7: {  	[sflag:s13] =	ssyncset.done $0x0  }
0xd8: {  	[sflag:s13] =	ssyncadd.s32 $0xFFFFFE00  }
0xd9: {  	_ =	swait.ge [sflag:s13], $0x200  }
0xda: {  	[sflag:s13] =	ssyncset.done $0x0  }
0xdb: {  	[sflag:s13] =	ssyncadd.s32 $0xFFFFFE00  }
0xdc: {  	_ =	swait.ge [sflag:s13], $0x200  }
0xdd: {  	[sflag:s13] =	ssyncset.done $0x0  }
0xde: {  	[sflag:s13] =	ssyncadd.s32 $0xFFFFFE00  }
0xdf: {  	_ =	swait.ge [sflag:s13], $0x200  }
0xe0: {  	[sflag:s13] =	ssyncset.done $0x0  }
0xe1: {  	[sflag:s13] =	ssyncadd.s32 $0xFFFFFE00  }
0xe2: {  	_ =	swait.ge [sflag:s13], $0x200  }
0xe3: {  	[sflag:s13] =	ssyncset.done $0x0  }
0xe4: {  	s14 =	sadd.s32 $0x1, s14;
	[sflag:s13] =	ssyncadd.s32 $0xFFFFFE00  }
0xe5: {  	p0 =	sne.s32 s14, s11;
	_ =	swait.ge [sflag:s13], $0x200  }
.Ltmp1:
0xe6: {  	[sflag:s13] =	ssyncset.done $0x0;
	(pc) =	sbr.rel @!p0 .LBB2_13-.Ltmp1, $4  }
0xe7: {  	[sflag:s13] =	ssyncadd.s32 $0xFFFFFE00  }
0xe8: {  	_ =	swait.ge [sflag:s13], $0x200  }
0xe9: {  	[sflag:s13] =	ssyncset.done $0x0  }
0xea: {  	[sflag:s13] =	ssyncadd.s32 $0xFFFFFE00  }
.LBB2_1:
0xeb: {  	[tilespmem:s1], [sflag:$0x2] =	stream.linear.gather [hbm4b:s7+s1], $0xC48, $0x38;
	[tilespmem:$0x14780] =	vst v63  }
0xec: {  	_ =	swait.ge [sflag:s12], $0xC48  }
0xed: {  	[sflag:s12] =	ssyncset.done $0x0  }
0xee: {  	s5 =	simm.s32 $0x40;
	s15 =	simm.s32 $0x0;
	[sflag:s12] =	ssyncadd.s32 $0xFFFFF3B8  }
.LBB2_2:
0xef: {  	p0 =	sne.s32 s5, $0x7FC0;
	[tilespmem:s15+$0x10680] =	vst v0;
	s16 =	smov.u32 s5;
	s5 =	sadd.s32 $0x40, s5  }
.Ltmp2:
0xf0: {  	[tilespmem:s15+$0x12680] =	vst v1;
	(pc) =	sbr.rel @p0 .LBB2_2-.Ltmp2, $2  }
0xf1: {  	_ =	sdelay $0x2  }
0xf2: {  	s15 =	sshra.s32 s16, $0x2  }
0xf3: {  	[tilespmem:s15+$0x10680] =	vst v0  }
0xf4: {  	[tilespmem:s15+$0x12680] =	vst v1  }
0xf5: {  	[tilespmem:$0x14680] =	vst v0  }
0xf6: {  	[tilespmem:$0x14700] =	vst v1  }
0xf7: {  	v2 =	vld [tilespmem:$0x0];
	[tilespmem:$0x14690] =	vst v0  }
0xf8: {  	[tilespmem:$0x14710] =	vst v1  }
0xf9: {  	[tilespmem:$0x146A0] =	vst v0  }
0xfa: {  	[tilespmem:$0x14720] =	vst v1  }
0xfb: {  	[tilespmem:$0x146B0] =	vst v0  }
0xfc: {  	[tilespmem:$0x14730] =	vst v1;
	(v2sf) =	vpush v2, $0x0  }
0xfd: {  	[tilespmem:$0x146C0] =	vst v0  }
0xfe: {  	[tilespmem:$0x14740] =	vst v1  }
0xff: {  	[tilespmem:$0x146D0] =	vst v0  }
0x100: {  	[tilespmem:$0x14750] =	vst v1  }
0x101: {  	[tilespmem:$0x146E0] =	vst v0  }
0x102: {  	[tilespmem:$0x14760] =	vst v1  }
0x103: {  	[tilespmem:$0x146F0] =	vst v0  }
0x104: {  	s15 =	simm.s32 $0x0;
	s5 =	simm.s32 $0xC80;
	[tilespmem:$0x14770] =	vst v1  }
0x105: {  	[tilespmem:s5], [sflag:$0x1] =	stream.linear.gather [hbm4b:s8+s15], $0x3E80, $0x38;
	[tilespmem:$0x14780] =	vst v63  }
0x106: {  	s22 =	simm.s32 $0x4B00  }
0x107: {  	[tilespmem:s22], [sflag:$0x1] =	stream.linear.gather [hbm4b:s9+s15], $0x3E80, $0x38;
	[tilespmem:$0x14780] =	vst v63  }
.Ltmp3:
0x108: {  	_ = 	snop;
	(pc) =	sbr.rel .LBB2_4-.Ltmp3, $4  }
0x109: {  	s23 =	simm.s32 $0x8980  }
0x10a: {  	[tilespmem:s23], [sflag:$0x1] =	stream.linear.gather [hbm4b:s10+s15], $0x3E80, $0x38;
	[tilespmem:$0x14780] =	vst v63  }
0x10b: {  	s16 =	simm.s32 $0x0;
	s25 =	spop (v2sf)  }
0x10c: {  	s18 =	simm.s32 $0x0;
	s22 =	smov.u32 s24;
	[smem:$0x0] =	sst s25  }
.LBB2_11:
0x10d: {  	s18 =	sadd.s32 $0x1, s18  }
0x10e: {  	p0 =	sne.s32 s18, $0x19  }
.Ltmp4:
0x10f: {  	_ = 	snop;
	(pc) =	sbr.rel @!p0 .LBB2_12-.Ltmp4, $2  }
0x110: {  	_ =	sdelay $0x2  }
0x111: {  	s22 =	sadd.s32 $0x7D, s22;
	s16 =	sadd.s32 $0x1, s16;
	s15 =	sadd.s32 $0x7D, s15  }
.LBB2_4:
0x112: {  	p0 =	sgt.u32 s18, $0x15  }
0x113: {  	s5 =	sadd.s32 @!p0 $0x3, s18  }
0x114: {  	s17 =	smul.u32 @!p0 $0x7D, s5  }
0x115: {  	s5 =	sand.u32 @!p0 $0x3, s5  }
0x116: {  	_ =	swait.ge [sflag:s13], $0x3E80;
	s5 =	smul.u32 @!p0 $0xFA00, s5;
	s19 =	sadd.s32 @!p0 s6, s17  }
0x117: {  	[sflag:s13] =	ssyncset.done $0x0;
	s20 =	simm.s32 @!p0 $0x0;
	s19 =	sshll.u32 @!p0 s19, $0x4  }
0x118: {  	[sflag:s13] =	ssyncadd.s32 $0xFFFFC180;
	s5 =	sshrl.u32 @!p0 s5, $0x2;
	s19 =	sand.u32 @!p0 $0x1FFFFFF0, s19  }
0x119: {  	s17 =	smul.u32 $0x7D, s18;
	s5 =	sadd.s32 @!p0 $0xC80, s5;
	s19 =	sadd.s32 @!p0 s3, s19  }
0x11a: {  	[tilespmem:s5], [sflag:$0x1] =	stream.linear.gather @!p0 [hbm4b:s19+s20], $0x3E80, $0x38;
	[tilespmem:$0x14780] =	vst v63  }
0x11b: {  	v2 =	vld [tilespmem:s17+$0x0]  }
0x11c: {  	v3 =	vld [tilespmem:s17+$0x6D];
	_ =	sdelay $0x3  }
0x11d: {  	(v2sf) =	vpush v2, $0x0  }
0x11e: {  	(v2sf) =	vpush v3, $0xF;
	_ =	sdelay $0x6  }
0x11f: {  	v16 =	vld [tilespmem:$0x14680]  }
0x120: {  	v11 =	vld [tilespmem:$0x14690]  }
0x121: {  	v9 =	vld [tilespmem:$0x146A0]  }
0x122: {  	v22 =	vld [tilespmem:$0x146B0]  }
0x123: {  	v15 =	vld [tilespmem:$0x146C0]  }
0x124: {  	s20 =	sld [smem:$0x0];
	v7 =	vld [tilespmem:$0x146D0]  }
0x125: {  	v4 =	vld [tilespmem:$0x146E0]  }
0x126: {  	v14 =	vld [tilespmem:$0x14700];
	s5 =	spop (v2sf)  }
0x127: {  	v13 =	vld [tilespmem:$0x14710];
	s19 =	spop (v2sf);
	p0 =	sne.s32 s5, s20  }
0x128: {  	v12 =	vld [tilespmem:$0x14720];
	p1 =	sne.s32 @!p0 s5, s19  }
0x129: {  	v10 =	vld [tilespmem:$0x14730];
	p0 =	por p0, p1  }
.Ltmp5:
0x12a: {  	v8 =	vld [tilespmem:$0x14740];
	(pc) =	sbr.rel @p0 .LBB2_8-.Ltmp5, $4  }
0x12b: {  	s21 =	sand.u32 $0x3, s16;
	v6 =	vld [tilespmem:$0x14750]  }
0x12c: {  	s21 =	smul.u32 $0xFA00, s21;
	v5 =	vld [tilespmem:$0x14760]  }
0x12d: {  	v17 =	vld [tilespmem:$0x14770]  }
0x12e: {  	v3 =	vld [tilespmem:$0x146F0];
	s5 =	sshrl.u32 s21, $0x2  }
0x12f: {  	s19 =	sadd.s32 $0xD00, s5  }
0x130: {  	v2 =	vld [tilespmem:s19+$0xFFFFFFF0]  }
0x131: {  	v18 =	vld [tilespmem:s19+$0x70]  }
0x132: {  	v21 =	vld [tilespmem:s19+$0x0]  }
0x133: {  	v23 =	vld [tilespmem:s19+$0xFFFFFF90]  }
0x134: {  	v27 =	vld [tilespmem:s19+$0x20]  }
0x135: {  	v28 =	vld [tilespmem:s19+$0x30]  }
0x136: {  	v19 =	vld [tilespmem:s19+$0xFFFFFF80]  }
0x137: {  	s23 =	sadd.s32 $0x0, s22  }
0x138: {  	v24 =	vld [tilespmem:s19+$0x10];
	v26 =	vmov s23  }
0x139: {  	v25 =	vld [tilespmem:s19+$0xFFFFFFA0];
	v2 =	vand.u32 $0x7FFFFFFF, v2;
	v18 =	vand.u32 $0x7FFFFFFF, v18;
	v21 =	vand.u32 $0x7FFFFFFF, v21  }
0x13a: {  	v30 =	vld [tilespmem:s19+$0xFFFFFFD0];
	v23 =	vand.u32 $0x7FFFFFFF, v23;
	v27 =	vand.u32 $0x7FFFFFFF, v27;
	v28 =	vand.u32 $0x7FFFFFFF, v28  }
0x13b: {  	s5 =	sadd.s32 $0x1, s23;
	v32 =	vld [tilespmem:s19+$0x50];
	vm0 =	vgt.f32 v18, v2;
	v20 =	vmax.f32 v2, v18;
	v18 =	vand.u32 $0x7FFFFFFF, v19  }
0x13c: {  	v19 =	vld [tilespmem:s19+$0xFFFFFFB0];
	v2 =	vsel vm0, s5, v26;
	vm0 =	vgt.f32 v20, v3;
	v29 =	vmax.f32 v18, v21  }
0x13d: {  	v34 =	vld [tilespmem:s19+$0x60];
	v2 =	vsel vm0, v2, v17;
	vm0 =	vgt.f32 v21, v18;
	v17 =	vand.u32 $0x7FFFFFFF, v24  }
0x13e: {  	v24 =	vld [tilespmem:s19+$0xFFFFFFC0];
	v18 =	vand.u32 $0x7FFFFFFF, v25;
	v21 =	vmax.f32 v16, v29;
	vm1 =	vgt.f32 v17, v23  }
0x13f: {  	v25 =	vld [tilespmem:s19+$0x40];
	v23 =	vmax.f32 v23, v17;
	vm3 =	vgt.f32 v27, v18;
	v31 =	vmax.f32 v18, v27  }
0x140: {  	v27 =	vsel vm0, s5, v26;
	vm0 =	vgt.f32 v29, v16;
	v29 =	vand.u32 $0x7FFFFFFF, v32  }
0x141: {  	v17 =	vmax.f32 v11, v23;
	v18 =	vmax.f32 v9, v31;
	v19 =	vand.u32 $0x7FFFFFFF, v19  }
0x142: {  	v33 =	vld [tilespmem:s19+$0xFFFFFFE0];
	vm5 =	vgt.f32 v28, v19;
	v35 =	vmax.f32 v19, v28;
	v28 =	vsel vm1, s5, v26  }
0x143: {  	vm1 =	vgt.f32 v23, v11;
	v23 =	vand.u32 $0x7FFFFFFF, v34;
	v24 =	vand.u32 $0x7FFFFFFF, v24  }
0x144: {  	v19 =	vmax.f32 v22, v35;
	v16 =	vand.u32 $0x7FFFFFFF, v25;
	v25 =	vand.u32 $0x7FFFFFFF, v30  }
0x145: {  	v30 =	vsel vm3, s5, v26;
	vm3 =	vgt.f32 v31, v9;
	v34 =	vsel vm5, s5, v26  }
0x146: {  	vm5 =	vgt.f32 v35, v22;
	vm6 =	vgt.f32 v16, v24;
	v24 =	vmax.f32 v24, v16  }
0x147: {  	vm2 =	vgt.f32 v29, v25;
	v32 =	vmax.f32 v25, v29;
	v25 =	vand.u32 $0x7FFFFFFF, v33  }
0x148: {  	s21 =	sadd.s32 $0x100, s19;
	v16 =	vmax.f32 v15, v24;
	v11 =	vmax.f32 v7, v32;
	vm4 =	vgt.f32 v23, v25  }
0x149: {  	s20 =	sadd.s32 s6, s17;
	s25 =	sand.u32 $0x3, s18;
	v31 =	vld [tilespmem:s21+$0x70];
	v22 =	vmovc v19;
	v33 =	vmax.f32 v25, v23;
	v35 =	vsel vm6, s5, v26;
	vm6 =	vgt.f32 v24, v15  }
0x14a: {  	s17 =	simm.s32 $0x2;
	s23 =	simm.s32 $0x4;
	s19 =	smul.u32 $0x3E80, s25;
	v29 =	vld [tilespmem:s21+$0xFFFFFFF0];
	v23 =	vmovc v18;
	v9 =	vmax.f32 v4, v33;
	v15 =	vmovc v16;
	v25 =	vmov v21;
	v24 =	vmov v17  }
.LBB2_6:
0x14b: {  	p0 =	sne.s32 s23, $0x7A;
	v36 =	vld [tilespmem:s21+$0xFFFFFF80];
	v37 =	vsel vm2, s5, v26;
	vm2 =	vgt.f32 v32, v7;
	v26 =	vsel vm4, s5, v26;
	v7 =	vmovc v11  }
0x14c: {  	v14 =	vsel vm0, v27, v14;
	v13 =	vsel vm1, v28, v13;
	vm0 =	vgt.f32 v33, v4;
	v4 =	vmovc v9;
	v32 =	vld [tilespmem:s21+$0x0]  }
0x14d: {  	v12 =	vsel vm3, v30, v12;
	v10 =	vsel vm5, v34, v10;
	v8 =	vsel vm6, v35, v8;
	v27 =	vld [tilespmem:s21+$0xFFFFFF90]  }
0x14e: {  	s5 =	sadd.s32 s17, s22;
	s17 =	smov.u32 s23;
	v6 =	vsel vm2, v37, v6;
	v5 =	vsel vm0, v26, v5;
	v28 =	vld [tilespmem:s21+$0x10]  }
0x14f: {  	v26 =	vmov s5;
	v29 =	vand.u32 $0x7FFFFFFF, v29;
	v30 =	vld [tilespmem:s21+$0xFFFFFFA0];
	v31 =	vand.u32 $0x7FFFFFFF, v31  }
0x150: {  	v3 =	vmax.f32 v3, v20;
	s5 =	sadd.s32 $0x1, s5;
	v33 =	vld [tilespmem:s21+$0x20];
	vm0 =	vgt.f32 v31, v29;
	v20 =	vmax.f32 v29, v31  }
0x151: {  	v29 =	vand.u32 $0x7FFFFFFF, v36;
	v31 =	vld [tilespmem:s21+$0xFFFFFFB0];
	v34 =	vsel vm0, s5, v26;
	vm0 =	vgt.f32 v20, v3  }
0x152: {  	v32 =	vand.u32 $0x7FFFFFFF, v32;
	v27 =	vand.u32 $0x7FFFFFFF, v27;
	v35 =	vld [tilespmem:s21+$0x30];
	v2 =	vsel vm0, v34, v2  }
0x153: {  	vm0 =	vgt.f32 v32, v29;
	v29 =	vmax.f32 v29, v32;
	v28 =	vand.u32 $0x7FFFFFFF, v28;
	v32 =	vld [tilespmem:s21+$0xFFFFFFC0]  }
0x154: {  	vm1 =	vgt.f32 v28, v27;
	v34 =	vmax.f32 v27, v28;
	v27 =	vand.u32 $0x7FFFFFFF, v30;
	v28 =	vld [tilespmem:s21+$0x40]  }
0x155: {  	v21 =	vmax.f32 v21, v29;
	v17 =	vmax.f32 v17, v34;
	v30 =	vand.u32 $0x7FFFFFFF, v33;
	v33 =	vld [tilespmem:s21+$0xFFFFFFD0]  }
0x156: {  	vm3 =	vgt.f32 v30, v27;
	v36 =	vmax.f32 v27, v30;
	v30 =	vand.u32 $0x7FFFFFFF, v31;
	v31 =	vld [tilespmem:s21+$0x50]  }
0x157: {  	v27 =	vsel vm0, s5, v26;
	v18 =	vmax.f32 v18, v36;
	v35 =	vand.u32 $0x7FFFFFFF, v35;
	v37 =	vld [tilespmem:s21+$0xFFFFFFE0]  }
0x158: {  	vm5 =	vgt.f32 v35, v30;
	v35 =	vmax.f32 v30, v35;
	v30 =	vand.u32 $0x7FFFFFFF, v32;
	v38 =	vld [tilespmem:s21+$0x60]  }
0x159: {  	vm0 =	vgt.f32 v29, v25;
	v25 =	vmovc v21;
	v19 =	vmax.f32 v19, v35;
	v28 =	vand.u32 $0x7FFFFFFF, v28  }
0x15a: {  	vm6 =	vgt.f32 v28, v30;
	v39 =	vmax.f32 v30, v28;
	v29 =	vand.u32 $0x7FFFFFFF, v33  }
0x15b: {  	v28 =	vsel vm1, s5, v26;
	v16 =	vmax.f32 v16, v39;
	v30 =	vand.u32 $0x7FFFFFFF, v31  }
.Ltmp6:
0x15c: {  	vm2 =	vgt.f32 v30, v29;
	v32 =	vmax.f32 v29, v30;
	v29 =	vand.u32 $0x7FFFFFFF, v37;
	(pc) =	sbr.rel @p0 .LBB2_6-.Ltmp6, $4  }
0x15d: {  	vm1 =	vgt.f32 v34, v24;
	v24 =	vmovc v17;
	v11 =	vmax.f32 v11, v32;
	v31 =	vand.u32 $0x7FFFFFFF, v38  }
0x15e: {  	s21 =	sadd.s32 $0x100, s21;
	v30 =	vsel vm3, s5, v26;
	vm4 =	vgt.f32 v31, v29;
	v33 =	vmax.f32 v29, v31  }
0x15f: {  	v34 =	vsel vm5, s5, v26;
	vm3 =	vgt.f32 v36, v23;
	v23 =	vmovc v18;
	v29 =	vld [tilespmem:s21+$0xFFFFFFF0];
	v9 =	vmax.f32 v9, v33  }
0x160: {  	s23 =	sadd.s32 $0x2, s23;
	vm5 =	vgt.f32 v35, v22;
	v22 =	vmovc v19;
	v35 =	vsel vm6, s5, v26;
	vm6 =	vgt.f32 v39, v15;
	v15 =	vmovc v16;
	v31 =	vld [tilespmem:s21+$0x70]  }
0x161: {  	v36 =	vld [tilespmem:s21+$0xFFFFFF80]  }
0x162: {  	v63 =	vld [tilespmem:s21+$0x0]  }
0x163: {  	v38 =	vld [tilespmem:s21+$0xFFFFFF90]  }
0x164: {  	v39 =	vld [tilespmem:s21+$0x10]  }
0x165: {  	v40 =	vld [tilespmem:s21+$0xFFFFFFA0]  }
0x166: {  	v42 =	vld [tilespmem:s21+$0x20]  }
0x167: {  	v44 =	vld [tilespmem:s21+$0xFFFFFFB0]  }
0x168: {  	v45 =	vld [tilespmem:s21+$0x30]  }
0x169: {  	v46 =	vld [tilespmem:s21+$0xFFFFFFC0]  }
0x16a: {  	v37 =	vsel vm2, s5, v26;
	v47 =	vld [tilespmem:s21+$0x40]  }
0x16b: {  	vm7 =	vgt.f32 v32, v7;
	v62 =	vsel vm4, s5, v26;
	v14 =	vsel vm0, v27, v14;
	v50 =	vld [tilespmem:s21+$0xFFFFFFD0]  }
0x16c: {  	v13 =	vsel vm1, v28, v13;
	vm8 =	vgt.f32 v33, v4;
	v12 =	vsel vm3, v30, v12;
	v51 =	vld [tilespmem:s21+$0x50]  }
0x16d: {  	v10 =	vsel vm5, v34, v10;
	v8 =	vsel vm6, v35, v8;
	v3 =	vmax.f32 v3, v20;
	v53 =	vld [tilespmem:s21+$0xFFFFFFE0]  }
0x16e: {  	s23 =	sadd.s32 s17, s22;
	v54 =	vld [tilespmem:s19+$0x4A80];
	v6 =	vsel vm7, v37, v6;
	v29 =	vand.u32 $0x7FFFFFFF, v29;
	v41 =	vand.u32 $0x7FFFFFFF, v31  }
0x16f: {  	v55 =	vld [tilespmem:s21+$0x60];
	v5 =	vsel vm8, v62, v5;
	v7 =	vmov s23;
	vm9 =	vgt.f32 v41, v29  }
0x170: {  	v59 =	vld [tilespmem:s19+$0x4A90];
	v29 =	vmax.f32 v29, v41;
	v43 =	vand.u32 $0x7FFFFFFF, v36;
	v26 =	vand.u32 $0x7FFFFFFF, v63  }
0x171: {  	v4 =	vand.u32 $0x7FFFFFFF, v38;
	v27 =	vand.u32 $0x7FFFFFFF, v39;
	v48 =	vand.u32 $0x7FFFFFFF, v40  }
0x172: {  	v49 =	vand.u32 $0x7FFFFFFF, v42;
	v30 =	vand.u32 $0x7FFFFFFF, v44;
	v33 =	vand.u32 $0x7FFFFFFF, v45  }
0x173: {  	v34 =	vand.u32 $0x7FFFFFFF, v46;
	v56 =	vand.u32 $0x7FFFFFFF, v47;
	v57 =	vand.u32 $0x7FFFFFFF, v50  }
0x174: {  	s5 =	sadd.s32 $0x1, s23;
	v28 =	vand.u32 $0x7FFFFFFF, v51;
	v61 =	vand.u32 $0x7FFFFFFF, v53;
	v62 =	vand.u32 $0x7FFFFFFF, v54  }
0x175: {  	v40 =	vand.u32 $0x7FFFFFFF, v55;
	v31 =	vand.u32 $0x7FFFFFFF, v59;
	v32 =	vsel vm9, s5, v7  }
0x176: {  	vm0 =	vgt.f32 v29, v3;
	vm10 =	vgt.f32 v26, v43;
	v20 =	vmax.f32 v43, v26  }
0x177: {  	vm11 =	vgt.f32 v27, v4;
	v4 =	vmax.f32 v4, v27;
	vm12 =	vgt.f32 v49, v48  }
0x178: {  	v27 =	vmax.f32 v48, v49;
	vm13 =	vgt.f32 v33, v30;
	v30 =	vmax.f32 v30, v33  }
0x179: {  	vm15 =	vgt.f32 v56, v34;
	vm9 =	vgt.f32 v28, v57;
	vm1 =	vgt.f32 v40, v61  }
0x17a: {  	v33 =	vmax.f32 v61, v40;
	v3 =	vmax.f32 v3, v29;
	v21 =	vmax.f32 v21, v20  }
0x17b: {  	v17 =	vmax.f32 v17, v4;
	v52 =	vsel vm10, s5, v7;
	v18 =	vmax.f32 v18, v27  }
0x17c: {  	v60 =	vld [tilespmem:s19+$0x4AA0];
	vm14 =	vgt.f32 v20, v25;
	v19 =	vmax.f32 v19, v30;
	v20 =	vmax.f32 v34, v56  }
0x17d: {  	v63 =	vld [tilespmem:s19+$0x4AB0];
	v58 =	vsel vm11, s5, v7;
	v25 =	vmax.f32 v57, v28;
	vm10 =	vgt.f32 v4, v24  }
0x17e: {  	v41 =	vld [tilespmem:s19+$0x4AC0];
	v44 =	vsel vm12, s5, v7;
	vm12 =	vgt.f32 v27, v23;
	v46 =	vsel vm13, s5, v7  }
0x17f: {  	v42 =	vld [tilespmem:s19+$0x4AD0];
	vm13 =	vgt.f32 v30, v22;
	v48 =	vmax.f32 v9, v33;
	v49 =	vsel vm15, s5, v7  }
0x180: {  	v45 =	vld [tilespmem:s19+$0x4AE0];
	v54 =	vsel vm9, s5, v7;
	v7 =	vsel vm1, s5, v7;
	v4 =	vmax.f32 v21, v62  }
0x181: {  	s25 =	sadd.s32 $0x7C, s20;
	v47 =	vld [tilespmem:s19+$0x4AF0];
	v14 =	vsel vm14, v52, v14;
	vm11 =	vgt.f32 v62, v21;
	v51 =	vmax.f32 v17, v31;
	[tilespmem:$0x14680] =	vst v4  }
0x182: {  	v50 =	vsel vm10, v58, v13;
	vm14 =	vgt.f32 v31, v17;
	v14 =	vsel vm11, s25, v14;
	[tilespmem:$0x14690] =	vst v51  }
0x183: {  	v16 =	vmax.f32 v16, v20;
	v52 =	vand.u32 $0x7FFFFFFF, v60;
	v4 =	vsel vm14, s25, v50;
	[tilespmem:$0x14700] =	vst v14  }
0x184: {  	v12 =	vsel vm12, v44, v12;
	vm8 =	vgt.f32 v52, v18;
	v53 =	vmax.f32 v18, v52;
	[tilespmem:$0x14710] =	vst v4  }
0x185: {  	v43 =	vmax.f32 v11, v25;
	v12 =	vsel vm8, s25, v12;
	v55 =	vand.u32 $0x7FFFFFFF, v63;
	[tilespmem:$0x146A0] =	vst v53  }
0x186: {  	vm15 =	vgt.f32 v20, v15;
	v57 =	vand.u32 $0x7FFFFFFF, v41;
	v56 =	vmax.f32 v19, v55;
	[tilespmem:$0x14720] =	vst v12  }
0x187: {  	vm10 =	vgt.f32 v25, v11;
	v58 =	vand.u32 $0x7FFFFFFF, v42;
	v11 =	vmax.f32 v16, v57;
	[tilespmem:$0x146B0] =	vst v56  }
0x188: {  	v10 =	vsel vm13, v46, v10;
	v60 =	vand.u32 $0x7FFFFFFF, v45;
	v59 =	vmax.f32 v43, v58;
	[tilespmem:$0x146C0] =	vst v11  }
0x189: {  	v8 =	vsel vm15, v49, v8;
	v63 =	vand.u32 $0x7FFFFFFF, v47;
	v61 =	vmax.f32 v48, v60;
	[tilespmem:$0x146D0] =	vst v59  }
0x18a: {  	vm9 =	vgt.f32 v55, v19;
	vm15 =	vgt.f32 v63, v3;
	v3 =	vmax.f32 v3, v63;
	[tilespmem:$0x146E0] =	vst v61  }
0x18b: {  	vm13 =	vgt.f32 v33, v9;
	vm11 =	vgt.f32 v57, v16;
	v10 =	vsel vm9, s25, v10;
	[tilespmem:$0x146F0] =	vst v3  }
.Ltmp7:
0x18c: {  	v4 =	vsel vm10, v54, v6;
	vm12 =	vgt.f32 v58, v43;
	v8 =	vsel vm11, s25, v8;
	[tilespmem:$0x14730] =	vst v10;
	(pc) =	sbr.rel .LBB2_11-.Ltmp7, $4  }
0x18d: {  	v5 =	vsel vm13, v7, v5;
	vm14 =	vgt.f32 v60, v48;
	v4 =	vsel vm12, s25, v4;
	[tilespmem:$0x14740] =	vst v8  }
0x18e: {  	v2 =	vsel vm0, v32, v2;
	v62 =	vsel vm14, s25, v5;
	[tilespmem:$0x14750] =	vst v4  }
0x18f: {  	v2 =	vsel vm15, s25, v2;
	[tilespmem:$0x14760] =	vst v62  }
0x190: {  	[tilespmem:$0x14770] =	vst v2  }
.LBB2_8:
0x191: {  	s17 =	sshll.u32 s20, $0x7  }
0x192: {  	v2 =	vld [tilespmem:s17+$0x10680]  }
0x193: {  	v18 =	vld [tilespmem:s17+$0x12680]  }
0x194: {  	v19 =	vld [tilespmem:s17+$0x10690]  }
0x195: {  	v20 =	vld [tilespmem:s17+$0x12690]  }
0x196: {  	v21 =	vld [tilespmem:s17+$0x106A0]  }
0x197: {  	v23 =	vld [tilespmem:s17+$0x126A0];
	vm0 =	vgt.f32 v16, v2  }
0x198: {  	v55 =	vld [tilespmem:s17+$0x106B0];
	v2 =	vsel vm0, v16, v2  }
0x199: {  	v56 =	vld [tilespmem:s17+$0x126B0];
	vm14 =	vgt.f32 v11, v19;
	[tilespmem:s17+$0x10680] =	vst v2;
	v2 =	vsel vm0, v14, v18  }
0x19a: {  	v57 =	vld [tilespmem:s17+$0x106C0];
	[tilespmem:s17+$0x12680] =	vst v2;
	v2 =	vsel vm14, v11, v19  }
0x19b: {  	v58 =	vld [tilespmem:s17+$0x126C0];
	vm15 =	vgt.f32 v9, v21;
	[tilespmem:s17+$0x10690] =	vst v2;
	v2 =	vsel vm14, v13, v20  }
0x19c: {  	v59 =	vld [tilespmem:s17+$0x106D0];
	[tilespmem:s17+$0x12690] =	vst v2;
	v2 =	vsel vm15, v9, v21  }
0x19d: {  	v60 =	vld [tilespmem:s17+$0x126D0];
	vm4 =	vgt.f32 v22, v55;
	[tilespmem:s17+$0x106A0] =	vst v2;
	v2 =	vsel vm15, v12, v23  }
0x19e: {  	v61 =	vld [tilespmem:s17+$0x106E0];
	[tilespmem:s17+$0x126A0] =	vst v2;
	v2 =	vsel vm4, v22, v55  }
0x19f: {  	v63 =	vld [tilespmem:s17+$0x106F0];
	vm5 =	vgt.f32 v15, v57;
	[tilespmem:s17+$0x106B0] =	vst v2;
	v2 =	vsel vm4, v10, v56  }
0x1a0: {  	[tilespmem:s17+$0x126B0] =	vst v2;
	v2 =	vsel vm5, v15, v57  }
0x1a1: {  	v62 =	vld [tilespmem:s17+$0x126E0];
	vm6 =	vgt.f32 v7, v59;
	[tilespmem:s17+$0x106C0] =	vst v2;
	v2 =	vsel vm5, v8, v58  }
0x1a2: {  	[tilespmem:s17+$0x126C0] =	vst v2;
	v2 =	vsel vm6, v7, v59;
	v7 =	vld [tilespmem:s17+$0x126F0]  }
0x1a3: {  	vm7 =	vgt.f32 v4, v61;
	[tilespmem:s17+$0x106D0] =	vst v2;
	v2 =	vsel vm6, v6, v60  }
0x1a4: {  	vm8 =	vgt.f32 v3, v63;
	v4 =	vsel vm7, v4, v61;
	[tilespmem:s17+$0x126D0] =	vst v2;
	v2 =	vmov s15  }
0x1a5: {  	v3 =	vsel vm8, v3, v63;
	[tilespmem:s17+$0x106E0] =	vst v4  }
0x1a6: {  	v4 =	vsel vm7, v5, v62;
	[tilespmem:s17+$0x106F0] =	vst v3  }
0x1a7: {  	[tilespmem:s17+$0x126E0] =	vst v4;
	v3 =	vsel vm8, v17, v7  }
0x1a8: {  	s23 =	simm.s32 $0x0;
	[tilespmem:s17+$0x126F0] =	vst v3  }
0x1a9: {  	v3 =	vld.idx.msk [tilespmem:v2+s23+$0x0 ss:$0x1], $0xffff;
	_ =	sdelay $0x4  }
0x1aa: {  	(v2sf) =	vpush v3, $0x0;
	_ =	sdelay $0xe  }
0x1ab: {  	s20 =	sadd.s32 $0xCC0, s5;
	s25 =	spop (v2sf)  }
0x1ac: {  	v3 =	vld [tilespmem:s20+$0xFFFFFFC0];
	s21 =	sshll.u32 s25, $0x7  }
0x1ad: {  	v4 =	vld [tilespmem:s21+$0x10680];
	_ =	sdelay $0x1  }
0x1ae: {  	v5 =	vld [tilespmem:s21+$0x12680];
	_ =	sdelay $0x1  }
0x1af: {  	v3 =	vand.u32 $0x7FFFFFFF, v3  }
0x1b0: {  	vm9 =	vgt.f32 v3, v4  }
0x1b1: {  	v4 =	vsel vm9, v3, v4  }
0x1b2: {  	v5 =	vsel vm9, s22, v5;
	[tilespmem:s21+$0x10680] =	vst v4  }
0x1b3: {  	[tilespmem:s21+$0x12680] =	vst v5  }
0x1b4: {  	v4 =	vld [tilespmem:s20+$0xFFFFFFD0]  }
0x1b5: {  	v5 =	vld [tilespmem:s21+$0x10690];
	_ =	sdelay $0x1  }
0x1b6: {  	v6 =	vld [tilespmem:s21+$0x12690];
	_ =	sdelay $0x1  }
0x1b7: {  	v4 =	vand.u32 $0x7FFFFFFF, v4  }
0x1b8: {  	vm10 =	vgt.f32 v4, v5  }
0x1b9: {  	v4 =	vsel vm10, v4, v5  }
0x1ba: {  	v5 =	vsel vm10, s22, v6;
	[tilespmem:s21+$0x10690] =	vst v4  }
0x1bb: {  	[tilespmem:s21+$0x12690] =	vst v5  }
0x1bc: {  	v4 =	vld [tilespmem:s20+$0xFFFFFFE0]  }
0x1bd: {  	v5 =	vld [tilespmem:s21+$0x106A0];
	_ =	sdelay $0x1  }
0x1be: {  	v6 =	vld [tilespmem:s21+$0x126A0];
	_ =	sdelay $0x1  }
0x1bf: {  	v4 =	vand.u32 $0x7FFFFFFF, v4  }
0x1c0: {  	vm11 =	vgt.f32 v4, v5  }
0x1c1: {  	v4 =	vsel vm11, v4, v5  }
0x1c2: {  	v5 =	vsel vm11, s22, v6;
	[tilespmem:s21+$0x106A0] =	vst v4  }
0x1c3: {  	[tilespmem:s21+$0x126A0] =	vst v5  }
0x1c4: {  	v4 =	vld [tilespmem:s20+$0xFFFFFFF0]  }
0x1c5: {  	v5 =	vld [tilespmem:s21+$0x106B0];
	_ =	sdelay $0x1  }
0x1c6: {  	v6 =	vld [tilespmem:s21+$0x126B0];
	_ =	sdelay $0x1  }
0x1c7: {  	v4 =	vand.u32 $0x7FFFFFFF, v4  }
0x1c8: {  	vm12 =	vgt.f32 v4, v5  }
0x1c9: {  	v4 =	vsel vm12, v4, v5  }
0x1ca: {  	v5 =	vsel vm12, s22, v6;
	[tilespmem:s21+$0x106B0] =	vst v4  }
0x1cb: {  	[tilespmem:s21+$0x126B0] =	vst v5  }
0x1cc: {  	v4 =	vld [tilespmem:s20+$0x0]  }
0x1cd: {  	v5 =	vld [tilespmem:s21+$0x106C0];
	_ =	sdelay $0x1  }
0x1ce: {  	v6 =	vld [tilespmem:s21+$0x126C0];
	_ =	sdelay $0x1  }
0x1cf: {  	v4 =	vand.u32 $0x7FFFFFFF, v4  }
0x1d0: {  	vm13 =	vgt.f32 v4, v5  }
0x1d1: {  	v4 =	vsel vm13, v4, v5  }
0x1d2: {  	v5 =	vsel vm13, s22, v6;
	[tilespmem:s21+$0x106C0] =	vst v4  }
0x1d3: {  	[tilespmem:s21+$0x126C0] =	vst v5  }
0x1d4: {  	v4 =	vld [tilespmem:s20+$0x10]  }
0x1d5: {  	v5 =	vld [tilespmem:s21+$0x106D0];
	_ =	sdelay $0x1  }
0x1d6: {  	v6 =	vld [tilespmem:s21+$0x126D0];
	_ =	sdelay $0x1  }
0x1d7: {  	v4 =	vand.u32 $0x7FFFFFFF, v4  }
0x1d8: {  	vm14 =	vgt.f32 v4, v5  }
0x1d9: {  	v4 =	vsel vm14, v4, v5  }
0x1da: {  	v5 =	vsel vm14, s22, v6;
	[tilespmem:s21+$0x106D0] =	vst v4  }
0x1db: {  	[tilespmem:s21+$0x126D0] =	vst v5  }
0x1dc: {  	v4 =	vld [tilespmem:s20+$0x20]  }
0x1dd: {  	v5 =	vld [tilespmem:s21+$0x106E0];
	_ =	sdelay $0x1  }
0x1de: {  	v6 =	vld [tilespmem:s21+$0x126E0];
	_ =	sdelay $0x1  }
0x1df: {  	v4 =	vand.u32 $0x7FFFFFFF, v4  }
0x1e0: {  	vm15 =	vgt.f32 v4, v5  }
0x1e1: {  	v4 =	vsel vm15, v4, v5  }
0x1e2: {  	v5 =	vsel vm15, s22, v6;
	[tilespmem:s21+$0x106E0] =	vst v4  }
0x1e3: {  	v3 =	vld [tilespmem:s21+$0x106F0];
	[tilespmem:s21+$0x126E0] =	vst v5  }
0x1e4: {  	s5 =	smov.u32 s22;
	s17 =	smov.u32 s22;
	s23 =	simm.s32 $0x4;
	v4 =	vld [tilespmem:s20+$0x30]  }
.LBB2_9:
0x1e5: {  	p0 =	sne.s32 s23, $0x1F0;
	s17 =	sadd.s32 $0x1, s17;
	s20 =	sadd.s32 $0x80, s20  }
0x1e6: {  	s25 =	smov.u32 s23;
	s23 =	sadd.s32 $0x4, s23;
	v5 =	vld [tilespmem:s21+$0x126F0];
	_ =	sdelay $0x2  }
0x1e7: {  	v4 =	vand.u32 $0x7FFFFFFF, v4  }
0x1e8: {  	vm0 =	vgt.f32 v4, v3  }
0x1e9: {  	v3 =	vsel vm0, v4, v3;
	v4 =	vsel vm0, s5, v5;
	s5 =	smov.u32 s17  }
0x1ea: {  	[tilespmem:s21+$0x106F0] =	vst v3  }
0x1eb: {  	s25 =	sshra.s32 s25, $0x2;
	[tilespmem:s21+$0x126F0] =	vst v4  }
0x1ec: {  	v3 =	vld.idx.msk [tilespmem:v2+s25+$0x0 ss:$0x1], $0xffff;
	_ =	sdelay $0x5  }
0x1ed: {  	(v2sf) =	vpush v3, $0x0;
	_ =	sdelay $0xe  }
0x1ee: {  	s21 =	spop (v2sf)  }
0x1ef: {  	v4 =	vld [tilespmem:s20+$0xFFFFFFC0];
	s21 =	sshll.u32 s21, $0x7  }
0x1f0: {  	v5 =	vld [tilespmem:s21+$0x10680]  }
0x1f1: {  	v6 =	vld [tilespmem:s21+$0x12680]  }
0x1f2: {  	v3 =	vld [tilespmem:s21+$0x106F0];
	_ =	sdelay $0x1  }
0x1f3: {  	v4 =	vand.u32 $0x7FFFFFFF, v4  }
0x1f4: {  	vm0 =	vgt.f32 v4, v5  }
0x1f5: {  	v4 =	vsel vm0, v4, v5;
	v5 =	vsel vm0, s17, v6  }
0x1f6: {  	[tilespmem:s21+$0x10680] =	vst v4  }
0x1f7: {  	[tilespmem:s21+$0x12680] =	vst v5  }
0x1f8: {  	v4 =	vld [tilespmem:s20+$0xFFFFFFD0]  }
0x1f9: {  	v5 =	vld [tilespmem:s21+$0x10690]  }
0x1fa: {  	v6 =	vld [tilespmem:s21+$0x12690];
	_ =	sdelay $0x2  }
0x1fb: {  	v4 =	vand.u32 $0x7FFFFFFF, v4  }
0x1fc: {  	vm0 =	vgt.f32 v4, v5  }
0x1fd: {  	v4 =	vsel vm0, v4, v5;
	v5 =	vsel vm0, s17, v6  }
0x1fe: {  	[tilespmem:s21+$0x10690] =	vst v4  }
0x1ff: {  	[tilespmem:s21+$0x12690] =	vst v5  }
0x200: {  	v4 =	vld [tilespmem:s20+$0xFFFFFFE0]  }
0x201: {  	v5 =	vld [tilespmem:s21+$0x106A0]  }
0x202: {  	v6 =	vld [tilespmem:s21+$0x126A0];
	_ =	sdelay $0x2  }
0x203: {  	v4 =	vand.u32 $0x7FFFFFFF, v4  }
0x204: {  	vm0 =	vgt.f32 v4, v5  }
0x205: {  	v4 =	vsel vm0, v4, v5;
	v5 =	vsel vm0, s17, v6  }
0x206: {  	[tilespmem:s21+$0x106A0] =	vst v4  }
0x207: {  	[tilespmem:s21+$0x126A0] =	vst v5  }
0x208: {  	v4 =	vld [tilespmem:s20+$0xFFFFFFF0]  }
0x209: {  	v5 =	vld [tilespmem:s21+$0x106B0]  }
0x20a: {  	v6 =	vld [tilespmem:s21+$0x126B0];
	_ =	sdelay $0x2  }
0x20b: {  	v4 =	vand.u32 $0x7FFFFFFF, v4  }
0x20c: {  	vm0 =	vgt.f32 v4, v5  }
0x20d: {  	v4 =	vsel vm0, v4, v5;
	v5 =	vsel vm0, s17, v6  }
0x20e: {  	[tilespmem:s21+$0x106B0] =	vst v4  }
0x20f: {  	[tilespmem:s21+$0x126B0] =	vst v5  }
0x210: {  	v4 =	vld [tilespmem:s20+$0x0]  }
0x211: {  	v5 =	vld [tilespmem:s21+$0x106C0]  }
0x212: {  	v6 =	vld [tilespmem:s21+$0x126C0];
	_ =	sdelay $0x2  }
0x213: {  	v4 =	vand.u32 $0x7FFFFFFF, v4  }
0x214: {  	vm0 =	vgt.f32 v4, v5  }
0x215: {  	v4 =	vsel vm0, v4, v5;
	v5 =	vsel vm0, s17, v6  }
0x216: {  	[tilespmem:s21+$0x106C0] =	vst v4  }
0x217: {  	[tilespmem:s21+$0x126C0] =	vst v5  }
0x218: {  	v4 =	vld [tilespmem:s20+$0x10]  }
0x219: {  	v5 =	vld [tilespmem:s21+$0x106D0]  }
0x21a: {  	v6 =	vld [tilespmem:s21+$0x126D0];
	_ =	sdelay $0x2  }
0x21b: {  	v4 =	vand.u32 $0x7FFFFFFF, v4  }
0x21c: {  	vm0 =	vgt.f32 v4, v5  }
0x21d: {  	v4 =	vsel vm0, v4, v5;
	v5 =	vsel vm0, s17, v6  }
0x21e: {  	[tilespmem:s21+$0x106D0] =	vst v4  }
0x21f: {  	[tilespmem:s21+$0x126D0] =	vst v5  }
0x220: {  	v4 =	vld [tilespmem:s20+$0x20]  }
0x221: {  	v5 =	vld [tilespmem:s21+$0x106E0]  }
0x222: {  	v6 =	vld [tilespmem:s21+$0x126E0];
	_ =	sdelay $0x2  }
0x223: {  	v4 =	vand.u32 $0x7FFFFFFF, v4  }
.Ltmp8:
0x224: {  	vm0 =	vgt.f32 v4, v5;
	(pc) =	sbr.rel @p0 .LBB2_9-.Ltmp8, $4  }
0x225: {  	v4 =	vsel vm0, v4, v5;
	v5 =	vsel vm0, s17, v6  }
0x226: {  	[tilespmem:s21+$0x106E0] =	vst v4  }
0x227: {  	[tilespmem:s21+$0x126E0] =	vst v5  }
0x228: {  	v4 =	vld [tilespmem:s20+$0x30]  }
0x229: {  	_ =	sdelay $0x1  }
0x22a: {  	v2 =	vld [tilespmem:s21+$0x126F0];
	_ =	sdelay $0x1  }
0x22b: {  	v4 =	vand.u32 $0x7FFFFFFF, v4  }
0x22c: {  	vm0 =	vgt.f32 v4, v3  }
0x22d: {  	v3 =	vsel vm0, v4, v3  }
0x22e: {  	v2 =	vsel vm0, s5, v2;
	[tilespmem:s21+$0x106F0] =	vst v3  }
0x22f: {  	s25 =	sshll.u32 s19, $0x7;
	[tilespmem:s21+$0x126F0] =	vst v2  }
0x230: {  	v2 =	vld [tilespmem:s25+$0x10680];
	_ =	sdelay $0x4  }
0x231: {  	[tilespmem:$0x14680] =	vst v2  }
0x232: {  	v2 =	vld [tilespmem:s25+$0x12680];
	_ =	sdelay $0x4  }
0x233: {  	[tilespmem:$0x14700] =	vst v2  }
0x234: {  	v2 =	vld [tilespmem:s25+$0x10690];
	_ =	sdelay $0x4  }
0x235: {  	[tilespmem:$0x14690] =	vst v2  }
0x236: {  	v2 =	vld [tilespmem:s25+$0x12690];
	_ =	sdelay $0x4  }
0x237: {  	[tilespmem:$0x14710] =	vst v2  }
0x238: {  	v2 =	vld [tilespmem:s25+$0x106A0];
	_ =	sdelay $0x4  }
0x239: {  	[tilespmem:$0x146A0] =	vst v2  }
0x23a: {  	v2 =	vld [tilespmem:s25+$0x126A0];
	_ =	sdelay $0x4  }
0x23b: {  	[tilespmem:$0x14720] =	vst v2  }
0x23c: {  	v2 =	vld [tilespmem:s25+$0x106B0];
	_ =	sdelay $0x4  }
0x23d: {  	[tilespmem:$0x146B0] =	vst v2  }
0x23e: {  	v2 =	vld [tilespmem:s25+$0x126B0];
	_ =	sdelay $0x4  }
0x23f: {  	[tilespmem:$0x14730] =	vst v2  }
0x240: {  	v2 =	vld [tilespmem:s25+$0x106C0];
	_ =	sdelay $0x4  }
0x241: {  	[tilespmem:$0x146C0] =	vst v2  }
0x242: {  	v2 =	vld [tilespmem:s25+$0x126C0];
	_ =	sdelay $0x4  }
0x243: {  	[tilespmem:$0x14740] =	vst v2  }
0x244: {  	v2 =	vld [tilespmem:s25+$0x106D0];
	_ =	sdelay $0x4  }
0x245: {  	[tilespmem:$0x146D0] =	vst v2  }
0x246: {  	v2 =	vld [tilespmem:s25+$0x126D0];
	_ =	sdelay $0x4  }
0x247: {  	[tilespmem:$0x14750] =	vst v2  }
0x248: {  	v2 =	vld [tilespmem:s25+$0x106E0];
	_ =	sdelay $0x4  }
0x249: {  	[tilespmem:$0x146E0] =	vst v2  }
0x24a: {  	v2 =	vld [tilespmem:s25+$0x126E0];
	_ =	sdelay $0x4  }
0x24b: {  	[tilespmem:$0x14760] =	vst v2  }
0x24c: {  	v2 =	vld [tilespmem:s25+$0x106F0];
	_ =	sdelay $0x4  }
0x24d: {  	[tilespmem:$0x146F0] =	vst v2  }
0x24e: {  	v2 =	vld [tilespmem:s25+$0x126F0]  }
.Ltmp9:
0x24f: {  	_ = 	snop;
	(pc) =	sbr.rel .LBB2_11-.Ltmp9, $2  }
0x250: {  	_ =	sdelay $0x2  }
0x251: {  	[smem:$0x0] =	sst s19;
	[tilespmem:$0x14770] =	vst v2  }
.LBB2_13:
0x252: {  	_ =	sfence.sel $0x180000  }
0x253: {  	[bflag:$0x0] =	sbarrier.arrive $0xFFFF  }
0x254: {  	_ =	strace $0x90000047  }
0x255: {  	s0 =	stileid.u32;
	[bflag:$0x2] =	sbarrier.arrive $0xFFFF  }
0x256: {  	p0 =	sne.s32 s0, $0x0;
	s0 =	rddreg [dreg:$0x2]  }
0x257: {  	s0 =	sadd.s32 @!p0 $0x100000, s0  }
0x258: {  	[sflag:s0] =	ssyncadd.tile.s32 @!p0 $0x1;
	_ =	shalt  }
.Lfunc_end2:
_tile_overlayer_lowered:
.L_overlay_start_2:
0x259: {  	(tag) =	ssettag $0x2  }
0x25a: {  	s0 =	rddreg [dreg:$0x0];
	s2 =	stileid.u32  }
0x25b: {  	s1 =	rddreg [dreg:$0x1];
	p0 =	sne.s32 s2, $0x0  }
0x25c: {  	s3 =	rddreg [dreg:$0x2];
	[bflag:$0x3] =	sbarrier.arrive $0xFFFF;
	s2 =	simm.s32 @!p0 $0x1C02  }
0x25d: {  	[timem:s3], [sflag:s2] =	dma.local @!p0 [hbm:s0], s1  }
0x25e: {  	s0 =	simm.s32 @!p0 $0x2  }
0x25f: {  	_ =	swait.ge @!p0 [sflag:s0], s1  }
0x260: {  	s1 =	ssub.s32 @!p0 $0x0, s1;
	[sflag:s0] =	ssyncset.done @!p0 $0x0  }
0x261: {  	[sflag:s0] =	ssyncadd.s32 @!p0 s1  }
0x262: {  	[bflag:$0x3] =	sbarrier.arrive $0xFFFF  }
0x263: {  	_ =	shalt  }

// kernel: kernel.7.cloned.1.call-start
scs
__scs_entry_jumppad:
0x0: {  	(pc) =	sbr.rel $0x88, $3  }
0x1: {  	(tag) =	ssettag $0x0;
	lr =	simm.s32 $0x1  }
0x2: {  	[smem:$0x3F9E] =	sst lr;
	_ =	strace $0xD0000000  }
0x3: {  	_ = 	snop  }
0x4: {  	_ = 	snop  }
0x5: {  	_ = 	snop  }
0x6: {  	_ = 	snop  }
0x7: {  	_ = 	snop  }
__scs_overlays_trampoline_lowered:
0x8: {  	[smem:$0x3FAD] =	sst s0  }
0x9: {  	[smem:$0x3FAE] =	sst s1  }
0xa: {  	[smem:$0x3FAF] =	sst s2  }
0xb: {  	[smem:$0x3FB0] =	sst s3  }
0xc: {  	[smem:$0x3FB1] =	sst s4  }
0xd: {  	[smem:$0x3FB2] =	sst s5  }
0xe: {  	[smem:$0x3FB3] =	sst s6  }
0xf: {  	[smem:$0x3FB4] =	sst s7  }
0x10: {  	[smem:$0x3FB5] =	sst s8  }
0x11: {  	[smem:$0x3FB6] =	sst s9;
	s0 =	simm.s32 @!p0 $0x0  }
0x12: {  	s1 =	sld [smem:$0x3F9C];
	s0 =	simm.s32 @p0 $0x1  }
0x13: {  	[smem:$0x3FB7] =	sst s0;
	s0 =	simm.s32 @!p1 $0x0  }
0x14: {  	s2 =	sld [smem:$0x3F9B];
	s0 =	simm.s32 @p1 $0x1  }
0x15: {  	[smem:$0x3FB8] =	sst s0;
	s0 =	simm.s32 @!p2 $0x0  }
0x16: {  	s3 =	sld [smem:$0x3FDB];
	s0 =	simm.s32 @p2 $0x1  }
0x17: {  	s4 =	simm.s32 $0x1BF5;
	[smem:$0x3FBA] =	sst s0  }
0x18: {  	s0 =	sld [smem:$0x3F9D];
	_ =	swait.ge [sflag:s4], $0x0  }
0x19: {  	s7 =	sld [smem:$0x3F9E]  }
0x1a: {  	s8 =	sadd.s32 $0xFFFFE003, lr  }
0x1b: {  	s9 =	sadd.s32 $0xFFFFFEF7, lr;
	s5 =	simm.s32 $0xFFFFFFFF;
	p2 =	slt.u32 s8, $0xFFFFF086  }
0x1c: {  	p1 =	slt.u32 s9, $0xF7A;
	s5 =	simm.s32 @!p2 $0x0  }
0x1d: {  	s5 =	simm.s32 @p1 $0x1;
	p0 =	seq.s32 s7, s2  }
0x1e: {  	s7 =	smul.u32 @!p0 $0xF7A, s2;
	p2 =	seq.s32 @!p0 s5, $0x0  }
0x1f: {  	s9 =	smul.u32 $0xF7A, s1;
	s8 =	simm.s32 @!p0 $0x1BF5;
	p2 =	por !p2, p0  }
0x20: {  	[sflag:s8] =	ssyncset.s32 @!p0 $0xFFFFF086;
	s6 =	sadd.s32 @!p0 s3, s7;
	s7 =	simm.s32 @!p0 $0x108  }
0x21: {  	s3 =	sadd.s32 s3, s9;
	s6 =	sadd.s32 @!p0 $0x88, s6;
	s7 =	simm.s32 @p2 $0x1082  }
0x22: {  	[simem:s7], [sflag:s8] =	dma.local @!p0 [hbm:s6], $0xF7A  }
0x23: {  	s9 =	sor.u32 $0xD0000000, s2;
	s6 =	simm.s32 $0x108;
	_ =	swait.ge @!p0 [sflag:s8], $0x0  }
0x24: {  	s3 =	sadd.s32 $0x88, s3;
	s6 =	simm.s32 @!p1 $0x1082;
	[sflag:s4] =	ssyncset.s32 $0xFFFFF086  }
0x25: {  	[simem:s6], [sflag:s4] =	dma.local [hbm:s3], $0xF7A  }
0x26: {  	[smem:$0x3F9E] =	sst s1;
	(tag) =	ssettag s2;
	_ =	strace s9  }
0x27: {  	s1 =	sld [smem:$0x3FAE]  }
0x28: {  	s2 =	sld [smem:$0x3FAF]  }
0x29: {  	s4 =	sld [smem:$0x3FB1]  }
0x2a: {  	p0 =	seq.s32 s5, $0x0;
	s5 =	sld [smem:$0x3FB2]  }
0x2b: {  	s6 =	sld [smem:$0x3FB3]  }
0x2c: {  	s7 =	sld [smem:$0x3FB4]  }
0x2d: {  	s3 =	simm.s32 $0x108;
	s8 =	sld [smem:$0x3FB5]  }
0x2e: {  	s3 =	simm.s32 @!p0 $0x1082;
	s9 =	sld [smem:$0x3FB6]  }
0x2f: {  	lr =	sadd.s32 s0, s3;
	s0 =	sld [smem:$0x3FAD]  }
0x30: {  	s3 =	sld [smem:$0x3FB0]  }
0x31: {  	[smem:$0x3FB9] =	sst s10  }
0x32: {  	s10 =	sld [smem:$0x3FB7];
	_ =	sdelay $0x3  }
0x33: {  	p0 =	seq.s32 s10, $0x1;
	s10 =	sld [smem:$0x3FB9];
	_ =	sdelay $0x3  }
0x34: {  	[smem:$0x3FB9] =	sst s10  }
0x35: {  	s10 =	sld [smem:$0x3FB8];
	_ =	sdelay $0x3  }
0x36: {  	p1 =	seq.s32 s10, $0x1;
	s10 =	sld [smem:$0x3FB9];
	_ =	sdelay $0x3  }
0x37: {  	[smem:$0x3FB9] =	sst s10  }
0x38: {  	s10 =	sld [smem:$0x3FBA]  }
0x39: {  	_ = 	snop;
	(pc) =	sbr.ind lr, $3  }
0x3a: {  	_ = 	snop  }
0x3b: {  	_ = 	snop  }
0x3c: {  	p2 =	seq.s32 s10, $0x1;
	s10 =	sld [smem:$0x3FB9]  }
0x3d: {  	_ =	shalt  }
0x3e: {  	_ =	shalt  }
0x3f: {  	_ =	shalt  }
0x40: {  	_ =	shalt  }
0x41: {  	_ =	shalt  }
0x42: {  	_ =	shalt  }
0x43: {  	_ =	shalt  }
0x44: {  	_ =	shalt  }
0x45: {  	_ =	shalt  }
0x46: {  	_ =	shalt  }
0x47: {  	_ =	shalt  }
0x48: {  	_ =	shalt  }
0x49: {  	_ =	shalt  }
0x4a: {  	_ =	shalt  }
0x4b: {  	_ =	shalt  }
0x4c: {  	_ =	shalt  }
0x4d: {  	_ =	shalt  }
0x4e: {  	_ =	shalt  }
0x4f: {  	_ =	shalt  }
0x50: {  	_ =	shalt  }
0x51: {  	_ =	shalt  }
0x52: {  	_ =	shalt  }
0x53: {  	_ =	shalt  }
0x54: {  	_ =	shalt  }
0x55: {  	_ =	shalt  }
0x56: {  	_ =	shalt  }
0x57: {  	_ =	shalt  }
0x58: {  	_ =	shalt  }
0x59: {  	_ =	shalt  }
0x5a: {  	_ =	shalt  }
0x5b: {  	_ =	shalt  }
0x5c: {  	_ =	shalt  }
0x5d: {  	_ =	shalt  }
0x5e: {  	_ =	shalt  }
0x5f: {  	_ =	shalt  }
0x60: {  	_ =	shalt  }
0x61: {  	_ =	shalt  }
0x62: {  	_ =	shalt  }
0x63: {  	_ =	shalt  }
0x64: {  	_ =	shalt  }
0x65: {  	_ =	shalt  }
0x66: {  	_ =	shalt  }
0x67: {  	_ =	shalt  }
0x68: {  	_ =	shalt  }
0x69: {  	_ =	shalt  }
0x6a: {  	_ =	shalt  }
0x6b: {  	_ =	shalt  }
0x6c: {  	_ =	shalt  }
0x6d: {  	_ =	shalt  }
0x6e: {  	_ =	shalt  }
0x6f: {  	_ =	shalt  }
0x70: {  	_ =	shalt  }
0x71: {  	_ =	shalt  }
0x72: {  	_ =	shalt  }
0x73: {  	_ =	shalt  }
0x74: {  	_ =	shalt  }
0x75: {  	_ =	shalt  }
0x76: {  	_ =	shalt  }
0x77: {  	_ =	shalt  }
0x78: {  	_ =	shalt  }
0x79: {  	_ =	shalt  }
0x7a: {  	_ =	shalt  }
0x7b: {  	_ =	shalt  }
0x7c: {  	_ =	shalt  }
0x7d: {  	_ =	shalt  }
0x7e: {  	_ =	shalt  }
0x7f: {  	_ =	shalt  }
0x80: {  	_ =	shalt  }
0x81: {  	_ =	shalt  }
0x82: {  	_ =	shalt  }
0x83: {  	_ =	shalt  }
0x84: {  	_ =	shalt  }
0x85: {  	_ =	shalt  }
0x86: {  	_ =	shalt  }
0x87: {  	_ =	shalt  }
.Lfunc_end0:
.L_simem_size_0:
called_computation.1_lowered:
.L_overlay_start_0:
0x88: {  	s2 =	sld [smem:$0x3FD9]  }
0x89: {  	s3 =	sld [smem:$0x3FFE];
	_ =	sdelay $0x1  }
0x8a: {  	s1 =	srdreg.scid  }
0x8b: {  	s0 =	sand.u32 $0x1, s1  }
0x8c: {  	s17 =	sshll.u32 s0, $0xA;
	s2 =	sadd.s32 s3, s2  }
0x8d: {  	s2 =	sadd.s32 s2, s17  }
0x8e: {  	[smem:$0x3FC5] =	sst s2  }
0x8f: {  	_ = 	snop  }
0x90: {  	s2 =	sld [smem:$0x3FC9]  }
0x91: {  	s18 =	sld [smem:$0x3FC8]  }
0x92: {  	s4 =	sld [smem:$0x3FC7];
	(tm) =	ssettm $0x1  }
0x93: {  	s5 =	sld [smem:$0x3FFB];
	_ =	sdelay $0x3  }
0x94: {  	_ =	strace s5  }
0x95: {  	s5 =	sld [smem:$0x3FFC];
	_ =	sdelay $0x3  }
0x96: {  	_ =	strace s5  }
0x97: {  	s5 =	sld [smem:$0x3FFD];
	_ =	sdelay $0x3  }
0x98: {  	_ =	strace s5  }
0x99: {  	_ =	strace $0x8FFFFFFF  }
0x9a: {  	s19 =	sld [smem:$0x3FDB];
	_ =	sdelay $0x1  }
0x9b: {  	s6 =	simm.s32 $_scs_section_size  }
0x9c: {  	s7 =	simm.s32 $_size__tile_overlayer_lowered;
	s8 =	simm.s32 $_tile_overlayer_lowered  }
0x9d: {  	s22 =	simm.s32 $0x1BFF;
	s21 =	sshll.u32 s8, $0x1;
	s5 =	sadd.s32 s6, s19  }
0x9e: {  	s9 =	simm.s32 $0x0;
	s20 =	sshll.u32 s7, $0x1;
	s7 =	sadd.s32 s21, s5  }
0x9f: {  	[timem:s9], [sflag:s22] =	dma.local [hbm:s7], s20  }
0xa0: {  	_ =	swait.ge [sflag:s22], s20  }
0xa1: {  	s6 =	ssub.s32 $0x0, s20;
	[sflag:s22] =	ssyncset.done $0x0  }
0xa2: {  	[sflag:s22] =	ssyncadd.s32 s6;
	_ =	sdelay $0x1  }
0xa3: {  	s23 =	simm.s32 $0x1B8B  }
0xa4: {  	_ =	swait.ge [sflag:s23], $0x1  }
0xa5: {  	[sflag:s23] =	ssyncset.done $0x0  }
0xa6: {  	s25 =	simm.s32 $0x1B8E;
	s24 =	sld [smem:$0x3FFE];
	[sflag:s23] =	ssyncadd.s32 $0xFFFFFFFF  }
0xa7: {  	s26 =	simm.s32 $execute0_lowered;
	[smem:$0x3FD2] =	sst s25  }
0xa8: {  	s7 =	sshll.u32 s26, $0x1;
	_ =	strace $0x80000049;
	[dreg:$0x1] =	wrdreg $0xFFFFFFFF  }
0xa9: {  	s28 =	simm.s32 $_size_execute0_lowered;
	s5 =	sadd.s32 s5, s7;
	[dreg:$0x0] =	wrdreg $0x0  }
0xaa: {  	s7 =	sshll.u32 s28, $0x1;
	[dreg:$0x2] =	wrdreg s5  }
0xab: {  	[dreg:$0x3] =	wrdreg s7  }
0xac: {  	[dreg:$0x4] =	wrdreg $0xC0  }
0xad: {  	_ =	task [dreg:s9], $0x5FFFF  }
0xae: {  	[dreg:$0x1] =	wrdreg $0xFFFFFFFF  }
0xaf: {  	[dreg:$0x0] =	wrdreg $0x60  }
0xb0: {  	[dreg:$0x2] =	wrdreg s24  }
0xb1: {  	[dreg:$0x3] =	wrdreg s18  }
0xb2: {  	[dreg:$0x4] =	wrdreg s2  }
0xb3: {  	[dreg:$0x5] =	wrdreg s4  }
0xb4: {  	[dreg:$0x6] =	wrdreg $0x84800  }
0xb5: {  	[dreg:$0x7] =	wrdreg $0x9  }
0xb6: {  	_ =	task.clear_ibuf [dreg:s9], $0x8FFFF;
	_ =	strace $0x90000049  }
0xb7: {  	s29 =	simm.s32 $0x9;
	_ =	strace $0x8000004B  }
0xb8: {  	_ =	swait.ge [sflag:s29], $0x1  }
0xb9: {  	[sflag:s29] =	ssyncadd.s32 $0xFFFFFFFF  }
0xba: {  	_ =	strace $0x9000004B  }
0xbb: {  	_ =	sfence  }
0xbc: {  	s30 =	sld [smem:$0x0];
	_ =	sdelay $0x2  }
0xbd: {  	s31 =	sshll.u32 s1, $0xD;
	s1 =	sshrl.u32 s1, $0x2  }
0xbe: {  	s3 =	sand.u32 $0x4000, s31;
	s1 =	sadd.s32 s1, s30  }
0xbf: {  	s0 =	sor.u32 s3, s0;
	s1 =	sshll.u32 s1, $0x11  }
0xc0: {  	s0 =	sor.u32 s1, s0  }
0xc1: {  	s0 =	sadd.s32 $0x8F2B, s0  }
0xc2: {  	[sflag:s0] =	ssyncadd.remote.s32 $0x1  }
0xc3: {  	_ =	sfence.sel $0xFFFF  }
0xc4: {  	[dreg:$0x0] =	wrdreg $0xFFFFFFFF;
	(pc) =	sbr.abs _section_cstart, $3  }
0xc5: {  	[dreg:$0x1] =	wrdreg $0xFFFFFFFF  }
0xc6: {  	_ =	task.clear_ibuf [dreg:s9], $0x2FFFF;
	_ =	strace $0x9FFFFFFF  }
0xc7: {  	(tm) =	ssettm $0x7FFFFFFF  }
tec
execute0_lowered:
.L_overlay_start_1:
0x0: {  	(tag) =	ssettag $0x1  }
0x1: {  	s0 =	rddreg [dreg:$0x0]  }
0x2: {  	s1 =	rddreg [dreg:$0x1]  }
0x3: {  	s2 =	rddreg [dreg:$0x2]  }
0x4: {  	s8 =	rddreg [dreg:$0x3]  }
0x5: {  	s3 =	rddreg [dreg:$0x4]  }
0x6: {  	s4 =	simm.s32 $0x0;
	s5 =	srdreg.scid;
	s10 =	stileid.u32  }
0x7: {  	s30 =	simm.s32 $0x4000;
	[smem:$0x7FF] =	sst s4;
	s14 =	sadd.s32 $0x10, s3  }
0x8: {  	s15 =	sadd.s32 $0x20, s3;
	_ =	strace $0x8000004A;
	[dreg:$0x7] =	wrdreg s14  }
0x9: {  	s31 =	simm.s32 $0x8300;
	s16 =	sadd.s32 $0x30, s3;
	[dreg:$0x8] =	wrdreg s15  }
0xa: {  	s5 =	sand.u32 $0x1, s5;
	s17 =	sadd.s32 $0x40, s3;
	[dreg:$0x9] =	wrdreg s16  }
0xb: {  	s7 =	sshll.u32 s10, $0xB;
	s18 =	sadd.s32 $0x50, s3;
	[dreg:$0xa] =	wrdreg s17  }
0xc: {  	s12 =	sshll.u32 s10, $0x9;
	s19 =	sadd.s32 $0x60, s3;
	[dreg:$0xb] =	wrdreg s18  }
0xd: {  	s8 =	sadd.s32 $0x30D2, s8;
	s20 =	sadd.s32 $0x70, s3;
	[dreg:$0xc] =	wrdreg s19  }
0xe: {  	s13 =	sshll.u32 s10, $0x4;
	s21 =	sadd.s32 $0x80, s3;
	[dreg:$0xd] =	wrdreg s20  }
0xf: {  	s22 =	sadd.s32 $0x90, s3;
	s23 =	sadd.s32 $0xA0, s3;
	[dreg:$0xe] =	wrdreg s21  }
0x10: {  	s24 =	sadd.s32 $0xB0, s3;
	s25 =	sadd.s32 $0xC0, s3;
	[dreg:$0xf] =	wrdreg s22  }
0x11: {  	p0 =	sne.s32 s10, $0x0;
	s26 =	sadd.s32 $0xD0, s3;
	[dreg:$0x10] =	wrdreg s23  }
0x12: {  	s28 =	sadd.s32 $0xF0, s3;
	s10 =	simm.s32 $0x100;
	[dreg:$0x11] =	wrdreg s24  }
0x13: {  	s6 =	ssub.s32 $0x2, s5;
	s9 =	sshll.u32 s5, $0x1;
	[dreg:$0x12] =	wrdreg s25  }
0x14: {  	s7 =	sadd.s32 s7, s0;
	s5 =	sshll.u32 s5, $0x8;
	[dreg:$0x13] =	wrdreg s26  }
0x15: {  	s26 =	sadd.s32 $0xE0, s3;
	s14 =	simm.s32 $0x8200;
	s15 =	simm.s32 $0x2  }
0x16: {  	s16 =	simm.s32 $0x8380;
	s17 =	simm.s32 $0x3;
	s18 =	simm.s32 $0x0  }
.Ltmp0:
0x17: {  	s11 =	sshrl.u32 s6, $0x1;
	s0 =	sadd.s32 s9, s0;
	(pc) =	sbr.rel .LBB2_1-.Ltmp0, $4  }
0x18: {  	s9 =	sadd.s32 s13, s3;
	s25 =	sor.u32 s5, s12;
	s29 =	sor.u32 $0x4000, s5  }
0x19: {  	s12 =	simm.s32 $0x8000;
	s13 =	simm.s32 $0x8100;
	s11 =	ssub.s32 s6, s11  }
0x1a: {  	s6 =	sadd.s32 $0x4000, s7;
	s7 =	sadd.s32 $0xC000, s7;
	s0 =	sadd.s32 $0xE00, s0  }
0x1b: {  	v0 =	vlaneseq.u32;
	v1 =	vimm.s32 $0x0;
	[dreg:$0x6] =	wrdreg s0;
	s11 =	smax.u32 s11, $0x1;
	s0 =	simm.s32 $0x1  }
.LBB2_9:
0x1c: {  	s18 =	sadd.s32 $0x1, s18  }
0x1d: {  	p1 =	sne.s32 s18, s11  }
.Ltmp1:
0x1e: {  	_ = 	snop;
	(pc) =	sbr.rel @!p1 .LBB2_10-.Ltmp1, $1  }
0x1f: {  	_ =	sdelay $0x3  }
.LBB2_1:
0x20: {  	[tilespmem:s4], [sflag:$0x1] =	stream.linear.gather [hbm4b:s6+s4], $0x4000, $0x38;
	[tilespmem:$0x8490] =	vst v63  }
0x21: {  	_ = 	snop  }
0x22: {  	[tilespmem:s30], [sflag:$0x1] =	stream.linear.gather [hbm4b:s7+s4], $0x4000, $0x38;
	[tilespmem:$0x8490] =	vst v63  }
0x23: {  	_ = 	snop  }
0x24: {  	[tilespmem:s31], [sflag:$0x1] =	stream.linear.gather [hbm4b:s8+s4], $0x10, $0x38;
	[tilespmem:$0x8490] =	vst v63  }
0x25: {  	_ =	swait.ge [sflag:s0], $0x4000  }
0x26: {  	[sflag:s0] =	ssyncset.done $0x0  }
0x27: {  	[sflag:s0] =	ssyncadd.s32 $0xFFFFC000  }
0x28: {  	_ =	swait.ge [sflag:s0], $0x4000  }
0x29: {  	[sflag:s0] =	ssyncset.done $0x0  }
0x2a: {  	[sflag:s0] =	ssyncadd.s32 $0xFFFFC000  }
0x2b: {  	_ =	swait.ge [sflag:s0], $0x10  }
0x2c: {  	s19 =	smov.u32 s5;
	[sflag:s0] =	ssyncset.done $0x0  }
0x2d: {  	s20 =	smov.u32 s29;
	s21 =	simm.s32 $0x0;
	[sflag:s0] =	ssyncadd.s32 $0xFFFFFFF0  }
.LBB2_2:
0x2e: {  	v2 =	vmov s19  }
0x2f: {  	s22 =	sshll.u32 s21, $0x4;
	v3 =	vmov s20  }
0x30: {  	s23 =	sor.u32 s5, s22  }
0x31: {  	v4 =	vld [tilespmem:s23+$0x0]  }
0x32: {  	s24 =	simm.s32 $0x200;
	v5 =	vld [tilespmem:s23+$0x4000]  }
0x33: {  	v6 =	vld.idx.msk [tilespmem:v2+s24+$0x0 ss:$0x1], $0xffff  }
0x34: {  	s23 =	simm.s32 $0x1000;
	v7 =	vld.idx.msk [tilespmem:v3+s24+$0x0 ss:$0x1], $0xffff  }
.LBB2_3:
0x35: {  	p1 =	sne.s32 s23, $0xF800  }
.Ltmp2:
0x36: {  	_ = 	snop;
	(pc) =	sbr.rel @p1 .LBB2_3-.Ltmp2, $4  }
0x37: {  	_ = 	snop  }
0x38: {  	s24 =	sshra.s32 s23, $0x2;
	s23 =	sadd.s32 $0x800, s23  }
0x39: {  	vm0 =	vgt.f32 v6, v4;
	v8 =	vmov v6;
	v6 =	vld.idx.msk [tilespmem:v2+s24+$0x0 ss:$0x1], $0xffff  }
0x3a: {  	v4 =	vsel vm0, v8, v4;
	v5 =	vsel vm0, v7, v5;
	v7 =	vld.idx.msk [tilespmem:v3+s24+$0x0 ss:$0x1], $0xffff  }
0x3b: {  	_ =	sdelay $0x1  }
0x3c: {  	s21 =	sadd.s32 $0x1, s21  }
0x3d: {  	p1 =	sne.s32 s21, $0x10;
	vm0 =	vgt.f32 v6, v4  }
.Ltmp3:
0x3e: {  	v2 =	vsel vm0, v7, v5;
	(pc) =	sbr.rel @p1 .LBB2_2-.Ltmp3, $4  }
0x3f: {  	s23 =	sand.u32 $0x70, s22;
	v2 =	vshll.u32 v2, $0x7  }
0x40: {  	v2 =	vor.u32 s23, v2  }
0x41: {  	v2 =	vor.u32 v0, v2  }
0x42: {  	s20 =	sadd.s32 $0x10, s20;
	s19 =	sadd.s32 $0x10, s19;
	[tilespmem:s22+$0x8000] =	vst v2  }
0x43: {  	[tilespmem:s13], [sflag:$0x2] =	stream.indirect.gather [hbm4b:s1+s10], $0x1, s12, s10, $0xb8;
	[tilespmem:$0x8490] =	vst v63  }
0x44: {  	_ = 	snop  }
0x45: {  	[tilespmem:s14], [sflag:$0x2] =	stream.indirect.gather [hbm4b:s2+s10], $0x1, s12, s10, $0xb8;
	[tilespmem:$0x8490] =	vst v63  }
0x46: {  	_ =	swait.ge [sflag:s15], $0x100  }
0x47: {  	[sflag:s15] =	ssyncset.done $0x0  }
0x48: {  	[sflag:s15] =	ssyncadd.s32 $0xFFFFFF00  }
0x49: {  	_ =	swait.ge [sflag:s15], $0x100  }
0x4a: {  	[sflag:s15] =	ssyncset.done $0x0  }
0x4b: {  	[sflag:s15] =	ssyncadd.s32 $0xFFFFFF00  }
0x4c: {  	v2 =	vld [tilespmem:$0x8300];
	_ =	sdelay $0x4  }
0x4d: {  	(v2sf) =	vpush v2, $0xF;
	_ =	sdelay $0x4  }
0x4e: {  	s19 =	simm.s32 $0x0  }
0x4f: {  	v6 =	vld [tilespmem:s19+$0x8100];
	_ =	sdelay $0x3  }
0x50: {  	s20 =	simm.s32 $0x10  }
0x51: {  	v4 =	vld [tilespmem:s20+$0x8100];
	v3 =	vand.u32 $0x7FFFFFFF, v6  }
0x52: {  	v8 =	vadd.f32 $9.999999930e-09, v3;
	_ =	sdelay $0x1  }
0x53: {  	(erf) = vrcp.f32 v8  }
0x54: {  	s21 =	spop (v2sf)  }
0x55: {  	v5 =	vmov s25;
	v7 =	vld [tilespmem:s19+$0x8200];
	v3 =	vand.u32 $0x7FFFFFFF, v4;
	s21 =	sadd.s32 $0x1, s21  }
0x56: {  	v5 =	vshrl.u32 v5, $0x7;
	s19 =	simm.s32 $0x20;
	v9 =	vadd.f32 $9.999999930e-09, v3;
	v2 =	vmov s21  }
0x57: {  	vm0 =	vlt.s32 v5, v2;
	v5 =	vld [tilespmem:s19+$0x8100]  }
0x58: {  	(erf) = vrcp.f32 v9;
	_ =	sdelay $0x1  }
0x59: {  	v7 =	vsub.f32 v7, v6;
	v8 =	vsel vm0, $0x1, v1  }
0x5a: {  	v6 =	vld [tilespmem:s20+$0x8200];
	s20 =	sadd.s32 $0x10, s25;
	v3 =	vimm.f32 $0.0e+00;
	s21 =	simm.s32 $0xC0;
	v8 =	vbroadcast v8, $0x0  }
.LBB2_6:
0x5b: {  	s22 =	sshra.s32 s21, $0x2;
	p1 =	sne.s32 s21, $0x3C0;
	s21 =	sadd.s32 $0x40, s21;
	v9 =	vand.u32 $0x7FFFFFFF, v5;
	v10 =	vmov s20;
	v7 =	vand.u32 $0x7FFFFFFF, v7;
	v11 =	vpop (erf)  }
.Ltmp4:
0x5c: {  	v9 =	vadd.f32 $9.999999930e-09, v9;
	v7 =	vmul.f32 v11, v7;
	v8 =	vand.u32 $0x1, v8;
	v11 =	vmovc v5;
	v5 =	vld [tilespmem:s22+$0x8100];
	(pc) =	sbr.rel @p1 .LBB2_6-.Ltmp4, $4  }
0x5d: {  	v10 =	vshrl.u32 v10, $0x7;
	vm0 =	veq.s32 v8, $0x1  }
0x5e: {  	vm1 =	vlt.s32 v10, v2;
	(erf) = vrcp.f32 v9;
	v8 =	vnsel vm0, $0x0, v7  }
0x5f: {  	v9 =	vsel vm1, $0x1, v1;
	v7 =	vsub.f32 v6, v4;
	v3 =	vadd.f32 v8, v3;
	v4 =	vmovc v11  }
0x60: {  	s20 =	sadd.s32 $0x10, s20;
	v8 =	vbroadcast v9, $0x0;
	v6 =	vld [tilespmem:s19+$0x8200];
	s19 =	smov.u32 s22  }
0x61: {  	v9 =	vand.u32 $0x7FFFFFFF, v5  }
0x62: {  	v9 =	vadd.f32 $9.999999930e-09, v9;
	_ =	sdelay $0x1  }
0x63: {  	(erf) = vrcp.f32 v9;
	_ =	sdelay $0x1  }
0x64: {  	v53 =	vpop (erf);
	v10 =	vmov s20;
	v7 =	vand.u32 $0x7FFFFFFF, v7;
	v11 =	vld [tilespmem:s19+$0x8200]  }
0x65: {  	s24 =	sadd.s32 $0x10, s20;
	v7 =	vmul.f32 v53, v7;
	v8 =	vand.u32 $0x1, v8;
	v54 =	vshrl.u32 v10, $0x7  }
0x66: {  	v55 =	vmov s24;
	vm0 =	veq.s32 v8, $0x1;
	vm1 =	vlt.s32 v54, v2  }
0x67: {  	v8 =	vshrl.u32 v55, $0x7;
	v56 =	vsel vm1, $0x1, v1;
	v4 =	vsub.f32 v6, v4  }
0x68: {  	v7 =	vnsel vm0, $0x0, v7;
	vm13 =	vlt.s32 v8, v2;
	v6 =	vbroadcast v56, $0x0  }
0x69: {  	v59 =	vsel vm13, $0x1, v1;
	v58 =	vsub.f32 v11, v5;
	v4 =	vand.u32 $0x7FFFFFFF, v4;
	v57 =	vpop (erf)  }
0x6a: {  	v60 =	vbroadcast v59, $0x0;
	v6 =	vand.u32 $0x1, v6;
	v4 =	vmul.f32 v57, v4  }
0x6b: {  	v3 =	vadd.f32 v7, v3;
	vm14 =	veq.s32 v6, $0x1;
	v5 =	vand.u32 $0x7FFFFFFF, v58;
	v61 =	vpop (erf)  }
0x6c: {  	v62 =	vand.u32 $0x1, v60;
	v4 =	vnsel vm14, $0x0, v4;
	v5 =	vmul.f32 v61, v5  }
0x6d: {  	vm15 =	veq.s32 v62, $0x1;
	v3 =	vadd.f32 v4, v3  }
0x6e: {  	v63 =	vnsel vm15, $0x0, v5  }
0x6f: {  	v3 =	vadd.f32 v63, v3;
	_ =	sdelay $0x1  }
0x70: {  	[tilespmem:$0x8380] =	vst v3  }
0x71: {  	[spmem:s9] =	stream.linear.scatter [tilespmem:s16], [sflag:$0x3], $0x10, $0x38;
	[tilespmem:$0x8490] =	vst v63  }
.Ltmp5:
0x72: {  	_ =	swait.ge [sflag:s17], $0x10;
	(pc) =	sbr.rel @p0 .LBB2_9-.Ltmp5, $3  }
0x73: {  	[sflag:s17] =	ssyncset.done $0x0  }
0x74: {  	[sflag:s17] =	ssyncadd.s32 $0xFFFFFFF0  }
0x75: {  	[bflag:$0x0] =	sbarrier.arrive $0xFFFF;
	_ =	sdelay $0x1  }
0x76: {  	[tilespmem:s16], [sflag:$0x3] =	stream.linear.gather [spmem:s3], $0x10, $0x38;
	[tilespmem:$0x8490] =	vst v63  }
0x77: {  	_ =	swait.ge [sflag:s17], $0x10  }
0x78: {  	[sflag:s17] =	ssyncset.done $0x0  }
0x79: {  	s19 =	rddreg [dreg:$0x7];
	[sflag:s17] =	ssyncadd.s32 $0xFFFFFFF0  }
0x7a: {  	v3 =	vld [tilespmem:$0x8380];
	[tilespmem:s16], [sflag:$0x3] =	stream.linear.gather [spmem:s19], $0x10, $0x38  }
0x7b: {  	_ =	swait.ge [sflag:s17], $0x10  }
0x7c: {  	[sflag:s17] =	ssyncset.done $0x0  }
0x7d: {  	s22 =	rddreg [dreg:$0x8];
	[sflag:s17] =	ssyncadd.s32 $0xFFFFFFF0  }
0x7e: {  	v4 =	vld [tilespmem:$0x8380];
	[tilespmem:s16], [sflag:$0x3] =	stream.linear.gather [spmem:s22], $0x10, $0x38  }
0x7f: {  	_ =	swait.ge [sflag:s17], $0x10  }
0x80: {  	[sflag:s17] =	ssyncset.done $0x0  }
0x81: {  	s23 =	rddreg [dreg:$0x9];
	[sflag:s17] =	ssyncadd.s32 $0xFFFFFFF0  }
0x82: {  	v5 =	vld [tilespmem:$0x8380];
	[tilespmem:s16], [sflag:$0x3] =	stream.linear.gather [spmem:s23], $0x10, $0x38  }
0x83: {  	_ =	swait.ge [sflag:s17], $0x10  }
0x84: {  	[sflag:s17] =	ssyncset.done $0x0  }
0x85: {  	s24 =	rddreg [dreg:$0xa];
	[sflag:s17] =	ssyncadd.s32 $0xFFFFFFF0  }
0x86: {  	v6 =	vld [tilespmem:$0x8380];
	[tilespmem:s16], [sflag:$0x3] =	stream.linear.gather [spmem:s24], $0x10, $0x38  }
0x87: {  	_ =	swait.ge [sflag:s17], $0x10  }
0x88: {  	[sflag:s17] =	ssyncset.done $0x0  }
0x89: {  	s20 =	rddreg [dreg:$0xb];
	[sflag:s17] =	ssyncadd.s32 $0xFFFFFFF0  }
0x8a: {  	v7 =	vld [tilespmem:$0x8380];
	[tilespmem:s16], [sflag:$0x3] =	stream.linear.gather [spmem:s20], $0x10, $0x38  }
0x8b: {  	_ =	swait.ge [sflag:s17], $0x10  }
0x8c: {  	[sflag:s17] =	ssyncset.done $0x0  }
0x8d: {  	s21 =	rddreg [dreg:$0xc];
	[sflag:s17] =	ssyncadd.s32 $0xFFFFFFF0  }
0x8e: {  	v8 =	vld [tilespmem:$0x8380];
	[tilespmem:s16], [sflag:$0x3] =	stream.linear.gather [spmem:s21], $0x10, $0x38  }
0x8f: {  	_ =	swait.ge [sflag:s17], $0x10  }
0x90: {  	[sflag:s17] =	ssyncset.done $0x0  }
0x91: {  	s22 =	rddreg [dreg:$0xd];
	[sflag:s17] =	ssyncadd.s32 $0xFFFFFFF0  }
0x92: {  	v9 =	vld [tilespmem:$0x8380];
	[tilespmem:s16], [sflag:$0x3] =	stream.linear.gather [spmem:s22], $0x10, $0x38  }
0x93: {  	_ =	swait.ge [sflag:s17], $0x10  }
0x94: {  	[sflag:s17] =	ssyncset.done $0x0  }
0x95: {  	s23 =	rddreg [dreg:$0xe];
	[sflag:s17] =	ssyncadd.s32 $0xFFFFFFF0  }
0x96: {  	v10 =	vld [tilespmem:$0x8380];
	[tilespmem:s16], [sflag:$0x3] =	stream.linear.gather [spmem:s23], $0x10, $0x38  }
0x97: {  	_ =	swait.ge [sflag:s17], $0x10  }
0x98: {  	[sflag:s17] =	ssyncset.done $0x0  }
0x99: {  	s24 =	rddreg [dreg:$0xf];
	[sflag:s17] =	ssyncadd.s32 $0xFFFFFFF0  }
0x9a: {  	v11 =	vld [tilespmem:$0x8380];
	[tilespmem:s16], [sflag:$0x3] =	stream.linear.gather [spmem:s24], $0x10, $0x38  }
0x9b: {  	_ =	swait.ge [sflag:s17], $0x10  }
0x9c: {  	[sflag:s17] =	ssyncset.done $0x0  }
0x9d: {  	v3 =	vadd.f32 $0.0e+00, v3;
	s20 =	rddreg [dreg:$0x10];
	[sflag:s17] =	ssyncadd.s32 $0xFFFFFFF0  }
0x9e: {  	v12 =	vld [tilespmem:$0x8380];
	[tilespmem:s16], [sflag:$0x3] =	stream.linear.gather [spmem:s20], $0x10, $0x38  }
0x9f: {  	v3 =	vadd.f32 v4, v3;
	_ =	swait.ge [sflag:s17], $0x10  }
0xa0: {  	[sflag:s17] =	ssyncset.done $0x0  }
0xa1: {  	v3 =	vadd.f32 v5, v3;
	s21 =	rddreg [dreg:$0x11];
	[sflag:s17] =	ssyncadd.s32 $0xFFFFFFF0  }
0xa2: {  	v13 =	vld [tilespmem:$0x8380];
	[tilespmem:s16], [sflag:$0x3] =	stream.linear.gather [spmem:s21], $0x10, $0x38  }
0xa3: {  	v3 =	vadd.f32 v6, v3;
	_ =	swait.ge [sflag:s17], $0x10  }
0xa4: {  	[sflag:s17] =	ssyncset.done $0x0  }
0xa5: {  	v3 =	vadd.f32 v7, v3;
	s22 =	rddreg [dreg:$0x12];
	[sflag:s17] =	ssyncadd.s32 $0xFFFFFFF0  }
0xa6: {  	v59 =	vld [tilespmem:$0x8380];
	[tilespmem:s16], [sflag:$0x3] =	stream.linear.gather [spmem:s22], $0x10, $0x38  }
0xa7: {  	v3 =	vadd.f32 v8, v3;
	_ =	swait.ge [sflag:s17], $0x10  }
0xa8: {  	[sflag:s17] =	ssyncset.done $0x0  }
0xa9: {  	v3 =	vadd.f32 v9, v3;
	s23 =	rddreg [dreg:$0x13];
	[sflag:s17] =	ssyncadd.s32 $0xFFFFFFF0  }
0xaa: {  	v60 =	vld [tilespmem:$0x8380];
	[tilespmem:s16], [sflag:$0x3] =	stream.linear.gather [spmem:s23], $0x10, $0x38  }
0xab: {  	v3 =	vadd.f32 v10, v3;
	_ =	swait.ge [sflag:s17], $0x10  }
0xac: {  	[sflag:s17] =	ssyncset.done $0x0  }
0xad: {  	v3 =	vadd.f32 v11, v3;
	[sflag:s17] =	ssyncadd.s32 $0xFFFFFFF0  }
0xae: {  	v61 =	vld [tilespmem:$0x8380];
	[tilespmem:s16], [sflag:$0x3] =	stream.linear.gather [spmem:s26], $0x10, $0x38  }
0xaf: {  	v3 =	vadd.f32 v12, v3;
	_ =	swait.ge [sflag:s17], $0x10  }
0xb0: {  	[sflag:s17] =	ssyncset.done $0x0  }
0xb1: {  	v3 =	vadd.f32 v13, v3;
	[sflag:s17] =	ssyncadd.s32 $0xFFFFFFF0  }
0xb2: {  	v62 =	vld [tilespmem:$0x8380];
	[tilespmem:s16], [sflag:$0x3] =	stream.linear.gather [spmem:s28], $0x10, $0x38  }
0xb3: {  	v3 =	vadd.f32 v59, v3;
	_ =	swait.ge [sflag:s17], $0x10  }
0xb4: {  	[sflag:s17] =	ssyncset.done $0x0  }
0xb5: {  	v3 =	vadd.f32 v60, v3;
	[sflag:s17] =	ssyncadd.s32 $0xFFFFFFF0  }
0xb6: {  	v63 =	vld [tilespmem:$0x8380]  }
0xb7: {  	v3 =	vadd.f32 v61, v3;
	_ =	sdelay $0x1  }
0xb8: {  	v3 =	vadd.f32 v62, v3;
	_ =	sdelay $0x1  }
0xb9: {  	v3 =	vadd.f32 v63, v3;
	_ =	sdelay $0x1  }
0xba: {  	(v2sf) =	vpush v3, $0x0  }
0xbb: {  	(v2sf) =	vpush v3, $0x1;
	_ =	sdelay $0x1  }
0xbc: {  	(v2sf) =	vpush v3, $0x2;
	_ =	sdelay $0x1  }
0xbd: {  	(v2sf) =	vpush v3, $0x3;
	_ =	sdelay $0x1  }
0xbe: {  	(v2sf) =	vpush v3, $0x4;
	_ =	sdelay $0x1  }
0xbf: {  	(v2sf) =	vpush v3, $0x5;
	_ =	sdelay $0x1  }
0xc0: {  	(v2sf) =	vpush v3, $0x6;
	_ =	sdelay $0x1  }
0xc1: {  	(v2sf) =	vpush v3, $0x7;
	_ =	sdelay $0x1  }
0xc2: {  	s24 =	spop (v2sf);
	(v2sf) =	vpush v3, $0x8  }
0xc3: {  	s20 =	spop (v2sf)  }
0xc4: {  	(v2sf) =	vpush v3, $0x9;
	s19 =	sadd.f32 s20, s24  }
0xc5: {  	s21 =	spop (v2sf)  }
0xc6: {  	(v2sf) =	vpush v3, $0xA;
	s19 =	sadd.f32 s19, s21  }
0xc7: {  	s22 =	spop (v2sf)  }
0xc8: {  	(v2sf) =	vpush v3, $0xB;
	s19 =	sadd.f32 s19, s22  }
0xc9: {  	s23 =	spop (v2sf)  }
0xca: {  	(v2sf) =	vpush v3, $0xC;
	s19 =	sadd.f32 s19, s23  }
0xcb: {  	s24 =	spop (v2sf)  }
0xcc: {  	(v2sf) =	vpush v3, $0xD;
	s19 =	sadd.f32 s19, s24  }
0xcd: {  	s21 =	spop (v2sf)  }
0xce: {  	(v2sf) =	vpush v3, $0xE;
	s19 =	sadd.f32 s19, s21  }
0xcf: {  	s22 =	spop (v2sf)  }
0xd0: {  	(v2sf) =	vpush v3, $0xF;
	s19 =	sadd.f32 s19, s22  }
0xd1: {  	s23 =	spop (v2sf)  }
0xd2: {  	v2 =	vcvt.s32.f32 v2;
	s19 =	sadd.f32 s19, s23  }
0xd3: {  	s24 =	spop (v2sf)  }
0xd4: {  	v2 =	vmul.f32 $1.280000000e+02, v2;
	s19 =	sadd.f32 s19, s24  }
0xd5: {  	s21 =	spop (v2sf)  }
0xd6: {  	v2 =	vbroadcast v2, $0x0;
	s19 =	sadd.f32 s19, s21  }
0xd7: {  	s22 =	spop (v2sf)  }
0xd8: {  	(erf) = vrcp.f32 v2;
	s19 =	sadd.f32 s19, s22  }
0xd9: {  	s23 =	spop (v2sf)  }
0xda: {  	s19 =	sadd.f32 s19, s23  }
0xdb: {  	s24 =	spop (v2sf)  }
0xdc: {  	s19 =	sadd.f32 s19, s24  }
0xdd: {  	s21 =	spop (v2sf)  }
0xde: {  	s19 =	sadd.f32 s19, s21  }
0xdf: {  	s22 =	spop (v2sf)  }
0xe0: {  	s19 =	sadd.f32 s19, s22  }
0xe1: {  	v2 =	vpop (erf)  }
0xe2: {  	v2 =	vmul.f32 s19, v2;
	_ =	sdelay $0x1  }
0xe3: {  	v2 =	vmul.f32 $1.000000000e+04, v2;
	_ =	sdelay $0x1  }
.Ltmp6:
0xe4: {  	s23 =	rddreg [dreg:$0x6];
	s24 =	simm.s32 $0x8400;
	[tilespmem:$0x8400] =	vst v2;
	(pc) =	sbr.rel .LBB2_9-.Ltmp6, $4  }
0xe5: {  	[hbm4b:s23+s4] =	stream.linear.scatter [tilespmem:s24], [sflag:$0x3], $0x10, $0x38;
	[tilespmem:$0x8490] =	vst v63  }
0xe6: {  	_ =	swait.ge [sflag:s17], $0x10  }
0xe7: {  	[sflag:s17] =	ssyncset.done $0x0  }
0xe8: {  	[sflag:s17] =	ssyncadd.s32 $0xFFFFFFF0  }
.LBB2_10:
0xe9: {  	_ =	sfence.sel $0x180000  }
0xea: {  	[bflag:$0x0] =	sbarrier.arrive $0xFFFF  }
0xeb: {  	_ =	strace $0x9000004A  }
0xec: {  	[bflag:$0x2] =	sbarrier.arrive $0xFFFF  }
0xed: {  	s0 =	rddreg [dreg:$0x5]  }
0xee: {  	s0 =	sadd.s32 @!p0 $0x100000, s0  }
0xef: {  	[sflag:s0] =	ssyncadd.tile.s32 @!p0 $0x1;
	_ =	shalt  }
.Lfunc_end2:
_tile_overlayer_lowered:
.L_overlay_start_2:
0xf0: {  	(tag) =	ssettag $0x2  }
0xf1: {  	s0 =	rddreg [dreg:$0x0];
	s2 =	stileid.u32  }
0xf2: {  	s1 =	rddreg [dreg:$0x1];
	p0 =	sne.s32 s2, $0x0  }
0xf3: {  	s3 =	rddreg [dreg:$0x2];
	[bflag:$0x3] =	sbarrier.arrive $0xFFFF;
	s2 =	simm.s32 @!p0 $0x1C03  }
0xf4: {  	[timem:s3], [sflag:s2] =	dma.local @!p0 [hbm:s0], s1  }
0xf5: {  	s0 =	simm.s32 @!p0 $0x3  }
0xf6: {  	_ =	swait.ge @!p0 [sflag:s0], s1  }
0xf7: {  	s1 =	ssub.s32 @!p0 $0x0, s1;
	[sflag:s0] =	ssyncset.done @!p0 $0x0  }
0xf8: {  	[sflag:s0] =	ssyncadd.s32 @!p0 s1  }
0xf9: {  	[bflag:$0x3] =	sbarrier.arrive $0xFFFF  }
0xfa: {  	_ =	shalt  }

</sc_bundles>
